<compile_context>
chip_gen: v7x
topology: tpu7x:2x2x1
jax: 0.10.2.dev20260603
libtpu: 0.0.44.dev20260713+nightly
codegen_flags: <defaults>
</compile_context>

<pallas_src>
import functools

import jax
import jax.numpy as jnp
from jax import lax
from jax.experimental import pallas as pl
from jax.experimental.pallas import tpu as pltpu
from jax.experimental.pallas import tpu_sc as plsc


_NC = 2
_NS = 16
_NW = _NC * _NS
_CHUNK = 128
_NBUF = 3


def kernel(inputs):
    n, c = inputs.shape
    rows_per_w = n // _NW
    nchunks = rows_per_w // _CHUNK
    mesh = plsc.VectorSubcoreMesh(core_axis_name="c", subcore_axis_name="s")

    @functools.partial(
        pl.kernel,
        mesh=mesh,
        out_type=[
            jax.ShapeDtypeStruct((n, c), jnp.float32),
            jax.ShapeDtypeStruct((n,), jnp.float32),
        ],
        scratch_types=[
            pltpu.VMEM((_NBUF, _CHUNK, c), jnp.float32),
            pltpu.VMEM((rows_per_w,), jnp.float32),
            pltpu.SemaphoreType.DMA((_NBUF,)),
            pltpu.SemaphoreType.DMA((_NBUF,)),
            pltpu.SemaphoreType.DMA,
        ],
    )
    def _sc_copy(x_hbm, out_hbm, ld_hbm, buf, zbuf, in_sems, out_sems, zsem):
        wid = lax.axis_index("s") * _NC + lax.axis_index("c")
        base = wid * rows_per_w

        def _in_copy(i):
            return pltpu.make_async_copy(
                x_hbm.at[pl.ds(base + i * _CHUNK, _CHUNK)],
                buf.at[i % _NBUF],
                in_sems.at[i % _NBUF],
            )

        def _out_copy(i):
            return pltpu.make_async_copy(
                buf.at[i % _NBUF],
                out_hbm.at[pl.ds(base + i * _CHUNK, _CHUNK)],
                out_sems.at[i % _NBUF],
            )

        for i in range(_NBUF):
            _in_copy(i).start()

        def _zfill(i, carry):
            zbuf[pl.ds(i * 16, 16)] = jnp.zeros((16,), jnp.float32)
            return carry

        lax.fori_loop(0, rows_per_w // 16, _zfill, 0)
        zcopy = pltpu.make_async_copy(
            zbuf, ld_hbm.at[pl.ds(base, rows_per_w)], zsem
        )
        zcopy.start()

        for i in range(nchunks):
            _in_copy(i).wait()
            _out_copy(i).start()
            j = i - 1
            if 0 <= j and j + _NBUF < nchunks:
                _out_copy(j).wait()
                _in_copy(j + _NBUF).start()

        for i in range(nchunks - _NBUF, nchunks):
            _out_copy(i).wait()
        zcopy.wait()

    outputs, ld = _sc_copy(inputs)
    return (outputs, ld)

# --- scband reference (transcript-rebuilt; emitter-appended) ---
"""Pipeline reference for scband-column-specific-transform-26027501813899 (READ-ONLY COPY).

The authoritative reference and input builder live on the scoring server;
editing this copy changes nothing except your own understanding.
"""

import jax, jax.numpy as jnp
import numpy as np

def setup_inputs(seed: int = 0) -> dict:
    key = jax.random.key(seed)
    inputs = jax.random.normal(key, (131072, 256), dtype=jnp.float32)
    return {"inputs": inputs}

def reference(inputs):
    # ColumnSpecificTransform with spec={}:
    # outputs = inputs.clone(); ld = zeros(N); loop over spec is empty.
    outputs = jnp.array(inputs)  # clone (copy)
    ld = jnp.zeros((inputs.shape[0],), dtype=jnp.float32)
    return (outputs, ld)

if __name__ == "__main__":
    import jax
    _d = setup_inputs()
    print(jax.jit(kernel)(*tuple(_d.values())))

</pallas_src>

<mosaic_0001>
#map = affine_map<(d0, d1) -> (0, 0)>
#map1 = affine_map<(d0, d1) -> (0)>
module attributes {stable_mosaic.version = 14 : i64} {
  func.func @_sc_copy(%arg0: i32, %arg1: i32, %arg2: memref<131072x256xf32, #tpu.memory_space<hbm>>, %arg3: memref<131072x256xf32, #tpu.memory_space<hbm>>, %arg4: memref<131072xf32, #tpu.memory_space<hbm>>, %arg5: memref<3x128x256xf32, #tpu.memory_space<vmem>>, %arg6: memref<4096xf32, #tpu.memory_space<vmem>>, %arg7: memref<3x!tpu.dma_semaphore, #tpu.memory_space<semaphore_mem>>, %arg8: memref<3x!tpu.dma_semaphore, #tpu.memory_space<semaphore_mem>>, %arg9: memref<!tpu.dma_semaphore, #tpu.memory_space<semaphore_mem>>) attributes {dimension_semantics = [#tpu.dimension_semantics<core_parallel>, #tpu.dimension_semantics<subcore_parallel>], iteration_bounds = array<i64: 2, 16>, scalar_prefetch = 0 : i64, scratch_operands = 5 : i64, tpu.core_type = #tpu.core_type<sc_vector_subcore>, window_params = [{transform_indices = #map}, {transform_indices = #map}, {transform_indices = #map1}]} {
    %mul3A = arith.constant 2 : i32
    %mul3A_0 = arith.muli %arg1, %mul3A : i32
    %add3A = arith.addi %mul3A_0, %arg0 : i32
    %mul3A_1 = arith.constant 4096 : i32
    %mul3A_2 = arith.muli %add3A, %mul3A_1 : i32
    %add3A_3 = arith.constant 0 : i32
    %add3A_4 = arith.addi %mul3A_2, %add3A_3 : i32
    %dma_start3A = arith.constant 0 : i32
    %dma_start3A_5 = arith.constant 0 : i32
    %dma_start3A_6 = arith.constant 0 : i32
    %dma_start3A_7 = arith.constant 0 : i32
    %dma_start3A_8 = tpu.memref_slice %arg5[%dma_start3A, %dma_start3A_6, %dma_start3A_7] : memref<3x128x256xf32, #tpu.memory_space<vmem>> -> memref<1x128x256xf32, #tpu.memory_space<vmem>>
    %dma_start3A_9 = tpu.memref_squeeze %dma_start3A_8 : memref<1x128x256xf32, #tpu.memory_space<vmem>> -> memref<128x256xf32, #tpu.memory_space<vmem>>
    %dma_start3A_10 = arith.constant 0 : i32
    %dma_start3A_11 = tpu.memref_slice %arg2[%add3A_4, %dma_start3A_10] : memref<131072x256xf32, #tpu.memory_space<hbm>> -> memref<128x256xf32, #tpu.memory_space<hbm>>
    %dma_start3A_12 = tpu.memref_slice %arg7[%dma_start3A_5] : memref<3x!tpu.dma_semaphore, #tpu.memory_space<semaphore_mem>> -> memref<1x!tpu.dma_semaphore, #tpu.memory_space<semaphore_mem>>
    %dma_start3A_13 = tpu.memref_squeeze %dma_start3A_12 : memref<1x!tpu.dma_semaphore, #tpu.memory_space<semaphore_mem>> -> memref<!tpu.dma_semaphore, #tpu.memory_space<semaphore_mem>>
    %dma_start3A_14 = arith.constant 0 : i32
    %dma_start3A_15 = arith.constant 0 : i32
    %dma_start3A_16 = tpu.memref_slice %arg5[%dma_start3A, %dma_start3A_14, %dma_start3A_15] : memref<3x128x256xf32, #tpu.memory_space<vmem>> -> memref<1x128x256xf32, #tpu.memory_space<vmem>>
    %dma_start3A_17 = tpu.memref_squeeze %dma_start3A_16 : memref<1x128x256xf32, #tpu.memory_space<vmem>> -> memref<128x256xf32, #tpu.memory_space<vmem>>
    %dma_start3A_18 = arith.constant 0 : i32
    %dma_start3A_19 = tpu.memref_slice %arg2[%add3A_4, %dma_start3A_18] : memref<131072x256xf32, #tpu.memory_space<hbm>> -> memref<128x256xf32, #tpu.memory_space<hbm>>
    tpu.enqueue_dma source(%dma_start3A_19 : memref<128x256xf32, #tpu.memory_space<hbm>>) target(%dma_start3A_17 : memref<128x256xf32, #tpu.memory_space<vmem>>) target_semaphore(%dma_start3A_13 : memref<!tpu.dma_semaphore, #tpu.memory_space<semaphore_mem>>)
    %add3A_20 = arith.constant 128 : i32
    %add3A_21 = arith.addi %mul3A_2, %add3A_20 : i32
    %dma_start3A_22 = arith.constant 1 : i32
    %dma_start3A_23 = arith.constant 1 : i32
    %dma_start3A_24 = arith.constant 0 : i32
    %dma_start3A_25 = arith.constant 0 : i32
    %dma_start3A_26 = tpu.memref_slice %arg5[%dma_start3A_22, %dma_start3A_24, %dma_start3A_25] : memref<3x128x256xf32, #tpu.memory_space<vmem>> -> memref<1x128x256xf32, #tpu.memory_space<vmem>>
    %dma_start3A_27 = tpu.memref_squeeze %dma_start3A_26 : memref<1x128x256xf32, #tpu.memory_space<vmem>> -> memref<128x256xf32, #tpu.memory_space<vmem>>
    %dma_start3A_28 = arith.constant 0 : i32
    %dma_start3A_29 = tpu.memref_slice %arg2[%add3A_21, %dma_start3A_28] : memref<131072x256xf32, #tpu.memory_space<hbm>> -> memref<128x256xf32, #tpu.memory_space<hbm>>
    %dma_start3A_30 = tpu.memref_slice %arg7[%dma_start3A_23] : memref<3x!tpu.dma_semaphore, #tpu.memory_space<semaphore_mem>> -> memref<1x!tpu.dma_semaphore, #tpu.memory_space<semaphore_mem>>
    %dma_start3A_31 = tpu.memref_squeeze %dma_start3A_30 : memref<1x!tpu.dma_semaphore, #tpu.memory_space<semaphore_mem>> -> memref<!tpu.dma_semaphore, #tpu.memory_space<semaphore_mem>>
    %dma_start3A_32 = arith.constant 0 : i32
    %dma_start3A_33 = arith.constant 0 : i32
    %dma_start3A_34 = tpu.memref_slice %arg5[%dma_start3A_22, %dma_start3A_32, %dma_start3A_33] : memref<3x128x256xf32, #tpu.memory_space<vmem>> -> memref<1x128x256xf32, #tpu.memory_space<vmem>>
    %dma_start3A_35 = tpu.memref_squeeze %dma_start3A_34 : memref<1x128x256xf32, #tpu.memory_space<vmem>> -> memref<128x256xf32, #tpu.memory_space<vmem>>
    %dma_start3A_36 = arith.constant 0 : i32
    %dma_start3A_37 = tpu.memref_slice %arg2[%add3A_21, %dma_start3A_36] : memref<131072x256xf32, #tpu.memory_space<hbm>> -> memref<128x256xf32, #tpu.memory_space<hbm>>
    tpu.enqueue_dma source(%dma_start3A_37 : memref<128x256xf32, #tpu.memory_space<hbm>>) target(%dma_start3A_35 : memref<128x256xf32, #tpu.memory_space<vmem>>) target_semaphore(%dma_start3A_31 : memref<!tpu.dma_semaphore, #tpu.memory_space<semaphore_mem>>)
    %add3A_38 = arith.constant 256 : i32
    %add3A_39 = arith.addi %mul3A_2, %add3A_38 : i32
    %dma_start3A_40 = arith.constant 2 : i32
    %dma_start3A_41 = arith.constant 2 : i32
    %dma_start3A_42 = arith.constant 0 : i32
    %dma_start3A_43 = arith.constant 0 : i32
    %dma_start3A_44 = tpu.memref_slice %arg5[%dma_start3A_40, %dma_start3A_42, %dma_start3A_43] : memref<3x128x256xf32, #tpu.memory_space<vmem>> -> memref<1x128x256xf32, #tpu.memory_space<vmem>>
    %dma_start3A_45 = tpu.memref_squeeze %dma_start3A_44 : memref<1x128x256xf32, #tpu.memory_space<vmem>> -> memref<128x256xf32, #tpu.memory_space<vmem>>
    %dma_start3A_46 = arith.constant 0 : i32
    %dma_start3A_47 = tpu.memref_slice %arg2[%add3A_39, %dma_start3A_46] : memref<131072x256xf32, #tpu.memory_space<hbm>> -> memref<128x256xf32, #tpu.memory_space<hbm>>
    %dma_start3A_48 = tpu.memref_slice %arg7[%dma_start3A_41] : memref<3x!tpu.dma_semaphore, #tpu.memory_space<semaphore_mem>> -> memref<1x!tpu.dma_semaphore, #tpu.memory_space<semaphore_mem>>
    %dma_start3A_49 = tpu.memref_squeeze %dma_start3A_48 : memref<1x!tpu.dma_semaphore, #tpu.memory_space<semaphore_mem>> -> memref<!tpu.dma_semaphore, #tpu.memory_space<semaphore_mem>>
    %dma_start3A_50 = arith.constant 0 : i32
    %dma_start3A_51 = arith.constant 0 : i32
    %dma_start3A_52 = tpu.memref_slice %arg5[%dma_start3A_40, %dma_start3A_50, %dma_start3A_51] : memref<3x128x256xf32, #tpu.memory_space<vmem>> -> memref<1x128x256xf32, #tpu.memory_space<vmem>>
    %dma_start3A_53 = tpu.memref_squeeze %dma_start3A_52 : memref<1x128x256xf32, #tpu.memory_space<vmem>> -> memref<128x256xf32, #tpu.memory_space<vmem>>
    %dma_start3A_54 = arith.constant 0 : i32
    %dma_start3A_55 = tpu.memref_slice %arg2[%add3A_39, %dma_start3A_54] : memref<131072x256xf32, #tpu.memory_space<hbm>> -> memref<128x256xf32, #tpu.memory_space<hbm>>
    tpu.enqueue_dma source(%dma_start3A_55 : memref<128x256xf32, #tpu.memory_space<hbm>>) target(%dma_start3A_53 : memref<128x256xf32, #tpu.memory_space<vmem>>) target_semaphore(%dma_start3A_49 : memref<!tpu.dma_semaphore, #tpu.memory_space<semaphore_mem>>)
    %scan3A = arith.constant 0 : i32
    %scan3A_56 = arith.constant 0 : i32
    %scan3A_57 = arith.constant 256 : i32
    %scan3A_58 = arith.addi %scan3A_56, %scan3A_57 : i32
    %scan3A_59 = arith.constant 1 : i32
    scf.for %scan3A_2314 = %scan3A_56 to %scan3A_58 step %scan3A_59  : i32 {
      %broadcast_in_dim3A = arith.constant 0.000000e+00 : f32
      %broadcast_in_dim3A_2315 = vector.broadcast %broadcast_in_dim3A : f32 to vector<16xf32>
      %mul3A_2316 = arith.constant 16 : i32
      %mul3A_2317 = arith.muli %scan3A_2314, %mul3A_2316 : i32
      %swap3A = arith.index_cast %mul3A_2317 : i32 to index
      %swap3A_2318 = tpu.vector_load %arg6[%swap3A] {strides = array<i32>} : memref<4096xf32, #tpu.memory_space<vmem>>, vector<16xf32>,
      %swap3A_2319 = vector.shape_cast %swap3A_2318 : vector<16xf32> to vector<16xf32>
      %swap3A_2320 = vector.shape_cast %broadcast_in_dim3A_2315 : vector<16xf32> to vector<16xf32>
      tpu.vector_store %arg6[%swap3A], %swap3A_2320 {strides = array<i32>} : memref<4096xf32, #tpu.memory_space<vmem>>, vector<16xf32>,
    }
    %scan3A_60 = arith.constant 256 : i32
    %dma_start3A_61 = tpu.memref_slice %arg4[%mul3A_2] : memref<131072xf32, #tpu.memory_space<hbm>> -> memref<4096xf32, #tpu.memory_space<hbm>>
    %dma_start3A_62 = tpu.memref_slice %arg4[%mul3A_2] : memref<131072xf32, #tpu.memory_space<hbm>> -> memref<4096xf32, #tpu.memory_space<hbm>>
    tpu.enqueue_dma source(%arg6 : memref<4096xf32, #tpu.memory_space<vmem>>) target(%dma_start3A_62 : memref<4096xf32, #tpu.memory_space<hbm>>) target_semaphore(%arg9 : memref<!tpu.dma_semaphore, #tpu.memory_space<semaphore_mem>>)
    %add3A_63 = arith.constant 0 : i32
    %add3A_64 = arith.addi %mul3A_2, %add3A_63 : i32
    %dma_wait3A = arith.constant 0 : i32
    %dma_wait3A_65 = arith.constant 0 : i32
    %dma_wait3A_66 = arith.constant 0 : i32
    %dma_wait3A_67 = arith.constant 0 : i32
    %dma_wait3A_68 = tpu.memref_slice %arg5[%dma_wait3A, %dma_wait3A_66, %dma_wait3A_67] : memref<3x128x256xf32, #tpu.memory_space<vmem>> -> memref<1x128x256xf32, #tpu.memory_space<vmem>>
    %dma_wait3A_69 = tpu.memref_squeeze %dma_wait3A_68 : memref<1x128x256xf32, #tpu.memory_space<vmem>> -> memref<128x256xf32, #tpu.memory_space<vmem>>
    %dma_wait3A_70 = arith.constant 0 : i32
    %dma_wait3A_71 = tpu.memref_slice %arg2[%add3A_64, %dma_wait3A_70] : memref<131072x256xf32, #tpu.memory_space<hbm>> -> memref<128x256xf32, #tpu.memory_space<hbm>>
    %dma_wait3A_72 = tpu.memref_slice %arg7[%dma_wait3A_65] : memref<3x!tpu.dma_semaphore, #tpu.memory_space<semaphore_mem>> -> memref<1x!tpu.dma_semaphore, #tpu.memory_space<semaphore_mem>>
    %dma_wait3A_73 = tpu.memref_squeeze %dma_wait3A_72 : memref<1x!tpu.dma_semaphore, #tpu.memory_space<semaphore_mem>> -> memref<!tpu.dma_semaphore, #tpu.memory_space<semaphore_mem>>
    %dma_wait3A_74 = arith.constant 0 : i32
    %dma_wait3A_75 = arith.constant 0 : i32
    %dma_wait3A_76 = tpu.memref_slice %arg5[%dma_wait3A, %dma_wait3A_74, %dma_wait3A_75] : memref<3x128x256xf32, #tpu.memory_space<vmem>> -> memref<1x128x256xf32, #tpu.memory_space<vmem>>
    %dma_wait3A_77 = tpu.memref_squeeze %dma_wait3A_76 : memref<1x128x256xf32, #tpu.memory_space<vmem>> -> memref<128x256xf32, #tpu.memory_space<vmem>>
    %dma_wait3A_78 = arith.constant 0 : i32
    %dma_wait3A_79 = tpu.memref_slice %arg2[%add3A_64, %dma_wait3A_78] : memref<131072x256xf32, #tpu.memory_space<hbm>> -> memref<128x256xf32, #tpu.memory_space<hbm>>
    tpu.wait_dma2 semaphore(%dma_wait3A_73 : memref<!tpu.dma_semaphore, #tpu.memory_space<semaphore_mem>>) src(%dma_wait3A_79 : memref<128x256xf32, #tpu.memory_space<hbm>>) dst(%dma_wait3A_77 : memref<128x256xf32, #tpu.memory_space<vmem>>)
    %add3A_80 = arith.constant 0 : i32
    %add3A_81 = arith.addi %mul3A_2, %add3A_80 : i32
    %dma_start3A_82 = arith.constant 0 : i32
    %dma_start3A_83 = arith.constant 0 : i32
    %dma_start3A_84 = arith.constant 0 : i32
    %dma_start3A_85 = arith.constant 0 : i32
    %dma_start3A_86 = tpu.memref_slice %arg5[%dma_start3A_82, %dma_start3A_84, %dma_start3A_85] : memref<3x128x256xf32, #tpu.memory_space<vmem>> -> memref<1x128x256xf32, #tpu.memory_space<vmem>>
    %dma_start3A_87 = tpu.memref_squeeze %dma_start3A_86 : memref<1x128x256xf32, #tpu.memory_space<vmem>> -> memref<128x256xf32, #tpu.memory_space<vmem>>
    %dma_start3A_88 = arith.constant 0 : i32
    %dma_start3A_89 = tpu.memref_slice %arg3[%add3A_81, %dma_start3A_88] : memref<131072x256xf32, #tpu.memory_space<hbm>> -> memref<128x256xf32, #tpu.memory_space<hbm>>
    %dma_start3A_90 = tpu.memref_slice %arg8[%dma_start3A_83] : memref<3x!tpu.dma_semaphore, #tpu.memory_space<semaphore_mem>> -> memref<1x!tpu.dma_semaphore, #tpu.memory_space<semaphore_mem>>
    %dma_start3A_91 = tpu.memref_squeeze %dma_start3A_90 : memref<1x!tpu.dma_semaphore, #tpu.memory_space<semaphore_mem>> -> memref<!tpu.dma_semaphore, #tpu.memory_space<semaphore_mem>>
    %dma_start3A_92 = arith.constant 0 : i32
    %dma_start3A_93 = tpu.memref_slice %arg3[%add3A_81, %dma_start3A_92] : memref<131072x256xf32, #tpu.memory_space<hbm>> -> memref<128x256xf32, #tpu.memory_space<hbm>>
    %dma_start3A_94 = arith.constant 0 : i32
    %dma_start3A_95 = arith.constant 0 : i32
    %dma_start3A_96 = tpu.memref_slice %arg5[%dma_start3A_82, %dma_start3A_94, %dma_start3A_95] : memref<3x128x256xf32, #tpu.memory_space<vmem>> -> memref<1x128x256xf32, #tpu.memory_space<vmem>>
    %dma_start3A_97 = tpu.memref_squeeze %dma_start3A_96 : memref<1x128x256xf32, #tpu.memory_space<vmem>> -> memref<128x256xf32, #tpu.memory_space<vmem>>
    tpu.enqueue_dma source(%dma_start3A_97 : memref<128x256xf32, #tpu.memory_space<vmem>>) target(%dma_start3A_93 : memref<128x256xf32, #tpu.memory_space<hbm>>) target_semaphore(%dma_start3A_91 : memref<!tpu.dma_semaphore, #tpu.memory_space<semaphore_mem>>)
    %add3A_98 = arith.constant 128 : i32
    %add3A_99 = arith.addi %mul3A_2, %add3A_98 : i32
    %dma_wait3A_100 = arith.constant 1 : i32
    %dma_wait3A_101 = arith.constant 1 : i32
    %dma_wait3A_102 = arith.constant 0 : i32
    %dma_wait3A_103 = arith.constant 0 : i32
    %dma_wait3A_104 = tpu.memref_slice %arg5[%dma_wait3A_100, %dma_wait3A_102, %dma_wait3A_103] : memref<3x128x256xf32, #tpu.memory_space<vmem>> -> memref<1x128x256xf32, #tpu.memory_space<vmem>>
    %dma_wait3A_105 = tpu.memref_squeeze %dma_wait3A_104 : memref<1x128x256xf32, #tpu.memory_space<vmem>> -> memref<128x256xf32, #tpu.memory_space<vmem>>
    %dma_wait3A_106 = arith.constant 0 : i32
    %dma_wait3A_107 = tpu.memref_slice %arg2[%add3A_99, %dma_wait3A_106] : memref<131072x256xf32, #tpu.memory_space<hbm>> -> memref<128x256xf32, #tpu.memory_space<hbm>>
    %dma_wait3A_108 = tpu.memref_slice %arg7[%dma_wait3A_101] : memref<3x!tpu.dma_semaphore, #tpu.memory_space<semaphore_mem>> -> memref<1x!tpu.dma_semaphore, #tpu.memory_space<semaphore_mem>>
    %dma_wait3A_109 = tpu.memref_squeeze %dma_wait3A_108 : memref<1x!tpu.dma_semaphore, #tpu.memory_space<semaphore_mem>> -> memref<!tpu.dma_semaphore, #tpu.memory_space<semaphore_mem>>
    %dma_wait3A_110 = arith.constant 0 : i32
    %dma_wait3A_111 = arith.constant 0 : i32
    %dma_wait3A_112 = tpu.memref_slice %arg5[%dma_wait3A_100, %dma_wait3A_110, %dma_wait3A_111] : memref<3x128x256xf32, #tpu.memory_space<vmem>> -> memref<1x128x256xf32, #tpu.memory_space<vmem>>
    %dma_wait3A_113 = tpu.memref_squeeze %dma_wait3A_112 : memref<1x128x256xf32, #tpu.memory_space<vmem>> -> memref<128x256xf32, #tpu.memory_space<vmem>>
    %dma_wait3A_114 = arith.constant 0 : i32
    %dma_wait3A_115 = tpu.memref_slice %arg2[%add3A_99, %dma_wait3A_114] : memref<131072x256xf32, #tpu.memory_space<hbm>> -> memref<128x256xf32, #tpu.memory_space<hbm>>
    tpu.wait_dma2 semaphore(%dma_wait3A_109 : memref<!tpu.dma_semaphore, #tpu.memory_space<semaphore_mem>>) src(%dma_wait3A_115 : memref<128x256xf32, #tpu.memory_space<hbm>>) dst(%dma_wait3A_113 : memref<128x256xf32, #tpu.memory_space<vmem>>)
    %add3A_116 = arith.constant 128 : i32
    %add3A_117 = arith.addi %mul3A_2, %add3A_116 : i32
    %dma_start3A_118 = arith.constant 1 : i32
    %dma_start3A_119 = arith.constant 1 : i32
    %dma_start3A_120 = arith.constant 0 : i32
    %dma_start3A_121 = arith.constant 0 : i32
    %dma_start3A_122 = tpu.memref_slice %arg5[%dma_start3A_118, %dma_start3A_120, %dma_start3A_121] : memref<3x128x256xf32, #tpu.memory_space<vmem>> -> memref<1x128x256xf32, #tpu.memory_space<vmem>>
    %dma_start3A_123 = tpu.memref_squeeze %dma_start3A_122 : memref<1x128x256xf32, #tpu.memory_space<vmem>> -> memref<128x256xf32, #tpu.memory_space<vmem>>
    %dma_start3A_124 = arith.constant 0 : i32
    %dma_start3A_125 = tpu.memref_slice %arg3[%add3A_117, %dma_start3A_124] : memref<131072x256xf32, #tpu.memory_space<hbm>> -> memref<128x256xf32, #tpu.memory_space<hbm>>
    %dma_start3A_126 = tpu.memref_slice %arg8[%dma_start3A_119] : memref<3x!tpu.dma_semaphore, #tpu.memory_space<semaphore_mem>> -> memref<1x!tpu.dma_semaphore, #tpu.memory_space<semaphore_mem>>
    %dma_start3A_127 = tpu.memref_squeeze %dma_start3A_126 : memref<1x!tpu.dma_semaphore, #tpu.memory_space<semaphore_mem>> -> memref<!tpu.dma_semaphore, #tpu.memory_space<semaphore_mem>>
    %dma_start3A_128 = arith.constant 0 : i32
    %dma_start3A_129 = tpu.memref_slice %arg3[%add3A_117, %dma_start3A_128] : memref<131072x256xf32, #tpu.memory_space<hbm>> -> memref<128x256xf32, #tpu.memory_space<hbm>>
    %dma_start3A_130 = arith.constant 0 : i32
    %dma_start3A_131 = arith.constant 0 : i32
    %dma_start3A_132 = tpu.memref_slice %arg5[%dma_start3A_118, %dma_start3A_130, %dma_start3A_131] : memref<3x128x256xf32, #tpu.memory_space<vmem>> -> memref<1x128x256xf32, #tpu.memory_space<vmem>>
    %dma_start3A_133 = tpu.memref_squeeze %dma_start3A_132 : memref<1x128x256xf32, #tpu.memory_space<vmem>> -> memref<128x256xf32, #tpu.memory_space<vmem>>
    tpu.enqueue_dma source(%dma_start3A_133 : memref<128x256xf32, #tpu.memory_space<vmem>>) target(%dma_start3A_129 : memref<128x256xf32, #tpu.memory_space<hbm>>) target_semaphore(%dma_start3A_127 : memref<!tpu.dma_semaphore, #tpu.memory_space<semaphore_mem>>)
    %add3A_134 = arith.constant 0 : i32
    %add3A_135 = arith.addi %mul3A_2, %add3A_134 : i32
    %dma_wait3A_136 = arith.constant 0 : i32
    %dma_wait3A_137 = arith.constant 0 : i32
    %dma_wait3A_138 = arith.constant 0 : i32
    %dma_wait3A_139 = arith.constant 0 : i32
    %dma_wait3A_140 = tpu.memref_slice %arg5[%dma_wait3A_136, %dma_wait3A_138, %dma_wait3A_139] : memref<3x128x256xf32, #tpu.memory_space<vmem>> -> memref<1x128x256xf32, #tpu.memory_space<vmem>>
    %dma_wait3A_141 = tpu.memref_squeeze %dma_wait3A_140 : memref<1x128x256xf32, #tpu.memory_space<vmem>> -> memref<128x256xf32, #tpu.memory_space<vmem>>
    %dma_wait3A_142 = arith.constant 0 : i32
    %dma_wait3A_143 = tpu.memref_slice %arg3[%add3A_135, %dma_wait3A_142] : memref<131072x256xf32, #tpu.memory_space<hbm>> -> memref<128x256xf32, #tpu.memory_space<hbm>>
    %dma_wait3A_144 = tpu.memref_slice %arg8[%dma_wait3A_137] : memref<3x!tpu.dma_semaphore, #tpu.memory_space<semaphore_mem>> -> memref<1x!tpu.dma_semaphore, #tpu.memory_space<semaphore_mem>>
    %dma_wait3A_145 = tpu.memref_squeeze %dma_wait3A_144 : memref<1x!tpu.dma_semaphore, #tpu.memory_space<semaphore_mem>> -> memref<!tpu.dma_semaphore, #tpu.memory_space<semaphore_mem>>
    %dma_wait3A_146 = arith.constant 0 : i32
    %dma_wait3A_147 = tpu.memref_slice %arg3[%add3A_135, %dma_wait3A_146] : memref<131072x256xf32, #tpu.memory_space<hbm>> -> memref<128x256xf32, #tpu.memory_space<hbm>>
    %dma_wait3A_148 = arith.constant 0 : i32
    %dma_wait3A_149 = arith.constant 0 : i32
    %dma_wait3A_150 = tpu.memref_slice %arg5[%dma_wait3A_136, %dma_wait3A_148, %dma_wait3A_149] : memref<3x128x256xf32, #tpu.memory_space<vmem>> -> memref<1x128x256xf32, #tpu.memory_space<vmem>>
    %dma_wait3A_151 = tpu.memref_squeeze %dma_wait3A_150 : memref<1x128x256xf32, #tpu.memory_space<vmem>> -> memref<128x256xf32, #tpu.memory_space<vmem>>
    tpu.wait_dma2 semaphore(%dma_wait3A_145 : memref<!tpu.dma_semaphore, #tpu.memory_space<semaphore_mem>>) src(%dma_wait3A_151 : memref<128x256xf32, #tpu.memory_space<vmem>>) dst(%dma_wait3A_147 : memref<128x256xf32, #tpu.memory_space<hbm>>)
    %add3A_152 = arith.constant 384 : i32
    %add3A_153 = arith.addi %mul3A_2, %add3A_152 : i32
    %dma_start3A_154 = arith.constant 0 : i32
    %dma_start3A_155 = arith.constant 0 : i32
    %dma_start3A_156 = arith.constant 0 : i32
    %dma_start3A_157 = arith.constant 0 : i32
    %dma_start3A_158 = tpu.memref_slice %arg5[%dma_start3A_154, %dma_start3A_156, %dma_start3A_157] : memref<3x128x256xf32, #tpu.memory_space<vmem>> -> memref<1x128x256xf32, #tpu.memory_space<vmem>>
    %dma_start3A_159 = tpu.memref_squeeze %dma_start3A_158 : memref<1x128x256xf32, #tpu.memory_space<vmem>> -> memref<128x256xf32, #tpu.memory_space<vmem>>
    %dma_start3A_160 = arith.constant 0 : i32
    %dma_start3A_161 = tpu.memref_slice %arg2[%add3A_153, %dma_start3A_160] : memref<131072x256xf32, #tpu.memory_space<hbm>> -> memref<128x256xf32, #tpu.memory_space<hbm>>
    %dma_start3A_162 = tpu.memref_slice %arg7[%dma_start3A_155] : memref<3x!tpu.dma_semaphore, #tpu.memory_space<semaphore_mem>> -> memref<1x!tpu.dma_semaphore, #tpu.memory_space<semaphore_mem>>
    %dma_start3A_163 = tpu.memref_squeeze %dma_start3A_162 : memref<1x!tpu.dma_semaphore, #tpu.memory_space<semaphore_mem>> -> memref<!tpu.dma_semaphore, #tpu.memory_space<semaphore_mem>>
    %dma_start3A_164 = arith.constant 0 : i32
    %dma_start3A_165 = arith.constant 0 : i32
    %dma_start3A_166 = tpu.memref_slice %arg5[%dma_start3A_154, %dma_start3A_164, %dma_start3A_165] : memref<3x128x256xf32, #tpu.memory_space<vmem>> -> memref<1x128x256xf32, #tpu.memory_space<vmem>>
    %dma_start3A_167 = tpu.memref_squeeze %dma_start3A_166 : memref<1x128x256xf32, #tpu.memory_space<vmem>> -> memref<128x256xf32, #tpu.memory_space<vmem>>
    %dma_start3A_168 = arith.constant 0 : i32
    %dma_start3A_169 = tpu.memref_slice %arg2[%add3A_153, %dma_start3A_168] : memref<131072x256xf32, #tpu.memory_space<hbm>> -> memref<128x256xf32, #tpu.memory_space<hbm>>
    tpu.enqueue_dma source(%dma_start3A_169 : memref<128x256xf32, #tpu.memory_space<hbm>>) target(%dma_start3A_167 : memref<128x256xf32, #tpu.memory_space<vmem>>) target_semaphore(%dma_start3A_163 : memref<!tpu.dma_semaphore, #tpu.memory_space<semaphore_mem>>)
    %add3A_170 = arith.constant 256 : i32
    %add3A_171 = arith.addi %mul3A_2, %add3A_170 : i32
    %dma_wait3A_172 = arith.constant 2 : i32
    %dma_wait3A_173 = arith.constant 2 : i32
    %dma_wait3A_174 = arith.constant 0 : i32
    %dma_wait3A_175 = arith.constant 0 : i32
    %dma_wait3A_176 = tpu.memref_slice %arg5[%dma_wait3A_172, %dma_wait3A_174, %dma_wait3A_175] : memref<3x128x256xf32, #tpu.memory_space<vmem>> -> memref<1x128x256xf32, #tpu.memory_space<vmem>>
    %dma_wait3A_177 = tpu.memref_squeeze %dma_wait3A_176 : memref<1x128x256xf32, #tpu.memory_space<vmem>> -> memref<128x256xf32, #tpu.memory_space<vmem>>
    %dma_wait3A_178 = arith.constant 0 : i32
    %dma_wait3A_179 = tpu.memref_slice %arg2[%add3A_171, %dma_wait3A_178] : memref<131072x256xf32, #tpu.memory_space<hbm>> -> memref<128x256xf32, #tpu.memory_space<hbm>>
    %dma_wait3A_180 = tpu.memref_slice %arg7[%dma_wait3A_173] : memref<3x!tpu.dma_semaphore, #tpu.memory_space<semaphore_mem>> -> memref<1x!tpu.dma_semaphore, #tpu.memory_space<semaphore_mem>>
    %dma_wait3A_181 = tpu.memref_squeeze %dma_wait3A_180 : memref<1x!tpu.dma_semaphore, #tpu.memory_space<semaphore_mem>> -> memref<!tpu.dma_semaphore, #tpu.memory_space<semaphore_mem>>
    %dma_wait3A_182 = arith.constant 0 : i32
    %dma_wait3A_183 = arith.constant 0 : i32
    %dma_wait3A_184 = tpu.memref_slice %arg5[%dma_wait3A_172, %dma_wait3A_182, %dma_wait3A_183] : memref<3x128x256xf32, #tpu.memory_space<vmem>> -> memref<1x128x256xf32, #tpu.memory_space<vmem>>
    %dma_wait3A_185 = tpu.memref_squeeze %dma_wait3A_184 : memref<1x128x256xf32, #tpu.memory_space<vmem>> -> memref<128x256xf32, #tpu.memory_space<vmem>>
    %dma_wait3A_186 = arith.constant 0 : i32
    %dma_wait3A_187 = tpu.memref_slice %arg2[%add3A_171, %dma_wait3A_186] : memref<131072x256xf32, #tpu.memory_space<hbm>> -> memref<128x256xf32, #tpu.memory_space<hbm>>
    tpu.wait_dma2 semaphore(%dma_wait3A_181 : memref<!tpu.dma_semaphore, #tpu.memory_space<semaphore_mem>>) src(%dma_wait3A_187 : memref<128x256xf32, #tpu.memory_space<hbm>>) dst(%dma_wait3A_185 : memref<128x256xf32, #tpu.memory_space<vmem>>)
    %add3A_188 = arith.constant 256 : i32
    %add3A_189 = arith.addi %mul3A_2, %add3A_188 : i32
    %dma_start3A_190 = arith.constant 2 : i32
    %dma_start3A_191 = arith.constant 2 : i32
    %dma_start3A_192 = arith.constant 0 : i32
    %dma_start3A_193 = arith.constant 0 : i32
    %dma_start3A_194 = tpu.memref_slice %arg5[%dma_start3A_190, %dma_start3A_192, %dma_start3A_193] : memref<3x128x256xf32, #tpu.memory_space<vmem>> -> memref<1x128x256xf32, #tpu.memory_space<vmem>>
    %dma_start3A_195 = tpu.memref_squeeze %dma_start3A_194 : memref<1x128x256xf32, #tpu.memory_space<vmem>> -> memref<128x256xf32, #tpu.memory_space<vmem>>
    %dma_start3A_196 = arith.constant 0 : i32
    %dma_start3A_197 = tpu.memref_slice %arg3[%add3A_189, %dma_start3A_196] : memref<131072x256xf32, #tpu.memory_space<hbm>> -> memref<128x256xf32, #tpu.memory_space<hbm>>
    %dma_start3A_198 = tpu.memref_slice %arg8[%dma_start3A_191] : memref<3x!tpu.dma_semaphore, #tpu.memory_space<semaphore_mem>> -> memref<1x!tpu.dma_semaphore, #tpu.memory_space<semaphore_mem>>
    %dma_start3A_199 = tpu.memref_squeeze %dma_start3A_198 : memref<1x!tpu.dma_semaphore, #tpu.memory_space<semaphore_mem>> -> memref<!tpu.dma_semaphore, #tpu.memory_space<semaphore_mem>>
    %dma_start3A_200 = arith.constant 0 : i32
    %dma_start3A_201 = tpu.memref_slice %arg3[%add3A_189, %dma_start3A_200] : memref<131072x256xf32, #tpu.memory_space<hbm>> -> memref<128x256xf32, #tpu.memory_space<hbm>>
    %dma_start3A_202 = arith.constant 0 : i32
    %dma_start3A_203 = arith.constant 0 : i32
    %dma_start3A_204 = tpu.memref_slice %arg5[%dma_start3A_190, %dma_start3A_202, %dma_start3A_203] : memref<3x128x256xf32, #tpu.memory_space<vmem>> -> memref<1x128x256xf32, #tpu.memory_space<vmem>>
    %dma_start3A_205 = tpu.memref_squeeze %dma_start3A_204 : memref<1x128x256xf32, #tpu.memory_space<vmem>> -> memref<128x256xf32, #tpu.memory_space<vmem>>
    tpu.enqueue_dma source(%dma_start3A_205 : memref<128x256xf32, #tpu.memory_space<vmem>>) target(%dma_start3A_201 : memref<128x256xf32, #tpu.memory_space<hbm>>) target_semaphore(%dma_start3A_199 : memref<!tpu.dma_semaphore, #tpu.memory_space<semaphore_mem>>)
    %add3A_206 = arith.constant 128 : i32
    %add3A_207 = arith.addi %mul3A_2, %add3A_206 : i32
    %dma_wait3A_208 = arith.constant 1 : i32
    %dma_wait3A_209 = arith.constant 1 : i32
    %dma_wait3A_210 = arith.constant 0 : i32
    %dma_wait3A_211 = arith.constant 0 : i32
    %dma_wait3A_212 = tpu.memref_slice %arg5[%dma_wait3A_208, %dma_wait3A_210, %dma_wait3A_211] : memref<3x128x256xf32, #tpu.memory_space<vmem>> -> memref<1x128x256xf32, #tpu.memory_space<vmem>>
    %dma_wait3A_213 = tpu.memref_squeeze %dma_wait3A_212 : memref<1x128x256xf32, #tpu.memory_space<vmem>> -> memref<128x256xf32, #tpu.memory_space<vmem>>
    %dma_wait3A_214 = arith.constant 0 : i32
    %dma_wait3A_215 = tpu.memref_slice %arg3[%add3A_207, %dma_wait3A_214] : memref<131072x256xf32, #tpu.memory_space<hbm>> -> memref<128x256xf32, #tpu.memory_space<hbm>>
    %dma_wait3A_216 = tpu.memref_slice %arg8[%dma_wait3A_209] : memref<3x!tpu.dma_semaphore, #tpu.memory_space<semaphore_mem>> -> memref<1x!tpu.dma_semaphore, #tpu.memory_space<semaphore_mem>>
    %dma_wait3A_217 = tpu.memref_squeeze %dma_wait3A_216 : memref<1x!tpu.dma_semaphore, #tpu.memory_space<semaphore_mem>> -> memref<!tpu.dma_semaphore, #tpu.memory_space<semaphore_mem>>
    %dma_wait3A_218 = arith.constant 0 : i32
    %dma_wait3A_219 = tpu.memref_slice %arg3[%add3A_207, %dma_wait3A_218] : memref<131072x256xf32, #tpu.memory_space<hbm>> -> memref<128x256xf32, #tpu.memory_space<hbm>>
    %dma_wait3A_220 = arith.constant 0 : i32
    %dma_wait3A_221 = arith.constant 0 : i32
    %dma_wait3A_222 = tpu.memref_slice %arg5[%dma_wait3A_208, %dma_wait3A_220, %dma_wait3A_221] : memref<3x128x256xf32, #tpu.memory_space<vmem>> -> memref<1x128x256xf32, #tpu.memory_space<vmem>>
    %dma_wait3A_223 = tpu.memref_squeeze %dma_wait3A_222 : memref<1x128x256xf32, #tpu.memory_space<vmem>> -> memref<128x256xf32, #tpu.memory_space<vmem>>
    tpu.wait_dma2 semaphore(%dma_wait3A_217 : memref<!tpu.dma_semaphore, #tpu.memory_space<semaphore_mem>>) src(%dma_wait3A_223 : memref<128x256xf32, #tpu.memory_space<vmem>>) dst(%dma_wait3A_219 : memref<128x256xf32, #tpu.memory_space<hbm>>)
    %add3A_224 = arith.constant 512 : i32
    %add3A_225 = arith.addi %mul3A_2, %add3A_224 : i32
    %dma_start3A_226 = arith.constant 1 : i32
    %dma_start3A_227 = arith.constant 1 : i32
    %dma_start3A_228 = arith.constant 0 : i32
    %dma_start3A_229 = arith.constant 0 : i32
    %dma_start3A_230 = tpu.memref_slice %arg5[%dma_start3A_226, %dma_start3A_228, %dma_start3A_229] : memref<3x128x256xf32, #tpu.memory_space<vmem>> -> memref<1x128x256xf32, #tpu.memory_space<vmem>>
    %dma_start3A_231 = tpu.memref_squeeze %dma_start3A_230 : memref<1x128x256xf32, #tpu.memory_space<vmem>> -> memref<128x256xf32, #tpu.memory_space<vmem>>
    %dma_start3A_232 = arith.constant 0 : i32
    %dma_start3A_233 = tpu.memref_slice %arg2[%add3A_225, %dma_start3A_232] : memref<131072x256xf32, #tpu.memory_space<hbm>> -> memref<128x256xf32, #tpu.memory_space<hbm>>
    %dma_start3A_234 = tpu.memref_slice %arg7[%dma_start3A_227] : memref<3x!tpu.dma_semaphore, #tpu.memory_space<semaphore_mem>> -> memref<1x!tpu.dma_semaphore, #tpu.memory_space<semaphore_mem>>
    %dma_start3A_235 = tpu.memref_squeeze %dma_start3A_234 : memref<1x!tpu.dma_semaphore, #tpu.memory_space<semaphore_mem>> -> memref<!tpu.dma_semaphore, #tpu.memory_space<semaphore_mem>>
    %dma_start3A_236 = arith.constant 0 : i32
    %dma_start3A_237 = arith.constant 0 : i32
    %dma_start3A_238 = tpu.memref_slice %arg5[%dma_start3A_226, %dma_start3A_236, %dma_start3A_237] : memref<3x128x256xf32, #tpu.memory_space<vmem>> -> memref<1x128x256xf32, #tpu.memory_space<vmem>>
    %dma_start3A_239 = tpu.memref_squeeze %dma_start3A_238 : memref<1x128x256xf32, #tpu.memory_space<vmem>> -> memref<128x256xf32, #tpu.memory_space<vmem>>
    %dma_start3A_240 = arith.constant 0 : i32
    %dma_start3A_241 = tpu.memref_slice %arg2[%add3A_225, %dma_start3A_240] : memref<131072x256xf32, #tpu.memory_space<hbm>> -> memref<128x256xf32, #tpu.memory_space<hbm>>
    tpu.enqueue_dma source(%dma_start3A_241 : memref<128x256xf32, #tpu.memory_space<hbm>>) target(%dma_start3A_239 : memref<128x256xf32, #tpu.memory_space<vmem>>) target_semaphore(%dma_start3A_235 : memref<!tpu.dma_semaphore, #tpu.memory_space<semaphore_mem>>)
    %add3A_242 = arith.constant 384 : i32
    %add3A_243 = arith.addi %mul3A_2, %add3A_242 : i32
    %dma_wait3A_244 = arith.constant 0 : i32
    %dma_wait3A_245 = arith.constant 0 : i32
    %dma_wait3A_246 = arith.constant 0 : i32
    %dma_wait3A_247 = arith.constant 0 : i32
    %dma_wait3A_248 = tpu.memref_slice %arg5[%dma_wait3A_244, %dma_wait3A_246, %dma_wait3A_247] : memref<3x128x256xf32, #tpu.memory_space<vmem>> -> memref<1x128x256xf32, #tpu.memory_space<vmem>>
    %dma_wait3A_249 = tpu.memref_squeeze %dma_wait3A_248 : memref<1x128x256xf32, #tpu.memory_space<vmem>> -> memref<128x256xf32, #tpu.memory_space<vmem>>
    %dma_wait3A_250 = arith.constant 0 : i32
    %dma_wait3A_251 = tpu.memref_slice %arg2[%add3A_243, %dma_wait3A_250] : memref<131072x256xf32, #tpu.memory_space<hbm>> -> memref<128x256xf32, #tpu.memory_space<hbm>>
    %dma_wait3A_252 = tpu.memref_slice %arg7[%dma_wait3A_245] : memref<3x!tpu.dma_semaphore, #tpu.memory_space<semaphore_mem>> -> memref<1x!tpu.dma_semaphore, #tpu.memory_space<semaphore_mem>>
    %dma_wait3A_253 = tpu.memref_squeeze %dma_wait3A_252 : memref<1x!tpu.dma_semaphore, #tpu.memory_space<semaphore_mem>> -> memref<!tpu.dma_semaphore, #tpu.memory_space<semaphore_mem>>
    %dma_wait3A_254 = arith.constant 0 : i32
    %dma_wait3A_255 = arith.constant 0 : i32
    %dma_wait3A_256 = tpu.memref_slice %arg5[%dma_wait3A_244, %dma_wait3A_254, %dma_wait3A_255] : memref<3x128x256xf32, #tpu.memory_space<vmem>> -> memref<1x128x256xf32, #tpu.memory_space<vmem>>
    %dma_wait3A_257 = tpu.memref_squeeze %dma_wait3A_256 : memref<1x128x256xf32, #tpu.memory_space<vmem>> -> memref<128x256xf32, #tpu.memory_space<vmem>>
    %dma_wait3A_258 = arith.constant 0 : i32
    %dma_wait3A_259 = tpu.memref_slice %arg2[%add3A_243, %dma_wait3A_258] : memref<131072x256xf32, #tpu.memory_space<hbm>> -> memref<128x256xf32, #tpu.memory_space<hbm>>
    tpu.wait_dma2 semaphore(%dma_wait3A_253 : memref<!tpu.dma_semaphore, #tpu.memory_space<semaphore_mem>>) src(%dma_wait3A_259 : memref<128x256xf32, #tpu.memory_space<hbm>>) dst(%dma_wait3A_257 : memref<128x256xf32, #tpu.memory_space<vmem>>)
    %add3A_260 = arith.constant 384 : i32
    %add3A_261 = arith.addi %mul3A_2, %add3A_260 : i32
    %dma_start3A_262 = arith.constant 0 : i32
    %dma_start3A_263 = arith.constant 0 : i32
    %dma_start3A_264 = arith.constant 0 : i32
    %dma_start3A_265 = arith.constant 0 : i32
    %dma_start3A_266 = tpu.memref_slice %arg5[%dma_start3A_262, %dma_start3A_264, %dma_start3A_265] : memref<3x128x256xf32, #tpu.memory_space<vmem>> -> memref<1x128x256xf32, #tpu.memory_space<vmem>>
    %dma_start3A_267 = tpu.memref_squeeze %dma_start3A_266 : memref<1x128x256xf32, #tpu.memory_space<vmem>> -> memref<128x256xf32, #tpu.memory_space<vmem>>
    %dma_start3A_268 = arith.constant 0 : i32
    %dma_start3A_269 = tpu.memref_slice %arg3[%add3A_261, %dma_start3A_268] : memref<131072x256xf32, #tpu.memory_space<hbm>> -> memref<128x256xf32, #tpu.memory_space<hbm>>
    %dma_start3A_270 = tpu.memref_slice %arg8[%dma_start3A_263] : memref<3x!tpu.dma_semaphore, #tpu.memory_space<semaphore_mem>> -> memref<1x!tpu.dma_semaphore, #tpu.memory_space<semaphore_mem>>
    %dma_start3A_271 = tpu.memref_squeeze %dma_start3A_270 : memref<1x!tpu.dma_semaphore, #tpu.memory_space<semaphore_mem>> -> memref<!tpu.dma_semaphore, #tpu.memory_space<semaphore_mem>>
    %dma_start3A_272 = arith.constant 0 : i32
    %dma_start3A_273 = tpu.memref_slice %arg3[%add3A_261, %dma_start3A_272] : memref<131072x256xf32, #tpu.memory_space<hbm>> -> memref<128x256xf32, #tpu.memory_space<hbm>>
    %dma_start3A_274 = arith.constant 0 : i32
    %dma_start3A_275 = arith.constant 0 : i32
    %dma_start3A_276 = tpu.memref_slice %arg5[%dma_start3A_262, %dma_start3A_274, %dma_start3A_275] : memref<3x128x256xf32, #tpu.memory_space<vmem>> -> memref<1x128x256xf32, #tpu.memory_space<vmem>>
    %dma_start3A_277 = tpu.memref_squeeze %dma_start3A_276 : memref<1x128x256xf32, #tpu.memory_space<vmem>> -> memref<128x256xf32, #tpu.memory_space<vmem>>
    tpu.enqueue_dma source(%dma_start3A_277 : memref<128x256xf32, #tpu.memory_space<vmem>>) target(%dma_start3A_273 : memref<128x256xf32, #tpu.memory_space<hbm>>) target_semaphore(%dma_start3A_271 : memref<!tpu.dma_semaphore, #tpu.memory_space<semaphore_mem>>)
    %add3A_278 = arith.constant 256 : i32
    %add3A_279 = arith.addi %mul3A_2, %add3A_278 : i32
    %dma_wait3A_280 = arith.constant 2 : i32
    %dma_wait3A_281 = arith.constant 2 : i32
    %dma_wait3A_282 = arith.constant 0 : i32
    %dma_wait3A_283 = arith.constant 0 : i32
    %dma_wait3A_284 = tpu.memref_slice %arg5[%dma_wait3A_280, %dma_wait3A_282, %dma_wait3A_283] : memref<3x128x256xf32, #tpu.memory_space<vmem>> -> memref<1x128x256xf32, #tpu.memory_space<vmem>>
    %dma_wait3A_285 = tpu.memref_squeeze %dma_wait3A_284 : memref<1x128x256xf32, #tpu.memory_space<vmem>> -> memref<128x256xf32, #tpu.memory_space<vmem>>
    %dma_wait3A_286 = arith.constant 0 : i32
    %dma_wait3A_287 = tpu.memref_slice %arg3[%add3A_279, %dma_wait3A_286] : memref<131072x256xf32, #tpu.memory_space<hbm>> -> memref<128x256xf32, #tpu.memory_space<hbm>>
    %dma_wait3A_288 = tpu.memref_slice %arg8[%dma_wait3A_281] : memref<3x!tpu.dma_semaphore, #tpu.memory_space<semaphore_mem>> -> memref<1x!tpu.dma_semaphore, #tpu.memory_space<semaphore_mem>>
    %dma_wait3A_289 = tpu.memref_squeeze %dma_wait3A_288 : memref<1x!tpu.dma_semaphore, #tpu.memory_space<semaphore_mem>> -> memref<!tpu.dma_semaphore, #tpu.memory_space<semaphore_mem>>
    %dma_wait3A_290 = arith.constant 0 : i32
    %dma_wait3A_291 = tpu.memref_slice %arg3[%add3A_279, %dma_wait3A_290] : memref<131072x256xf32, #tpu.memory_space<hbm>> -> memref<128x256xf32, #tpu.memory_space<hbm>>
    %dma_wait3A_292 = arith.constant 0 : i32
    %dma_wait3A_293 = arith.constant 0 : i32
    %dma_wait3A_294 = tpu.memref_slice %arg5[%dma_wait3A_280, %dma_wait3A_292, %dma_wait3A_293] : memref<3x128x256xf32, #tpu.memory_space<vmem>> -> memref<1x128x256xf32, #tpu.memory_space<vmem>>
    %dma_wait3A_295 = tpu.memref_squeeze %dma_wait3A_294 : memref<1x128x256xf32, #tpu.memory_space<vmem>> -> memref<128x256xf32, #tpu.memory_space<vmem>>
    tpu.wait_dma2 semaphore(%dma_wait3A_289 : memref<!tpu.dma_semaphore, #tpu.memory_space<semaphore_mem>>) src(%dma_wait3A_295 : memref<128x256xf32, #tpu.memory_space<vmem>>) dst(%dma_wait3A_291 : memref<128x256xf32, #tpu.memory_space<hbm>>)
    %add3A_296 = arith.constant 640 : i32
    %add3A_297 = arith.addi %mul3A_2, %add3A_296 : i32
    %dma_start3A_298 = arith.constant 2 : i32
    %dma_start3A_299 = arith.constant 2 : i32
    %dma_start3A_300 = arith.constant 0 : i32
    %dma_start3A_301 = arith.constant 0 : i32
    %dma_start3A_302 = tpu.memref_slice %arg5[%dma_start3A_298, %dma_start3A_300, %dma_start3A_301] : memref<3x128x256xf32, #tpu.memory_space<vmem>> -> memref<1x128x256xf32, #tpu.memory_space<vmem>>
    %dma_start3A_303 = tpu.memref_squeeze %dma_start3A_302 : memref<1x128x256xf32, #tpu.memory_space<vmem>> -> memref<128x256xf32, #tpu.memory_space<vmem>>
    %dma_start3A_304 = arith.constant 0 : i32
    %dma_start3A_305 = tpu.memref_slice %arg2[%add3A_297, %dma_start3A_304] : memref<131072x256xf32, #tpu.memory_space<hbm>> -> memref<128x256xf32, #tpu.memory_space<hbm>>
    %dma_start3A_306 = tpu.memref_slice %arg7[%dma_start3A_299] : memref<3x!tpu.dma_semaphore, #tpu.memory_space<semaphore_mem>> -> memref<1x!tpu.dma_semaphore, #tpu.memory_space<semaphore_mem>>
    %dma_start3A_307 = tpu.memref_squeeze %dma_start3A_306 : memref<1x!tpu.dma_semaphore, #tpu.memory_space<semaphore_mem>> -> memref<!tpu.dma_semaphore, #tpu.memory_space<semaphore_mem>>
    %dma_start3A_308 = arith.constant 0 : i32
    %dma_start3A_309 = arith.constant 0 : i32
    %dma_start3A_310 = tpu.memref_slice %arg5[%dma_start3A_298, %dma_start3A_308, %dma_start3A_309] : memref<3x128x256xf32, #tpu.memory_space<vmem>> -> memref<1x128x256xf32, #tpu.memory_space<vmem>>
    %dma_start3A_311 = tpu.memref_squeeze %dma_start3A_310 : memref<1x128x256xf32, #tpu.memory_space<vmem>> -> memref<128x256xf32, #tpu.memory_space<vmem>>
    %dma_start3A_312 = arith.constant 0 : i32
    %dma_start3A_313 = tpu.memref_slice %arg2[%add3A_297, %dma_start3A_312] : memref<131072x256xf32, #tpu.memory_space<hbm>> -> memref<128x256xf32, #tpu.memory_space<hbm>>
    tpu.enqueue_dma source(%dma_start3A_313 : memref<128x256xf32, #tpu.memory_space<hbm>>) target(%dma_start3A_311 : memref<128x256xf32, #tpu.memory_space<vmem>>) target_semaphore(%dma_start3A_307 : memref<!tpu.dma_semaphore, #tpu.memory_space<semaphore_mem>>)
    %add3A_314 = arith.constant 512 : i32
    %add3A_315 = arith.addi %mul3A_2, %add3A_314 : i32
    %dma_wait3A_316 = arith.constant 1 : i32
    %dma_wait3A_317 = arith.constant 1 : i32
    %dma_wait3A_318 = arith.constant 0 : i32
    %dma_wait3A_319 = arith.constant 0 : i32
    %dma_wait3A_320 = tpu.memref_slice %arg5[%dma_wait3A_316, %dma_wait3A_318, %dma_wait3A_319] : memref<3x128x256xf32, #tpu.memory_space<vmem>> -> memref<1x128x256xf32, #tpu.memory_space<vmem>>
    %dma_wait3A_321 = tpu.memref_squeeze %dma_wait3A_320 : memref<1x128x256xf32, #tpu.memory_space<vmem>> -> memref<128x256xf32, #tpu.memory_space<vmem>>
    %dma_wait3A_322 = arith.constant 0 : i32
    %dma_wait3A_323 = tpu.memref_slice %arg2[%add3A_315, %dma_wait3A_322] : memref<131072x256xf32, #tpu.memory_space<hbm>> -> memref<128x256xf32, #tpu.memory_space<hbm>>
    %dma_wait3A_324 = tpu.memref_slice %arg7[%dma_wait3A_317] : memref<3x!tpu.dma_semaphore, #tpu.memory_space<semaphore_mem>> -> memref<1x!tpu.dma_semaphore, #tpu.memory_space<semaphore_mem>>
    %dma_wait3A_325 = tpu.memref_squeeze %dma_wait3A_324 : memref<1x!tpu.dma_semaphore, #tpu.memory_space<semaphore_mem>> -> memref<!tpu.dma_semaphore, #tpu.memory_space<semaphore_mem>>
    %dma_wait3A_326 = arith.constant 0 : i32
    %dma_wait3A_327 = arith.constant 0 : i32
    %dma_wait3A_328 = tpu.memref_slice %arg5[%dma_wait3A_316, %dma_wait3A_326, %dma_wait3A_327] : memref<3x128x256xf32, #tpu.memory_space<vmem>> -> memref<1x128x256xf32, #tpu.memory_space<vmem>>
    %dma_wait3A_329 = tpu.memref_squeeze %dma_wait3A_328 : memref<1x128x256xf32, #tpu.memory_space<vmem>> -> memref<128x256xf32, #tpu.memory_space<vmem>>
    %dma_wait3A_330 = arith.constant 0 : i32
    %dma_wait3A_331 = tpu.memref_slice %arg2[%add3A_315, %dma_wait3A_330] : memref<131072x256xf32, #tpu.memory_space<hbm>> -> memref<128x256xf32, #tpu.memory_space<hbm>>
    tpu.wait_dma2 semaphore(%dma_wait3A_325 : memref<!tpu.dma_semaphore, #tpu.memory_space<semaphore_mem>>) src(%dma_wait3A_331 : memref<128x256xf32, #tpu.memory_space<hbm>>) dst(%dma_wait3A_329 : memref<128x256xf32, #tpu.memory_space<vmem>>)
    %add3A_332 = arith.constant 512 : i32
    %add3A_333 = arith.addi %mul3A_2, %add3A_332 : i32
    %dma_start3A_334 = arith.constant 1 : i32
    %dma_start3A_335 = arith.constant 1 : i32
    %dma_start3A_336 = arith.constant 0 : i32
    %dma_start3A_337 = arith.constant 0 : i32
    %dma_start3A_338 = tpu.memref_slice %arg5[%dma_start3A_334, %dma_start3A_336, %dma_start3A_337] : memref<3x128x256xf32, #tpu.memory_space<vmem>> -> memref<1x128x256xf32, #tpu.memory_space<vmem>>
    %dma_start3A_339 = tpu.memref_squeeze %dma_start3A_338 : memref<1x128x256xf32, #tpu.memory_space<vmem>> -> memref<128x256xf32, #tpu.memory_space<vmem>>
    %dma_start3A_340 = arith.constant 0 : i32
    %dma_start3A_341 = tpu.memref_slice %arg3[%add3A_333, %dma_start3A_340] : memref<131072x256xf32, #tpu.memory_space<hbm>> -> memref<128x256xf32, #tpu.memory_space<hbm>>
    %dma_start3A_342 = tpu.memref_slice %arg8[%dma_start3A_335] : memref<3x!tpu.dma_semaphore, #tpu.memory_space<semaphore_mem>> -> memref<1x!tpu.dma_semaphore, #tpu.memory_space<semaphore_mem>>
    %dma_start3A_343 = tpu.memref_squeeze %dma_start3A_342 : memref<1x!tpu.dma_semaphore, #tpu.memory_space<semaphore_mem>> -> memref<!tpu.dma_semaphore, #tpu.memory_space<semaphore_mem>>
    %dma_start3A_344 = arith.constant 0 : i32
    %dma_start3A_345 = tpu.memref_slice %arg3[%add3A_333, %dma_start3A_344] : memref<131072x256xf32, #tpu.memory_space<hbm>> -> memref<128x256xf32, #tpu.memory_space<hbm>>
    %dma_start3A_346 = arith.constant 0 : i32
    %dma_start3A_347 = arith.constant 0 : i32
    %dma_start3A_348 = tpu.memref_slice %arg5[%dma_start3A_334, %dma_start3A_346, %dma_start3A_347] : memref<3x128x256xf32, #tpu.memory_space<vmem>> -> memref<1x128x256xf32, #tpu.memory_space<vmem>>
    %dma_start3A_349 = tpu.memref_squeeze %dma_start3A_348 : memref<1x128x256xf32, #tpu.memory_space<vmem>> -> memref<128x256xf32, #tpu.memory_space<vmem>>
    tpu.enqueue_dma source(%dma_start3A_349 : memref<128x256xf32, #tpu.memory_space<vmem>>) target(%dma_start3A_345 : memref<128x256xf32, #tpu.memory_space<hbm>>) target_semaphore(%dma_start3A_343 : memref<!tpu.dma_semaphore, #tpu.memory_space<semaphore_mem>>)
    %add3A_350 = arith.constant 384 : i32
    %add3A_351 = arith.addi %mul3A_2, %add3A_350 : i32
    %dma_wait3A_352 = arith.constant 0 : i32
    %dma_wait3A_353 = arith.constant 0 : i32
    %dma_wait3A_354 = arith.constant 0 : i32
    %dma_wait3A_355 = arith.constant 0 : i32
    %dma_wait3A_356 = tpu.memref_slice %arg5[%dma_wait3A_352, %dma_wait3A_354, %dma_wait3A_355] : memref<3x128x256xf32, #tpu.memory_space<vmem>> -> memref<1x128x256xf32, #tpu.memory_space<vmem>>
    %dma_wait3A_357 = tpu.memref_squeeze %dma_wait3A_356 : memref<1x128x256xf32, #tpu.memory_space<vmem>> -> memref<128x256xf32, #tpu.memory_space<vmem>>
    %dma_wait3A_358 = arith.constant 0 : i32
    %dma_wait3A_359 = tpu.memref_slice %arg3[%add3A_351, %dma_wait3A_358] : memref<131072x256xf32, #tpu.memory_space<hbm>> -> memref<128x256xf32, #tpu.memory_space<hbm>>
    %dma_wait3A_360 = tpu.memref_slice %arg8[%dma_wait3A_353] : memref<3x!tpu.dma_semaphore, #tpu.memory_space<semaphore_mem>> -> memref<1x!tpu.dma_semaphore, #tpu.memory_space<semaphore_mem>>
    %dma_wait3A_361 = tpu.memref_squeeze %dma_wait3A_360 : memref<1x!tpu.dma_semaphore, #tpu.memory_space<semaphore_mem>> -> memref<!tpu.dma_semaphore, #tpu.memory_space<semaphore_mem>>
    %dma_wait3A_362 = arith.constant 0 : i32
    %dma_wait3A_363 = tpu.memref_slice %arg3[%add3A_351, %dma_wait3A_362] : memref<131072x256xf32, #tpu.memory_space<hbm>> -> memref<128x256xf32, #tpu.memory_space<hbm>>
    %dma_wait3A_364 = arith.constant 0 : i32
    %dma_wait3A_365 = arith.constant 0 : i32
    %dma_wait3A_366 = tpu.memref_slice %arg5[%dma_wait3A_352, %dma_wait3A_364, %dma_wait3A_365] : memref<3x128x256xf32, #tpu.memory_space<vmem>> -> memref<1x128x256xf32, #tpu.memory_space<vmem>>
    %dma_wait3A_367 = tpu.memref_squeeze %dma_wait3A_366 : memref<1x128x256xf32, #tpu.memory_space<vmem>> -> memref<128x256xf32, #tpu.memory_space<vmem>>
    tpu.wait_dma2 semaphore(%dma_wait3A_361 : memref<!tpu.dma_semaphore, #tpu.memory_space<semaphore_mem>>) src(%dma_wait3A_367 : memref<128x256xf32, #tpu.memory_space<vmem>>) dst(%dma_wait3A_363 : memref<128x256xf32, #tpu.memory_space<hbm>>)
    %add3A_368 = arith.constant 768 : i32
    %add3A_369 = arith.addi %mul3A_2, %add3A_368 : i32
    %dma_start3A_370 = arith.constant 0 : i32
    %dma_start3A_371 = arith.constant 0 : i32
    %dma_start3A_372 = arith.constant 0 : i32
    %dma_start3A_373 = arith.constant 0 : i32
    %dma_start3A_374 = tpu.memref_slice %arg5[%dma_start3A_370, %dma_start3A_372, %dma_start3A_373] : memref<3x128x256xf32, #tpu.memory_space<vmem>> -> memref<1x128x256xf32, #tpu.memory_space<vmem>>
    %dma_start3A_375 = tpu.memref_squeeze %dma_start3A_374 : memref<1x128x256xf32, #tpu.memory_space<vmem>> -> memref<128x256xf32, #tpu.memory_space<vmem>>
    %dma_start3A_376 = arith.constant 0 : i32
    %dma_start3A_377 = tpu.memref_slice %arg2[%add3A_369, %dma_start3A_376] : memref<131072x256xf32, #tpu.memory_space<hbm>> -> memref<128x256xf32, #tpu.memory_space<hbm>>
    %dma_start3A_378 = tpu.memref_slice %arg7[%dma_start3A_371] : memref<3x!tpu.dma_semaphore, #tpu.memory_space<semaphore_mem>> -> memref<1x!tpu.dma_semaphore, #tpu.memory_space<semaphore_mem>>
    %dma_start3A_379 = tpu.memref_squeeze %dma_start3A_378 : memref<1x!tpu.dma_semaphore, #tpu.memory_space<semaphore_mem>> -> memref<!tpu.dma_semaphore, #tpu.memory_space<semaphore_mem>>
    %dma_start3A_380 = arith.constant 0 : i32
    %dma_start3A_381 = arith.constant 0 : i32
    %dma_start3A_382 = tpu.memref_slice %arg5[%dma_start3A_370, %dma_start3A_380, %dma_start3A_381] : memref<3x128x256xf32, #tpu.memory_space<vmem>> -> memref<1x128x256xf32, #tpu.memory_space<vmem>>
    %dma_start3A_383 = tpu.memref_squeeze %dma_start3A_382 : memref<1x128x256xf32, #tpu.memory_space<vmem>> -> memref<128x256xf32, #tpu.memory_space<vmem>>
    %dma_start3A_384 = arith.constant 0 : i32
    %dma_start3A_385 = tpu.memref_slice %arg2[%add3A_369, %dma_start3A_384] : memref<131072x256xf32, #tpu.memory_space<hbm>> -> memref<128x256xf32, #tpu.memory_space<hbm>>
    tpu.enqueue_dma source(%dma_start3A_385 : memref<128x256xf32, #tpu.memory_space<hbm>>) target(%dma_start3A_383 : memref<128x256xf32, #tpu.memory_space<vmem>>) target_semaphore(%dma_start3A_379 : memref<!tpu.dma_semaphore, #tpu.memory_space<semaphore_mem>>)
    %add3A_386 = arith.constant 640 : i32
    %add3A_387 = arith.addi %mul3A_2, %add3A_386 : i32
    %dma_wait3A_388 = arith.constant 2 : i32
    %dma_wait3A_389 = arith.constant 2 : i32
    %dma_wait3A_390 = arith.constant 0 : i32
    %dma_wait3A_391 = arith.constant 0 : i32
    %dma_wait3A_392 = tpu.memref_slice %arg5[%dma_wait3A_388, %dma_wait3A_390, %dma_wait3A_391] : memref<3x128x256xf32, #tpu.memory_space<vmem>> -> memref<1x128x256xf32, #tpu.memory_space<vmem>>
    %dma_wait3A_393 = tpu.memref_squeeze %dma_wait3A_392 : memref<1x128x256xf32, #tpu.memory_space<vmem>> -> memref<128x256xf32, #tpu.memory_space<vmem>>
    %dma_wait3A_394 = arith.constant 0 : i32
    %dma_wait3A_395 = tpu.memref_slice %arg2[%add3A_387, %dma_wait3A_394] : memref<131072x256xf32, #tpu.memory_space<hbm>> -> memref<128x256xf32, #tpu.memory_space<hbm>>
    %dma_wait3A_396 = tpu.memref_slice %arg7[%dma_wait3A_389] : memref<3x!tpu.dma_semaphore, #tpu.memory_space<semaphore_mem>> -> memref<1x!tpu.dma_semaphore, #tpu.memory_space<semaphore_mem>>
    %dma_wait3A_397 = tpu.memref_squeeze %dma_wait3A_396 : memref<1x!tpu.dma_semaphore, #tpu.memory_space<semaphore_mem>> -> memref<!tpu.dma_semaphore, #tpu.memory_space<semaphore_mem>>
    %dma_wait3A_398 = arith.constant 0 : i32
    %dma_wait3A_399 = arith.constant 0 : i32
    %dma_wait3A_400 = tpu.memref_slice %arg5[%dma_wait3A_388, %dma_wait3A_398, %dma_wait3A_399] : memref<3x128x256xf32, #tpu.memory_space<vmem>> -> memref<1x128x256xf32, #tpu.memory_space<vmem>>
    %dma_wait3A_401 = tpu.memref_squeeze %dma_wait3A_400 : memref<1x128x256xf32, #tpu.memory_space<vmem>> -> memref<128x256xf32, #tpu.memory_space<vmem>>
    %dma_wait3A_402 = arith.constant 0 : i32
    %dma_wait3A_403 = tpu.memref_slice %arg2[%add3A_387, %dma_wait3A_402] : memref<131072x256xf32, #tpu.memory_space<hbm>> -> memref<128x256xf32, #tpu.memory_space<hbm>>
    tpu.wait_dma2 semaphore(%dma_wait3A_397 : memref<!tpu.dma_semaphore, #tpu.memory_space<semaphore_mem>>) src(%dma_wait3A_403 : memref<128x256xf32, #tpu.memory_space<hbm>>) dst(%dma_wait3A_401 : memref<128x256xf32, #tpu.memory_space<vmem>>)
    %add3A_404 = arith.constant 640 : i32
    %add3A_405 = arith.addi %mul3A_2, %add3A_404 : i32
    %dma_start3A_406 = arith.constant 2 : i32
    %dma_start3A_407 = arith.constant 2 : i32
    %dma_start3A_408 = arith.constant 0 : i32
    %dma_start3A_409 = arith.constant 0 : i32
    %dma_start3A_410 = tpu.memref_slice %arg5[%dma_start3A_406, %dma_start3A_408, %dma_start3A_409] : memref<3x128x256xf32, #tpu.memory_space<vmem>> -> memref<1x128x256xf32, #tpu.memory_space<vmem>>
    %dma_start3A_411 = tpu.memref_squeeze %dma_start3A_410 : memref<1x128x256xf32, #tpu.memory_space<vmem>> -> memref<128x256xf32, #tpu.memory_space<vmem>>
    %dma_start3A_412 = arith.constant 0 : i32
    %dma_start3A_413 = tpu.memref_slice %arg3[%add3A_405, %dma_start3A_412] : memref<131072x256xf32, #tpu.memory_space<hbm>> -> memref<128x256xf32, #tpu.memory_space<hbm>>
    %dma_start3A_414 = tpu.memref_slice %arg8[%dma_start3A_407] : memref<3x!tpu.dma_semaphore, #tpu.memory_space<semaphore_mem>> -> memref<1x!tpu.dma_semaphore, #tpu.memory_space<semaphore_mem>>
    %dma_start3A_415 = tpu.memref_squeeze %dma_start3A_414 : memref<1x!tpu.dma_semaphore, #tpu.memory_space<semaphore_mem>> -> memref<!tpu.dma_semaphore, #tpu.memory_space<semaphore_mem>>
    %dma_start3A_416 = arith.constant 0 : i32
    %dma_start3A_417 = tpu.memref_slice %arg3[%add3A_405, %dma_start3A_416] : memref<131072x256xf32, #tpu.memory_space<hbm>> -> memref<128x256xf32, #tpu.memory_space<hbm>>
    %dma_start3A_418 = arith.constant 0 : i32
    %dma_start3A_419 = arith.constant 0 : i32
    %dma_start3A_420 = tpu.memref_slice %arg5[%dma_start3A_406, %dma_start3A_418, %dma_start3A_419] : memref<3x128x256xf32, #tpu.memory_space<vmem>> -> memref<1x128x256xf32, #tpu.memory_space<vmem>>
    %dma_start3A_421 = tpu.memref_squeeze %dma_start3A_420 : memref<1x128x256xf32, #tpu.memory_space<vmem>> -> memref<128x256xf32, #tpu.memory_space<vmem>>
    tpu.enqueue_dma source(%dma_start3A_421 : memref<128x256xf32, #tpu.memory_space<vmem>>) target(%dma_start3A_417 : memref<128x256xf32, #tpu.memory_space<hbm>>) target_semaphore(%dma_start3A_415 : memref<!tpu.dma_semaphore, #tpu.memory_space<semaphore_mem>>)
    %add3A_422 = arith.constant 512 : i32
    %add3A_423 = arith.addi %mul3A_2, %add3A_422 : i32
    %dma_wait3A_424 = arith.constant 1 : i32
    %dma_wait3A_425 = arith.constant 1 : i32
    %dma_wait3A_426 = arith.constant 0 : i32
    %dma_wait3A_427 = arith.constant 0 : i32
    %dma_wait3A_428 = tpu.memref_slice %arg5[%dma_wait3A_424, %dma_wait3A_426, %dma_wait3A_427] : memref<3x128x256xf32, #tpu.memory_space<vmem>> -> memref<1x128x256xf32, #tpu.memory_space<vmem>>
    %dma_wait3A_429 = tpu.memref_squeeze %dma_wait3A_428 : memref<1x128x256xf32, #tpu.memory_space<vmem>> -> memref<128x256xf32, #tpu.memory_space<vmem>>
    %dma_wait3A_430 = arith.constant 0 : i32
    %dma_wait3A_431 = tpu.memref_slice %arg3[%add3A_423, %dma_wait3A_430] : memref<131072x256xf32, #tpu.memory_space<hbm>> -> memref<128x256xf32, #tpu.memory_space<hbm>>
    %dma_wait3A_432 = tpu.memref_slice %arg8[%dma_wait3A_425] : memref<3x!tpu.dma_semaphore, #tpu.memory_space<semaphore_mem>> -> memref<1x!tpu.dma_semaphore, #tpu.memory_space<semaphore_mem>>
    %dma_wait3A_433 = tpu.memref_squeeze %dma_wait3A_432 : memref<1x!tpu.dma_semaphore, #tpu.memory_space<semaphore_mem>> -> memref<!tpu.dma_semaphore, #tpu.memory_space<semaphore_mem>>
    %dma_wait3A_434 = arith.constant 0 : i32
    %dma_wait3A_435 = tpu.memref_slice %arg3[%add3A_423, %dma_wait3A_434] : memref<131072x256xf32, #tpu.memory_space<hbm>> -> memref<128x256xf32, #tpu.memory_space<hbm>>
    %dma_wait3A_436 = arith.constant 0 : i32
    %dma_wait3A_437 = arith.constant 0 : i32
    %dma_wait3A_438 = tpu.memref_slice %arg5[%dma_wait3A_424, %dma_wait3A_436, %dma_wait3A_437] : memref<3x128x256xf32, #tpu.memory_space<vmem>> -> memref<1x128x256xf32, #tpu.memory_space<vmem>>
    %dma_wait3A_439 = tpu.memref_squeeze %dma_wait3A_438 : memref<1x128x256xf32, #tpu.memory_space<vmem>> -> memref<128x256xf32, #tpu.memory_space<vmem>>
    tpu.wait_dma2 semaphore(%dma_wait3A_433 : memref<!tpu.dma_semaphore, #tpu.memory_space<semaphore_mem>>) src(%dma_wait3A_439 : memref<128x256xf32, #tpu.memory_space<vmem>>) dst(%dma_wait3A_435 : memref<128x256xf32, #tpu.memory_space<hbm>>)
    %add3A_440 = arith.constant 896 : i32
    %add3A_441 = arith.addi %mul3A_2, %add3A_440 : i32
    %dma_start3A_442 = arith.constant 1 : i32
    %dma_start3A_443 = arith.constant 1 : i32
    %dma_start3A_444 = arith.constant 0 : i32
    %dma_start3A_445 = arith.constant 0 : i32
    %dma_start3A_446 = tpu.memref_slice %arg5[%dma_start3A_442, %dma_start3A_444, %dma_start3A_445] : memref<3x128x256xf32, #tpu.memory_space<vmem>> -> memref<1x128x256xf32, #tpu.memory_space<vmem>>
    %dma_start3A_447 = tpu.memref_squeeze %dma_start3A_446 : memref<1x128x256xf32, #tpu.memory_space<vmem>> -> memref<128x256xf32, #tpu.memory_space<vmem>>
    %dma_start3A_448 = arith.constant 0 : i32
    %dma_start3A_449 = tpu.memref_slice %arg2[%add3A_441, %dma_start3A_448] : memref<131072x256xf32, #tpu.memory_space<hbm>> -> memref<128x256xf32, #tpu.memory_space<hbm>>
    %dma_start3A_450 = tpu.memref_slice %arg7[%dma_start3A_443] : memref<3x!tpu.dma_semaphore, #tpu.memory_space<semaphore_mem>> -> memref<1x!tpu.dma_semaphore, #tpu.memory_space<semaphore_mem>>
    %dma_start3A_451 = tpu.memref_squeeze %dma_start3A_450 : memref<1x!tpu.dma_semaphore, #tpu.memory_space<semaphore_mem>> -> memref<!tpu.dma_semaphore, #tpu.memory_space<semaphore_mem>>
    %dma_start3A_452 = arith.constant 0 : i32
    %dma_start3A_453 = arith.constant 0 : i32
    %dma_start3A_454 = tpu.memref_slice %arg5[%dma_start3A_442, %dma_start3A_452, %dma_start3A_453] : memref<3x128x256xf32, #tpu.memory_space<vmem>> -> memref<1x128x256xf32, #tpu.memory_space<vmem>>
    %dma_start3A_455 = tpu.memref_squeeze %dma_start3A_454 : memref<1x128x256xf32, #tpu.memory_space<vmem>> -> memref<128x256xf32, #tpu.memory_space<vmem>>
    %dma_start3A_456 = arith.constant 0 : i32
    %dma_start3A_457 = tpu.memref_slice %arg2[%add3A_441, %dma_start3A_456] : memref<131072x256xf32, #tpu.memory_space<hbm>> -> memref<128x256xf32, #tpu.memory_space<hbm>>
    tpu.enqueue_dma source(%dma_start3A_457 : memref<128x256xf32, #tpu.memory_space<hbm>>) target(%dma_start3A_455 : memref<128x256xf32, #tpu.memory_space<vmem>>) target_semaphore(%dma_start3A_451 : memref<!tpu.dma_semaphore, #tpu.memory_space<semaphore_mem>>)
    %add3A_458 = arith.constant 768 : i32
    %add3A_459 = arith.addi %mul3A_2, %add3A_458 : i32
    %dma_wait3A_460 = arith.constant 0 : i32
    %dma_wait3A_461 = arith.constant 0 : i32
    %dma_wait3A_462 = arith.constant 0 : i32
    %dma_wait3A_463 = arith.constant 0 : i32
    %dma_wait3A_464 = tpu.memref_slice %arg5[%dma_wait3A_460, %dma_wait3A_462, %dma_wait3A_463] : memref<3x128x256xf32, #tpu.memory_space<vmem>> -> memref<1x128x256xf32, #tpu.memory_space<vmem>>
    %dma_wait3A_465 = tpu.memref_squeeze %dma_wait3A_464 : memref<1x128x256xf32, #tpu.memory_space<vmem>> -> memref<128x256xf32, #tpu.memory_space<vmem>>
    %dma_wait3A_466 = arith.constant 0 : i32
    %dma_wait3A_467 = tpu.memref_slice %arg2[%add3A_459, %dma_wait3A_466] : memref<131072x256xf32, #tpu.memory_space<hbm>> -> memref<128x256xf32, #tpu.memory_space<hbm>>
    %dma_wait3A_468 = tpu.memref_slice %arg7[%dma_wait3A_461] : memref<3x!tpu.dma_semaphore, #tpu.memory_space<semaphore_mem>> -> memref<1x!tpu.dma_semaphore, #tpu.memory_space<semaphore_mem>>
    %dma_wait3A_469 = tpu.memref_squeeze %dma_wait3A_468 : memref<1x!tpu.dma_semaphore, #tpu.memory_space<semaphore_mem>> -> memref<!tpu.dma_semaphore, #tpu.memory_space<semaphore_mem>>
    %dma_wait3A_470 = arith.constant 0 : i32
    %dma_wait3A_471 = arith.constant 0 : i32
    %dma_wait3A_472 = tpu.memref_slice %arg5[%dma_wait3A_460, %dma_wait3A_470, %dma_wait3A_471] : memref<3x128x256xf32, #tpu.memory_space<vmem>> -> memref<1x128x256xf32, #tpu.memory_space<vmem>>
    %dma_wait3A_473 = tpu.memref_squeeze %dma_wait3A_472 : memref<1x128x256xf32, #tpu.memory_space<vmem>> -> memref<128x256xf32, #tpu.memory_space<vmem>>
    %dma_wait3A_474 = arith.constant 0 : i32
    %dma_wait3A_475 = tpu.memref_slice %arg2[%add3A_459, %dma_wait3A_474] : memref<131072x256xf32, #tpu.memory_space<hbm>> -> memref<128x256xf32, #tpu.memory_space<hbm>>
    tpu.wait_dma2 semaphore(%dma_wait3A_469 : memref<!tpu.dma_semaphore, #tpu.memory_space<semaphore_mem>>) src(%dma_wait3A_475 : memref<128x256xf32, #tpu.memory_space<hbm>>) dst(%dma_wait3A_473 : memref<128x256xf32, #tpu.memory_space<vmem>>)
    %add3A_476 = arith.constant 768 : i32
    %add3A_477 = arith.addi %mul3A_2, %add3A_476 : i32
    %dma_start3A_478 = arith.constant 0 : i32
    %dma_start3A_479 = arith.constant 0 : i32
    %dma_start3A_480 = arith.constant 0 : i32
    %dma_start3A_481 = arith.constant 0 : i32
    %dma_start3A_482 = tpu.memref_slice %arg5[%dma_start3A_478, %dma_start3A_480, %dma_start3A_481] : memref<3x128x256xf32, #tpu.memory_space<vmem>> -> memref<1x128x256xf32, #tpu.memory_space<vmem>>
    %dma_start3A_483 = tpu.memref_squeeze %dma_start3A_482 : memref<1x128x256xf32, #tpu.memory_space<vmem>> -> memref<128x256xf32, #tpu.memory_space<vmem>>
    %dma_start3A_484 = arith.constant 0 : i32
    %dma_start3A_485 = tpu.memref_slice %arg3[%add3A_477, %dma_start3A_484] : memref<131072x256xf32, #tpu.memory_space<hbm>> -> memref<128x256xf32, #tpu.memory_space<hbm>>
    %dma_start3A_486 = tpu.memref_slice %arg8[%dma_start3A_479] : memref<3x!tpu.dma_semaphore, #tpu.memory_space<semaphore_mem>> -> memref<1x!tpu.dma_semaphore, #tpu.memory_space<semaphore_mem>>
    %dma_start3A_487 = tpu.memref_squeeze %dma_start3A_486 : memref<1x!tpu.dma_semaphore, #tpu.memory_space<semaphore_mem>> -> memref<!tpu.dma_semaphore, #tpu.memory_space<semaphore_mem>>
    %dma_start3A_488 = arith.constant 0 : i32
    %dma_start3A_489 = tpu.memref_slice %arg3[%add3A_477, %dma_start3A_488] : memref<131072x256xf32, #tpu.memory_space<hbm>> -> memref<128x256xf32, #tpu.memory_space<hbm>>
    %dma_start3A_490 = arith.constant 0 : i32
    %dma_start3A_491 = arith.constant 0 : i32
    %dma_start3A_492 = tpu.memref_slice %arg5[%dma_start3A_478, %dma_start3A_490, %dma_start3A_491] : memref<3x128x256xf32, #tpu.memory_space<vmem>> -> memref<1x128x256xf32, #tpu.memory_space<vmem>>
    %dma_start3A_493 = tpu.memref_squeeze %dma_start3A_492 : memref<1x128x256xf32, #tpu.memory_space<vmem>> -> memref<128x256xf32, #tpu.memory_space<vmem>>
    tpu.enqueue_dma source(%dma_start3A_493 : memref<128x256xf32, #tpu.memory_space<vmem>>) target(%dma_start3A_489 : memref<128x256xf32, #tpu.memory_space<hbm>>) target_semaphore(%dma_start3A_487 : memref<!tpu.dma_semaphore, #tpu.memory_space<semaphore_mem>>)
    %add3A_494 = arith.constant 640 : i32
    %add3A_495 = arith.addi %mul3A_2, %add3A_494 : i32
    %dma_wait3A_496 = arith.constant 2 : i32
    %dma_wait3A_497 = arith.constant 2 : i32
    %dma_wait3A_498 = arith.constant 0 : i32
    %dma_wait3A_499 = arith.constant 0 : i32
    %dma_wait3A_500 = tpu.memref_slice %arg5[%dma_wait3A_496, %dma_wait3A_498, %dma_wait3A_499] : memref<3x128x256xf32, #tpu.memory_space<vmem>> -> memref<1x128x256xf32, #tpu.memory_space<vmem>>
    %dma_wait3A_501 = tpu.memref_squeeze %dma_wait3A_500 : memref<1x128x256xf32, #tpu.memory_space<vmem>> -> memref<128x256xf32, #tpu.memory_space<vmem>>
    %dma_wait3A_502 = arith.constant 0 : i32
    %dma_wait3A_503 = tpu.memref_slice %arg3[%add3A_495, %dma_wait3A_502] : memref<131072x256xf32, #tpu.memory_space<hbm>> -> memref<128x256xf32, #tpu.memory_space<hbm>>
    %dma_wait3A_504 = tpu.memref_slice %arg8[%dma_wait3A_497] : memref<3x!tpu.dma_semaphore, #tpu.memory_space<semaphore_mem>> -> memref<1x!tpu.dma_semaphore, #tpu.memory_space<semaphore_mem>>
    %dma_wait3A_505 = tpu.memref_squeeze %dma_wait3A_504 : memref<1x!tpu.dma_semaphore, #tpu.memory_space<semaphore_mem>> -> memref<!tpu.dma_semaphore, #tpu.memory_space<semaphore_mem>>
    %dma_wait3A_506 = arith.constant 0 : i32
    %dma_wait3A_507 = tpu.memref_slice %arg3[%add3A_495, %dma_wait3A_506] : memref<131072x256xf32, #tpu.memory_space<hbm>> -> memref<128x256xf32, #tpu.memory_space<hbm>>
    %dma_wait3A_508 = arith.constant 0 : i32
    %dma_wait3A_509 = arith.constant 0 : i32
    %dma_wait3A_510 = tpu.memref_slice %arg5[%dma_wait3A_496, %dma_wait3A_508, %dma_wait3A_509] : memref<3x128x256xf32, #tpu.memory_space<vmem>> -> memref<1x128x256xf32, #tpu.memory_space<vmem>>
    %dma_wait3A_511 = tpu.memref_squeeze %dma_wait3A_510 : memref<1x128x256xf32, #tpu.memory_space<vmem>> -> memref<128x256xf32, #tpu.memory_space<vmem>>
    tpu.wait_dma2 semaphore(%dma_wait3A_505 : memref<!tpu.dma_semaphore, #tpu.memory_space<semaphore_mem>>) src(%dma_wait3A_511 : memref<128x256xf32, #tpu.memory_space<vmem>>) dst(%dma_wait3A_507 : memref<128x256xf32, #tpu.memory_space<hbm>>)
    %add3A_512 = arith.constant 1024 : i32
    %add3A_513 = arith.addi %mul3A_2, %add3A_512 : i32
    %dma_start3A_514 = arith.constant 2 : i32
    %dma_start3A_515 = arith.constant 2 : i32
    %dma_start3A_516 = arith.constant 0 : i32
    %dma_start3A_517 = arith.constant 0 : i32
    %dma_start3A_518 = tpu.memref_slice %arg5[%dma_start3A_514, %dma_start3A_516, %dma_start3A_517] : memref<3x128x256xf32, #tpu.memory_space<vmem>> -> memref<1x128x256xf32, #tpu.memory_space<vmem>>
    %dma_start3A_519 = tpu.memref_squeeze %dma_start3A_518 : memref<1x128x256xf32, #tpu.memory_space<vmem>> -> memref<128x256xf32, #tpu.memory_space<vmem>>
    %dma_start3A_520 = arith.constant 0 : i32
    %dma_start3A_521 = tpu.memref_slice %arg2[%add3A_513, %dma_start3A_520] : memref<131072x256xf32, #tpu.memory_space<hbm>> -> memref<128x256xf32, #tpu.memory_space<hbm>>
    %dma_start3A_522 = tpu.memref_slice %arg7[%dma_start3A_515] : memref<3x!tpu.dma_semaphore, #tpu.memory_space<semaphore_mem>> -> memref<1x!tpu.dma_semaphore, #tpu.memory_space<semaphore_mem>>
    %dma_start3A_523 = tpu.memref_squeeze %dma_start3A_522 : memref<1x!tpu.dma_semaphore, #tpu.memory_space<semaphore_mem>> -> memref<!tpu.dma_semaphore, #tpu.memory_space<semaphore_mem>>
    %dma_start3A_524 = arith.constant 0 : i32
    %dma_start3A_525 = arith.constant 0 : i32
    %dma_start3A_526 = tpu.memref_slice %arg5[%dma_start3A_514, %dma_start3A_524, %dma_start3A_525] : memref<3x128x256xf32, #tpu.memory_space<vmem>> -> memref<1x128x256xf32, #tpu.memory_space<vmem>>
    %dma_start3A_527 = tpu.memref_squeeze %dma_start3A_526 : memref<1x128x256xf32, #tpu.memory_space<vmem>> -> memref<128x256xf32, #tpu.memory_space<vmem>>
    %dma_start3A_528 = arith.constant 0 : i32
    %dma_start3A_529 = tpu.memref_slice %arg2[%add3A_513, %dma_start3A_528] : memref<131072x256xf32, #tpu.memory_space<hbm>> -> memref<128x256xf32, #tpu.memory_space<hbm>>
    tpu.enqueue_dma source(%dma_start3A_529 : memref<128x256xf32, #tpu.memory_space<hbm>>) target(%dma_start3A_527 : memref<128x256xf32, #tpu.memory_space<vmem>>) target_semaphore(%dma_start3A_523 : memref<!tpu.dma_semaphore, #tpu.memory_space<semaphore_mem>>)
    %add3A_530 = arith.constant 896 : i32
    %add3A_531 = arith.addi %mul3A_2, %add3A_530 : i32
    %dma_wait3A_532 = arith.constant 1 : i32
    %dma_wait3A_533 = arith.constant 1 : i32
    %dma_wait3A_534 = arith.constant 0 : i32
    %dma_wait3A_535 = arith.constant 0 : i32
    %dma_wait3A_536 = tpu.memref_slice %arg5[%dma_wait3A_532, %dma_wait3A_534, %dma_wait3A_535] : memref<3x128x256xf32, #tpu.memory_space<vmem>> -> memref<1x128x256xf32, #tpu.memory_space<vmem>>
    %dma_wait3A_537 = tpu.memref_squeeze %dma_wait3A_536 : memref<1x128x256xf32, #tpu.memory_space<vmem>> -> memref<128x256xf32, #tpu.memory_space<vmem>>
    %dma_wait3A_538 = arith.constant 0 : i32
    %dma_wait3A_539 = tpu.memref_slice %arg2[%add3A_531, %dma_wait3A_538] : memref<131072x256xf32, #tpu.memory_space<hbm>> -> memref<128x256xf32, #tpu.memory_space<hbm>>
    %dma_wait3A_540 = tpu.memref_slice %arg7[%dma_wait3A_533] : memref<3x!tpu.dma_semaphore, #tpu.memory_space<semaphore_mem>> -> memref<1x!tpu.dma_semaphore, #tpu.memory_space<semaphore_mem>>
    %dma_wait3A_541 = tpu.memref_squeeze %dma_wait3A_540 : memref<1x!tpu.dma_semaphore, #tpu.memory_space<semaphore_mem>> -> memref<!tpu.dma_semaphore, #tpu.memory_space<semaphore_mem>>
    %dma_wait3A_542 = arith.constant 0 : i32
    %dma_wait3A_543 = arith.constant 0 : i32
    %dma_wait3A_544 = tpu.memref_slice %arg5[%dma_wait3A_532, %dma_wait3A_542, %dma_wait3A_543] : memref<3x128x256xf32, #tpu.memory_space<vmem>> -> memref<1x128x256xf32, #tpu.memory_space<vmem>>
    %dma_wait3A_545 = tpu.memref_squeeze %dma_wait3A_544 : memref<1x128x256xf32, #tpu.memory_space<vmem>> -> memref<128x256xf32, #tpu.memory_space<vmem>>
    %dma_wait3A_546 = arith.constant 0 : i32
    %dma_wait3A_547 = tpu.memref_slice %arg2[%add3A_531, %dma_wait3A_546] : memref<131072x256xf32, #tpu.memory_space<hbm>> -> memref<128x256xf32, #tpu.memory_space<hbm>>
    tpu.wait_dma2 semaphore(%dma_wait3A_541 : memref<!tpu.dma_semaphore, #tpu.memory_space<semaphore_mem>>) src(%dma_wait3A_547 : memref<128x256xf32, #tpu.memory_space<hbm>>) dst(%dma_wait3A_545 : memref<128x256xf32, #tpu.memory_space<vmem>>)
    %add3A_548 = arith.constant 896 : i32
    %add3A_549 = arith.addi %mul3A_2, %add3A_548 : i32
    %dma_start3A_550 = arith.constant 1 : i32
    %dma_start3A_551 = arith.constant 1 : i32
    %dma_start3A_552 = arith.constant 0 : i32
    %dma_start3A_553 = arith.constant 0 : i32
    %dma_start3A_554 = tpu.memref_slice %arg5[%dma_start3A_550, %dma_start3A_552, %dma_start3A_553] : memref<3x128x256xf32, #tpu.memory_space<vmem>> -> memref<1x128x256xf32, #tpu.memory_space<vmem>>
    %dma_start3A_555 = tpu.memref_squeeze %dma_start3A_554 : memref<1x128x256xf32, #tpu.memory_space<vmem>> -> memref<128x256xf32, #tpu.memory_space<vmem>>
    %dma_start3A_556 = arith.constant 0 : i32
    %dma_start3A_557 = tpu.memref_slice %arg3[%add3A_549, %dma_start3A_556] : memref<131072x256xf32, #tpu.memory_space<hbm>> -> memref<128x256xf32, #tpu.memory_space<hbm>>
    %dma_start3A_558 = tpu.memref_slice %arg8[%dma_start3A_551] : memref<3x!tpu.dma_semaphore, #tpu.memory_space<semaphore_mem>> -> memref<1x!tpu.dma_semaphore, #tpu.memory_space<semaphore_mem>>
    %dma_start3A_559 = tpu.memref_squeeze %dma_start3A_558 : memref<1x!tpu.dma_semaphore, #tpu.memory_space<semaphore_mem>> -> memref<!tpu.dma_semaphore, #tpu.memory_space<semaphore_mem>>
    %dma_start3A_560 = arith.constant 0 : i32
    %dma_start3A_561 = tpu.memref_slice %arg3[%add3A_549, %dma_start3A_560] : memref<131072x256xf32, #tpu.memory_space<hbm>> -> memref<128x256xf32, #tpu.memory_space<hbm>>
    %dma_start3A_562 = arith.constant 0 : i32
    %dma_start3A_563 = arith.constant 0 : i32
    %dma_start3A_564 = tpu.memref_slice %arg5[%dma_start3A_550, %dma_start3A_562, %dma_start3A_563] : memref<3x128x256xf32, #tpu.memory_space<vmem>> -> memref<1x128x256xf32, #tpu.memory_space<vmem>>
    %dma_start3A_565 = tpu.memref_squeeze %dma_start3A_564 : memref<1x128x256xf32, #tpu.memory_space<vmem>> -> memref<128x256xf32, #tpu.memory_space<vmem>>
    tpu.enqueue_dma source(%dma_start3A_565 : memref<128x256xf32, #tpu.memory_space<vmem>>) target(%dma_start3A_561 : memref<128x256xf32, #tpu.memory_space<hbm>>) target_semaphore(%dma_start3A_559 : memref<!tpu.dma_semaphore, #tpu.memory_space<semaphore_mem>>)
    %add3A_566 = arith.constant 768 : i32
    %add3A_567 = arith.addi %mul3A_2, %add3A_566 : i32
    %dma_wait3A_568 = arith.constant 0 : i32
    %dma_wait3A_569 = arith.constant 0 : i32
    %dma_wait3A_570 = arith.constant 0 : i32
    %dma_wait3A_571 = arith.constant 0 : i32
    %dma_wait3A_572 = tpu.memref_slice %arg5[%dma_wait3A_568, %dma_wait3A_570, %dma_wait3A_571] : memref<3x128x256xf32, #tpu.memory_space<vmem>> -> memref<1x128x256xf32, #tpu.memory_space<vmem>>
    %dma_wait3A_573 = tpu.memref_squeeze %dma_wait3A_572 : memref<1x128x256xf32, #tpu.memory_space<vmem>> -> memref<128x256xf32, #tpu.memory_space<vmem>>
    %dma_wait3A_574 = arith.constant 0 : i32
    %dma_wait3A_575 = tpu.memref_slice %arg3[%add3A_567, %dma_wait3A_574] : memref<131072x256xf32, #tpu.memory_space<hbm>> -> memref<128x256xf32, #tpu.memory_space<hbm>>
    %dma_wait3A_576 = tpu.memref_slice %arg8[%dma_wait3A_569] : memref<3x!tpu.dma_semaphore, #tpu.memory_space<semaphore_mem>> -> memref<1x!tpu.dma_semaphore, #tpu.memory_space<semaphore_mem>>
    %dma_wait3A_577 = tpu.memref_squeeze %dma_wait3A_576 : memref<1x!tpu.dma_semaphore, #tpu.memory_space<semaphore_mem>> -> memref<!tpu.dma_semaphore, #tpu.memory_space<semaphore_mem>>
    %dma_wait3A_578 = arith.constant 0 : i32
    %dma_wait3A_579 = tpu.memref_slice %arg3[%add3A_567, %dma_wait3A_578] : memref<131072x256xf32, #tpu.memory_space<hbm>> -> memref<128x256xf32, #tpu.memory_space<hbm>>
    %dma_wait3A_580 = arith.constant 0 : i32
    %dma_wait3A_581 = arith.constant 0 : i32
    %dma_wait3A_582 = tpu.memref_slice %arg5[%dma_wait3A_568, %dma_wait3A_580, %dma_wait3A_581] : memref<3x128x256xf32, #tpu.memory_space<vmem>> -> memref<1x128x256xf32, #tpu.memory_space<vmem>>
    %dma_wait3A_583 = tpu.memref_squeeze %dma_wait3A_582 : memref<1x128x256xf32, #tpu.memory_space<vmem>> -> memref<128x256xf32, #tpu.memory_space<vmem>>
    tpu.wait_dma2 semaphore(%dma_wait3A_577 : memref<!tpu.dma_semaphore, #tpu.memory_space<semaphore_mem>>) src(%dma_wait3A_583 : memref<128x256xf32, #tpu.memory_space<vmem>>) dst(%dma_wait3A_579 : memref<128x256xf32, #tpu.memory_space<hbm>>)
    %add3A_584 = arith.constant 1152 : i32
    %add3A_585 = arith.addi %mul3A_2, %add3A_584 : i32
    %dma_start3A_586 = arith.constant 0 : i32
    %dma_start3A_587 = arith.constant 0 : i32
    %dma_start3A_588 = arith.constant 0 : i32
    %dma_start3A_589 = arith.constant 0 : i32
    %dma_start3A_590 = tpu.memref_slice %arg5[%dma_start3A_586, %dma_start3A_588, %dma_start3A_589] : memref<3x128x256xf32, #tpu.memory_space<vmem>> -> memref<1x128x256xf32, #tpu.memory_space<vmem>>
    %dma_start3A_591 = tpu.memref_squeeze %dma_start3A_590 : memref<1x128x256xf32, #tpu.memory_space<vmem>> -> memref<128x256xf32, #tpu.memory_space<vmem>>
    %dma_start3A_592 = arith.constant 0 : i32
    %dma_start3A_593 = tpu.memref_slice %arg2[%add3A_585, %dma_start3A_592] : memref<131072x256xf32, #tpu.memory_space<hbm>> -> memref<128x256xf32, #tpu.memory_space<hbm>>
    %dma_start3A_594 = tpu.memref_slice %arg7[%dma_start3A_587] : memref<3x!tpu.dma_semaphore, #tpu.memory_space<semaphore_mem>> -> memref<1x!tpu.dma_semaphore, #tpu.memory_space<semaphore_mem>>
    %dma_start3A_595 = tpu.memref_squeeze %dma_start3A_594 : memref<1x!tpu.dma_semaphore, #tpu.memory_space<semaphore_mem>> -> memref<!tpu.dma_semaphore, #tpu.memory_space<semaphore_mem>>
    %dma_start3A_596 = arith.constant 0 : i32
    %dma_start3A_597 = arith.constant 0 : i32
    %dma_start3A_598 = tpu.memref_slice %arg5[%dma_start3A_586, %dma_start3A_596, %dma_start3A_597] : memref<3x128x256xf32, #tpu.memory_space<vmem>> -> memref<1x128x256xf32, #tpu.memory_space<vmem>>
    %dma_start3A_599 = tpu.memref_squeeze %dma_start3A_598 : memref<1x128x256xf32, #tpu.memory_space<vmem>> -> memref<128x256xf32, #tpu.memory_space<vmem>>
    %dma_start3A_600 = arith.constant 0 : i32
    %dma_start3A_601 = tpu.memref_slice %arg2[%add3A_585, %dma_start3A_600] : memref<131072x256xf32, #tpu.memory_space<hbm>> -> memref<128x256xf32, #tpu.memory_space<hbm>>
    tpu.enqueue_dma source(%dma_start3A_601 : memref<128x256xf32, #tpu.memory_space<hbm>>) target(%dma_start3A_599 : memref<128x256xf32, #tpu.memory_space<vmem>>) target_semaphore(%dma_start3A_595 : memref<!tpu.dma_semaphore, #tpu.memory_space<semaphore_mem>>)
    %add3A_602 = arith.constant 1024 : i32
    %add3A_603 = arith.addi %mul3A_2, %add3A_602 : i32
    %dma_wait3A_604 = arith.constant 2 : i32
    %dma_wait3A_605 = arith.constant 2 : i32
    %dma_wait3A_606 = arith.constant 0 : i32
    %dma_wait3A_607 = arith.constant 0 : i32
    %dma_wait3A_608 = tpu.memref_slice %arg5[%dma_wait3A_604, %dma_wait3A_606, %dma_wait3A_607] : memref<3x128x256xf32, #tpu.memory_space<vmem>> -> memref<1x128x256xf32, #tpu.memory_space<vmem>>
    %dma_wait3A_609 = tpu.memref_squeeze %dma_wait3A_608 : memref<1x128x256xf32, #tpu.memory_space<vmem>> -> memref<128x256xf32, #tpu.memory_space<vmem>>
    %dma_wait3A_610 = arith.constant 0 : i32
    %dma_wait3A_611 = tpu.memref_slice %arg2[%add3A_603, %dma_wait3A_610] : memref<131072x256xf32, #tpu.memory_space<hbm>> -> memref<128x256xf32, #tpu.memory_space<hbm>>
    %dma_wait3A_612 = tpu.memref_slice %arg7[%dma_wait3A_605] : memref<3x!tpu.dma_semaphore, #tpu.memory_space<semaphore_mem>> -> memref<1x!tpu.dma_semaphore, #tpu.memory_space<semaphore_mem>>
    %dma_wait3A_613 = tpu.memref_squeeze %dma_wait3A_612 : memref<1x!tpu.dma_semaphore, #tpu.memory_space<semaphore_mem>> -> memref<!tpu.dma_semaphore, #tpu.memory_space<semaphore_mem>>
    %dma_wait3A_614 = arith.constant 0 : i32
    %dma_wait3A_615 = arith.constant 0 : i32
    %dma_wait3A_616 = tpu.memref_slice %arg5[%dma_wait3A_604, %dma_wait3A_614, %dma_wait3A_615] : memref<3x128x256xf32, #tpu.memory_space<vmem>> -> memref<1x128x256xf32, #tpu.memory_space<vmem>>
    %dma_wait3A_617 = tpu.memref_squeeze %dma_wait3A_616 : memref<1x128x256xf32, #tpu.memory_space<vmem>> -> memref<128x256xf32, #tpu.memory_space<vmem>>
    %dma_wait3A_618 = arith.constant 0 : i32
    %dma_wait3A_619 = tpu.memref_slice %arg2[%add3A_603, %dma_wait3A_618] : memref<131072x256xf32, #tpu.memory_space<hbm>> -> memref<128x256xf32, #tpu.memory_space<hbm>>
    tpu.wait_dma2 semaphore(%dma_wait3A_613 : memref<!tpu.dma_semaphore, #tpu.memory_space<semaphore_mem>>) src(%dma_wait3A_619 : memref<128x256xf32, #tpu.memory_space<hbm>>) dst(%dma_wait3A_617 : memref<128x256xf32, #tpu.memory_space<vmem>>)
    %add3A_620 = arith.constant 1024 : i32
    %add3A_621 = arith.addi %mul3A_2, %add3A_620 : i32
    %dma_start3A_622 = arith.constant 2 : i32
    %dma_start3A_623 = arith.constant 2 : i32
    %dma_start3A_624 = arith.constant 0 : i32
    %dma_start3A_625 = arith.constant 0 : i32
    %dma_start3A_626 = tpu.memref_slice %arg5[%dma_start3A_622, %dma_start3A_624, %dma_start3A_625] : memref<3x128x256xf32, #tpu.memory_space<vmem>> -> memref<1x128x256xf32, #tpu.memory_space<vmem>>
    %dma_start3A_627 = tpu.memref_squeeze %dma_start3A_626 : memref<1x128x256xf32, #tpu.memory_space<vmem>> -> memref<128x256xf32, #tpu.memory_space<vmem>>
    %dma_start3A_628 = arith.constant 0 : i32
    %dma_start3A_629 = tpu.memref_slice %arg3[%add3A_621, %dma_start3A_628] : memref<131072x256xf32, #tpu.memory_space<hbm>> -> memref<128x256xf32, #tpu.memory_space<hbm>>
    %dma_start3A_630 = tpu.memref_slice %arg8[%dma_start3A_623] : memref<3x!tpu.dma_semaphore, #tpu.memory_space<semaphore_mem>> -> memref<1x!tpu.dma_semaphore, #tpu.memory_space<semaphore_mem>>
    %dma_start3A_631 = tpu.memref_squeeze %dma_start3A_630 : memref<1x!tpu.dma_semaphore, #tpu.memory_space<semaphore_mem>> -> memref<!tpu.dma_semaphore, #tpu.memory_space<semaphore_mem>>
    %dma_start3A_632 = arith.constant 0 : i32
    %dma_start3A_633 = tpu.memref_slice %arg3[%add3A_621, %dma_start3A_632] : memref<131072x256xf32, #tpu.memory_space<hbm>> -> memref<128x256xf32, #tpu.memory_space<hbm>>
    %dma_start3A_634 = arith.constant 0 : i32
    %dma_start3A_635 = arith.constant 0 : i32
    %dma_start3A_636 = tpu.memref_slice %arg5[%dma_start3A_622, %dma_start3A_634, %dma_start3A_635] : memref<3x128x256xf32, #tpu.memory_space<vmem>> -> memref<1x128x256xf32, #tpu.memory_space<vmem>>
    %dma_start3A_637 = tpu.memref_squeeze %dma_start3A_636 : memref<1x128x256xf32, #tpu.memory_space<vmem>> -> memref<128x256xf32, #tpu.memory_space<vmem>>
    tpu.enqueue_dma source(%dma_start3A_637 : memref<128x256xf32, #tpu.memory_space<vmem>>) target(%dma_start3A_633 : memref<128x256xf32, #tpu.memory_space<hbm>>) target_semaphore(%dma_start3A_631 : memref<!tpu.dma_semaphore, #tpu.memory_space<semaphore_mem>>)
    %add3A_638 = arith.constant 896 : i32
    %add3A_639 = arith.addi %mul3A_2, %add3A_638 : i32
    %dma_wait3A_640 = arith.constant 1 : i32
    %dma_wait3A_641 = arith.constant 1 : i32
    %dma_wait3A_642 = arith.constant 0 : i32
    %dma_wait3A_643 = arith.constant 0 : i32
    %dma_wait3A_644 = tpu.memref_slice %arg5[%dma_wait3A_640, %dma_wait3A_642, %dma_wait3A_643] : memref<3x128x256xf32, #tpu.memory_space<vmem>> -> memref<1x128x256xf32, #tpu.memory_space<vmem>>
    %dma_wait3A_645 = tpu.memref_squeeze %dma_wait3A_644 : memref<1x128x256xf32, #tpu.memory_space<vmem>> -> memref<128x256xf32, #tpu.memory_space<vmem>>
    %dma_wait3A_646 = arith.constant 0 : i32
    %dma_wait3A_647 = tpu.memref_slice %arg3[%add3A_639, %dma_wait3A_646] : memref<131072x256xf32, #tpu.memory_space<hbm>> -> memref<128x256xf32, #tpu.memory_space<hbm>>
    %dma_wait3A_648 = tpu.memref_slice %arg8[%dma_wait3A_641] : memref<3x!tpu.dma_semaphore, #tpu.memory_space<semaphore_mem>> -> memref<1x!tpu.dma_semaphore, #tpu.memory_space<semaphore_mem>>
    %dma_wait3A_649 = tpu.memref_squeeze %dma_wait3A_648 : memref<1x!tpu.dma_semaphore, #tpu.memory_space<semaphore_mem>> -> memref<!tpu.dma_semaphore, #tpu.memory_space<semaphore_mem>>
    %dma_wait3A_650 = arith.constant 0 : i32
    %dma_wait3A_651 = tpu.memref_slice %arg3[%add3A_639, %dma_wait3A_650] : memref<131072x256xf32, #tpu.memory_space<hbm>> -> memref<128x256xf32, #tpu.memory_space<hbm>>
    %dma_wait3A_652 = arith.constant 0 : i32
    %dma_wait3A_653 = arith.constant 0 : i32
    %dma_wait3A_654 = tpu.memref_slice %arg5[%dma_wait3A_640, %dma_wait3A_652, %dma_wait3A_653] : memref<3x128x256xf32, #tpu.memory_space<vmem>> -> memref<1x128x256xf32, #tpu.memory_space<vmem>>
    %dma_wait3A_655 = tpu.memref_squeeze %dma_wait3A_654 : memref<1x128x256xf32, #tpu.memory_space<vmem>> -> memref<128x256xf32, #tpu.memory_space<vmem>>
    tpu.wait_dma2 semaphore(%dma_wait3A_649 : memref<!tpu.dma_semaphore, #tpu.memory_space<semaphore_mem>>) src(%dma_wait3A_655 : memref<128x256xf32, #tpu.memory_space<vmem>>) dst(%dma_wait3A_651 : memref<128x256xf32, #tpu.memory_space<hbm>>)
    %add3A_656 = arith.constant 1280 : i32
    %add3A_657 = arith.addi %mul3A_2, %add3A_656 : i32
    %dma_start3A_658 = arith.constant 1 : i32
    %dma_start3A_659 = arith.constant 1 : i32
    %dma_start3A_660 = arith.constant 0 : i32
    %dma_start3A_661 = arith.constant 0 : i32
    %dma_start3A_662 = tpu.memref_slice %arg5[%dma_start3A_658, %dma_start3A_660, %dma_start3A_661] : memref<3x128x256xf32, #tpu.memory_space<vmem>> -> memref<1x128x256xf32, #tpu.memory_space<vmem>>
    %dma_start3A_663 = tpu.memref_squeeze %dma_start3A_662 : memref<1x128x256xf32, #tpu.memory_space<vmem>> -> memref<128x256xf32, #tpu.memory_space<vmem>>
    %dma_start3A_664 = arith.constant 0 : i32
    %dma_start3A_665 = tpu.memref_slice %arg2[%add3A_657, %dma_start3A_664] : memref<131072x256xf32, #tpu.memory_space<hbm>> -> memref<128x256xf32, #tpu.memory_space<hbm>>
    %dma_start3A_666 = tpu.memref_slice %arg7[%dma_start3A_659] : memref<3x!tpu.dma_semaphore, #tpu.memory_space<semaphore_mem>> -> memref<1x!tpu.dma_semaphore, #tpu.memory_space<semaphore_mem>>
    %dma_start3A_667 = tpu.memref_squeeze %dma_start3A_666 : memref<1x!tpu.dma_semaphore, #tpu.memory_space<semaphore_mem>> -> memref<!tpu.dma_semaphore, #tpu.memory_space<semaphore_mem>>
    %dma_start3A_668 = arith.constant 0 : i32
    %dma_start3A_669 = arith.constant 0 : i32
    %dma_start3A_670 = tpu.memref_slice %arg5[%dma_start3A_658, %dma_start3A_668, %dma_start3A_669] : memref<3x128x256xf32, #tpu.memory_space<vmem>> -> memref<1x128x256xf32, #tpu.memory_space<vmem>>
    %dma_start3A_671 = tpu.memref_squeeze %dma_start3A_670 : memref<1x128x256xf32, #tpu.memory_space<vmem>> -> memref<128x256xf32, #tpu.memory_space<vmem>>
    %dma_start3A_672 = arith.constant 0 : i32
    %dma_start3A_673 = tpu.memref_slice %arg2[%add3A_657, %dma_start3A_672] : memref<131072x256xf32, #tpu.memory_space<hbm>> -> memref<128x256xf32, #tpu.memory_space<hbm>>
    tpu.enqueue_dma source(%dma_start3A_673 : memref<128x256xf32, #tpu.memory_space<hbm>>) target(%dma_start3A_671 : memref<128x256xf32, #tpu.memory_space<vmem>>) target_semaphore(%dma_start3A_667 : memref<!tpu.dma_semaphore, #tpu.memory_space<semaphore_mem>>)
    %add3A_674 = arith.constant 1152 : i32
    %add3A_675 = arith.addi %mul3A_2, %add3A_674 : i32
    %dma_wait3A_676 = arith.constant 0 : i32
    %dma_wait3A_677 = arith.constant 0 : i32
    %dma_wait3A_678 = arith.constant 0 : i32
    %dma_wait3A_679 = arith.constant 0 : i32
    %dma_wait3A_680 = tpu.memref_slice %arg5[%dma_wait3A_676, %dma_wait3A_678, %dma_wait3A_679] : memref<3x128x256xf32, #tpu.memory_space<vmem>> -> memref<1x128x256xf32, #tpu.memory_space<vmem>>
    %dma_wait3A_681 = tpu.memref_squeeze %dma_wait3A_680 : memref<1x128x256xf32, #tpu.memory_space<vmem>> -> memref<128x256xf32, #tpu.memory_space<vmem>>
    %dma_wait3A_682 = arith.constant 0 : i32
    %dma_wait3A_683 = tpu.memref_slice %arg2[%add3A_675, %dma_wait3A_682] : memref<131072x256xf32, #tpu.memory_space<hbm>> -> memref<128x256xf32, #tpu.memory_space<hbm>>
    %dma_wait3A_684 = tpu.memref_slice %arg7[%dma_wait3A_677] : memref<3x!tpu.dma_semaphore, #tpu.memory_space<semaphore_mem>> -> memref<1x!tpu.dma_semaphore, #tpu.memory_space<semaphore_mem>>
    %dma_wait3A_685 = tpu.memref_squeeze %dma_wait3A_684 : memref<1x!tpu.dma_semaphore, #tpu.memory_space<semaphore_mem>> -> memref<!tpu.dma_semaphore, #tpu.memory_space<semaphore_mem>>
    %dma_wait3A_686 = arith.constant 0 : i32
    %dma_wait3A_687 = arith.constant 0 : i32
    %dma_wait3A_688 = tpu.memref_slice %arg5[%dma_wait3A_676, %dma_wait3A_686, %dma_wait3A_687] : memref<3x128x256xf32, #tpu.memory_space<vmem>> -> memref<1x128x256xf32, #tpu.memory_space<vmem>>
    %dma_wait3A_689 = tpu.memref_squeeze %dma_wait3A_688 : memref<1x128x256xf32, #tpu.memory_space<vmem>> -> memref<128x256xf32, #tpu.memory_space<vmem>>
    %dma_wait3A_690 = arith.constant 0 : i32
    %dma_wait3A_691 = tpu.memref_slice %arg2[%add3A_675, %dma_wait3A_690] : memref<131072x256xf32, #tpu.memory_space<hbm>> -> memref<128x256xf32, #tpu.memory_space<hbm>>
    tpu.wait_dma2 semaphore(%dma_wait3A_685 : memref<!tpu.dma_semaphore, #tpu.memory_space<semaphore_mem>>) src(%dma_wait3A_691 : memref<128x256xf32, #tpu.memory_space<hbm>>) dst(%dma_wait3A_689 : memref<128x256xf32, #tpu.memory_space<vmem>>)
    %add3A_692 = arith.constant 1152 : i32
    %add3A_693 = arith.addi %mul3A_2, %add3A_692 : i32
    %dma_start3A_694 = arith.constant 0 : i32
    %dma_start3A_695 = arith.constant 0 : i32
    %dma_start3A_696 = arith.constant 0 : i32
    %dma_start3A_697 = arith.constant 0 : i32
    %dma_start3A_698 = tpu.memref_slice %arg5[%dma_start3A_694, %dma_start3A_696, %dma_start3A_697] : memref<3x128x256xf32, #tpu.memory_space<vmem>> -> memref<1x128x256xf32, #tpu.memory_space<vmem>>
    %dma_start3A_699 = tpu.memref_squeeze %dma_start3A_698 : memref<1x128x256xf32, #tpu.memory_space<vmem>> -> memref<128x256xf32, #tpu.memory_space<vmem>>
    %dma_start3A_700 = arith.constant 0 : i32
    %dma_start3A_701 = tpu.memref_slice %arg3[%add3A_693, %dma_start3A_700] : memref<131072x256xf32, #tpu.memory_space<hbm>> -> memref<128x256xf32, #tpu.memory_space<hbm>>
    %dma_start3A_702 = tpu.memref_slice %arg8[%dma_start3A_695] : memref<3x!tpu.dma_semaphore, #tpu.memory_space<semaphore_mem>> -> memref<1x!tpu.dma_semaphore, #tpu.memory_space<semaphore_mem>>
    %dma_start3A_703 = tpu.memref_squeeze %dma_start3A_702 : memref<1x!tpu.dma_semaphore, #tpu.memory_space<semaphore_mem>> -> memref<!tpu.dma_semaphore, #tpu.memory_space<semaphore_mem>>
    %dma_start3A_704 = arith.constant 0 : i32
    %dma_start3A_705 = tpu.memref_slice %arg3[%add3A_693, %dma_start3A_704] : memref<131072x256xf32, #tpu.memory_space<hbm>> -> memref<128x256xf32, #tpu.memory_space<hbm>>
    %dma_start3A_706 = arith.constant 0 : i32
    %dma_start3A_707 = arith.constant 0 : i32
    %dma_start3A_708 = tpu.memref_slice %arg5[%dma_start3A_694, %dma_start3A_706, %dma_start3A_707] : memref<3x128x256xf32, #tpu.memory_space<vmem>> -> memref<1x128x256xf32, #tpu.memory_space<vmem>>
    %dma_start3A_709 = tpu.memref_squeeze %dma_start3A_708 : memref<1x128x256xf32, #tpu.memory_space<vmem>> -> memref<128x256xf32, #tpu.memory_space<vmem>>
    tpu.enqueue_dma source(%dma_start3A_709 : memref<128x256xf32, #tpu.memory_space<vmem>>) target(%dma_start3A_705 : memref<128x256xf32, #tpu.memory_space<hbm>>) target_semaphore(%dma_start3A_703 : memref<!tpu.dma_semaphore, #tpu.memory_space<semaphore_mem>>)
    %add3A_710 = arith.constant 1024 : i32
    %add3A_711 = arith.addi %mul3A_2, %add3A_710 : i32
    %dma_wait3A_712 = arith.constant 2 : i32
    %dma_wait3A_713 = arith.constant 2 : i32
    %dma_wait3A_714 = arith.constant 0 : i32
    %dma_wait3A_715 = arith.constant 0 : i32
    %dma_wait3A_716 = tpu.memref_slice %arg5[%dma_wait3A_712, %dma_wait3A_714, %dma_wait3A_715] : memref<3x128x256xf32, #tpu.memory_space<vmem>> -> memref<1x128x256xf32, #tpu.memory_space<vmem>>
    %dma_wait3A_717 = tpu.memref_squeeze %dma_wait3A_716 : memref<1x128x256xf32, #tpu.memory_space<vmem>> -> memref<128x256xf32, #tpu.memory_space<vmem>>
    %dma_wait3A_718 = arith.constant 0 : i32
    %dma_wait3A_719 = tpu.memref_slice %arg3[%add3A_711, %dma_wait3A_718] : memref<131072x256xf32, #tpu.memory_space<hbm>> -> memref<128x256xf32, #tpu.memory_space<hbm>>
    %dma_wait3A_720 = tpu.memref_slice %arg8[%dma_wait3A_713] : memref<3x!tpu.dma_semaphore, #tpu.memory_space<semaphore_mem>> -> memref<1x!tpu.dma_semaphore, #tpu.memory_space<semaphore_mem>>
    %dma_wait3A_721 = tpu.memref_squeeze %dma_wait3A_720 : memref<1x!tpu.dma_semaphore, #tpu.memory_space<semaphore_mem>> -> memref<!tpu.dma_semaphore, #tpu.memory_space<semaphore_mem>>
    %dma_wait3A_722 = arith.constant 0 : i32
    %dma_wait3A_723 = tpu.memref_slice %arg3[%add3A_711, %dma_wait3A_722] : memref<131072x256xf32, #tpu.memory_space<hbm>> -> memref<128x256xf32, #tpu.memory_space<hbm>>
    %dma_wait3A_724 = arith.constant 0 : i32
    %dma_wait3A_725 = arith.constant 0 : i32
    %dma_wait3A_726 = tpu.memref_slice %arg5[%dma_wait3A_712, %dma_wait3A_724, %dma_wait3A_725] : memref<3x128x256xf32, #tpu.memory_space<vmem>> -> memref<1x128x256xf32, #tpu.memory_space<vmem>>
    %dma_wait3A_727 = tpu.memref_squeeze %dma_wait3A_726 : memref<1x128x256xf32, #tpu.memory_space<vmem>> -> memref<128x256xf32, #tpu.memory_space<vmem>>
    tpu.wait_dma2 semaphore(%dma_wait3A_721 : memref<!tpu.dma_semaphore, #tpu.memory_space<semaphore_mem>>) src(%dma_wait3A_727 : memref<128x256xf32, #tpu.memory_space<vmem>>) dst(%dma_wait3A_723 : memref<128x256xf32, #tpu.memory_space<hbm>>)
    %add3A_728 = arith.constant 1408 : i32
    %add3A_729 = arith.addi %mul3A_2, %add3A_728 : i32
    %dma_start3A_730 = arith.constant 2 : i32
    %dma_start3A_731 = arith.constant 2 : i32
    %dma_start3A_732 = arith.constant 0 : i32
    %dma_start3A_733 = arith.constant 0 : i32
    %dma_start3A_734 = tpu.memref_slice %arg5[%dma_start3A_730, %dma_start3A_732, %dma_start3A_733] : memref<3x128x256xf32, #tpu.memory_space<vmem>> -> memref<1x128x256xf32, #tpu.memory_space<vmem>>
    %dma_start3A_735 = tpu.memref_squeeze %dma_start3A_734 : memref<1x128x256xf32, #tpu.memory_space<vmem>> -> memref<128x256xf32, #tpu.memory_space<vmem>>
    %dma_start3A_736 = arith.constant 0 : i32
    %dma_start3A_737 = tpu.memref_slice %arg2[%add3A_729, %dma_start3A_736] : memref<131072x256xf32, #tpu.memory_space<hbm>> -> memref<128x256xf32, #tpu.memory_space<hbm>>
    %dma_start3A_738 = tpu.memref_slice %arg7[%dma_start3A_731] : memref<3x!tpu.dma_semaphore, #tpu.memory_space<semaphore_mem>> -> memref<1x!tpu.dma_semaphore, #tpu.memory_space<semaphore_mem>>
    %dma_start3A_739 = tpu.memref_squeeze %dma_start3A_738 : memref<1x!tpu.dma_semaphore, #tpu.memory_space<semaphore_mem>> -> memref<!tpu.dma_semaphore, #tpu.memory_space<semaphore_mem>>
    %dma_start3A_740 = arith.constant 0 : i32
    %dma_start3A_741 = arith.constant 0 : i32
    %dma_start3A_742 = tpu.memref_slice %arg5[%dma_start3A_730, %dma_start3A_740, %dma_start3A_741] : memref<3x128x256xf32, #tpu.memory_space<vmem>> -> memref<1x128x256xf32, #tpu.memory_space<vmem>>
    %dma_start3A_743 = tpu.memref_squeeze %dma_start3A_742 : memref<1x128x256xf32, #tpu.memory_space<vmem>> -> memref<128x256xf32, #tpu.memory_space<vmem>>
    %dma_start3A_744 = arith.constant 0 : i32
    %dma_start3A_745 = tpu.memref_slice %arg2[%add3A_729, %dma_start3A_744] : memref<131072x256xf32, #tpu.memory_space<hbm>> -> memref<128x256xf32, #tpu.memory_space<hbm>>
    tpu.enqueue_dma source(%dma_start3A_745 : memref<128x256xf32, #tpu.memory_space<hbm>>) target(%dma_start3A_743 : memref<128x256xf32, #tpu.memory_space<vmem>>) target_semaphore(%dma_start3A_739 : memref<!tpu.dma_semaphore, #tpu.memory_space<semaphore_mem>>)
    %add3A_746 = arith.constant 1280 : i32
    %add3A_747 = arith.addi %mul3A_2, %add3A_746 : i32
    %dma_wait3A_748 = arith.constant 1 : i32
    %dma_wait3A_749 = arith.constant 1 : i32
    %dma_wait3A_750 = arith.constant 0 : i32
    %dma_wait3A_751 = arith.constant 0 : i32
    %dma_wait3A_752 = tpu.memref_slice %arg5[%dma_wait3A_748, %dma_wait3A_750, %dma_wait3A_751] : memref<3x128x256xf32, #tpu.memory_space<vmem>> -> memref<1x128x256xf32, #tpu.memory_space<vmem>>
    %dma_wait3A_753 = tpu.memref_squeeze %dma_wait3A_752 : memref<1x128x256xf32, #tpu.memory_space<vmem>> -> memref<128x256xf32, #tpu.memory_space<vmem>>
    %dma_wait3A_754 = arith.constant 0 : i32
    %dma_wait3A_755 = tpu.memref_slice %arg2[%add3A_747, %dma_wait3A_754] : memref<131072x256xf32, #tpu.memory_space<hbm>> -> memref<128x256xf32, #tpu.memory_space<hbm>>
    %dma_wait3A_756 = tpu.memref_slice %arg7[%dma_wait3A_749] : memref<3x!tpu.dma_semaphore, #tpu.memory_space<semaphore_mem>> -> memref<1x!tpu.dma_semaphore, #tpu.memory_space<semaphore_mem>>
    %dma_wait3A_757 = tpu.memref_squeeze %dma_wait3A_756 : memref<1x!tpu.dma_semaphore, #tpu.memory_space<semaphore_mem>> -> memref<!tpu.dma_semaphore, #tpu.memory_space<semaphore_mem>>
    %dma_wait3A_758 = arith.constant 0 : i32
    %dma_wait3A_759 = arith.constant 0 : i32
    %dma_wait3A_760 = tpu.memref_slice %arg5[%dma_wait3A_748, %dma_wait3A_758, %dma_wait3A_759] : memref<3x128x256xf32, #tpu.memory_space<vmem>> -> memref<1x128x256xf32, #tpu.memory_space<vmem>>
    %dma_wait3A_761 = tpu.memref_squeeze %dma_wait3A_760 : memref<1x128x256xf32, #tpu.memory_space<vmem>> -> memref<128x256xf32, #tpu.memory_space<vmem>>
    %dma_wait3A_762 = arith.constant 0 : i32
    %dma_wait3A_763 = tpu.memref_slice %arg2[%add3A_747, %dma_wait3A_762] : memref<131072x256xf32, #tpu.memory_space<hbm>> -> memref<128x256xf32, #tpu.memory_space<hbm>>
    tpu.wait_dma2 semaphore(%dma_wait3A_757 : memref<!tpu.dma_semaphore, #tpu.memory_space<semaphore_mem>>) src(%dma_wait3A_763 : memref<128x256xf32, #tpu.memory_space<hbm>>) dst(%dma_wait3A_761 : memref<128x256xf32, #tpu.memory_space<vmem>>)
    %add3A_764 = arith.constant 1280 : i32
    %add3A_765 = arith.addi %mul3A_2, %add3A_764 : i32
    %dma_start3A_766 = arith.constant 1 : i32
    %dma_start3A_767 = arith.constant 1 : i32
    %dma_start3A_768 = arith.constant 0 : i32
    %dma_start3A_769 = arith.constant 0 : i32
    %dma_start3A_770 = tpu.memref_slice %arg5[%dma_start3A_766, %dma_start3A_768, %dma_start3A_769] : memref<3x128x256xf32, #tpu.memory_space<vmem>> -> memref<1x128x256xf32, #tpu.memory_space<vmem>>
    %dma_start3A_771 = tpu.memref_squeeze %dma_start3A_770 : memref<1x128x256xf32, #tpu.memory_space<vmem>> -> memref<128x256xf32, #tpu.memory_space<vmem>>
    %dma_start3A_772 = arith.constant 0 : i32
    %dma_start3A_773 = tpu.memref_slice %arg3[%add3A_765, %dma_start3A_772] : memref<131072x256xf32, #tpu.memory_space<hbm>> -> memref<128x256xf32, #tpu.memory_space<hbm>>
    %dma_start3A_774 = tpu.memref_slice %arg8[%dma_start3A_767] : memref<3x!tpu.dma_semaphore, #tpu.memory_space<semaphore_mem>> -> memref<1x!tpu.dma_semaphore, #tpu.memory_space<semaphore_mem>>
    %dma_start3A_775 = tpu.memref_squeeze %dma_start3A_774 : memref<1x!tpu.dma_semaphore, #tpu.memory_space<semaphore_mem>> -> memref<!tpu.dma_semaphore, #tpu.memory_space<semaphore_mem>>
    %dma_start3A_776 = arith.constant 0 : i32
    %dma_start3A_777 = tpu.memref_slice %arg3[%add3A_765, %dma_start3A_776] : memref<131072x256xf32, #tpu.memory_space<hbm>> -> memref<128x256xf32, #tpu.memory_space<hbm>>
    %dma_start3A_778 = arith.constant 0 : i32
    %dma_start3A_779 = arith.constant 0 : i32
    %dma_start3A_780 = tpu.memref_slice %arg5[%dma_start3A_766, %dma_start3A_778, %dma_start3A_779] : memref<3x128x256xf32, #tpu.memory_space<vmem>> -> memref<1x128x256xf32, #tpu.memory_space<vmem>>
    %dma_start3A_781 = tpu.memref_squeeze %dma_start3A_780 : memref<1x128x256xf32, #tpu.memory_space<vmem>> -> memref<128x256xf32, #tpu.memory_space<vmem>>
    tpu.enqueue_dma source(%dma_start3A_781 : memref<128x256xf32, #tpu.memory_space<vmem>>) target(%dma_start3A_777 : memref<128x256xf32, #tpu.memory_space<hbm>>) target_semaphore(%dma_start3A_775 : memref<!tpu.dma_semaphore, #tpu.memory_space<semaphore_mem>>)
    %add3A_782 = arith.constant 1152 : i32
    %add3A_783 = arith.addi %mul3A_2, %add3A_782 : i32
    %dma_wait3A_784 = arith.constant 0 : i32
    %dma_wait3A_785 = arith.constant 0 : i32
    %dma_wait3A_786 = arith.constant 0 : i32
    %dma_wait3A_787 = arith.constant 0 : i32
    %dma_wait3A_788 = tpu.memref_slice %arg5[%dma_wait3A_784, %dma_wait3A_786, %dma_wait3A_787] : memref<3x128x256xf32, #tpu.memory_space<vmem>> -> memref<1x128x256xf32, #tpu.memory_space<vmem>>
    %dma_wait3A_789 = tpu.memref_squeeze %dma_wait3A_788 : memref<1x128x256xf32, #tpu.memory_space<vmem>> -> memref<128x256xf32, #tpu.memory_space<vmem>>
    %dma_wait3A_790 = arith.constant 0 : i32
    %dma_wait3A_791 = tpu.memref_slice %arg3[%add3A_783, %dma_wait3A_790] : memref<131072x256xf32, #tpu.memory_space<hbm>> -> memref<128x256xf32, #tpu.memory_space<hbm>>
    %dma_wait3A_792 = tpu.memref_slice %arg8[%dma_wait3A_785] : memref<3x!tpu.dma_semaphore, #tpu.memory_space<semaphore_mem>> -> memref<1x!tpu.dma_semaphore, #tpu.memory_space<semaphore_mem>>
    %dma_wait3A_793 = tpu.memref_squeeze %dma_wait3A_792 : memref<1x!tpu.dma_semaphore, #tpu.memory_space<semaphore_mem>> -> memref<!tpu.dma_semaphore, #tpu.memory_space<semaphore_mem>>
    %dma_wait3A_794 = arith.constant 0 : i32
    %dma_wait3A_795 = tpu.memref_slice %arg3[%add3A_783, %dma_wait3A_794] : memref<131072x256xf32, #tpu.memory_space<hbm>> -> memref<128x256xf32, #tpu.memory_space<hbm>>
    %dma_wait3A_796 = arith.constant 0 : i32
    %dma_wait3A_797 = arith.constant 0 : i32
    %dma_wait3A_798 = tpu.memref_slice %arg5[%dma_wait3A_784, %dma_wait3A_796, %dma_wait3A_797] : memref<3x128x256xf32, #tpu.memory_space<vmem>> -> memref<1x128x256xf32, #tpu.memory_space<vmem>>
    %dma_wait3A_799 = tpu.memref_squeeze %dma_wait3A_798 : memref<1x128x256xf32, #tpu.memory_space<vmem>> -> memref<128x256xf32, #tpu.memory_space<vmem>>
    tpu.wait_dma2 semaphore(%dma_wait3A_793 : memref<!tpu.dma_semaphore, #tpu.memory_space<semaphore_mem>>) src(%dma_wait3A_799 : memref<128x256xf32, #tpu.memory_space<vmem>>) dst(%dma_wait3A_795 : memref<128x256xf32, #tpu.memory_space<hbm>>)
    %add3A_800 = arith.constant 1536 : i32
    %add3A_801 = arith.addi %mul3A_2, %add3A_800 : i32
    %dma_start3A_802 = arith.constant 0 : i32
    %dma_start3A_803 = arith.constant 0 : i32
    %dma_start3A_804 = arith.constant 0 : i32
    %dma_start3A_805 = arith.constant 0 : i32
    %dma_start3A_806 = tpu.memref_slice %arg5[%dma_start3A_802, %dma_start3A_804, %dma_start3A_805] : memref<3x128x256xf32, #tpu.memory_space<vmem>> -> memref<1x128x256xf32, #tpu.memory_space<vmem>>
    %dma_start3A_807 = tpu.memref_squeeze %dma_start3A_806 : memref<1x128x256xf32, #tpu.memory_space<vmem>> -> memref<128x256xf32, #tpu.memory_space<vmem>>
    %dma_start3A_808 = arith.constant 0 : i32
    %dma_start3A_809 = tpu.memref_slice %arg2[%add3A_801, %dma_start3A_808] : memref<131072x256xf32, #tpu.memory_space<hbm>> -> memref<128x256xf32, #tpu.memory_space<hbm>>
    %dma_start3A_810 = tpu.memref_slice %arg7[%dma_start3A_803] : memref<3x!tpu.dma_semaphore, #tpu.memory_space<semaphore_mem>> -> memref<1x!tpu.dma_semaphore, #tpu.memory_space<semaphore_mem>>
    %dma_start3A_811 = tpu.memref_squeeze %dma_start3A_810 : memref<1x!tpu.dma_semaphore, #tpu.memory_space<semaphore_mem>> -> memref<!tpu.dma_semaphore, #tpu.memory_space<semaphore_mem>>
    %dma_start3A_812 = arith.constant 0 : i32
    %dma_start3A_813 = arith.constant 0 : i32
    %dma_start3A_814 = tpu.memref_slice %arg5[%dma_start3A_802, %dma_start3A_812, %dma_start3A_813] : memref<3x128x256xf32, #tpu.memory_space<vmem>> -> memref<1x128x256xf32, #tpu.memory_space<vmem>>
    %dma_start3A_815 = tpu.memref_squeeze %dma_start3A_814 : memref<1x128x256xf32, #tpu.memory_space<vmem>> -> memref<128x256xf32, #tpu.memory_space<vmem>>
    %dma_start3A_816 = arith.constant 0 : i32
    %dma_start3A_817 = tpu.memref_slice %arg2[%add3A_801, %dma_start3A_816] : memref<131072x256xf32, #tpu.memory_space<hbm>> -> memref<128x256xf32, #tpu.memory_space<hbm>>
    tpu.enqueue_dma source(%dma_start3A_817 : memref<128x256xf32, #tpu.memory_space<hbm>>) target(%dma_start3A_815 : memref<128x256xf32, #tpu.memory_space<vmem>>) target_semaphore(%dma_start3A_811 : memref<!tpu.dma_semaphore, #tpu.memory_space<semaphore_mem>>)
    %add3A_818 = arith.constant 1408 : i32
    %add3A_819 = arith.addi %mul3A_2, %add3A_818 : i32
    %dma_wait3A_820 = arith.constant 2 : i32
    %dma_wait3A_821 = arith.constant 2 : i32
    %dma_wait3A_822 = arith.constant 0 : i32
    %dma_wait3A_823 = arith.constant 0 : i32
    %dma_wait3A_824 = tpu.memref_slice %arg5[%dma_wait3A_820, %dma_wait3A_822, %dma_wait3A_823] : memref<3x128x256xf32, #tpu.memory_space<vmem>> -> memref<1x128x256xf32, #tpu.memory_space<vmem>>
    %dma_wait3A_825 = tpu.memref_squeeze %dma_wait3A_824 : memref<1x128x256xf32, #tpu.memory_space<vmem>> -> memref<128x256xf32, #tpu.memory_space<vmem>>
    %dma_wait3A_826 = arith.constant 0 : i32
    %dma_wait3A_827 = tpu.memref_slice %arg2[%add3A_819, %dma_wait3A_826] : memref<131072x256xf32, #tpu.memory_space<hbm>> -> memref<128x256xf32, #tpu.memory_space<hbm>>
    %dma_wait3A_828 = tpu.memref_slice %arg7[%dma_wait3A_821] : memref<3x!tpu.dma_semaphore, #tpu.memory_space<semaphore_mem>> -> memref<1x!tpu.dma_semaphore, #tpu.memory_space<semaphore_mem>>
    %dma_wait3A_829 = tpu.memref_squeeze %dma_wait3A_828 : memref<1x!tpu.dma_semaphore, #tpu.memory_space<semaphore_mem>> -> memref<!tpu.dma_semaphore, #tpu.memory_space<semaphore_mem>>
    %dma_wait3A_830 = arith.constant 0 : i32
    %dma_wait3A_831 = arith.constant 0 : i32
    %dma_wait3A_832 = tpu.memref_slice %arg5[%dma_wait3A_820, %dma_wait3A_830, %dma_wait3A_831] : memref<3x128x256xf32, #tpu.memory_space<vmem>> -> memref<1x128x256xf32, #tpu.memory_space<vmem>>
    %dma_wait3A_833 = tpu.memref_squeeze %dma_wait3A_832 : memref<1x128x256xf32, #tpu.memory_space<vmem>> -> memref<128x256xf32, #tpu.memory_space<vmem>>
    %dma_wait3A_834 = arith.constant 0 : i32
    %dma_wait3A_835 = tpu.memref_slice %arg2[%add3A_819, %dma_wait3A_834] : memref<131072x256xf32, #tpu.memory_space<hbm>> -> memref<128x256xf32, #tpu.memory_space<hbm>>
    tpu.wait_dma2 semaphore(%dma_wait3A_829 : memref<!tpu.dma_semaphore, #tpu.memory_space<semaphore_mem>>) src(%dma_wait3A_835 : memref<128x256xf32, #tpu.memory_space<hbm>>) dst(%dma_wait3A_833 : memref<128x256xf32, #tpu.memory_space<vmem>>)
    %add3A_836 = arith.constant 1408 : i32
    %add3A_837 = arith.addi %mul3A_2, %add3A_836 : i32
    %dma_start3A_838 = arith.constant 2 : i32
    %dma_start3A_839 = arith.constant 2 : i32
    %dma_start3A_840 = arith.constant 0 : i32
    %dma_start3A_841 = arith.constant 0 : i32
    %dma_start3A_842 = tpu.memref_slice %arg5[%dma_start3A_838, %dma_start3A_840, %dma_start3A_841] : memref<3x128x256xf32, #tpu.memory_space<vmem>> -> memref<1x128x256xf32, #tpu.memory_space<vmem>>
    %dma_start3A_843 = tpu.memref_squeeze %dma_start3A_842 : memref<1x128x256xf32, #tpu.memory_space<vmem>> -> memref<128x256xf32, #tpu.memory_space<vmem>>
    %dma_start3A_844 = arith.constant 0 : i32
    %dma_start3A_845 = tpu.memref_slice %arg3[%add3A_837, %dma_start3A_844] : memref<131072x256xf32, #tpu.memory_space<hbm>> -> memref<128x256xf32, #tpu.memory_space<hbm>>
    %dma_start3A_846 = tpu.memref_slice %arg8[%dma_start3A_839] : memref<3x!tpu.dma_semaphore, #tpu.memory_space<semaphore_mem>> -> memref<1x!tpu.dma_semaphore, #tpu.memory_space<semaphore_mem>>
    %dma_start3A_847 = tpu.memref_squeeze %dma_start3A_846 : memref<1x!tpu.dma_semaphore, #tpu.memory_space<semaphore_mem>> -> memref<!tpu.dma_semaphore, #tpu.memory_space<semaphore_mem>>
    %dma_start3A_848 = arith.constant 0 : i32
    %dma_start3A_849 = tpu.memref_slice %arg3[%add3A_837, %dma_start3A_848] : memref<131072x256xf32, #tpu.memory_space<hbm>> -> memref<128x256xf32, #tpu.memory_space<hbm>>
    %dma_start3A_850 = arith.constant 0 : i32
    %dma_start3A_851 = arith.constant 0 : i32
    %dma_start3A_852 = tpu.memref_slice %arg5[%dma_start3A_838, %dma_start3A_850, %dma_start3A_851] : memref<3x128x256xf32, #tpu.memory_space<vmem>> -> memref<1x128x256xf32, #tpu.memory_space<vmem>>
    %dma_start3A_853 = tpu.memref_squeeze %dma_start3A_852 : memref<1x128x256xf32, #tpu.memory_space<vmem>> -> memref<128x256xf32, #tpu.memory_space<vmem>>
    tpu.enqueue_dma source(%dma_start3A_853 : memref<128x256xf32, #tpu.memory_space<vmem>>) target(%dma_start3A_849 : memref<128x256xf32, #tpu.memory_space<hbm>>) target_semaphore(%dma_start3A_847 : memref<!tpu.dma_semaphore, #tpu.memory_space<semaphore_mem>>)
    %add3A_854 = arith.constant 1280 : i32
    %add3A_855 = arith.addi %mul3A_2, %add3A_854 : i32
    %dma_wait3A_856 = arith.constant 1 : i32
    %dma_wait3A_857 = arith.constant 1 : i32
    %dma_wait3A_858 = arith.constant 0 : i32
    %dma_wait3A_859 = arith.constant 0 : i32
    %dma_wait3A_860 = tpu.memref_slice %arg5[%dma_wait3A_856, %dma_wait3A_858, %dma_wait3A_859] : memref<3x128x256xf32, #tpu.memory_space<vmem>> -> memref<1x128x256xf32, #tpu.memory_space<vmem>>
    %dma_wait3A_861 = tpu.memref_squeeze %dma_wait3A_860 : memref<1x128x256xf32, #tpu.memory_space<vmem>> -> memref<128x256xf32, #tpu.memory_space<vmem>>
    %dma_wait3A_862 = arith.constant 0 : i32
    %dma_wait3A_863 = tpu.memref_slice %arg3[%add3A_855, %dma_wait3A_862] : memref<131072x256xf32, #tpu.memory_space<hbm>> -> memref<128x256xf32, #tpu.memory_space<hbm>>
    %dma_wait3A_864 = tpu.memref_slice %arg8[%dma_wait3A_857] : memref<3x!tpu.dma_semaphore, #tpu.memory_space<semaphore_mem>> -> memref<1x!tpu.dma_semaphore, #tpu.memory_space<semaphore_mem>>
    %dma_wait3A_865 = tpu.memref_squeeze %dma_wait3A_864 : memref<1x!tpu.dma_semaphore, #tpu.memory_space<semaphore_mem>> -> memref<!tpu.dma_semaphore, #tpu.memory_space<semaphore_mem>>
    %dma_wait3A_866 = arith.constant 0 : i32
    %dma_wait3A_867 = tpu.memref_slice %arg3[%add3A_855, %dma_wait3A_866] : memref<131072x256xf32, #tpu.memory_space<hbm>> -> memref<128x256xf32, #tpu.memory_space<hbm>>
    %dma_wait3A_868 = arith.constant 0 : i32
    %dma_wait3A_869 = arith.constant 0 : i32
    %dma_wait3A_870 = tpu.memref_slice %arg5[%dma_wait3A_856, %dma_wait3A_868, %dma_wait3A_869] : memref<3x128x256xf32, #tpu.memory_space<vmem>> -> memref<1x128x256xf32, #tpu.memory_space<vmem>>
    %dma_wait3A_871 = tpu.memref_squeeze %dma_wait3A_870 : memref<1x128x256xf32, #tpu.memory_space<vmem>> -> memref<128x256xf32, #tpu.memory_space<vmem>>
    tpu.wait_dma2 semaphore(%dma_wait3A_865 : memref<!tpu.dma_semaphore, #tpu.memory_space<semaphore_mem>>) src(%dma_wait3A_871 : memref<128x256xf32, #tpu.memory_space<vmem>>) dst(%dma_wait3A_867 : memref<128x256xf32, #tpu.memory_space<hbm>>)
    %add3A_872 = arith.constant 1664 : i32
    %add3A_873 = arith.addi %mul3A_2, %add3A_872 : i32
    %dma_start3A_874 = arith.constant 1 : i32
    %dma_start3A_875 = arith.constant 1 : i32
    %dma_start3A_876 = arith.constant 0 : i32
    %dma_start3A_877 = arith.constant 0 : i32
    %dma_start3A_878 = tpu.memref_slice %arg5[%dma_start3A_874, %dma_start3A_876, %dma_start3A_877] : memref<3x128x256xf32, #tpu.memory_space<vmem>> -> memref<1x128x256xf32, #tpu.memory_space<vmem>>
    %dma_start3A_879 = tpu.memref_squeeze %dma_start3A_878 : memref<1x128x256xf32, #tpu.memory_space<vmem>> -> memref<128x256xf32, #tpu.memory_space<vmem>>
    %dma_start3A_880 = arith.constant 0 : i32
    %dma_start3A_881 = tpu.memref_slice %arg2[%add3A_873, %dma_start3A_880] : memref<131072x256xf32, #tpu.memory_space<hbm>> -> memref<128x256xf32, #tpu.memory_space<hbm>>
    %dma_start3A_882 = tpu.memref_slice %arg7[%dma_start3A_875] : memref<3x!tpu.dma_semaphore, #tpu.memory_space<semaphore_mem>> -> memref<1x!tpu.dma_semaphore, #tpu.memory_space<semaphore_mem>>
    %dma_start3A_883 = tpu.memref_squeeze %dma_start3A_882 : memref<1x!tpu.dma_semaphore, #tpu.memory_space<semaphore_mem>> -> memref<!tpu.dma_semaphore, #tpu.memory_space<semaphore_mem>>
    %dma_start3A_884 = arith.constant 0 : i32
    %dma_start3A_885 = arith.constant 0 : i32
    %dma_start3A_886 = tpu.memref_slice %arg5[%dma_start3A_874, %dma_start3A_884, %dma_start3A_885] : memref<3x128x256xf32, #tpu.memory_space<vmem>> -> memref<1x128x256xf32, #tpu.memory_space<vmem>>
    %dma_start3A_887 = tpu.memref_squeeze %dma_start3A_886 : memref<1x128x256xf32, #tpu.memory_space<vmem>> -> memref<128x256xf32, #tpu.memory_space<vmem>>
    %dma_start3A_888 = arith.constant 0 : i32
    %dma_start3A_889 = tpu.memref_slice %arg2[%add3A_873, %dma_start3A_888] : memref<131072x256xf32, #tpu.memory_space<hbm>> -> memref<128x256xf32, #tpu.memory_space<hbm>>
    tpu.enqueue_dma source(%dma_start3A_889 : memref<128x256xf32, #tpu.memory_space<hbm>>) target(%dma_start3A_887 : memref<128x256xf32, #tpu.memory_space<vmem>>) target_semaphore(%dma_start3A_883 : memref<!tpu.dma_semaphore, #tpu.memory_space<semaphore_mem>>)
    %add3A_890 = arith.constant 1536 : i32
    %add3A_891 = arith.addi %mul3A_2, %add3A_890 : i32
    %dma_wait3A_892 = arith.constant 0 : i32
    %dma_wait3A_893 = arith.constant 0 : i32
    %dma_wait3A_894 = arith.constant 0 : i32
    %dma_wait3A_895 = arith.constant 0 : i32
    %dma_wait3A_896 = tpu.memref_slice %arg5[%dma_wait3A_892, %dma_wait3A_894, %dma_wait3A_895] : memref<3x128x256xf32, #tpu.memory_space<vmem>> -> memref<1x128x256xf32, #tpu.memory_space<vmem>>
    %dma_wait3A_897 = tpu.memref_squeeze %dma_wait3A_896 : memref<1x128x256xf32, #tpu.memory_space<vmem>> -> memref<128x256xf32, #tpu.memory_space<vmem>>
    %dma_wait3A_898 = arith.constant 0 : i32
    %dma_wait3A_899 = tpu.memref_slice %arg2[%add3A_891, %dma_wait3A_898] : memref<131072x256xf32, #tpu.memory_space<hbm>> -> memref<128x256xf32, #tpu.memory_space<hbm>>
    %dma_wait3A_900 = tpu.memref_slice %arg7[%dma_wait3A_893] : memref<3x!tpu.dma_semaphore, #tpu.memory_space<semaphore_mem>> -> memref<1x!tpu.dma_semaphore, #tpu.memory_space<semaphore_mem>>
    %dma_wait3A_901 = tpu.memref_squeeze %dma_wait3A_900 : memref<1x!tpu.dma_semaphore, #tpu.memory_space<semaphore_mem>> -> memref<!tpu.dma_semaphore, #tpu.memory_space<semaphore_mem>>
    %dma_wait3A_902 = arith.constant 0 : i32
    %dma_wait3A_903 = arith.constant 0 : i32
    %dma_wait3A_904 = tpu.memref_slice %arg5[%dma_wait3A_892, %dma_wait3A_902, %dma_wait3A_903] : memref<3x128x256xf32, #tpu.memory_space<vmem>> -> memref<1x128x256xf32, #tpu.memory_space<vmem>>
    %dma_wait3A_905 = tpu.memref_squeeze %dma_wait3A_904 : memref<1x128x256xf32, #tpu.memory_space<vmem>> -> memref<128x256xf32, #tpu.memory_space<vmem>>
    %dma_wait3A_906 = arith.constant 0 : i32
    %dma_wait3A_907 = tpu.memref_slice %arg2[%add3A_891, %dma_wait3A_906] : memref<131072x256xf32, #tpu.memory_space<hbm>> -> memref<128x256xf32, #tpu.memory_space<hbm>>
    tpu.wait_dma2 semaphore(%dma_wait3A_901 : memref<!tpu.dma_semaphore, #tpu.memory_space<semaphore_mem>>) src(%dma_wait3A_907 : memref<128x256xf32, #tpu.memory_space<hbm>>) dst(%dma_wait3A_905 : memref<128x256xf32, #tpu.memory_space<vmem>>)
    %add3A_908 = arith.constant 1536 : i32
    %add3A_909 = arith.addi %mul3A_2, %add3A_908 : i32
    %dma_start3A_910 = arith.constant 0 : i32
    %dma_start3A_911 = arith.constant 0 : i32
    %dma_start3A_912 = arith.constant 0 : i32
    %dma_start3A_913 = arith.constant 0 : i32
    %dma_start3A_914 = tpu.memref_slice %arg5[%dma_start3A_910, %dma_start3A_912, %dma_start3A_913] : memref<3x128x256xf32, #tpu.memory_space<vmem>> -> memref<1x128x256xf32, #tpu.memory_space<vmem>>
    %dma_start3A_915 = tpu.memref_squeeze %dma_start3A_914 : memref<1x128x256xf32, #tpu.memory_space<vmem>> -> memref<128x256xf32, #tpu.memory_space<vmem>>
    %dma_start3A_916 = arith.constant 0 : i32
    %dma_start3A_917 = tpu.memref_slice %arg3[%add3A_909, %dma_start3A_916] : memref<131072x256xf32, #tpu.memory_space<hbm>> -> memref<128x256xf32, #tpu.memory_space<hbm>>
    %dma_start3A_918 = tpu.memref_slice %arg8[%dma_start3A_911] : memref<3x!tpu.dma_semaphore, #tpu.memory_space<semaphore_mem>> -> memref<1x!tpu.dma_semaphore, #tpu.memory_space<semaphore_mem>>
    %dma_start3A_919 = tpu.memref_squeeze %dma_start3A_918 : memref<1x!tpu.dma_semaphore, #tpu.memory_space<semaphore_mem>> -> memref<!tpu.dma_semaphore, #tpu.memory_space<semaphore_mem>>
    %dma_start3A_920 = arith.constant 0 : i32
    %dma_start3A_921 = tpu.memref_slice %arg3[%add3A_909, %dma_start3A_920] : memref<131072x256xf32, #tpu.memory_space<hbm>> -> memref<128x256xf32, #tpu.memory_space<hbm>>
    %dma_start3A_922 = arith.constant 0 : i32
    %dma_start3A_923 = arith.constant 0 : i32
    %dma_start3A_924 = tpu.memref_slice %arg5[%dma_start3A_910, %dma_start3A_922, %dma_start3A_923] : memref<3x128x256xf32, #tpu.memory_space<vmem>> -> memref<1x128x256xf32, #tpu.memory_space<vmem>>
    %dma_start3A_925 = tpu.memref_squeeze %dma_start3A_924 : memref<1x128x256xf32, #tpu.memory_space<vmem>> -> memref<128x256xf32, #tpu.memory_space<vmem>>
    tpu.enqueue_dma source(%dma_start3A_925 : memref<128x256xf32, #tpu.memory_space<vmem>>) target(%dma_start3A_921 : memref<128x256xf32, #tpu.memory_space<hbm>>) target_semaphore(%dma_start3A_919 : memref<!tpu.dma_semaphore, #tpu.memory_space<semaphore_mem>>)
    %add3A_926 = arith.constant 1408 : i32
    %add3A_927 = arith.addi %mul3A_2, %add3A_926 : i32
    %dma_wait3A_928 = arith.constant 2 : i32
    %dma_wait3A_929 = arith.constant 2 : i32
    %dma_wait3A_930 = arith.constant 0 : i32
    %dma_wait3A_931 = arith.constant 0 : i32
    %dma_wait3A_932 = tpu.memref_slice %arg5[%dma_wait3A_928, %dma_wait3A_930, %dma_wait3A_931] : memref<3x128x256xf32, #tpu.memory_space<vmem>> -> memref<1x128x256xf32, #tpu.memory_space<vmem>>
    %dma_wait3A_933 = tpu.memref_squeeze %dma_wait3A_932 : memref<1x128x256xf32, #tpu.memory_space<vmem>> -> memref<128x256xf32, #tpu.memory_space<vmem>>
    %dma_wait3A_934 = arith.constant 0 : i32
    %dma_wait3A_935 = tpu.memref_slice %arg3[%add3A_927, %dma_wait3A_934] : memref<131072x256xf32, #tpu.memory_space<hbm>> -> memref<128x256xf32, #tpu.memory_space<hbm>>
    %dma_wait3A_936 = tpu.memref_slice %arg8[%dma_wait3A_929] : memref<3x!tpu.dma_semaphore, #tpu.memory_space<semaphore_mem>> -> memref<1x!tpu.dma_semaphore, #tpu.memory_space<semaphore_mem>>
    %dma_wait3A_937 = tpu.memref_squeeze %dma_wait3A_936 : memref<1x!tpu.dma_semaphore, #tpu.memory_space<semaphore_mem>> -> memref<!tpu.dma_semaphore, #tpu.memory_space<semaphore_mem>>
    %dma_wait3A_938 = arith.constant 0 : i32
    %dma_wait3A_939 = tpu.memref_slice %arg3[%add3A_927, %dma_wait3A_938] : memref<131072x256xf32, #tpu.memory_space<hbm>> -> memref<128x256xf32, #tpu.memory_space<hbm>>
    %dma_wait3A_940 = arith.constant 0 : i32
    %dma_wait3A_941 = arith.constant 0 : i32
    %dma_wait3A_942 = tpu.memref_slice %arg5[%dma_wait3A_928, %dma_wait3A_940, %dma_wait3A_941] : memref<3x128x256xf32, #tpu.memory_space<vmem>> -> memref<1x128x256xf32, #tpu.memory_space<vmem>>
    %dma_wait3A_943 = tpu.memref_squeeze %dma_wait3A_942 : memref<1x128x256xf32, #tpu.memory_space<vmem>> -> memref<128x256xf32, #tpu.memory_space<vmem>>
    tpu.wait_dma2 semaphore(%dma_wait3A_937 : memref<!tpu.dma_semaphore, #tpu.memory_space<semaphore_mem>>) src(%dma_wait3A_943 : memref<128x256xf32, #tpu.memory_space<vmem>>) dst(%dma_wait3A_939 : memref<128x256xf32, #tpu.memory_space<hbm>>)
    %add3A_944 = arith.constant 1792 : i32
    %add3A_945 = arith.addi %mul3A_2, %add3A_944 : i32
    %dma_start3A_946 = arith.constant 2 : i32
    %dma_start3A_947 = arith.constant 2 : i32
    %dma_start3A_948 = arith.constant 0 : i32
    %dma_start3A_949 = arith.constant 0 : i32
    %dma_start3A_950 = tpu.memref_slice %arg5[%dma_start3A_946, %dma_start3A_948, %dma_start3A_949] : memref<3x128x256xf32, #tpu.memory_space<vmem>> -> memref<1x128x256xf32, #tpu.memory_space<vmem>>
    %dma_start3A_951 = tpu.memref_squeeze %dma_start3A_950 : memref<1x128x256xf32, #tpu.memory_space<vmem>> -> memref<128x256xf32, #tpu.memory_space<vmem>>
    %dma_start3A_952 = arith.constant 0 : i32
    %dma_start3A_953 = tpu.memref_slice %arg2[%add3A_945, %dma_start3A_952] : memref<131072x256xf32, #tpu.memory_space<hbm>> -> memref<128x256xf32, #tpu.memory_space<hbm>>
    %dma_start3A_954 = tpu.memref_slice %arg7[%dma_start3A_947] : memref<3x!tpu.dma_semaphore, #tpu.memory_space<semaphore_mem>> -> memref<1x!tpu.dma_semaphore, #tpu.memory_space<semaphore_mem>>
    %dma_start3A_955 = tpu.memref_squeeze %dma_start3A_954 : memref<1x!tpu.dma_semaphore, #tpu.memory_space<semaphore_mem>> -> memref<!tpu.dma_semaphore, #tpu.memory_space<semaphore_mem>>
    %dma_start3A_956 = arith.constant 0 : i32
    %dma_start3A_957 = arith.constant 0 : i32
    %dma_start3A_958 = tpu.memref_slice %arg5[%dma_start3A_946, %dma_start3A_956, %dma_start3A_957] : memref<3x128x256xf32, #tpu.memory_space<vmem>> -> memref<1x128x256xf32, #tpu.memory_space<vmem>>
    %dma_start3A_959 = tpu.memref_squeeze %dma_start3A_958 : memref<1x128x256xf32, #tpu.memory_space<vmem>> -> memref<128x256xf32, #tpu.memory_space<vmem>>
    %dma_start3A_960 = arith.constant 0 : i32
    %dma_start3A_961 = tpu.memref_slice %arg2[%add3A_945, %dma_start3A_960] : memref<131072x256xf32, #tpu.memory_space<hbm>> -> memref<128x256xf32, #tpu.memory_space<hbm>>
    tpu.enqueue_dma source(%dma_start3A_961 : memref<128x256xf32, #tpu.memory_space<hbm>>) target(%dma_start3A_959 : memref<128x256xf32, #tpu.memory_space<vmem>>) target_semaphore(%dma_start3A_955 : memref<!tpu.dma_semaphore, #tpu.memory_space<semaphore_mem>>)
    %add3A_962 = arith.constant 1664 : i32
    %add3A_963 = arith.addi %mul3A_2, %add3A_962 : i32
    %dma_wait3A_964 = arith.constant 1 : i32
    %dma_wait3A_965 = arith.constant 1 : i32
    %dma_wait3A_966 = arith.constant 0 : i32
    %dma_wait3A_967 = arith.constant 0 : i32
    %dma_wait3A_968 = tpu.memref_slice %arg5[%dma_wait3A_964, %dma_wait3A_966, %dma_wait3A_967] : memref<3x128x256xf32, #tpu.memory_space<vmem>> -> memref<1x128x256xf32, #tpu.memory_space<vmem>>
    %dma_wait3A_969 = tpu.memref_squeeze %dma_wait3A_968 : memref<1x128x256xf32, #tpu.memory_space<vmem>> -> memref<128x256xf32, #tpu.memory_space<vmem>>
    %dma_wait3A_970 = arith.constant 0 : i32
    %dma_wait3A_971 = tpu.memref_slice %arg2[%add3A_963, %dma_wait3A_970] : memref<131072x256xf32, #tpu.memory_space<hbm>> -> memref<128x256xf32, #tpu.memory_space<hbm>>
    %dma_wait3A_972 = tpu.memref_slice %arg7[%dma_wait3A_965] : memref<3x!tpu.dma_semaphore, #tpu.memory_space<semaphore_mem>> -> memref<1x!tpu.dma_semaphore, #tpu.memory_space<semaphore_mem>>
    %dma_wait3A_973 = tpu.memref_squeeze %dma_wait3A_972 : memref<1x!tpu.dma_semaphore, #tpu.memory_space<semaphore_mem>> -> memref<!tpu.dma_semaphore, #tpu.memory_space<semaphore_mem>>
    %dma_wait3A_974 = arith.constant 0 : i32
    %dma_wait3A_975 = arith.constant 0 : i32
    %dma_wait3A_976 = tpu.memref_slice %arg5[%dma_wait3A_964, %dma_wait3A_974, %dma_wait3A_975] : memref<3x128x256xf32, #tpu.memory_space<vmem>> -> memref<1x128x256xf32, #tpu.memory_space<vmem>>
    %dma_wait3A_977 = tpu.memref_squeeze %dma_wait3A_976 : memref<1x128x256xf32, #tpu.memory_space<vmem>> -> memref<128x256xf32, #tpu.memory_space<vmem>>
    %dma_wait3A_978 = arith.constant 0 : i32
    %dma_wait3A_979 = tpu.memref_slice %arg2[%add3A_963, %dma_wait3A_978] : memref<131072x256xf32, #tpu.memory_space<hbm>> -> memref<128x256xf32, #tpu.memory_space<hbm>>
    tpu.wait_dma2 semaphore(%dma_wait3A_973 : memref<!tpu.dma_semaphore, #tpu.memory_space<semaphore_mem>>) src(%dma_wait3A_979 : memref<128x256xf32, #tpu.memory_space<hbm>>) dst(%dma_wait3A_977 : memref<128x256xf32, #tpu.memory_space<vmem>>)
    %add3A_980 = arith.constant 1664 : i32
    %add3A_981 = arith.addi %mul3A_2, %add3A_980 : i32
    %dma_start3A_982 = arith.constant 1 : i32
    %dma_start3A_983 = arith.constant 1 : i32
    %dma_start3A_984 = arith.constant 0 : i32
    %dma_start3A_985 = arith.constant 0 : i32
    %dma_start3A_986 = tpu.memref_slice %arg5[%dma_start3A_982, %dma_start3A_984, %dma_start3A_985] : memref<3x128x256xf32, #tpu.memory_space<vmem>> -> memref<1x128x256xf32, #tpu.memory_space<vmem>>
    %dma_start3A_987 = tpu.memref_squeeze %dma_start3A_986 : memref<1x128x256xf32, #tpu.memory_space<vmem>> -> memref<128x256xf32, #tpu.memory_space<vmem>>
    %dma_start3A_988 = arith.constant 0 : i32
    %dma_start3A_989 = tpu.memref_slice %arg3[%add3A_981, %dma_start3A_988] : memref<131072x256xf32, #tpu.memory_space<hbm>> -> memref<128x256xf32, #tpu.memory_space<hbm>>
    %dma_start3A_990 = tpu.memref_slice %arg8[%dma_start3A_983] : memref<3x!tpu.dma_semaphore, #tpu.memory_space<semaphore_mem>> -> memref<1x!tpu.dma_semaphore, #tpu.memory_space<semaphore_mem>>
    %dma_start3A_991 = tpu.memref_squeeze %dma_start3A_990 : memref<1x!tpu.dma_semaphore, #tpu.memory_space<semaphore_mem>> -> memref<!tpu.dma_semaphore, #tpu.memory_space<semaphore_mem>>
    %dma_start3A_992 = arith.constant 0 : i32
    %dma_start3A_993 = tpu.memref_slice %arg3[%add3A_981, %dma_start3A_992] : memref<131072x256xf32, #tpu.memory_space<hbm>> -> memref<128x256xf32, #tpu.memory_space<hbm>>
    %dma_start3A_994 = arith.constant 0 : i32
    %dma_start3A_995 = arith.constant 0 : i32
    %dma_start3A_996 = tpu.memref_slice %arg5[%dma_start3A_982, %dma_start3A_994, %dma_start3A_995] : memref<3x128x256xf32, #tpu.memory_space<vmem>> -> memref<1x128x256xf32, #tpu.memory_space<vmem>>
    %dma_start3A_997 = tpu.memref_squeeze %dma_start3A_996 : memref<1x128x256xf32, #tpu.memory_space<vmem>> -> memref<128x256xf32, #tpu.memory_space<vmem>>
    tpu.enqueue_dma source(%dma_start3A_997 : memref<128x256xf32, #tpu.memory_space<vmem>>) target(%dma_start3A_993 : memref<128x256xf32, #tpu.memory_space<hbm>>) target_semaphore(%dma_start3A_991 : memref<!tpu.dma_semaphore, #tpu.memory_space<semaphore_mem>>)
    %add3A_998 = arith.constant 1536 : i32
    %add3A_999 = arith.addi %mul3A_2, %add3A_998 : i32
    %dma_wait3A_1000 = arith.constant 0 : i32
    %dma_wait3A_1001 = arith.constant 0 : i32
    %dma_wait3A_1002 = arith.constant 0 : i32
    %dma_wait3A_1003 = arith.constant 0 : i32
    %dma_wait3A_1004 = tpu.memref_slice %arg5[%dma_wait3A_1000, %dma_wait3A_1002, %dma_wait3A_1003] : memref<3x128x256xf32, #tpu.memory_space<vmem>> -> memref<1x128x256xf32, #tpu.memory_space<vmem>>
    %dma_wait3A_1005 = tpu.memref_squeeze %dma_wait3A_1004 : memref<1x128x256xf32, #tpu.memory_space<vmem>> -> memref<128x256xf32, #tpu.memory_space<vmem>>
    %dma_wait3A_1006 = arith.constant 0 : i32
    %dma_wait3A_1007 = tpu.memref_slice %arg3[%add3A_999, %dma_wait3A_1006] : memref<131072x256xf32, #tpu.memory_space<hbm>> -> memref<128x256xf32, #tpu.memory_space<hbm>>
    %dma_wait3A_1008 = tpu.memref_slice %arg8[%dma_wait3A_1001] : memref<3x!tpu.dma_semaphore, #tpu.memory_space<semaphore_mem>> -> memref<1x!tpu.dma_semaphore, #tpu.memory_space<semaphore_mem>>
    %dma_wait3A_1009 = tpu.memref_squeeze %dma_wait3A_1008 : memref<1x!tpu.dma_semaphore, #tpu.memory_space<semaphore_mem>> -> memref<!tpu.dma_semaphore, #tpu.memory_space<semaphore_mem>>
    %dma_wait3A_1010 = arith.constant 0 : i32
    %dma_wait3A_1011 = tpu.memref_slice %arg3[%add3A_999, %dma_wait3A_1010] : memref<131072x256xf32, #tpu.memory_space<hbm>> -> memref<128x256xf32, #tpu.memory_space<hbm>>
    %dma_wait3A_1012 = arith.constant 0 : i32
    %dma_wait3A_1013 = arith.constant 0 : i32
    %dma_wait3A_1014 = tpu.memref_slice %arg5[%dma_wait3A_1000, %dma_wait3A_1012, %dma_wait3A_1013] : memref<3x128x256xf32, #tpu.memory_space<vmem>> -> memref<1x128x256xf32, #tpu.memory_space<vmem>>
    %dma_wait3A_1015 = tpu.memref_squeeze %dma_wait3A_1014 : memref<1x128x256xf32, #tpu.memory_space<vmem>> -> memref<128x256xf32, #tpu.memory_space<vmem>>
    tpu.wait_dma2 semaphore(%dma_wait3A_1009 : memref<!tpu.dma_semaphore, #tpu.memory_space<semaphore_mem>>) src(%dma_wait3A_1015 : memref<128x256xf32, #tpu.memory_space<vmem>>) dst(%dma_wait3A_1011 : memref<128x256xf32, #tpu.memory_space<hbm>>)
    %add3A_1016 = arith.constant 1920 : i32
    %add3A_1017 = arith.addi %mul3A_2, %add3A_1016 : i32
    %dma_start3A_1018 = arith.constant 0 : i32
    %dma_start3A_1019 = arith.constant 0 : i32
    %dma_start3A_1020 = arith.constant 0 : i32
    %dma_start3A_1021 = arith.constant 0 : i32
    %dma_start3A_1022 = tpu.memref_slice %arg5[%dma_start3A_1018, %dma_start3A_1020, %dma_start3A_1021] : memref<3x128x256xf32, #tpu.memory_space<vmem>> -> memref<1x128x256xf32, #tpu.memory_space<vmem>>
    %dma_start3A_1023 = tpu.memref_squeeze %dma_start3A_1022 : memref<1x128x256xf32, #tpu.memory_space<vmem>> -> memref<128x256xf32, #tpu.memory_space<vmem>>
    %dma_start3A_1024 = arith.constant 0 : i32
    %dma_start3A_1025 = tpu.memref_slice %arg2[%add3A_1017, %dma_start3A_1024] : memref<131072x256xf32, #tpu.memory_space<hbm>> -> memref<128x256xf32, #tpu.memory_space<hbm>>
    %dma_start3A_1026 = tpu.memref_slice %arg7[%dma_start3A_1019] : memref<3x!tpu.dma_semaphore, #tpu.memory_space<semaphore_mem>> -> memref<1x!tpu.dma_semaphore, #tpu.memory_space<semaphore_mem>>
    %dma_start3A_1027 = tpu.memref_squeeze %dma_start3A_1026 : memref<1x!tpu.dma_semaphore, #tpu.memory_space<semaphore_mem>> -> memref<!tpu.dma_semaphore, #tpu.memory_space<semaphore_mem>>
    %dma_start3A_1028 = arith.constant 0 : i32
    %dma_start3A_1029 = arith.constant 0 : i32
    %dma_start3A_1030 = tpu.memref_slice %arg5[%dma_start3A_1018, %dma_start3A_1028, %dma_start3A_1029] : memref<3x128x256xf32, #tpu.memory_space<vmem>> -> memref<1x128x256xf32, #tpu.memory_space<vmem>>
    %dma_start3A_1031 = tpu.memref_squeeze %dma_start3A_1030 : memref<1x128x256xf32, #tpu.memory_space<vmem>> -> memref<128x256xf32, #tpu.memory_space<vmem>>
    %dma_start3A_1032 = arith.constant 0 : i32
    %dma_start3A_1033 = tpu.memref_slice %arg2[%add3A_1017, %dma_start3A_1032] : memref<131072x256xf32, #tpu.memory_space<hbm>> -> memref<128x256xf32, #tpu.memory_space<hbm>>
    tpu.enqueue_dma source(%dma_start3A_1033 : memref<128x256xf32, #tpu.memory_space<hbm>>) target(%dma_start3A_1031 : memref<128x256xf32, #tpu.memory_space<vmem>>) target_semaphore(%dma_start3A_1027 : memref<!tpu.dma_semaphore, #tpu.memory_space<semaphore_mem>>)
    %add3A_1034 = arith.constant 1792 : i32
    %add3A_1035 = arith.addi %mul3A_2, %add3A_1034 : i32
    %dma_wait3A_1036 = arith.constant 2 : i32
    %dma_wait3A_1037 = arith.constant 2 : i32
    %dma_wait3A_1038 = arith.constant 0 : i32
    %dma_wait3A_1039 = arith.constant 0 : i32
    %dma_wait3A_1040 = tpu.memref_slice %arg5[%dma_wait3A_1036, %dma_wait3A_1038, %dma_wait3A_1039] : memref<3x128x256xf32, #tpu.memory_space<vmem>> -> memref<1x128x256xf32, #tpu.memory_space<vmem>>
    %dma_wait3A_1041 = tpu.memref_squeeze %dma_wait3A_1040 : memref<1x128x256xf32, #tpu.memory_space<vmem>> -> memref<128x256xf32, #tpu.memory_space<vmem>>
    %dma_wait3A_1042 = arith.constant 0 : i32
    %dma_wait3A_1043 = tpu.memref_slice %arg2[%add3A_1035, %dma_wait3A_1042] : memref<131072x256xf32, #tpu.memory_space<hbm>> -> memref<128x256xf32, #tpu.memory_space<hbm>>
    %dma_wait3A_1044 = tpu.memref_slice %arg7[%dma_wait3A_1037] : memref<3x!tpu.dma_semaphore, #tpu.memory_space<semaphore_mem>> -> memref<1x!tpu.dma_semaphore, #tpu.memory_space<semaphore_mem>>
    %dma_wait3A_1045 = tpu.memref_squeeze %dma_wait3A_1044 : memref<1x!tpu.dma_semaphore, #tpu.memory_space<semaphore_mem>> -> memref<!tpu.dma_semaphore, #tpu.memory_space<semaphore_mem>>
    %dma_wait3A_1046 = arith.constant 0 : i32
    %dma_wait3A_1047 = arith.constant 0 : i32
    %dma_wait3A_1048 = tpu.memref_slice %arg5[%dma_wait3A_1036, %dma_wait3A_1046, %dma_wait3A_1047] : memref<3x128x256xf32, #tpu.memory_space<vmem>> -> memref<1x128x256xf32, #tpu.memory_space<vmem>>
    %dma_wait3A_1049 = tpu.memref_squeeze %dma_wait3A_1048 : memref<1x128x256xf32, #tpu.memory_space<vmem>> -> memref<128x256xf32, #tpu.memory_space<vmem>>
    %dma_wait3A_1050 = arith.constant 0 : i32
    %dma_wait3A_1051 = tpu.memref_slice %arg2[%add3A_1035, %dma_wait3A_1050] : memref<131072x256xf32, #tpu.memory_space<hbm>> -> memref<128x256xf32, #tpu.memory_space<hbm>>
    tpu.wait_dma2 semaphore(%dma_wait3A_1045 : memref<!tpu.dma_semaphore, #tpu.memory_space<semaphore_mem>>) src(%dma_wait3A_1051 : memref<128x256xf32, #tpu.memory_space<hbm>>) dst(%dma_wait3A_1049 : memref<128x256xf32, #tpu.memory_space<vmem>>)
    %add3A_1052 = arith.constant 1792 : i32
    %add3A_1053 = arith.addi %mul3A_2, %add3A_1052 : i32
    %dma_start3A_1054 = arith.constant 2 : i32
    %dma_start3A_1055 = arith.constant 2 : i32
    %dma_start3A_1056 = arith.constant 0 : i32
    %dma_start3A_1057 = arith.constant 0 : i32
    %dma_start3A_1058 = tpu.memref_slice %arg5[%dma_start3A_1054, %dma_start3A_1056, %dma_start3A_1057] : memref<3x128x256xf32, #tpu.memory_space<vmem>> -> memref<1x128x256xf32, #tpu.memory_space<vmem>>
    %dma_start3A_1059 = tpu.memref_squeeze %dma_start3A_1058 : memref<1x128x256xf32, #tpu.memory_space<vmem>> -> memref<128x256xf32, #tpu.memory_space<vmem>>
    %dma_start3A_1060 = arith.constant 0 : i32
    %dma_start3A_1061 = tpu.memref_slice %arg3[%add3A_1053, %dma_start3A_1060] : memref<131072x256xf32, #tpu.memory_space<hbm>> -> memref<128x256xf32, #tpu.memory_space<hbm>>
    %dma_start3A_1062 = tpu.memref_slice %arg8[%dma_start3A_1055] : memref<3x!tpu.dma_semaphore, #tpu.memory_space<semaphore_mem>> -> memref<1x!tpu.dma_semaphore, #tpu.memory_space<semaphore_mem>>
    %dma_start3A_1063 = tpu.memref_squeeze %dma_start3A_1062 : memref<1x!tpu.dma_semaphore, #tpu.memory_space<semaphore_mem>> -> memref<!tpu.dma_semaphore, #tpu.memory_space<semaphore_mem>>
    %dma_start3A_1064 = arith.constant 0 : i32
    %dma_start3A_1065 = tpu.memref_slice %arg3[%add3A_1053, %dma_start3A_1064] : memref<131072x256xf32, #tpu.memory_space<hbm>> -> memref<128x256xf32, #tpu.memory_space<hbm>>
    %dma_start3A_1066 = arith.constant 0 : i32
    %dma_start3A_1067 = arith.constant 0 : i32
    %dma_start3A_1068 = tpu.memref_slice %arg5[%dma_start3A_1054, %dma_start3A_1066, %dma_start3A_1067] : memref<3x128x256xf32, #tpu.memory_space<vmem>> -> memref<1x128x256xf32, #tpu.memory_space<vmem>>
    %dma_start3A_1069 = tpu.memref_squeeze %dma_start3A_1068 : memref<1x128x256xf32, #tpu.memory_space<vmem>> -> memref<128x256xf32, #tpu.memory_space<vmem>>
    tpu.enqueue_dma source(%dma_start3A_1069 : memref<128x256xf32, #tpu.memory_space<vmem>>) target(%dma_start3A_1065 : memref<128x256xf32, #tpu.memory_space<hbm>>) target_semaphore(%dma_start3A_1063 : memref<!tpu.dma_semaphore, #tpu.memory_space<semaphore_mem>>)
    %add3A_1070 = arith.constant 1664 : i32
    %add3A_1071 = arith.addi %mul3A_2, %add3A_1070 : i32
    %dma_wait3A_1072 = arith.constant 1 : i32
    %dma_wait3A_1073 = arith.constant 1 : i32
    %dma_wait3A_1074 = arith.constant 0 : i32
    %dma_wait3A_1075 = arith.constant 0 : i32
    %dma_wait3A_1076 = tpu.memref_slice %arg5[%dma_wait3A_1072, %dma_wait3A_1074, %dma_wait3A_1075] : memref<3x128x256xf32, #tpu.memory_space<vmem>> -> memref<1x128x256xf32, #tpu.memory_space<vmem>>
    %dma_wait3A_1077 = tpu.memref_squeeze %dma_wait3A_1076 : memref<1x128x256xf32, #tpu.memory_space<vmem>> -> memref<128x256xf32, #tpu.memory_space<vmem>>
    %dma_wait3A_1078 = arith.constant 0 : i32
    %dma_wait3A_1079 = tpu.memref_slice %arg3[%add3A_1071, %dma_wait3A_1078] : memref<131072x256xf32, #tpu.memory_space<hbm>> -> memref<128x256xf32, #tpu.memory_space<hbm>>
    %dma_wait3A_1080 = tpu.memref_slice %arg8[%dma_wait3A_1073] : memref<3x!tpu.dma_semaphore, #tpu.memory_space<semaphore_mem>> -> memref<1x!tpu.dma_semaphore, #tpu.memory_space<semaphore_mem>>
    %dma_wait3A_1081 = tpu.memref_squeeze %dma_wait3A_1080 : memref<1x!tpu.dma_semaphore, #tpu.memory_space<semaphore_mem>> -> memref<!tpu.dma_semaphore, #tpu.memory_space<semaphore_mem>>
    %dma_wait3A_1082 = arith.constant 0 : i32
    %dma_wait3A_1083 = tpu.memref_slice %arg3[%add3A_1071, %dma_wait3A_1082] : memref<131072x256xf32, #tpu.memory_space<hbm>> -> memref<128x256xf32, #tpu.memory_space<hbm>>
    %dma_wait3A_1084 = arith.constant 0 : i32
    %dma_wait3A_1085 = arith.constant 0 : i32
    %dma_wait3A_1086 = tpu.memref_slice %arg5[%dma_wait3A_1072, %dma_wait3A_1084, %dma_wait3A_1085] : memref<3x128x256xf32, #tpu.memory_space<vmem>> -> memref<1x128x256xf32, #tpu.memory_space<vmem>>
    %dma_wait3A_1087 = tpu.memref_squeeze %dma_wait3A_1086 : memref<1x128x256xf32, #tpu.memory_space<vmem>> -> memref<128x256xf32, #tpu.memory_space<vmem>>
    tpu.wait_dma2 semaphore(%dma_wait3A_1081 : memref<!tpu.dma_semaphore, #tpu.memory_space<semaphore_mem>>) src(%dma_wait3A_1087 : memref<128x256xf32, #tpu.memory_space<vmem>>) dst(%dma_wait3A_1083 : memref<128x256xf32, #tpu.memory_space<hbm>>)
    %add3A_1088 = arith.constant 2048 : i32
    %add3A_1089 = arith.addi %mul3A_2, %add3A_1088 : i32
    %dma_start3A_1090 = arith.constant 1 : i32
    %dma_start3A_1091 = arith.constant 1 : i32
    %dma_start3A_1092 = arith.constant 0 : i32
    %dma_start3A_1093 = arith.constant 0 : i32
    %dma_start3A_1094 = tpu.memref_slice %arg5[%dma_start3A_1090, %dma_start3A_1092, %dma_start3A_1093] : memref<3x128x256xf32, #tpu.memory_space<vmem>> -> memref<1x128x256xf32, #tpu.memory_space<vmem>>
    %dma_start3A_1095 = tpu.memref_squeeze %dma_start3A_1094 : memref<1x128x256xf32, #tpu.memory_space<vmem>> -> memref<128x256xf32, #tpu.memory_space<vmem>>
    %dma_start3A_1096 = arith.constant 0 : i32
    %dma_start3A_1097 = tpu.memref_slice %arg2[%add3A_1089, %dma_start3A_1096] : memref<131072x256xf32, #tpu.memory_space<hbm>> -> memref<128x256xf32, #tpu.memory_space<hbm>>
    %dma_start3A_1098 = tpu.memref_slice %arg7[%dma_start3A_1091] : memref<3x!tpu.dma_semaphore, #tpu.memory_space<semaphore_mem>> -> memref<1x!tpu.dma_semaphore, #tpu.memory_space<semaphore_mem>>
    %dma_start3A_1099 = tpu.memref_squeeze %dma_start3A_1098 : memref<1x!tpu.dma_semaphore, #tpu.memory_space<semaphore_mem>> -> memref<!tpu.dma_semaphore, #tpu.memory_space<semaphore_mem>>
    %dma_start3A_1100 = arith.constant 0 : i32
    %dma_start3A_1101 = arith.constant 0 : i32
    %dma_start3A_1102 = tpu.memref_slice %arg5[%dma_start3A_1090, %dma_start3A_1100, %dma_start3A_1101] : memref<3x128x256xf32, #tpu.memory_space<vmem>> -> memref<1x128x256xf32, #tpu.memory_space<vmem>>
    %dma_start3A_1103 = tpu.memref_squeeze %dma_start3A_1102 : memref<1x128x256xf32, #tpu.memory_space<vmem>> -> memref<128x256xf32, #tpu.memory_space<vmem>>
    %dma_start3A_1104 = arith.constant 0 : i32
    %dma_start3A_1105 = tpu.memref_slice %arg2[%add3A_1089, %dma_start3A_1104] : memref<131072x256xf32, #tpu.memory_space<hbm>> -> memref<128x256xf32, #tpu.memory_space<hbm>>
    tpu.enqueue_dma source(%dma_start3A_1105 : memref<128x256xf32, #tpu.memory_space<hbm>>) target(%dma_start3A_1103 : memref<128x256xf32, #tpu.memory_space<vmem>>) target_semaphore(%dma_start3A_1099 : memref<!tpu.dma_semaphore, #tpu.memory_space<semaphore_mem>>)
    %add3A_1106 = arith.constant 1920 : i32
    %add3A_1107 = arith.addi %mul3A_2, %add3A_1106 : i32
    %dma_wait3A_1108 = arith.constant 0 : i32
    %dma_wait3A_1109 = arith.constant 0 : i32
    %dma_wait3A_1110 = arith.constant 0 : i32
    %dma_wait3A_1111 = arith.constant 0 : i32
    %dma_wait3A_1112 = tpu.memref_slice %arg5[%dma_wait3A_1108, %dma_wait3A_1110, %dma_wait3A_1111] : memref<3x128x256xf32, #tpu.memory_space<vmem>> -> memref<1x128x256xf32, #tpu.memory_space<vmem>>
    %dma_wait3A_1113 = tpu.memref_squeeze %dma_wait3A_1112 : memref<1x128x256xf32, #tpu.memory_space<vmem>> -> memref<128x256xf32, #tpu.memory_space<vmem>>
    %dma_wait3A_1114 = arith.constant 0 : i32
    %dma_wait3A_1115 = tpu.memref_slice %arg2[%add3A_1107, %dma_wait3A_1114] : memref<131072x256xf32, #tpu.memory_space<hbm>> -> memref<128x256xf32, #tpu.memory_space<hbm>>
    %dma_wait3A_1116 = tpu.memref_slice %arg7[%dma_wait3A_1109] : memref<3x!tpu.dma_semaphore, #tpu.memory_space<semaphore_mem>> -> memref<1x!tpu.dma_semaphore, #tpu.memory_space<semaphore_mem>>
    %dma_wait3A_1117 = tpu.memref_squeeze %dma_wait3A_1116 : memref<1x!tpu.dma_semaphore, #tpu.memory_space<semaphore_mem>> -> memref<!tpu.dma_semaphore, #tpu.memory_space<semaphore_mem>>
    %dma_wait3A_1118 = arith.constant 0 : i32
    %dma_wait3A_1119 = arith.constant 0 : i32
    %dma_wait3A_1120 = tpu.memref_slice %arg5[%dma_wait3A_1108, %dma_wait3A_1118, %dma_wait3A_1119] : memref<3x128x256xf32, #tpu.memory_space<vmem>> -> memref<1x128x256xf32, #tpu.memory_space<vmem>>
    %dma_wait3A_1121 = tpu.memref_squeeze %dma_wait3A_1120 : memref<1x128x256xf32, #tpu.memory_space<vmem>> -> memref<128x256xf32, #tpu.memory_space<vmem>>
    %dma_wait3A_1122 = arith.constant 0 : i32
    %dma_wait3A_1123 = tpu.memref_slice %arg2[%add3A_1107, %dma_wait3A_1122] : memref<131072x256xf32, #tpu.memory_space<hbm>> -> memref<128x256xf32, #tpu.memory_space<hbm>>
    tpu.wait_dma2 semaphore(%dma_wait3A_1117 : memref<!tpu.dma_semaphore, #tpu.memory_space<semaphore_mem>>) src(%dma_wait3A_1123 : memref<128x256xf32, #tpu.memory_space<hbm>>) dst(%dma_wait3A_1121 : memref<128x256xf32, #tpu.memory_space<vmem>>)
    %add3A_1124 = arith.constant 1920 : i32
    %add3A_1125 = arith.addi %mul3A_2, %add3A_1124 : i32
    %dma_start3A_1126 = arith.constant 0 : i32
    %dma_start3A_1127 = arith.constant 0 : i32
    %dma_start3A_1128 = arith.constant 0 : i32
    %dma_start3A_1129 = arith.constant 0 : i32
    %dma_start3A_1130 = tpu.memref_slice %arg5[%dma_start3A_1126, %dma_start3A_1128, %dma_start3A_1129] : memref<3x128x256xf32, #tpu.memory_space<vmem>> -> memref<1x128x256xf32, #tpu.memory_space<vmem>>
    %dma_start3A_1131 = tpu.memref_squeeze %dma_start3A_1130 : memref<1x128x256xf32, #tpu.memory_space<vmem>> -> memref<128x256xf32, #tpu.memory_space<vmem>>
    %dma_start3A_1132 = arith.constant 0 : i32
    %dma_start3A_1133 = tpu.memref_slice %arg3[%add3A_1125, %dma_start3A_1132] : memref<131072x256xf32, #tpu.memory_space<hbm>> -> memref<128x256xf32, #tpu.memory_space<hbm>>
    %dma_start3A_1134 = tpu.memref_slice %arg8[%dma_start3A_1127] : memref<3x!tpu.dma_semaphore, #tpu.memory_space<semaphore_mem>> -> memref<1x!tpu.dma_semaphore, #tpu.memory_space<semaphore_mem>>
    %dma_start3A_1135 = tpu.memref_squeeze %dma_start3A_1134 : memref<1x!tpu.dma_semaphore, #tpu.memory_space<semaphore_mem>> -> memref<!tpu.dma_semaphore, #tpu.memory_space<semaphore_mem>>
    %dma_start3A_1136 = arith.constant 0 : i32
    %dma_start3A_1137 = tpu.memref_slice %arg3[%add3A_1125, %dma_start3A_1136] : memref<131072x256xf32, #tpu.memory_space<hbm>> -> memref<128x256xf32, #tpu.memory_space<hbm>>
    %dma_start3A_1138 = arith.constant 0 : i32
    %dma_start3A_1139 = arith.constant 0 : i32
    %dma_start3A_1140 = tpu.memref_slice %arg5[%dma_start3A_1126, %dma_start3A_1138, %dma_start3A_1139] : memref<3x128x256xf32, #tpu.memory_space<vmem>> -> memref<1x128x256xf32, #tpu.memory_space<vmem>>
    %dma_start3A_1141 = tpu.memref_squeeze %dma_start3A_1140 : memref<1x128x256xf32, #tpu.memory_space<vmem>> -> memref<128x256xf32, #tpu.memory_space<vmem>>
    tpu.enqueue_dma source(%dma_start3A_1141 : memref<128x256xf32, #tpu.memory_space<vmem>>) target(%dma_start3A_1137 : memref<128x256xf32, #tpu.memory_space<hbm>>) target_semaphore(%dma_start3A_1135 : memref<!tpu.dma_semaphore, #tpu.memory_space<semaphore_mem>>)
    %add3A_1142 = arith.constant 1792 : i32
    %add3A_1143 = arith.addi %mul3A_2, %add3A_1142 : i32
    %dma_wait3A_1144 = arith.constant 2 : i32
    %dma_wait3A_1145 = arith.constant 2 : i32
    %dma_wait3A_1146 = arith.constant 0 : i32
    %dma_wait3A_1147 = arith.constant 0 : i32
    %dma_wait3A_1148 = tpu.memref_slice %arg5[%dma_wait3A_1144, %dma_wait3A_1146, %dma_wait3A_1147] : memref<3x128x256xf32, #tpu.memory_space<vmem>> -> memref<1x128x256xf32, #tpu.memory_space<vmem>>
    %dma_wait3A_1149 = tpu.memref_squeeze %dma_wait3A_1148 : memref<1x128x256xf32, #tpu.memory_space<vmem>> -> memref<128x256xf32, #tpu.memory_space<vmem>>
    %dma_wait3A_1150 = arith.constant 0 : i32
    %dma_wait3A_1151 = tpu.memref_slice %arg3[%add3A_1143, %dma_wait3A_1150] : memref<131072x256xf32, #tpu.memory_space<hbm>> -> memref<128x256xf32, #tpu.memory_space<hbm>>
    %dma_wait3A_1152 = tpu.memref_slice %arg8[%dma_wait3A_1145] : memref<3x!tpu.dma_semaphore, #tpu.memory_space<semaphore_mem>> -> memref<1x!tpu.dma_semaphore, #tpu.memory_space<semaphore_mem>>
    %dma_wait3A_1153 = tpu.memref_squeeze %dma_wait3A_1152 : memref<1x!tpu.dma_semaphore, #tpu.memory_space<semaphore_mem>> -> memref<!tpu.dma_semaphore, #tpu.memory_space<semaphore_mem>>
    %dma_wait3A_1154 = arith.constant 0 : i32
    %dma_wait3A_1155 = tpu.memref_slice %arg3[%add3A_1143, %dma_wait3A_1154] : memref<131072x256xf32, #tpu.memory_space<hbm>> -> memref<128x256xf32, #tpu.memory_space<hbm>>
    %dma_wait3A_1156 = arith.constant 0 : i32
    %dma_wait3A_1157 = arith.constant 0 : i32
    %dma_wait3A_1158 = tpu.memref_slice %arg5[%dma_wait3A_1144, %dma_wait3A_1156, %dma_wait3A_1157] : memref<3x128x256xf32, #tpu.memory_space<vmem>> -> memref<1x128x256xf32, #tpu.memory_space<vmem>>
    %dma_wait3A_1159 = tpu.memref_squeeze %dma_wait3A_1158 : memref<1x128x256xf32, #tpu.memory_space<vmem>> -> memref<128x256xf32, #tpu.memory_space<vmem>>
    tpu.wait_dma2 semaphore(%dma_wait3A_1153 : memref<!tpu.dma_semaphore, #tpu.memory_space<semaphore_mem>>) src(%dma_wait3A_1159 : memref<128x256xf32, #tpu.memory_space<vmem>>) dst(%dma_wait3A_1155 : memref<128x256xf32, #tpu.memory_space<hbm>>)
    %add3A_1160 = arith.constant 2176 : i32
    %add3A_1161 = arith.addi %mul3A_2, %add3A_1160 : i32
    %dma_start3A_1162 = arith.constant 2 : i32
    %dma_start3A_1163 = arith.constant 2 : i32
    %dma_start3A_1164 = arith.constant 0 : i32
    %dma_start3A_1165 = arith.constant 0 : i32
    %dma_start3A_1166 = tpu.memref_slice %arg5[%dma_start3A_1162, %dma_start3A_1164, %dma_start3A_1165] : memref<3x128x256xf32, #tpu.memory_space<vmem>> -> memref<1x128x256xf32, #tpu.memory_space<vmem>>
    %dma_start3A_1167 = tpu.memref_squeeze %dma_start3A_1166 : memref<1x128x256xf32, #tpu.memory_space<vmem>> -> memref<128x256xf32, #tpu.memory_space<vmem>>
    %dma_start3A_1168 = arith.constant 0 : i32
    %dma_start3A_1169 = tpu.memref_slice %arg2[%add3A_1161, %dma_start3A_1168] : memref<131072x256xf32, #tpu.memory_space<hbm>> -> memref<128x256xf32, #tpu.memory_space<hbm>>
    %dma_start3A_1170 = tpu.memref_slice %arg7[%dma_start3A_1163] : memref<3x!tpu.dma_semaphore, #tpu.memory_space<semaphore_mem>> -> memref<1x!tpu.dma_semaphore, #tpu.memory_space<semaphore_mem>>
    %dma_start3A_1171 = tpu.memref_squeeze %dma_start3A_1170 : memref<1x!tpu.dma_semaphore, #tpu.memory_space<semaphore_mem>> -> memref<!tpu.dma_semaphore, #tpu.memory_space<semaphore_mem>>
    %dma_start3A_1172 = arith.constant 0 : i32
    %dma_start3A_1173 = arith.constant 0 : i32
    %dma_start3A_1174 = tpu.memref_slice %arg5[%dma_start3A_1162, %dma_start3A_1172, %dma_start3A_1173] : memref<3x128x256xf32, #tpu.memory_space<vmem>> -> memref<1x128x256xf32, #tpu.memory_space<vmem>>
    %dma_start3A_1175 = tpu.memref_squeeze %dma_start3A_1174 : memref<1x128x256xf32, #tpu.memory_space<vmem>> -> memref<128x256xf32, #tpu.memory_space<vmem>>
    %dma_start3A_1176 = arith.constant 0 : i32
    %dma_start3A_1177 = tpu.memref_slice %arg2[%add3A_1161, %dma_start3A_1176] : memref<131072x256xf32, #tpu.memory_space<hbm>> -> memref<128x256xf32, #tpu.memory_space<hbm>>
    tpu.enqueue_dma source(%dma_start3A_1177 : memref<128x256xf32, #tpu.memory_space<hbm>>) target(%dma_start3A_1175 : memref<128x256xf32, #tpu.memory_space<vmem>>) target_semaphore(%dma_start3A_1171 : memref<!tpu.dma_semaphore, #tpu.memory_space<semaphore_mem>>)
    %add3A_1178 = arith.constant 2048 : i32
    %add3A_1179 = arith.addi %mul3A_2, %add3A_1178 : i32
    %dma_wait3A_1180 = arith.constant 1 : i32
    %dma_wait3A_1181 = arith.constant 1 : i32
    %dma_wait3A_1182 = arith.constant 0 : i32
    %dma_wait3A_1183 = arith.constant 0 : i32
    %dma_wait3A_1184 = tpu.memref_slice %arg5[%dma_wait3A_1180, %dma_wait3A_1182, %dma_wait3A_1183] : memref<3x128x256xf32, #tpu.memory_space<vmem>> -> memref<1x128x256xf32, #tpu.memory_space<vmem>>
    %dma_wait3A_1185 = tpu.memref_squeeze %dma_wait3A_1184 : memref<1x128x256xf32, #tpu.memory_space<vmem>> -> memref<128x256xf32, #tpu.memory_space<vmem>>
    %dma_wait3A_1186 = arith.constant 0 : i32
    %dma_wait3A_1187 = tpu.memref_slice %arg2[%add3A_1179, %dma_wait3A_1186] : memref<131072x256xf32, #tpu.memory_space<hbm>> -> memref<128x256xf32, #tpu.memory_space<hbm>>
    %dma_wait3A_1188 = tpu.memref_slice %arg7[%dma_wait3A_1181] : memref<3x!tpu.dma_semaphore, #tpu.memory_space<semaphore_mem>> -> memref<1x!tpu.dma_semaphore, #tpu.memory_space<semaphore_mem>>
    %dma_wait3A_1189 = tpu.memref_squeeze %dma_wait3A_1188 : memref<1x!tpu.dma_semaphore, #tpu.memory_space<semaphore_mem>> -> memref<!tpu.dma_semaphore, #tpu.memory_space<semaphore_mem>>
    %dma_wait3A_1190 = arith.constant 0 : i32
    %dma_wait3A_1191 = arith.constant 0 : i32
    %dma_wait3A_1192 = tpu.memref_slice %arg5[%dma_wait3A_1180, %dma_wait3A_1190, %dma_wait3A_1191] : memref<3x128x256xf32, #tpu.memory_space<vmem>> -> memref<1x128x256xf32, #tpu.memory_space<vmem>>
    %dma_wait3A_1193 = tpu.memref_squeeze %dma_wait3A_1192 : memref<1x128x256xf32, #tpu.memory_space<vmem>> -> memref<128x256xf32, #tpu.memory_space<vmem>>
    %dma_wait3A_1194 = arith.constant 0 : i32
    %dma_wait3A_1195 = tpu.memref_slice %arg2[%add3A_1179, %dma_wait3A_1194] : memref<131072x256xf32, #tpu.memory_space<hbm>> -> memref<128x256xf32, #tpu.memory_space<hbm>>
    tpu.wait_dma2 semaphore(%dma_wait3A_1189 : memref<!tpu.dma_semaphore, #tpu.memory_space<semaphore_mem>>) src(%dma_wait3A_1195 : memref<128x256xf32, #tpu.memory_space<hbm>>) dst(%dma_wait3A_1193 : memref<128x256xf32, #tpu.memory_space<vmem>>)
    %add3A_1196 = arith.constant 2048 : i32
    %add3A_1197 = arith.addi %mul3A_2, %add3A_1196 : i32
    %dma_start3A_1198 = arith.constant 1 : i32
    %dma_start3A_1199 = arith.constant 1 : i32
    %dma_start3A_1200 = arith.constant 0 : i32
    %dma_start3A_1201 = arith.constant 0 : i32
    %dma_start3A_1202 = tpu.memref_slice %arg5[%dma_start3A_1198, %dma_start3A_1200, %dma_start3A_1201] : memref<3x128x256xf32, #tpu.memory_space<vmem>> -> memref<1x128x256xf32, #tpu.memory_space<vmem>>
    %dma_start3A_1203 = tpu.memref_squeeze %dma_start3A_1202 : memref<1x128x256xf32, #tpu.memory_space<vmem>> -> memref<128x256xf32, #tpu.memory_space<vmem>>
    %dma_start3A_1204 = arith.constant 0 : i32
    %dma_start3A_1205 = tpu.memref_slice %arg3[%add3A_1197, %dma_start3A_1204] : memref<131072x256xf32, #tpu.memory_space<hbm>> -> memref<128x256xf32, #tpu.memory_space<hbm>>
    %dma_start3A_1206 = tpu.memref_slice %arg8[%dma_start3A_1199] : memref<3x!tpu.dma_semaphore, #tpu.memory_space<semaphore_mem>> -> memref<1x!tpu.dma_semaphore, #tpu.memory_space<semaphore_mem>>
    %dma_start3A_1207 = tpu.memref_squeeze %dma_start3A_1206 : memref<1x!tpu.dma_semaphore, #tpu.memory_space<semaphore_mem>> -> memref<!tpu.dma_semaphore, #tpu.memory_space<semaphore_mem>>
    %dma_start3A_1208 = arith.constant 0 : i32
    %dma_start3A_1209 = tpu.memref_slice %arg3[%add3A_1197, %dma_start3A_1208] : memref<131072x256xf32, #tpu.memory_space<hbm>> -> memref<128x256xf32, #tpu.memory_space<hbm>>
    %dma_start3A_1210 = arith.constant 0 : i32
    %dma_start3A_1211 = arith.constant 0 : i32
    %dma_start3A_1212 = tpu.memref_slice %arg5[%dma_start3A_1198, %dma_start3A_1210, %dma_start3A_1211] : memref<3x128x256xf32, #tpu.memory_space<vmem>> -> memref<1x128x256xf32, #tpu.memory_space<vmem>>
    %dma_start3A_1213 = tpu.memref_squeeze %dma_start3A_1212 : memref<1x128x256xf32, #tpu.memory_space<vmem>> -> memref<128x256xf32, #tpu.memory_space<vmem>>
    tpu.enqueue_dma source(%dma_start3A_1213 : memref<128x256xf32, #tpu.memory_space<vmem>>) target(%dma_start3A_1209 : memref<128x256xf32, #tpu.memory_space<hbm>>) target_semaphore(%dma_start3A_1207 : memref<!tpu.dma_semaphore, #tpu.memory_space<semaphore_mem>>)
    %add3A_1214 = arith.constant 1920 : i32
    %add3A_1215 = arith.addi %mul3A_2, %add3A_1214 : i32
    %dma_wait3A_1216 = arith.constant 0 : i32
    %dma_wait3A_1217 = arith.constant 0 : i32
    %dma_wait3A_1218 = arith.constant 0 : i32
    %dma_wait3A_1219 = arith.constant 0 : i32
    %dma_wait3A_1220 = tpu.memref_slice %arg5[%dma_wait3A_1216, %dma_wait3A_1218, %dma_wait3A_1219] : memref<3x128x256xf32, #tpu.memory_space<vmem>> -> memref<1x128x256xf32, #tpu.memory_space<vmem>>
    %dma_wait3A_1221 = tpu.memref_squeeze %dma_wait3A_1220 : memref<1x128x256xf32, #tpu.memory_space<vmem>> -> memref<128x256xf32, #tpu.memory_space<vmem>>
    %dma_wait3A_1222 = arith.constant 0 : i32
    %dma_wait3A_1223 = tpu.memref_slice %arg3[%add3A_1215, %dma_wait3A_1222] : memref<131072x256xf32, #tpu.memory_space<hbm>> -> memref<128x256xf32, #tpu.memory_space<hbm>>
    %dma_wait3A_1224 = tpu.memref_slice %arg8[%dma_wait3A_1217] : memref<3x!tpu.dma_semaphore, #tpu.memory_space<semaphore_mem>> -> memref<1x!tpu.dma_semaphore, #tpu.memory_space<semaphore_mem>>
    %dma_wait3A_1225 = tpu.memref_squeeze %dma_wait3A_1224 : memref<1x!tpu.dma_semaphore, #tpu.memory_space<semaphore_mem>> -> memref<!tpu.dma_semaphore, #tpu.memory_space<semaphore_mem>>
    %dma_wait3A_1226 = arith.constant 0 : i32
    %dma_wait3A_1227 = tpu.memref_slice %arg3[%add3A_1215, %dma_wait3A_1226] : memref<131072x256xf32, #tpu.memory_space<hbm>> -> memref<128x256xf32, #tpu.memory_space<hbm>>
    %dma_wait3A_1228 = arith.constant 0 : i32
    %dma_wait3A_1229 = arith.constant 0 : i32
    %dma_wait3A_1230 = tpu.memref_slice %arg5[%dma_wait3A_1216, %dma_wait3A_1228, %dma_wait3A_1229] : memref<3x128x256xf32, #tpu.memory_space<vmem>> -> memref<1x128x256xf32, #tpu.memory_space<vmem>>
    %dma_wait3A_1231 = tpu.memref_squeeze %dma_wait3A_1230 : memref<1x128x256xf32, #tpu.memory_space<vmem>> -> memref<128x256xf32, #tpu.memory_space<vmem>>
    tpu.wait_dma2 semaphore(%dma_wait3A_1225 : memref<!tpu.dma_semaphore, #tpu.memory_space<semaphore_mem>>) src(%dma_wait3A_1231 : memref<128x256xf32, #tpu.memory_space<vmem>>) dst(%dma_wait3A_1227 : memref<128x256xf32, #tpu.memory_space<hbm>>)
    %add3A_1232 = arith.constant 2304 : i32
    %add3A_1233 = arith.addi %mul3A_2, %add3A_1232 : i32
    %dma_start3A_1234 = arith.constant 0 : i32
    %dma_start3A_1235 = arith.constant 0 : i32
    %dma_start3A_1236 = arith.constant 0 : i32
    %dma_start3A_1237 = arith.constant 0 : i32
    %dma_start3A_1238 = tpu.memref_slice %arg5[%dma_start3A_1234, %dma_start3A_1236, %dma_start3A_1237] : memref<3x128x256xf32, #tpu.memory_space<vmem>> -> memref<1x128x256xf32, #tpu.memory_space<vmem>>
    %dma_start3A_1239 = tpu.memref_squeeze %dma_start3A_1238 : memref<1x128x256xf32, #tpu.memory_space<vmem>> -> memref<128x256xf32, #tpu.memory_space<vmem>>
    %dma_start3A_1240 = arith.constant 0 : i32
    %dma_start3A_1241 = tpu.memref_slice %arg2[%add3A_1233, %dma_start3A_1240] : memref<131072x256xf32, #tpu.memory_space<hbm>> -> memref<128x256xf32, #tpu.memory_space<hbm>>
    %dma_start3A_1242 = tpu.memref_slice %arg7[%dma_start3A_1235] : memref<3x!tpu.dma_semaphore, #tpu.memory_space<semaphore_mem>> -> memref<1x!tpu.dma_semaphore, #tpu.memory_space<semaphore_mem>>
    %dma_start3A_1243 = tpu.memref_squeeze %dma_start3A_1242 : memref<1x!tpu.dma_semaphore, #tpu.memory_space<semaphore_mem>> -> memref<!tpu.dma_semaphore, #tpu.memory_space<semaphore_mem>>
    %dma_start3A_1244 = arith.constant 0 : i32
    %dma_start3A_1245 = arith.constant 0 : i32
    %dma_start3A_1246 = tpu.memref_slice %arg5[%dma_start3A_1234, %dma_start3A_1244, %dma_start3A_1245] : memref<3x128x256xf32, #tpu.memory_space<vmem>> -> memref<1x128x256xf32, #tpu.memory_space<vmem>>
    %dma_start3A_1247 = tpu.memref_squeeze %dma_start3A_1246 : memref<1x128x256xf32, #tpu.memory_space<vmem>> -> memref<128x256xf32, #tpu.memory_space<vmem>>
    %dma_start3A_1248 = arith.constant 0 : i32
    %dma_start3A_1249 = tpu.memref_slice %arg2[%add3A_1233, %dma_start3A_1248] : memref<131072x256xf32, #tpu.memory_space<hbm>> -> memref<128x256xf32, #tpu.memory_space<hbm>>
    tpu.enqueue_dma source(%dma_start3A_1249 : memref<128x256xf32, #tpu.memory_space<hbm>>) target(%dma_start3A_1247 : memref<128x256xf32, #tpu.memory_space<vmem>>) target_semaphore(%dma_start3A_1243 : memref<!tpu.dma_semaphore, #tpu.memory_space<semaphore_mem>>)
    %add3A_1250 = arith.constant 2176 : i32
    %add3A_1251 = arith.addi %mul3A_2, %add3A_1250 : i32
    %dma_wait3A_1252 = arith.constant 2 : i32
    %dma_wait3A_1253 = arith.constant 2 : i32
    %dma_wait3A_1254 = arith.constant 0 : i32
    %dma_wait3A_1255 = arith.constant 0 : i32
    %dma_wait3A_1256 = tpu.memref_slice %arg5[%dma_wait3A_1252, %dma_wait3A_1254, %dma_wait3A_1255] : memref<3x128x256xf32, #tpu.memory_space<vmem>> -> memref<1x128x256xf32, #tpu.memory_space<vmem>>
    %dma_wait3A_1257 = tpu.memref_squeeze %dma_wait3A_1256 : memref<1x128x256xf32, #tpu.memory_space<vmem>> -> memref<128x256xf32, #tpu.memory_space<vmem>>
    %dma_wait3A_1258 = arith.constant 0 : i32
    %dma_wait3A_1259 = tpu.memref_slice %arg2[%add3A_1251, %dma_wait3A_1258] : memref<131072x256xf32, #tpu.memory_space<hbm>> -> memref<128x256xf32, #tpu.memory_space<hbm>>
    %dma_wait3A_1260 = tpu.memref_slice %arg7[%dma_wait3A_1253] : memref<3x!tpu.dma_semaphore, #tpu.memory_space<semaphore_mem>> -> memref<1x!tpu.dma_semaphore, #tpu.memory_space<semaphore_mem>>
    %dma_wait3A_1261 = tpu.memref_squeeze %dma_wait3A_1260 : memref<1x!tpu.dma_semaphore, #tpu.memory_space<semaphore_mem>> -> memref<!tpu.dma_semaphore, #tpu.memory_space<semaphore_mem>>
    %dma_wait3A_1262 = arith.constant 0 : i32
    %dma_wait3A_1263 = arith.constant 0 : i32
    %dma_wait3A_1264 = tpu.memref_slice %arg5[%dma_wait3A_1252, %dma_wait3A_1262, %dma_wait3A_1263] : memref<3x128x256xf32, #tpu.memory_space<vmem>> -> memref<1x128x256xf32, #tpu.memory_space<vmem>>
    %dma_wait3A_1265 = tpu.memref_squeeze %dma_wait3A_1264 : memref<1x128x256xf32, #tpu.memory_space<vmem>> -> memref<128x256xf32, #tpu.memory_space<vmem>>
    %dma_wait3A_1266 = arith.constant 0 : i32
    %dma_wait3A_1267 = tpu.memref_slice %arg2[%add3A_1251, %dma_wait3A_1266] : memref<131072x256xf32, #tpu.memory_space<hbm>> -> memref<128x256xf32, #tpu.memory_space<hbm>>
    tpu.wait_dma2 semaphore(%dma_wait3A_1261 : memref<!tpu.dma_semaphore, #tpu.memory_space<semaphore_mem>>) src(%dma_wait3A_1267 : memref<128x256xf32, #tpu.memory_space<hbm>>) dst(%dma_wait3A_1265 : memref<128x256xf32, #tpu.memory_space<vmem>>)
    %add3A_1268 = arith.constant 2176 : i32
    %add3A_1269 = arith.addi %mul3A_2, %add3A_1268 : i32
    %dma_start3A_1270 = arith.constant 2 : i32
    %dma_start3A_1271 = arith.constant 2 : i32
    %dma_start3A_1272 = arith.constant 0 : i32
    %dma_start3A_1273 = arith.constant 0 : i32
    %dma_start3A_1274 = tpu.memref_slice %arg5[%dma_start3A_1270, %dma_start3A_1272, %dma_start3A_1273] : memref<3x128x256xf32, #tpu.memory_space<vmem>> -> memref<1x128x256xf32, #tpu.memory_space<vmem>>
    %dma_start3A_1275 = tpu.memref_squeeze %dma_start3A_1274 : memref<1x128x256xf32, #tpu.memory_space<vmem>> -> memref<128x256xf32, #tpu.memory_space<vmem>>
    %dma_start3A_1276 = arith.constant 0 : i32
    %dma_start3A_1277 = tpu.memref_slice %arg3[%add3A_1269, %dma_start3A_1276] : memref<131072x256xf32, #tpu.memory_space<hbm>> -> memref<128x256xf32, #tpu.memory_space<hbm>>
    %dma_start3A_1278 = tpu.memref_slice %arg8[%dma_start3A_1271] : memref<3x!tpu.dma_semaphore, #tpu.memory_space<semaphore_mem>> -> memref<1x!tpu.dma_semaphore, #tpu.memory_space<semaphore_mem>>
    %dma_start3A_1279 = tpu.memref_squeeze %dma_start3A_1278 : memref<1x!tpu.dma_semaphore, #tpu.memory_space<semaphore_mem>> -> memref<!tpu.dma_semaphore, #tpu.memory_space<semaphore_mem>>
    %dma_start3A_1280 = arith.constant 0 : i32
    %dma_start3A_1281 = tpu.memref_slice %arg3[%add3A_1269, %dma_start3A_1280] : memref<131072x256xf32, #tpu.memory_space<hbm>> -> memref<128x256xf32, #tpu.memory_space<hbm>>
    %dma_start3A_1282 = arith.constant 0 : i32
    %dma_start3A_1283 = arith.constant 0 : i32
    %dma_start3A_1284 = tpu.memref_slice %arg5[%dma_start3A_1270, %dma_start3A_1282, %dma_start3A_1283] : memref<3x128x256xf32, #tpu.memory_space<vmem>> -> memref<1x128x256xf32, #tpu.memory_space<vmem>>
    %dma_start3A_1285 = tpu.memref_squeeze %dma_start3A_1284 : memref<1x128x256xf32, #tpu.memory_space<vmem>> -> memref<128x256xf32, #tpu.memory_space<vmem>>
    tpu.enqueue_dma source(%dma_start3A_1285 : memref<128x256xf32, #tpu.memory_space<vmem>>) target(%dma_start3A_1281 : memref<128x256xf32, #tpu.memory_space<hbm>>) target_semaphore(%dma_start3A_1279 : memref<!tpu.dma_semaphore, #tpu.memory_space<semaphore_mem>>)
    %add3A_1286 = arith.constant 2048 : i32
    %add3A_1287 = arith.addi %mul3A_2, %add3A_1286 : i32
    %dma_wait3A_1288 = arith.constant 1 : i32
    %dma_wait3A_1289 = arith.constant 1 : i32
    %dma_wait3A_1290 = arith.constant 0 : i32
    %dma_wait3A_1291 = arith.constant 0 : i32
    %dma_wait3A_1292 = tpu.memref_slice %arg5[%dma_wait3A_1288, %dma_wait3A_1290, %dma_wait3A_1291] : memref<3x128x256xf32, #tpu.memory_space<vmem>> -> memref<1x128x256xf32, #tpu.memory_space<vmem>>
    %dma_wait3A_1293 = tpu.memref_squeeze %dma_wait3A_1292 : memref<1x128x256xf32, #tpu.memory_space<vmem>> -> memref<128x256xf32, #tpu.memory_space<vmem>>
    %dma_wait3A_1294 = arith.constant 0 : i32
    %dma_wait3A_1295 = tpu.memref_slice %arg3[%add3A_1287, %dma_wait3A_1294] : memref<131072x256xf32, #tpu.memory_space<hbm>> -> memref<128x256xf32, #tpu.memory_space<hbm>>
    %dma_wait3A_1296 = tpu.memref_slice %arg8[%dma_wait3A_1289] : memref<3x!tpu.dma_semaphore, #tpu.memory_space<semaphore_mem>> -> memref<1x!tpu.dma_semaphore, #tpu.memory_space<semaphore_mem>>
    %dma_wait3A_1297 = tpu.memref_squeeze %dma_wait3A_1296 : memref<1x!tpu.dma_semaphore, #tpu.memory_space<semaphore_mem>> -> memref<!tpu.dma_semaphore, #tpu.memory_space<semaphore_mem>>
    %dma_wait3A_1298 = arith.constant 0 : i32
    %dma_wait3A_1299 = tpu.memref_slice %arg3[%add3A_1287, %dma_wait3A_1298] : memref<131072x256xf32, #tpu.memory_space<hbm>> -> memref<128x256xf32, #tpu.memory_space<hbm>>
    %dma_wait3A_1300 = arith.constant 0 : i32
    %dma_wait3A_1301 = arith.constant 0 : i32
    %dma_wait3A_1302 = tpu.memref_slice %arg5[%dma_wait3A_1288, %dma_wait3A_1300, %dma_wait3A_1301] : memref<3x128x256xf32, #tpu.memory_space<vmem>> -> memref<1x128x256xf32, #tpu.memory_space<vmem>>
    %dma_wait3A_1303 = tpu.memref_squeeze %dma_wait3A_1302 : memref<1x128x256xf32, #tpu.memory_space<vmem>> -> memref<128x256xf32, #tpu.memory_space<vmem>>
    tpu.wait_dma2 semaphore(%dma_wait3A_1297 : memref<!tpu.dma_semaphore, #tpu.memory_space<semaphore_mem>>) src(%dma_wait3A_1303 : memref<128x256xf32, #tpu.memory_space<vmem>>) dst(%dma_wait3A_1299 : memref<128x256xf32, #tpu.memory_space<hbm>>)
    %add3A_1304 = arith.constant 2432 : i32
    %add3A_1305 = arith.addi %mul3A_2, %add3A_1304 : i32
    %dma_start3A_1306 = arith.constant 1 : i32
    %dma_start3A_1307 = arith.constant 1 : i32
    %dma_start3A_1308 = arith.constant 0 : i32
    %dma_start3A_1309 = arith.constant 0 : i32
    %dma_start3A_1310 = tpu.memref_slice %arg5[%dma_start3A_1306, %dma_start3A_1308, %dma_start3A_1309] : memref<3x128x256xf32, #tpu.memory_space<vmem>> -> memref<1x128x256xf32, #tpu.memory_space<vmem>>
    %dma_start3A_1311 = tpu.memref_squeeze %dma_start3A_1310 : memref<1x128x256xf32, #tpu.memory_space<vmem>> -> memref<128x256xf32, #tpu.memory_space<vmem>>
    %dma_start3A_1312 = arith.constant 0 : i32
    %dma_start3A_1313 = tpu.memref_slice %arg2[%add3A_1305, %dma_start3A_1312] : memref<131072x256xf32, #tpu.memory_space<hbm>> -> memref<128x256xf32, #tpu.memory_space<hbm>>
    %dma_start3A_1314 = tpu.memref_slice %arg7[%dma_start3A_1307] : memref<3x!tpu.dma_semaphore, #tpu.memory_space<semaphore_mem>> -> memref<1x!tpu.dma_semaphore, #tpu.memory_space<semaphore_mem>>
    %dma_start3A_1315 = tpu.memref_squeeze %dma_start3A_1314 : memref<1x!tpu.dma_semaphore, #tpu.memory_space<semaphore_mem>> -> memref<!tpu.dma_semaphore, #tpu.memory_space<semaphore_mem>>
    %dma_start3A_1316 = arith.constant 0 : i32
    %dma_start3A_1317 = arith.constant 0 : i32
    %dma_start3A_1318 = tpu.memref_slice %arg5[%dma_start3A_1306, %dma_start3A_1316, %dma_start3A_1317] : memref<3x128x256xf32, #tpu.memory_space<vmem>> -> memref<1x128x256xf32, #tpu.memory_space<vmem>>
    %dma_start3A_1319 = tpu.memref_squeeze %dma_start3A_1318 : memref<1x128x256xf32, #tpu.memory_space<vmem>> -> memref<128x256xf32, #tpu.memory_space<vmem>>
    %dma_start3A_1320 = arith.constant 0 : i32
    %dma_start3A_1321 = tpu.memref_slice %arg2[%add3A_1305, %dma_start3A_1320] : memref<131072x256xf32, #tpu.memory_space<hbm>> -> memref<128x256xf32, #tpu.memory_space<hbm>>
    tpu.enqueue_dma source(%dma_start3A_1321 : memref<128x256xf32, #tpu.memory_space<hbm>>) target(%dma_start3A_1319 : memref<128x256xf32, #tpu.memory_space<vmem>>) target_semaphore(%dma_start3A_1315 : memref<!tpu.dma_semaphore, #tpu.memory_space<semaphore_mem>>)
    %add3A_1322 = arith.constant 2304 : i32
    %add3A_1323 = arith.addi %mul3A_2, %add3A_1322 : i32
    %dma_wait3A_1324 = arith.constant 0 : i32
    %dma_wait3A_1325 = arith.constant 0 : i32
    %dma_wait3A_1326 = arith.constant 0 : i32
    %dma_wait3A_1327 = arith.constant 0 : i32
    %dma_wait3A_1328 = tpu.memref_slice %arg5[%dma_wait3A_1324, %dma_wait3A_1326, %dma_wait3A_1327] : memref<3x128x256xf32, #tpu.memory_space<vmem>> -> memref<1x128x256xf32, #tpu.memory_space<vmem>>
    %dma_wait3A_1329 = tpu.memref_squeeze %dma_wait3A_1328 : memref<1x128x256xf32, #tpu.memory_space<vmem>> -> memref<128x256xf32, #tpu.memory_space<vmem>>
    %dma_wait3A_1330 = arith.constant 0 : i32
    %dma_wait3A_1331 = tpu.memref_slice %arg2[%add3A_1323, %dma_wait3A_1330] : memref<131072x256xf32, #tpu.memory_space<hbm>> -> memref<128x256xf32, #tpu.memory_space<hbm>>
    %dma_wait3A_1332 = tpu.memref_slice %arg7[%dma_wait3A_1325] : memref<3x!tpu.dma_semaphore, #tpu.memory_space<semaphore_mem>> -> memref<1x!tpu.dma_semaphore, #tpu.memory_space<semaphore_mem>>
    %dma_wait3A_1333 = tpu.memref_squeeze %dma_wait3A_1332 : memref<1x!tpu.dma_semaphore, #tpu.memory_space<semaphore_mem>> -> memref<!tpu.dma_semaphore, #tpu.memory_space<semaphore_mem>>
    %dma_wait3A_1334 = arith.constant 0 : i32
    %dma_wait3A_1335 = arith.constant 0 : i32
    %dma_wait3A_1336 = tpu.memref_slice %arg5[%dma_wait3A_1324, %dma_wait3A_1334, %dma_wait3A_1335] : memref<3x128x256xf32, #tpu.memory_space<vmem>> -> memref<1x128x256xf32, #tpu.memory_space<vmem>>
    %dma_wait3A_1337 = tpu.memref_squeeze %dma_wait3A_1336 : memref<1x128x256xf32, #tpu.memory_space<vmem>> -> memref<128x256xf32, #tpu.memory_space<vmem>>
    %dma_wait3A_1338 = arith.constant 0 : i32
    %dma_wait3A_1339 = tpu.memref_slice %arg2[%add3A_1323, %dma_wait3A_1338] : memref<131072x256xf32, #tpu.memory_space<hbm>> -> memref<128x256xf32, #tpu.memory_space<hbm>>
    tpu.wait_dma2 semaphore(%dma_wait3A_1333 : memref<!tpu.dma_semaphore, #tpu.memory_space<semaphore_mem>>) src(%dma_wait3A_1339 : memref<128x256xf32, #tpu.memory_space<hbm>>) dst(%dma_wait3A_1337 : memref<128x256xf32, #tpu.memory_space<vmem>>)
    %add3A_1340 = arith.constant 2304 : i32
    %add3A_1341 = arith.addi %mul3A_2, %add3A_1340 : i32
    %dma_start3A_1342 = arith.constant 0 : i32
    %dma_start3A_1343 = arith.constant 0 : i32
    %dma_start3A_1344 = arith.constant 0 : i32
    %dma_start3A_1345 = arith.constant 0 : i32
    %dma_start3A_1346 = tpu.memref_slice %arg5[%dma_start3A_1342, %dma_start3A_1344, %dma_start3A_1345] : memref<3x128x256xf32, #tpu.memory_space<vmem>> -> memref<1x128x256xf32, #tpu.memory_space<vmem>>
    %dma_start3A_1347 = tpu.memref_squeeze %dma_start3A_1346 : memref<1x128x256xf32, #tpu.memory_space<vmem>> -> memref<128x256xf32, #tpu.memory_space<vmem>>
    %dma_start3A_1348 = arith.constant 0 : i32
    %dma_start3A_1349 = tpu.memref_slice %arg3[%add3A_1341, %dma_start3A_1348] : memref<131072x256xf32, #tpu.memory_space<hbm>> -> memref<128x256xf32, #tpu.memory_space<hbm>>
    %dma_start3A_1350 = tpu.memref_slice %arg8[%dma_start3A_1343] : memref<3x!tpu.dma_semaphore, #tpu.memory_space<semaphore_mem>> -> memref<1x!tpu.dma_semaphore, #tpu.memory_space<semaphore_mem>>
    %dma_start3A_1351 = tpu.memref_squeeze %dma_start3A_1350 : memref<1x!tpu.dma_semaphore, #tpu.memory_space<semaphore_mem>> -> memref<!tpu.dma_semaphore, #tpu.memory_space<semaphore_mem>>
    %dma_start3A_1352 = arith.constant 0 : i32
    %dma_start3A_1353 = tpu.memref_slice %arg3[%add3A_1341, %dma_start3A_1352] : memref<131072x256xf32, #tpu.memory_space<hbm>> -> memref<128x256xf32, #tpu.memory_space<hbm>>
    %dma_start3A_1354 = arith.constant 0 : i32
    %dma_start3A_1355 = arith.constant 0 : i32
    %dma_start3A_1356 = tpu.memref_slice %arg5[%dma_start3A_1342, %dma_start3A_1354, %dma_start3A_1355] : memref<3x128x256xf32, #tpu.memory_space<vmem>> -> memref<1x128x256xf32, #tpu.memory_space<vmem>>
    %dma_start3A_1357 = tpu.memref_squeeze %dma_start3A_1356 : memref<1x128x256xf32, #tpu.memory_space<vmem>> -> memref<128x256xf32, #tpu.memory_space<vmem>>
    tpu.enqueue_dma source(%dma_start3A_1357 : memref<128x256xf32, #tpu.memory_space<vmem>>) target(%dma_start3A_1353 : memref<128x256xf32, #tpu.memory_space<hbm>>) target_semaphore(%dma_start3A_1351 : memref<!tpu.dma_semaphore, #tpu.memory_space<semaphore_mem>>)
    %add3A_1358 = arith.constant 2176 : i32
    %add3A_1359 = arith.addi %mul3A_2, %add3A_1358 : i32
    %dma_wait3A_1360 = arith.constant 2 : i32
    %dma_wait3A_1361 = arith.constant 2 : i32
    %dma_wait3A_1362 = arith.constant 0 : i32
    %dma_wait3A_1363 = arith.constant 0 : i32
    %dma_wait3A_1364 = tpu.memref_slice %arg5[%dma_wait3A_1360, %dma_wait3A_1362, %dma_wait3A_1363] : memref<3x128x256xf32, #tpu.memory_space<vmem>> -> memref<1x128x256xf32, #tpu.memory_space<vmem>>
    %dma_wait3A_1365 = tpu.memref_squeeze %dma_wait3A_1364 : memref<1x128x256xf32, #tpu.memory_space<vmem>> -> memref<128x256xf32, #tpu.memory_space<vmem>>
    %dma_wait3A_1366 = arith.constant 0 : i32
    %dma_wait3A_1367 = tpu.memref_slice %arg3[%add3A_1359, %dma_wait3A_1366] : memref<131072x256xf32, #tpu.memory_space<hbm>> -> memref<128x256xf32, #tpu.memory_space<hbm>>
    %dma_wait3A_1368 = tpu.memref_slice %arg8[%dma_wait3A_1361] : memref<3x!tpu.dma_semaphore, #tpu.memory_space<semaphore_mem>> -> memref<1x!tpu.dma_semaphore, #tpu.memory_space<semaphore_mem>>
    %dma_wait3A_1369 = tpu.memref_squeeze %dma_wait3A_1368 : memref<1x!tpu.dma_semaphore, #tpu.memory_space<semaphore_mem>> -> memref<!tpu.dma_semaphore, #tpu.memory_space<semaphore_mem>>
    %dma_wait3A_1370 = arith.constant 0 : i32
    %dma_wait3A_1371 = tpu.memref_slice %arg3[%add3A_1359, %dma_wait3A_1370] : memref<131072x256xf32, #tpu.memory_space<hbm>> -> memref<128x256xf32, #tpu.memory_space<hbm>>
    %dma_wait3A_1372 = arith.constant 0 : i32
    %dma_wait3A_1373 = arith.constant 0 : i32
    %dma_wait3A_1374 = tpu.memref_slice %arg5[%dma_wait3A_1360, %dma_wait3A_1372, %dma_wait3A_1373] : memref<3x128x256xf32, #tpu.memory_space<vmem>> -> memref<1x128x256xf32, #tpu.memory_space<vmem>>
    %dma_wait3A_1375 = tpu.memref_squeeze %dma_wait3A_1374 : memref<1x128x256xf32, #tpu.memory_space<vmem>> -> memref<128x256xf32, #tpu.memory_space<vmem>>
    tpu.wait_dma2 semaphore(%dma_wait3A_1369 : memref<!tpu.dma_semaphore, #tpu.memory_space<semaphore_mem>>) src(%dma_wait3A_1375 : memref<128x256xf32, #tpu.memory_space<vmem>>) dst(%dma_wait3A_1371 : memref<128x256xf32, #tpu.memory_space<hbm>>)
    %add3A_1376 = arith.constant 2560 : i32
    %add3A_1377 = arith.addi %mul3A_2, %add3A_1376 : i32
    %dma_start3A_1378 = arith.constant 2 : i32
    %dma_start3A_1379 = arith.constant 2 : i32
    %dma_start3A_1380 = arith.constant 0 : i32
    %dma_start3A_1381 = arith.constant 0 : i32
    %dma_start3A_1382 = tpu.memref_slice %arg5[%dma_start3A_1378, %dma_start3A_1380, %dma_start3A_1381] : memref<3x128x256xf32, #tpu.memory_space<vmem>> -> memref<1x128x256xf32, #tpu.memory_space<vmem>>
    %dma_start3A_1383 = tpu.memref_squeeze %dma_start3A_1382 : memref<1x128x256xf32, #tpu.memory_space<vmem>> -> memref<128x256xf32, #tpu.memory_space<vmem>>
    %dma_start3A_1384 = arith.constant 0 : i32
    %dma_start3A_1385 = tpu.memref_slice %arg2[%add3A_1377, %dma_start3A_1384] : memref<131072x256xf32, #tpu.memory_space<hbm>> -> memref<128x256xf32, #tpu.memory_space<hbm>>
    %dma_start3A_1386 = tpu.memref_slice %arg7[%dma_start3A_1379] : memref<3x!tpu.dma_semaphore, #tpu.memory_space<semaphore_mem>> -> memref<1x!tpu.dma_semaphore, #tpu.memory_space<semaphore_mem>>
    %dma_start3A_1387 = tpu.memref_squeeze %dma_start3A_1386 : memref<1x!tpu.dma_semaphore, #tpu.memory_space<semaphore_mem>> -> memref<!tpu.dma_semaphore, #tpu.memory_space<semaphore_mem>>
    %dma_start3A_1388 = arith.constant 0 : i32
    %dma_start3A_1389 = arith.constant 0 : i32
    %dma_start3A_1390 = tpu.memref_slice %arg5[%dma_start3A_1378, %dma_start3A_1388, %dma_start3A_1389] : memref<3x128x256xf32, #tpu.memory_space<vmem>> -> memref<1x128x256xf32, #tpu.memory_space<vmem>>
    %dma_start3A_1391 = tpu.memref_squeeze %dma_start3A_1390 : memref<1x128x256xf32, #tpu.memory_space<vmem>> -> memref<128x256xf32, #tpu.memory_space<vmem>>
    %dma_start3A_1392 = arith.constant 0 : i32
    %dma_start3A_1393 = tpu.memref_slice %arg2[%add3A_1377, %dma_start3A_1392] : memref<131072x256xf32, #tpu.memory_space<hbm>> -> memref<128x256xf32, #tpu.memory_space<hbm>>
    tpu.enqueue_dma source(%dma_start3A_1393 : memref<128x256xf32, #tpu.memory_space<hbm>>) target(%dma_start3A_1391 : memref<128x256xf32, #tpu.memory_space<vmem>>) target_semaphore(%dma_start3A_1387 : memref<!tpu.dma_semaphore, #tpu.memory_space<semaphore_mem>>)
    %add3A_1394 = arith.constant 2432 : i32
    %add3A_1395 = arith.addi %mul3A_2, %add3A_1394 : i32
    %dma_wait3A_1396 = arith.constant 1 : i32
    %dma_wait3A_1397 = arith.constant 1 : i32
    %dma_wait3A_1398 = arith.constant 0 : i32
    %dma_wait3A_1399 = arith.constant 0 : i32
    %dma_wait3A_1400 = tpu.memref_slice %arg5[%dma_wait3A_1396, %dma_wait3A_1398, %dma_wait3A_1399] : memref<3x128x256xf32, #tpu.memory_space<vmem>> -> memref<1x128x256xf32, #tpu.memory_space<vmem>>
    %dma_wait3A_1401 = tpu.memref_squeeze %dma_wait3A_1400 : memref<1x128x256xf32, #tpu.memory_space<vmem>> -> memref<128x256xf32, #tpu.memory_space<vmem>>
    %dma_wait3A_1402 = arith.constant 0 : i32
    %dma_wait3A_1403 = tpu.memref_slice %arg2[%add3A_1395, %dma_wait3A_1402] : memref<131072x256xf32, #tpu.memory_space<hbm>> -> memref<128x256xf32, #tpu.memory_space<hbm>>
    %dma_wait3A_1404 = tpu.memref_slice %arg7[%dma_wait3A_1397] : memref<3x!tpu.dma_semaphore, #tpu.memory_space<semaphore_mem>> -> memref<1x!tpu.dma_semaphore, #tpu.memory_space<semaphore_mem>>
    %dma_wait3A_1405 = tpu.memref_squeeze %dma_wait3A_1404 : memref<1x!tpu.dma_semaphore, #tpu.memory_space<semaphore_mem>> -> memref<!tpu.dma_semaphore, #tpu.memory_space<semaphore_mem>>
    %dma_wait3A_1406 = arith.constant 0 : i32
    %dma_wait3A_1407 = arith.constant 0 : i32
    %dma_wait3A_1408 = tpu.memref_slice %arg5[%dma_wait3A_1396, %dma_wait3A_1406, %dma_wait3A_1407] : memref<3x128x256xf32, #tpu.memory_space<vmem>> -> memref<1x128x256xf32, #tpu.memory_space<vmem>>
    %dma_wait3A_1409 = tpu.memref_squeeze %dma_wait3A_1408 : memref<1x128x256xf32, #tpu.memory_space<vmem>> -> memref<128x256xf32, #tpu.memory_space<vmem>>
    %dma_wait3A_1410 = arith.constant 0 : i32
    %dma_wait3A_1411 = tpu.memref_slice %arg2[%add3A_1395, %dma_wait3A_1410] : memref<131072x256xf32, #tpu.memory_space<hbm>> -> memref<128x256xf32, #tpu.memory_space<hbm>>
    tpu.wait_dma2 semaphore(%dma_wait3A_1405 : memref<!tpu.dma_semaphore, #tpu.memory_space<semaphore_mem>>) src(%dma_wait3A_1411 : memref<128x256xf32, #tpu.memory_space<hbm>>) dst(%dma_wait3A_1409 : memref<128x256xf32, #tpu.memory_space<vmem>>)
    %add3A_1412 = arith.constant 2432 : i32
    %add3A_1413 = arith.addi %mul3A_2, %add3A_1412 : i32
    %dma_start3A_1414 = arith.constant 1 : i32
    %dma_start3A_1415 = arith.constant 1 : i32
    %dma_start3A_1416 = arith.constant 0 : i32
    %dma_start3A_1417 = arith.constant 0 : i32
    %dma_start3A_1418 = tpu.memref_slice %arg5[%dma_start3A_1414, %dma_start3A_1416, %dma_start3A_1417] : memref<3x128x256xf32, #tpu.memory_space<vmem>> -> memref<1x128x256xf32, #tpu.memory_space<vmem>>
    %dma_start3A_1419 = tpu.memref_squeeze %dma_start3A_1418 : memref<1x128x256xf32, #tpu.memory_space<vmem>> -> memref<128x256xf32, #tpu.memory_space<vmem>>
    %dma_start3A_1420 = arith.constant 0 : i32
    %dma_start3A_1421 = tpu.memref_slice %arg3[%add3A_1413, %dma_start3A_1420] : memref<131072x256xf32, #tpu.memory_space<hbm>> -> memref<128x256xf32, #tpu.memory_space<hbm>>
    %dma_start3A_1422 = tpu.memref_slice %arg8[%dma_start3A_1415] : memref<3x!tpu.dma_semaphore, #tpu.memory_space<semaphore_mem>> -> memref<1x!tpu.dma_semaphore, #tpu.memory_space<semaphore_mem>>
    %dma_start3A_1423 = tpu.memref_squeeze %dma_start3A_1422 : memref<1x!tpu.dma_semaphore, #tpu.memory_space<semaphore_mem>> -> memref<!tpu.dma_semaphore, #tpu.memory_space<semaphore_mem>>
    %dma_start3A_1424 = arith.constant 0 : i32
    %dma_start3A_1425 = tpu.memref_slice %arg3[%add3A_1413, %dma_start3A_1424] : memref<131072x256xf32, #tpu.memory_space<hbm>> -> memref<128x256xf32, #tpu.memory_space<hbm>>
    %dma_start3A_1426 = arith.constant 0 : i32
    %dma_start3A_1427 = arith.constant 0 : i32
    %dma_start3A_1428 = tpu.memref_slice %arg5[%dma_start3A_1414, %dma_start3A_1426, %dma_start3A_1427] : memref<3x128x256xf32, #tpu.memory_space<vmem>> -> memref<1x128x256xf32, #tpu.memory_space<vmem>>
    %dma_start3A_1429 = tpu.memref_squeeze %dma_start3A_1428 : memref<1x128x256xf32, #tpu.memory_space<vmem>> -> memref<128x256xf32, #tpu.memory_space<vmem>>
    tpu.enqueue_dma source(%dma_start3A_1429 : memref<128x256xf32, #tpu.memory_space<vmem>>) target(%dma_start3A_1425 : memref<128x256xf32, #tpu.memory_space<hbm>>) target_semaphore(%dma_start3A_1423 : memref<!tpu.dma_semaphore, #tpu.memory_space<semaphore_mem>>)
    %add3A_1430 = arith.constant 2304 : i32
    %add3A_1431 = arith.addi %mul3A_2, %add3A_1430 : i32
    %dma_wait3A_1432 = arith.constant 0 : i32
    %dma_wait3A_1433 = arith.constant 0 : i32
    %dma_wait3A_1434 = arith.constant 0 : i32
    %dma_wait3A_1435 = arith.constant 0 : i32
    %dma_wait3A_1436 = tpu.memref_slice %arg5[%dma_wait3A_1432, %dma_wait3A_1434, %dma_wait3A_1435] : memref<3x128x256xf32, #tpu.memory_space<vmem>> -> memref<1x128x256xf32, #tpu.memory_space<vmem>>
    %dma_wait3A_1437 = tpu.memref_squeeze %dma_wait3A_1436 : memref<1x128x256xf32, #tpu.memory_space<vmem>> -> memref<128x256xf32, #tpu.memory_space<vmem>>
    %dma_wait3A_1438 = arith.constant 0 : i32
    %dma_wait3A_1439 = tpu.memref_slice %arg3[%add3A_1431, %dma_wait3A_1438] : memref<131072x256xf32, #tpu.memory_space<hbm>> -> memref<128x256xf32, #tpu.memory_space<hbm>>
    %dma_wait3A_1440 = tpu.memref_slice %arg8[%dma_wait3A_1433] : memref<3x!tpu.dma_semaphore, #tpu.memory_space<semaphore_mem>> -> memref<1x!tpu.dma_semaphore, #tpu.memory_space<semaphore_mem>>
    %dma_wait3A_1441 = tpu.memref_squeeze %dma_wait3A_1440 : memref<1x!tpu.dma_semaphore, #tpu.memory_space<semaphore_mem>> -> memref<!tpu.dma_semaphore, #tpu.memory_space<semaphore_mem>>
    %dma_wait3A_1442 = arith.constant 0 : i32
    %dma_wait3A_1443 = tpu.memref_slice %arg3[%add3A_1431, %dma_wait3A_1442] : memref<131072x256xf32, #tpu.memory_space<hbm>> -> memref<128x256xf32, #tpu.memory_space<hbm>>
    %dma_wait3A_1444 = arith.constant 0 : i32
    %dma_wait3A_1445 = arith.constant 0 : i32
    %dma_wait3A_1446 = tpu.memref_slice %arg5[%dma_wait3A_1432, %dma_wait3A_1444, %dma_wait3A_1445] : memref<3x128x256xf32, #tpu.memory_space<vmem>> -> memref<1x128x256xf32, #tpu.memory_space<vmem>>
    %dma_wait3A_1447 = tpu.memref_squeeze %dma_wait3A_1446 : memref<1x128x256xf32, #tpu.memory_space<vmem>> -> memref<128x256xf32, #tpu.memory_space<vmem>>
    tpu.wait_dma2 semaphore(%dma_wait3A_1441 : memref<!tpu.dma_semaphore, #tpu.memory_space<semaphore_mem>>) src(%dma_wait3A_1447 : memref<128x256xf32, #tpu.memory_space<vmem>>) dst(%dma_wait3A_1443 : memref<128x256xf32, #tpu.memory_space<hbm>>)
    %add3A_1448 = arith.constant 2688 : i32
    %add3A_1449 = arith.addi %mul3A_2, %add3A_1448 : i32
    %dma_start3A_1450 = arith.constant 0 : i32
    %dma_start3A_1451 = arith.constant 0 : i32
    %dma_start3A_1452 = arith.constant 0 : i32
    %dma_start3A_1453 = arith.constant 0 : i32
    %dma_start3A_1454 = tpu.memref_slice %arg5[%dma_start3A_1450, %dma_start3A_1452, %dma_start3A_1453] : memref<3x128x256xf32, #tpu.memory_space<vmem>> -> memref<1x128x256xf32, #tpu.memory_space<vmem>>
    %dma_start3A_1455 = tpu.memref_squeeze %dma_start3A_1454 : memref<1x128x256xf32, #tpu.memory_space<vmem>> -> memref<128x256xf32, #tpu.memory_space<vmem>>
    %dma_start3A_1456 = arith.constant 0 : i32
    %dma_start3A_1457 = tpu.memref_slice %arg2[%add3A_1449, %dma_start3A_1456] : memref<131072x256xf32, #tpu.memory_space<hbm>> -> memref<128x256xf32, #tpu.memory_space<hbm>>
    %dma_start3A_1458 = tpu.memref_slice %arg7[%dma_start3A_1451] : memref<3x!tpu.dma_semaphore, #tpu.memory_space<semaphore_mem>> -> memref<1x!tpu.dma_semaphore, #tpu.memory_space<semaphore_mem>>
    %dma_start3A_1459 = tpu.memref_squeeze %dma_start3A_1458 : memref<1x!tpu.dma_semaphore, #tpu.memory_space<semaphore_mem>> -> memref<!tpu.dma_semaphore, #tpu.memory_space<semaphore_mem>>
    %dma_start3A_1460 = arith.constant 0 : i32
    %dma_start3A_1461 = arith.constant 0 : i32
    %dma_start3A_1462 = tpu.memref_slice %arg5[%dma_start3A_1450, %dma_start3A_1460, %dma_start3A_1461] : memref<3x128x256xf32, #tpu.memory_space<vmem>> -> memref<1x128x256xf32, #tpu.memory_space<vmem>>
    %dma_start3A_1463 = tpu.memref_squeeze %dma_start3A_1462 : memref<1x128x256xf32, #tpu.memory_space<vmem>> -> memref<128x256xf32, #tpu.memory_space<vmem>>
    %dma_start3A_1464 = arith.constant 0 : i32
    %dma_start3A_1465 = tpu.memref_slice %arg2[%add3A_1449, %dma_start3A_1464] : memref<131072x256xf32, #tpu.memory_space<hbm>> -> memref<128x256xf32, #tpu.memory_space<hbm>>
    tpu.enqueue_dma source(%dma_start3A_1465 : memref<128x256xf32, #tpu.memory_space<hbm>>) target(%dma_start3A_1463 : memref<128x256xf32, #tpu.memory_space<vmem>>) target_semaphore(%dma_start3A_1459 : memref<!tpu.dma_semaphore, #tpu.memory_space<semaphore_mem>>)
    %add3A_1466 = arith.constant 2560 : i32
    %add3A_1467 = arith.addi %mul3A_2, %add3A_1466 : i32
    %dma_wait3A_1468 = arith.constant 2 : i32
    %dma_wait3A_1469 = arith.constant 2 : i32
    %dma_wait3A_1470 = arith.constant 0 : i32
    %dma_wait3A_1471 = arith.constant 0 : i32
    %dma_wait3A_1472 = tpu.memref_slice %arg5[%dma_wait3A_1468, %dma_wait3A_1470, %dma_wait3A_1471] : memref<3x128x256xf32, #tpu.memory_space<vmem>> -> memref<1x128x256xf32, #tpu.memory_space<vmem>>
    %dma_wait3A_1473 = tpu.memref_squeeze %dma_wait3A_1472 : memref<1x128x256xf32, #tpu.memory_space<vmem>> -> memref<128x256xf32, #tpu.memory_space<vmem>>
    %dma_wait3A_1474 = arith.constant 0 : i32
    %dma_wait3A_1475 = tpu.memref_slice %arg2[%add3A_1467, %dma_wait3A_1474] : memref<131072x256xf32, #tpu.memory_space<hbm>> -> memref<128x256xf32, #tpu.memory_space<hbm>>
    %dma_wait3A_1476 = tpu.memref_slice %arg7[%dma_wait3A_1469] : memref<3x!tpu.dma_semaphore, #tpu.memory_space<semaphore_mem>> -> memref<1x!tpu.dma_semaphore, #tpu.memory_space<semaphore_mem>>
    %dma_wait3A_1477 = tpu.memref_squeeze %dma_wait3A_1476 : memref<1x!tpu.dma_semaphore, #tpu.memory_space<semaphore_mem>> -> memref<!tpu.dma_semaphore, #tpu.memory_space<semaphore_mem>>
    %dma_wait3A_1478 = arith.constant 0 : i32
    %dma_wait3A_1479 = arith.constant 0 : i32
    %dma_wait3A_1480 = tpu.memref_slice %arg5[%dma_wait3A_1468, %dma_wait3A_1478, %dma_wait3A_1479] : memref<3x128x256xf32, #tpu.memory_space<vmem>> -> memref<1x128x256xf32, #tpu.memory_space<vmem>>
    %dma_wait3A_1481 = tpu.memref_squeeze %dma_wait3A_1480 : memref<1x128x256xf32, #tpu.memory_space<vmem>> -> memref<128x256xf32, #tpu.memory_space<vmem>>
    %dma_wait3A_1482 = arith.constant 0 : i32
    %dma_wait3A_1483 = tpu.memref_slice %arg2[%add3A_1467, %dma_wait3A_1482] : memref<131072x256xf32, #tpu.memory_space<hbm>> -> memref<128x256xf32, #tpu.memory_space<hbm>>
    tpu.wait_dma2 semaphore(%dma_wait3A_1477 : memref<!tpu.dma_semaphore, #tpu.memory_space<semaphore_mem>>) src(%dma_wait3A_1483 : memref<128x256xf32, #tpu.memory_space<hbm>>) dst(%dma_wait3A_1481 : memref<128x256xf32, #tpu.memory_space<vmem>>)
    %add3A_1484 = arith.constant 2560 : i32
    %add3A_1485 = arith.addi %mul3A_2, %add3A_1484 : i32
    %dma_start3A_1486 = arith.constant 2 : i32
    %dma_start3A_1487 = arith.constant 2 : i32
    %dma_start3A_1488 = arith.constant 0 : i32
    %dma_start3A_1489 = arith.constant 0 : i32
    %dma_start3A_1490 = tpu.memref_slice %arg5[%dma_start3A_1486, %dma_start3A_1488, %dma_start3A_1489] : memref<3x128x256xf32, #tpu.memory_space<vmem>> -> memref<1x128x256xf32, #tpu.memory_space<vmem>>
    %dma_start3A_1491 = tpu.memref_squeeze %dma_start3A_1490 : memref<1x128x256xf32, #tpu.memory_space<vmem>> -> memref<128x256xf32, #tpu.memory_space<vmem>>
    %dma_start3A_1492 = arith.constant 0 : i32
    %dma_start3A_1493 = tpu.memref_slice %arg3[%add3A_1485, %dma_start3A_1492] : memref<131072x256xf32, #tpu.memory_space<hbm>> -> memref<128x256xf32, #tpu.memory_space<hbm>>
    %dma_start3A_1494 = tpu.memref_slice %arg8[%dma_start3A_1487] : memref<3x!tpu.dma_semaphore, #tpu.memory_space<semaphore_mem>> -> memref<1x!tpu.dma_semaphore, #tpu.memory_space<semaphore_mem>>
    %dma_start3A_1495 = tpu.memref_squeeze %dma_start3A_1494 : memref<1x!tpu.dma_semaphore, #tpu.memory_space<semaphore_mem>> -> memref<!tpu.dma_semaphore, #tpu.memory_space<semaphore_mem>>
    %dma_start3A_1496 = arith.constant 0 : i32
    %dma_start3A_1497 = tpu.memref_slice %arg3[%add3A_1485, %dma_start3A_1496] : memref<131072x256xf32, #tpu.memory_space<hbm>> -> memref<128x256xf32, #tpu.memory_space<hbm>>
    %dma_start3A_1498 = arith.constant 0 : i32
    %dma_start3A_1499 = arith.constant 0 : i32
    %dma_start3A_1500 = tpu.memref_slice %arg5[%dma_start3A_1486, %dma_start3A_1498, %dma_start3A_1499] : memref<3x128x256xf32, #tpu.memory_space<vmem>> -> memref<1x128x256xf32, #tpu.memory_space<vmem>>
    %dma_start3A_1501 = tpu.memref_squeeze %dma_start3A_1500 : memref<1x128x256xf32, #tpu.memory_space<vmem>> -> memref<128x256xf32, #tpu.memory_space<vmem>>
    tpu.enqueue_dma source(%dma_start3A_1501 : memref<128x256xf32, #tpu.memory_space<vmem>>) target(%dma_start3A_1497 : memref<128x256xf32, #tpu.memory_space<hbm>>) target_semaphore(%dma_start3A_1495 : memref<!tpu.dma_semaphore, #tpu.memory_space<semaphore_mem>>)
    %add3A_1502 = arith.constant 2432 : i32
    %add3A_1503 = arith.addi %mul3A_2, %add3A_1502 : i32
    %dma_wait3A_1504 = arith.constant 1 : i32
    %dma_wait3A_1505 = arith.constant 1 : i32
    %dma_wait3A_1506 = arith.constant 0 : i32
    %dma_wait3A_1507 = arith.constant 0 : i32
    %dma_wait3A_1508 = tpu.memref_slice %arg5[%dma_wait3A_1504, %dma_wait3A_1506, %dma_wait3A_1507] : memref<3x128x256xf32, #tpu.memory_space<vmem>> -> memref<1x128x256xf32, #tpu.memory_space<vmem>>
    %dma_wait3A_1509 = tpu.memref_squeeze %dma_wait3A_1508 : memref<1x128x256xf32, #tpu.memory_space<vmem>> -> memref<128x256xf32, #tpu.memory_space<vmem>>
    %dma_wait3A_1510 = arith.constant 0 : i32
    %dma_wait3A_1511 = tpu.memref_slice %arg3[%add3A_1503, %dma_wait3A_1510] : memref<131072x256xf32, #tpu.memory_space<hbm>> -> memref<128x256xf32, #tpu.memory_space<hbm>>
    %dma_wait3A_1512 = tpu.memref_slice %arg8[%dma_wait3A_1505] : memref<3x!tpu.dma_semaphore, #tpu.memory_space<semaphore_mem>> -> memref<1x!tpu.dma_semaphore, #tpu.memory_space<semaphore_mem>>
    %dma_wait3A_1513 = tpu.memref_squeeze %dma_wait3A_1512 : memref<1x!tpu.dma_semaphore, #tpu.memory_space<semaphore_mem>> -> memref<!tpu.dma_semaphore, #tpu.memory_space<semaphore_mem>>
    %dma_wait3A_1514 = arith.constant 0 : i32
    %dma_wait3A_1515 = tpu.memref_slice %arg3[%add3A_1503, %dma_wait3A_1514] : memref<131072x256xf32, #tpu.memory_space<hbm>> -> memref<128x256xf32, #tpu.memory_space<hbm>>
    %dma_wait3A_1516 = arith.constant 0 : i32
    %dma_wait3A_1517 = arith.constant 0 : i32
    %dma_wait3A_1518 = tpu.memref_slice %arg5[%dma_wait3A_1504, %dma_wait3A_1516, %dma_wait3A_1517] : memref<3x128x256xf32, #tpu.memory_space<vmem>> -> memref<1x128x256xf32, #tpu.memory_space<vmem>>
    %dma_wait3A_1519 = tpu.memref_squeeze %dma_wait3A_1518 : memref<1x128x256xf32, #tpu.memory_space<vmem>> -> memref<128x256xf32, #tpu.memory_space<vmem>>
    tpu.wait_dma2 semaphore(%dma_wait3A_1513 : memref<!tpu.dma_semaphore, #tpu.memory_space<semaphore_mem>>) src(%dma_wait3A_1519 : memref<128x256xf32, #tpu.memory_space<vmem>>) dst(%dma_wait3A_1515 : memref<128x256xf32, #tpu.memory_space<hbm>>)
    %add3A_1520 = arith.constant 2816 : i32
    %add3A_1521 = arith.addi %mul3A_2, %add3A_1520 : i32
    %dma_start3A_1522 = arith.constant 1 : i32
    %dma_start3A_1523 = arith.constant 1 : i32
    %dma_start3A_1524 = arith.constant 0 : i32
    %dma_start3A_1525 = arith.constant 0 : i32
    %dma_start3A_1526 = tpu.memref_slice %arg5[%dma_start3A_1522, %dma_start3A_1524, %dma_start3A_1525] : memref<3x128x256xf32, #tpu.memory_space<vmem>> -> memref<1x128x256xf32, #tpu.memory_space<vmem>>
    %dma_start3A_1527 = tpu.memref_squeeze %dma_start3A_1526 : memref<1x128x256xf32, #tpu.memory_space<vmem>> -> memref<128x256xf32, #tpu.memory_space<vmem>>
    %dma_start3A_1528 = arith.constant 0 : i32
    %dma_start3A_1529 = tpu.memref_slice %arg2[%add3A_1521, %dma_start3A_1528] : memref<131072x256xf32, #tpu.memory_space<hbm>> -> memref<128x256xf32, #tpu.memory_space<hbm>>
    %dma_start3A_1530 = tpu.memref_slice %arg7[%dma_start3A_1523] : memref<3x!tpu.dma_semaphore, #tpu.memory_space<semaphore_mem>> -> memref<1x!tpu.dma_semaphore, #tpu.memory_space<semaphore_mem>>
    %dma_start3A_1531 = tpu.memref_squeeze %dma_start3A_1530 : memref<1x!tpu.dma_semaphore, #tpu.memory_space<semaphore_mem>> -> memref<!tpu.dma_semaphore, #tpu.memory_space<semaphore_mem>>
    %dma_start3A_1532 = arith.constant 0 : i32
    %dma_start3A_1533 = arith.constant 0 : i32
    %dma_start3A_1534 = tpu.memref_slice %arg5[%dma_start3A_1522, %dma_start3A_1532, %dma_start3A_1533] : memref<3x128x256xf32, #tpu.memory_space<vmem>> -> memref<1x128x256xf32, #tpu.memory_space<vmem>>
    %dma_start3A_1535 = tpu.memref_squeeze %dma_start3A_1534 : memref<1x128x256xf32, #tpu.memory_space<vmem>> -> memref<128x256xf32, #tpu.memory_space<vmem>>
    %dma_start3A_1536 = arith.constant 0 : i32
    %dma_start3A_1537 = tpu.memref_slice %arg2[%add3A_1521, %dma_start3A_1536] : memref<131072x256xf32, #tpu.memory_space<hbm>> -> memref<128x256xf32, #tpu.memory_space<hbm>>
    tpu.enqueue_dma source(%dma_start3A_1537 : memref<128x256xf32, #tpu.memory_space<hbm>>) target(%dma_start3A_1535 : memref<128x256xf32, #tpu.memory_space<vmem>>) target_semaphore(%dma_start3A_1531 : memref<!tpu.dma_semaphore, #tpu.memory_space<semaphore_mem>>)
    %add3A_1538 = arith.constant 2688 : i32
    %add3A_1539 = arith.addi %mul3A_2, %add3A_1538 : i32
    %dma_wait3A_1540 = arith.constant 0 : i32
    %dma_wait3A_1541 = arith.constant 0 : i32
    %dma_wait3A_1542 = arith.constant 0 : i32
    %dma_wait3A_1543 = arith.constant 0 : i32
    %dma_wait3A_1544 = tpu.memref_slice %arg5[%dma_wait3A_1540, %dma_wait3A_1542, %dma_wait3A_1543] : memref<3x128x256xf32, #tpu.memory_space<vmem>> -> memref<1x128x256xf32, #tpu.memory_space<vmem>>
    %dma_wait3A_1545 = tpu.memref_squeeze %dma_wait3A_1544 : memref<1x128x256xf32, #tpu.memory_space<vmem>> -> memref<128x256xf32, #tpu.memory_space<vmem>>
    %dma_wait3A_1546 = arith.constant 0 : i32
    %dma_wait3A_1547 = tpu.memref_slice %arg2[%add3A_1539, %dma_wait3A_1546] : memref<131072x256xf32, #tpu.memory_space<hbm>> -> memref<128x256xf32, #tpu.memory_space<hbm>>
    %dma_wait3A_1548 = tpu.memref_slice %arg7[%dma_wait3A_1541] : memref<3x!tpu.dma_semaphore, #tpu.memory_space<semaphore_mem>> -> memref<1x!tpu.dma_semaphore, #tpu.memory_space<semaphore_mem>>
    %dma_wait3A_1549 = tpu.memref_squeeze %dma_wait3A_1548 : memref<1x!tpu.dma_semaphore, #tpu.memory_space<semaphore_mem>> -> memref<!tpu.dma_semaphore, #tpu.memory_space<semaphore_mem>>
    %dma_wait3A_1550 = arith.constant 0 : i32
    %dma_wait3A_1551 = arith.constant 0 : i32
    %dma_wait3A_1552 = tpu.memref_slice %arg5[%dma_wait3A_1540, %dma_wait3A_1550, %dma_wait3A_1551] : memref<3x128x256xf32, #tpu.memory_space<vmem>> -> memref<1x128x256xf32, #tpu.memory_space<vmem>>
    %dma_wait3A_1553 = tpu.memref_squeeze %dma_wait3A_1552 : memref<1x128x256xf32, #tpu.memory_space<vmem>> -> memref<128x256xf32, #tpu.memory_space<vmem>>
    %dma_wait3A_1554 = arith.constant 0 : i32
    %dma_wait3A_1555 = tpu.memref_slice %arg2[%add3A_1539, %dma_wait3A_1554] : memref<131072x256xf32, #tpu.memory_space<hbm>> -> memref<128x256xf32, #tpu.memory_space<hbm>>
    tpu.wait_dma2 semaphore(%dma_wait3A_1549 : memref<!tpu.dma_semaphore, #tpu.memory_space<semaphore_mem>>) src(%dma_wait3A_1555 : memref<128x256xf32, #tpu.memory_space<hbm>>) dst(%dma_wait3A_1553 : memref<128x256xf32, #tpu.memory_space<vmem>>)
    %add3A_1556 = arith.constant 2688 : i32
    %add3A_1557 = arith.addi %mul3A_2, %add3A_1556 : i32
    %dma_start3A_1558 = arith.constant 0 : i32
    %dma_start3A_1559 = arith.constant 0 : i32
    %dma_start3A_1560 = arith.constant 0 : i32
    %dma_start3A_1561 = arith.constant 0 : i32
    %dma_start3A_1562 = tpu.memref_slice %arg5[%dma_start3A_1558, %dma_start3A_1560, %dma_start3A_1561] : memref<3x128x256xf32, #tpu.memory_space<vmem>> -> memref<1x128x256xf32, #tpu.memory_space<vmem>>
    %dma_start3A_1563 = tpu.memref_squeeze %dma_start3A_1562 : memref<1x128x256xf32, #tpu.memory_space<vmem>> -> memref<128x256xf32, #tpu.memory_space<vmem>>
    %dma_start3A_1564 = arith.constant 0 : i32
    %dma_start3A_1565 = tpu.memref_slice %arg3[%add3A_1557, %dma_start3A_1564] : memref<131072x256xf32, #tpu.memory_space<hbm>> -> memref<128x256xf32, #tpu.memory_space<hbm>>
    %dma_start3A_1566 = tpu.memref_slice %arg8[%dma_start3A_1559] : memref<3x!tpu.dma_semaphore, #tpu.memory_space<semaphore_mem>> -> memref<1x!tpu.dma_semaphore, #tpu.memory_space<semaphore_mem>>
    %dma_start3A_1567 = tpu.memref_squeeze %dma_start3A_1566 : memref<1x!tpu.dma_semaphore, #tpu.memory_space<semaphore_mem>> -> memref<!tpu.dma_semaphore, #tpu.memory_space<semaphore_mem>>
    %dma_start3A_1568 = arith.constant 0 : i32
    %dma_start3A_1569 = tpu.memref_slice %arg3[%add3A_1557, %dma_start3A_1568] : memref<131072x256xf32, #tpu.memory_space<hbm>> -> memref<128x256xf32, #tpu.memory_space<hbm>>
    %dma_start3A_1570 = arith.constant 0 : i32
    %dma_start3A_1571 = arith.constant 0 : i32
    %dma_start3A_1572 = tpu.memref_slice %arg5[%dma_start3A_1558, %dma_start3A_1570, %dma_start3A_1571] : memref<3x128x256xf32, #tpu.memory_space<vmem>> -> memref<1x128x256xf32, #tpu.memory_space<vmem>>
    %dma_start3A_1573 = tpu.memref_squeeze %dma_start3A_1572 : memref<1x128x256xf32, #tpu.memory_space<vmem>> -> memref<128x256xf32, #tpu.memory_space<vmem>>
    tpu.enqueue_dma source(%dma_start3A_1573 : memref<128x256xf32, #tpu.memory_space<vmem>>) target(%dma_start3A_1569 : memref<128x256xf32, #tpu.memory_space<hbm>>) target_semaphore(%dma_start3A_1567 : memref<!tpu.dma_semaphore, #tpu.memory_space<semaphore_mem>>)
    %add3A_1574 = arith.constant 2560 : i32
    %add3A_1575 = arith.addi %mul3A_2, %add3A_1574 : i32
    %dma_wait3A_1576 = arith.constant 2 : i32
    %dma_wait3A_1577 = arith.constant 2 : i32
    %dma_wait3A_1578 = arith.constant 0 : i32
    %dma_wait3A_1579 = arith.constant 0 : i32
    %dma_wait3A_1580 = tpu.memref_slice %arg5[%dma_wait3A_1576, %dma_wait3A_1578, %dma_wait3A_1579] : memref<3x128x256xf32, #tpu.memory_space<vmem>> -> memref<1x128x256xf32, #tpu.memory_space<vmem>>
    %dma_wait3A_1581 = tpu.memref_squeeze %dma_wait3A_1580 : memref<1x128x256xf32, #tpu.memory_space<vmem>> -> memref<128x256xf32, #tpu.memory_space<vmem>>
    %dma_wait3A_1582 = arith.constant 0 : i32
    %dma_wait3A_1583 = tpu.memref_slice %arg3[%add3A_1575, %dma_wait3A_1582] : memref<131072x256xf32, #tpu.memory_space<hbm>> -> memref<128x256xf32, #tpu.memory_space<hbm>>
    %dma_wait3A_1584 = tpu.memref_slice %arg8[%dma_wait3A_1577] : memref<3x!tpu.dma_semaphore, #tpu.memory_space<semaphore_mem>> -> memref<1x!tpu.dma_semaphore, #tpu.memory_space<semaphore_mem>>
    %dma_wait3A_1585 = tpu.memref_squeeze %dma_wait3A_1584 : memref<1x!tpu.dma_semaphore, #tpu.memory_space<semaphore_mem>> -> memref<!tpu.dma_semaphore, #tpu.memory_space<semaphore_mem>>
    %dma_wait3A_1586 = arith.constant 0 : i32
    %dma_wait3A_1587 = tpu.memref_slice %arg3[%add3A_1575, %dma_wait3A_1586] : memref<131072x256xf32, #tpu.memory_space<hbm>> -> memref<128x256xf32, #tpu.memory_space<hbm>>
    %dma_wait3A_1588 = arith.constant 0 : i32
    %dma_wait3A_1589 = arith.constant 0 : i32
    %dma_wait3A_1590 = tpu.memref_slice %arg5[%dma_wait3A_1576, %dma_wait3A_1588, %dma_wait3A_1589] : memref<3x128x256xf32, #tpu.memory_space<vmem>> -> memref<1x128x256xf32, #tpu.memory_space<vmem>>
    %dma_wait3A_1591 = tpu.memref_squeeze %dma_wait3A_1590 : memref<1x128x256xf32, #tpu.memory_space<vmem>> -> memref<128x256xf32, #tpu.memory_space<vmem>>
    tpu.wait_dma2 semaphore(%dma_wait3A_1585 : memref<!tpu.dma_semaphore, #tpu.memory_space<semaphore_mem>>) src(%dma_wait3A_1591 : memref<128x256xf32, #tpu.memory_space<vmem>>) dst(%dma_wait3A_1587 : memref<128x256xf32, #tpu.memory_space<hbm>>)
    %add3A_1592 = arith.constant 2944 : i32
    %add3A_1593 = arith.addi %mul3A_2, %add3A_1592 : i32
    %dma_start3A_1594 = arith.constant 2 : i32
    %dma_start3A_1595 = arith.constant 2 : i32
    %dma_start3A_1596 = arith.constant 0 : i32
    %dma_start3A_1597 = arith.constant 0 : i32
    %dma_start3A_1598 = tpu.memref_slice %arg5[%dma_start3A_1594, %dma_start3A_1596, %dma_start3A_1597] : memref<3x128x256xf32, #tpu.memory_space<vmem>> -> memref<1x128x256xf32, #tpu.memory_space<vmem>>
    %dma_start3A_1599 = tpu.memref_squeeze %dma_start3A_1598 : memref<1x128x256xf32, #tpu.memory_space<vmem>> -> memref<128x256xf32, #tpu.memory_space<vmem>>
    %dma_start3A_1600 = arith.constant 0 : i32
    %dma_start3A_1601 = tpu.memref_slice %arg2[%add3A_1593, %dma_start3A_1600] : memref<131072x256xf32, #tpu.memory_space<hbm>> -> memref<128x256xf32, #tpu.memory_space<hbm>>
    %dma_start3A_1602 = tpu.memref_slice %arg7[%dma_start3A_1595] : memref<3x!tpu.dma_semaphore, #tpu.memory_space<semaphore_mem>> -> memref<1x!tpu.dma_semaphore, #tpu.memory_space<semaphore_mem>>
    %dma_start3A_1603 = tpu.memref_squeeze %dma_start3A_1602 : memref<1x!tpu.dma_semaphore, #tpu.memory_space<semaphore_mem>> -> memref<!tpu.dma_semaphore, #tpu.memory_space<semaphore_mem>>
    %dma_start3A_1604 = arith.constant 0 : i32
    %dma_start3A_1605 = arith.constant 0 : i32
    %dma_start3A_1606 = tpu.memref_slice %arg5[%dma_start3A_1594, %dma_start3A_1604, %dma_start3A_1605] : memref<3x128x256xf32, #tpu.memory_space<vmem>> -> memref<1x128x256xf32, #tpu.memory_space<vmem>>
    %dma_start3A_1607 = tpu.memref_squeeze %dma_start3A_1606 : memref<1x128x256xf32, #tpu.memory_space<vmem>> -> memref<128x256xf32, #tpu.memory_space<vmem>>
    %dma_start3A_1608 = arith.constant 0 : i32
    %dma_start3A_1609 = tpu.memref_slice %arg2[%add3A_1593, %dma_start3A_1608] : memref<131072x256xf32, #tpu.memory_space<hbm>> -> memref<128x256xf32, #tpu.memory_space<hbm>>
    tpu.enqueue_dma source(%dma_start3A_1609 : memref<128x256xf32, #tpu.memory_space<hbm>>) target(%dma_start3A_1607 : memref<128x256xf32, #tpu.memory_space<vmem>>) target_semaphore(%dma_start3A_1603 : memref<!tpu.dma_semaphore, #tpu.memory_space<semaphore_mem>>)
    %add3A_1610 = arith.constant 2816 : i32
    %add3A_1611 = arith.addi %mul3A_2, %add3A_1610 : i32
    %dma_wait3A_1612 = arith.constant 1 : i32
    %dma_wait3A_1613 = arith.constant 1 : i32
    %dma_wait3A_1614 = arith.constant 0 : i32
    %dma_wait3A_1615 = arith.constant 0 : i32
    %dma_wait3A_1616 = tpu.memref_slice %arg5[%dma_wait3A_1612, %dma_wait3A_1614, %dma_wait3A_1615] : memref<3x128x256xf32, #tpu.memory_space<vmem>> -> memref<1x128x256xf32, #tpu.memory_space<vmem>>
    %dma_wait3A_1617 = tpu.memref_squeeze %dma_wait3A_1616 : memref<1x128x256xf32, #tpu.memory_space<vmem>> -> memref<128x256xf32, #tpu.memory_space<vmem>>
    %dma_wait3A_1618 = arith.constant 0 : i32
    %dma_wait3A_1619 = tpu.memref_slice %arg2[%add3A_1611, %dma_wait3A_1618] : memref<131072x256xf32, #tpu.memory_space<hbm>> -> memref<128x256xf32, #tpu.memory_space<hbm>>
    %dma_wait3A_1620 = tpu.memref_slice %arg7[%dma_wait3A_1613] : memref<3x!tpu.dma_semaphore, #tpu.memory_space<semaphore_mem>> -> memref<1x!tpu.dma_semaphore, #tpu.memory_space<semaphore_mem>>
    %dma_wait3A_1621 = tpu.memref_squeeze %dma_wait3A_1620 : memref<1x!tpu.dma_semaphore, #tpu.memory_space<semaphore_mem>> -> memref<!tpu.dma_semaphore, #tpu.memory_space<semaphore_mem>>
    %dma_wait3A_1622 = arith.constant 0 : i32
    %dma_wait3A_1623 = arith.constant 0 : i32
    %dma_wait3A_1624 = tpu.memref_slice %arg5[%dma_wait3A_1612, %dma_wait3A_1622, %dma_wait3A_1623] : memref<3x128x256xf32, #tpu.memory_space<vmem>> -> memref<1x128x256xf32, #tpu.memory_space<vmem>>
    %dma_wait3A_1625 = tpu.memref_squeeze %dma_wait3A_1624 : memref<1x128x256xf32, #tpu.memory_space<vmem>> -> memref<128x256xf32, #tpu.memory_space<vmem>>
    %dma_wait3A_1626 = arith.constant 0 : i32
    %dma_wait3A_1627 = tpu.memref_slice %arg2[%add3A_1611, %dma_wait3A_1626] : memref<131072x256xf32, #tpu.memory_space<hbm>> -> memref<128x256xf32, #tpu.memory_space<hbm>>
    tpu.wait_dma2 semaphore(%dma_wait3A_1621 : memref<!tpu.dma_semaphore, #tpu.memory_space<semaphore_mem>>) src(%dma_wait3A_1627 : memref<128x256xf32, #tpu.memory_space<hbm>>) dst(%dma_wait3A_1625 : memref<128x256xf32, #tpu.memory_space<vmem>>)
    %add3A_1628 = arith.constant 2816 : i32
    %add3A_1629 = arith.addi %mul3A_2, %add3A_1628 : i32
    %dma_start3A_1630 = arith.constant 1 : i32
    %dma_start3A_1631 = arith.constant 1 : i32
    %dma_start3A_1632 = arith.constant 0 : i32
    %dma_start3A_1633 = arith.constant 0 : i32
    %dma_start3A_1634 = tpu.memref_slice %arg5[%dma_start3A_1630, %dma_start3A_1632, %dma_start3A_1633] : memref<3x128x256xf32, #tpu.memory_space<vmem>> -> memref<1x128x256xf32, #tpu.memory_space<vmem>>
    %dma_start3A_1635 = tpu.memref_squeeze %dma_start3A_1634 : memref<1x128x256xf32, #tpu.memory_space<vmem>> -> memref<128x256xf32, #tpu.memory_space<vmem>>
    %dma_start3A_1636 = arith.constant 0 : i32
    %dma_start3A_1637 = tpu.memref_slice %arg3[%add3A_1629, %dma_start3A_1636] : memref<131072x256xf32, #tpu.memory_space<hbm>> -> memref<128x256xf32, #tpu.memory_space<hbm>>
    %dma_start3A_1638 = tpu.memref_slice %arg8[%dma_start3A_1631] : memref<3x!tpu.dma_semaphore, #tpu.memory_space<semaphore_mem>> -> memref<1x!tpu.dma_semaphore, #tpu.memory_space<semaphore_mem>>
    %dma_start3A_1639 = tpu.memref_squeeze %dma_start3A_1638 : memref<1x!tpu.dma_semaphore, #tpu.memory_space<semaphore_mem>> -> memref<!tpu.dma_semaphore, #tpu.memory_space<semaphore_mem>>
    %dma_start3A_1640 = arith.constant 0 : i32
    %dma_start3A_1641 = tpu.memref_slice %arg3[%add3A_1629, %dma_start3A_1640] : memref<131072x256xf32, #tpu.memory_space<hbm>> -> memref<128x256xf32, #tpu.memory_space<hbm>>
    %dma_start3A_1642 = arith.constant 0 : i32
    %dma_start3A_1643 = arith.constant 0 : i32
    %dma_start3A_1644 = tpu.memref_slice %arg5[%dma_start3A_1630, %dma_start3A_1642, %dma_start3A_1643] : memref<3x128x256xf32, #tpu.memory_space<vmem>> -> memref<1x128x256xf32, #tpu.memory_space<vmem>>
    %dma_start3A_1645 = tpu.memref_squeeze %dma_start3A_1644 : memref<1x128x256xf32, #tpu.memory_space<vmem>> -> memref<128x256xf32, #tpu.memory_space<vmem>>
    tpu.enqueue_dma source(%dma_start3A_1645 : memref<128x256xf32, #tpu.memory_space<vmem>>) target(%dma_start3A_1641 : memref<128x256xf32, #tpu.memory_space<hbm>>) target_semaphore(%dma_start3A_1639 : memref<!tpu.dma_semaphore, #tpu.memory_space<semaphore_mem>>)
    %add3A_1646 = arith.constant 2688 : i32
    %add3A_1647 = arith.addi %mul3A_2, %add3A_1646 : i32
    %dma_wait3A_1648 = arith.constant 0 : i32
    %dma_wait3A_1649 = arith.constant 0 : i32
    %dma_wait3A_1650 = arith.constant 0 : i32
    %dma_wait3A_1651 = arith.constant 0 : i32
    %dma_wait3A_1652 = tpu.memref_slice %arg5[%dma_wait3A_1648, %dma_wait3A_1650, %dma_wait3A_1651] : memref<3x128x256xf32, #tpu.memory_space<vmem>> -> memref<1x128x256xf32, #tpu.memory_space<vmem>>
    %dma_wait3A_1653 = tpu.memref_squeeze %dma_wait3A_1652 : memref<1x128x256xf32, #tpu.memory_space<vmem>> -> memref<128x256xf32, #tpu.memory_space<vmem>>
    %dma_wait3A_1654 = arith.constant 0 : i32
    %dma_wait3A_1655 = tpu.memref_slice %arg3[%add3A_1647, %dma_wait3A_1654] : memref<131072x256xf32, #tpu.memory_space<hbm>> -> memref<128x256xf32, #tpu.memory_space<hbm>>
    %dma_wait3A_1656 = tpu.memref_slice %arg8[%dma_wait3A_1649] : memref<3x!tpu.dma_semaphore, #tpu.memory_space<semaphore_mem>> -> memref<1x!tpu.dma_semaphore, #tpu.memory_space<semaphore_mem>>
    %dma_wait3A_1657 = tpu.memref_squeeze %dma_wait3A_1656 : memref<1x!tpu.dma_semaphore, #tpu.memory_space<semaphore_mem>> -> memref<!tpu.dma_semaphore, #tpu.memory_space<semaphore_mem>>
    %dma_wait3A_1658 = arith.constant 0 : i32
    %dma_wait3A_1659 = tpu.memref_slice %arg3[%add3A_1647, %dma_wait3A_1658] : memref<131072x256xf32, #tpu.memory_space<hbm>> -> memref<128x256xf32, #tpu.memory_space<hbm>>
    %dma_wait3A_1660 = arith.constant 0 : i32
    %dma_wait3A_1661 = arith.constant 0 : i32
    %dma_wait3A_1662 = tpu.memref_slice %arg5[%dma_wait3A_1648, %dma_wait3A_1660, %dma_wait3A_1661] : memref<3x128x256xf32, #tpu.memory_space<vmem>> -> memref<1x128x256xf32, #tpu.memory_space<vmem>>
    %dma_wait3A_1663 = tpu.memref_squeeze %dma_wait3A_1662 : memref<1x128x256xf32, #tpu.memory_space<vmem>> -> memref<128x256xf32, #tpu.memory_space<vmem>>
    tpu.wait_dma2 semaphore(%dma_wait3A_1657 : memref<!tpu.dma_semaphore, #tpu.memory_space<semaphore_mem>>) src(%dma_wait3A_1663 : memref<128x256xf32, #tpu.memory_space<vmem>>) dst(%dma_wait3A_1659 : memref<128x256xf32, #tpu.memory_space<hbm>>)
    %add3A_1664 = arith.constant 3072 : i32
    %add3A_1665 = arith.addi %mul3A_2, %add3A_1664 : i32
    %dma_start3A_1666 = arith.constant 0 : i32
    %dma_start3A_1667 = arith.constant 0 : i32
    %dma_start3A_1668 = arith.constant 0 : i32
    %dma_start3A_1669 = arith.constant 0 : i32
    %dma_start3A_1670 = tpu.memref_slice %arg5[%dma_start3A_1666, %dma_start3A_1668, %dma_start3A_1669] : memref<3x128x256xf32, #tpu.memory_space<vmem>> -> memref<1x128x256xf32, #tpu.memory_space<vmem>>
    %dma_start3A_1671 = tpu.memref_squeeze %dma_start3A_1670 : memref<1x128x256xf32, #tpu.memory_space<vmem>> -> memref<128x256xf32, #tpu.memory_space<vmem>>
    %dma_start3A_1672 = arith.constant 0 : i32
    %dma_start3A_1673 = tpu.memref_slice %arg2[%add3A_1665, %dma_start3A_1672] : memref<131072x256xf32, #tpu.memory_space<hbm>> -> memref<128x256xf32, #tpu.memory_space<hbm>>
    %dma_start3A_1674 = tpu.memref_slice %arg7[%dma_start3A_1667] : memref<3x!tpu.dma_semaphore, #tpu.memory_space<semaphore_mem>> -> memref<1x!tpu.dma_semaphore, #tpu.memory_space<semaphore_mem>>
    %dma_start3A_1675 = tpu.memref_squeeze %dma_start3A_1674 : memref<1x!tpu.dma_semaphore, #tpu.memory_space<semaphore_mem>> -> memref<!tpu.dma_semaphore, #tpu.memory_space<semaphore_mem>>
    %dma_start3A_1676 = arith.constant 0 : i32
    %dma_start3A_1677 = arith.constant 0 : i32
    %dma_start3A_1678 = tpu.memref_slice %arg5[%dma_start3A_1666, %dma_start3A_1676, %dma_start3A_1677] : memref<3x128x256xf32, #tpu.memory_space<vmem>> -> memref<1x128x256xf32, #tpu.memory_space<vmem>>
    %dma_start3A_1679 = tpu.memref_squeeze %dma_start3A_1678 : memref<1x128x256xf32, #tpu.memory_space<vmem>> -> memref<128x256xf32, #tpu.memory_space<vmem>>
    %dma_start3A_1680 = arith.constant 0 : i32
    %dma_start3A_1681 = tpu.memref_slice %arg2[%add3A_1665, %dma_start3A_1680] : memref<131072x256xf32, #tpu.memory_space<hbm>> -> memref<128x256xf32, #tpu.memory_space<hbm>>
    tpu.enqueue_dma source(%dma_start3A_1681 : memref<128x256xf32, #tpu.memory_space<hbm>>) target(%dma_start3A_1679 : memref<128x256xf32, #tpu.memory_space<vmem>>) target_semaphore(%dma_start3A_1675 : memref<!tpu.dma_semaphore, #tpu.memory_space<semaphore_mem>>)
    %add3A_1682 = arith.constant 2944 : i32
    %add3A_1683 = arith.addi %mul3A_2, %add3A_1682 : i32
    %dma_wait3A_1684 = arith.constant 2 : i32
    %dma_wait3A_1685 = arith.constant 2 : i32
    %dma_wait3A_1686 = arith.constant 0 : i32
    %dma_wait3A_1687 = arith.constant 0 : i32
    %dma_wait3A_1688 = tpu.memref_slice %arg5[%dma_wait3A_1684, %dma_wait3A_1686, %dma_wait3A_1687] : memref<3x128x256xf32, #tpu.memory_space<vmem>> -> memref<1x128x256xf32, #tpu.memory_space<vmem>>
    %dma_wait3A_1689 = tpu.memref_squeeze %dma_wait3A_1688 : memref<1x128x256xf32, #tpu.memory_space<vmem>> -> memref<128x256xf32, #tpu.memory_space<vmem>>
    %dma_wait3A_1690 = arith.constant 0 : i32
    %dma_wait3A_1691 = tpu.memref_slice %arg2[%add3A_1683, %dma_wait3A_1690] : memref<131072x256xf32, #tpu.memory_space<hbm>> -> memref<128x256xf32, #tpu.memory_space<hbm>>
    %dma_wait3A_1692 = tpu.memref_slice %arg7[%dma_wait3A_1685] : memref<3x!tpu.dma_semaphore, #tpu.memory_space<semaphore_mem>> -> memref<1x!tpu.dma_semaphore, #tpu.memory_space<semaphore_mem>>
    %dma_wait3A_1693 = tpu.memref_squeeze %dma_wait3A_1692 : memref<1x!tpu.dma_semaphore, #tpu.memory_space<semaphore_mem>> -> memref<!tpu.dma_semaphore, #tpu.memory_space<semaphore_mem>>
    %dma_wait3A_1694 = arith.constant 0 : i32
    %dma_wait3A_1695 = arith.constant 0 : i32
    %dma_wait3A_1696 = tpu.memref_slice %arg5[%dma_wait3A_1684, %dma_wait3A_1694, %dma_wait3A_1695] : memref<3x128x256xf32, #tpu.memory_space<vmem>> -> memref<1x128x256xf32, #tpu.memory_space<vmem>>
    %dma_wait3A_1697 = tpu.memref_squeeze %dma_wait3A_1696 : memref<1x128x256xf32, #tpu.memory_space<vmem>> -> memref<128x256xf32, #tpu.memory_space<vmem>>
    %dma_wait3A_1698 = arith.constant 0 : i32
    %dma_wait3A_1699 = tpu.memref_slice %arg2[%add3A_1683, %dma_wait3A_1698] : memref<131072x256xf32, #tpu.memory_space<hbm>> -> memref<128x256xf32, #tpu.memory_space<hbm>>
    tpu.wait_dma2 semaphore(%dma_wait3A_1693 : memref<!tpu.dma_semaphore, #tpu.memory_space<semaphore_mem>>) src(%dma_wait3A_1699 : memref<128x256xf32, #tpu.memory_space<hbm>>) dst(%dma_wait3A_1697 : memref<128x256xf32, #tpu.memory_space<vmem>>)
    %add3A_1700 = arith.constant 2944 : i32
    %add3A_1701 = arith.addi %mul3A_2, %add3A_1700 : i32
    %dma_start3A_1702 = arith.constant 2 : i32
    %dma_start3A_1703 = arith.constant 2 : i32
    %dma_start3A_1704 = arith.constant 0 : i32
    %dma_start3A_1705 = arith.constant 0 : i32
    %dma_start3A_1706 = tpu.memref_slice %arg5[%dma_start3A_1702, %dma_start3A_1704, %dma_start3A_1705] : memref<3x128x256xf32, #tpu.memory_space<vmem>> -> memref<1x128x256xf32, #tpu.memory_space<vmem>>
    %dma_start3A_1707 = tpu.memref_squeeze %dma_start3A_1706 : memref<1x128x256xf32, #tpu.memory_space<vmem>> -> memref<128x256xf32, #tpu.memory_space<vmem>>
    %dma_start3A_1708 = arith.constant 0 : i32
    %dma_start3A_1709 = tpu.memref_slice %arg3[%add3A_1701, %dma_start3A_1708] : memref<131072x256xf32, #tpu.memory_space<hbm>> -> memref<128x256xf32, #tpu.memory_space<hbm>>
    %dma_start3A_1710 = tpu.memref_slice %arg8[%dma_start3A_1703] : memref<3x!tpu.dma_semaphore, #tpu.memory_space<semaphore_mem>> -> memref<1x!tpu.dma_semaphore, #tpu.memory_space<semaphore_mem>>
    %dma_start3A_1711 = tpu.memref_squeeze %dma_start3A_1710 : memref<1x!tpu.dma_semaphore, #tpu.memory_space<semaphore_mem>> -> memref<!tpu.dma_semaphore, #tpu.memory_space<semaphore_mem>>
    %dma_start3A_1712 = arith.constant 0 : i32
    %dma_start3A_1713 = tpu.memref_slice %arg3[%add3A_1701, %dma_start3A_1712] : memref<131072x256xf32, #tpu.memory_space<hbm>> -> memref<128x256xf32, #tpu.memory_space<hbm>>
    %dma_start3A_1714 = arith.constant 0 : i32
    %dma_start3A_1715 = arith.constant 0 : i32
    %dma_start3A_1716 = tpu.memref_slice %arg5[%dma_start3A_1702, %dma_start3A_1714, %dma_start3A_1715] : memref<3x128x256xf32, #tpu.memory_space<vmem>> -> memref<1x128x256xf32, #tpu.memory_space<vmem>>
    %dma_start3A_1717 = tpu.memref_squeeze %dma_start3A_1716 : memref<1x128x256xf32, #tpu.memory_space<vmem>> -> memref<128x256xf32, #tpu.memory_space<vmem>>
    tpu.enqueue_dma source(%dma_start3A_1717 : memref<128x256xf32, #tpu.memory_space<vmem>>) target(%dma_start3A_1713 : memref<128x256xf32, #tpu.memory_space<hbm>>) target_semaphore(%dma_start3A_1711 : memref<!tpu.dma_semaphore, #tpu.memory_space<semaphore_mem>>)
    %add3A_1718 = arith.constant 2816 : i32
    %add3A_1719 = arith.addi %mul3A_2, %add3A_1718 : i32
    %dma_wait3A_1720 = arith.constant 1 : i32
    %dma_wait3A_1721 = arith.constant 1 : i32
    %dma_wait3A_1722 = arith.constant 0 : i32
    %dma_wait3A_1723 = arith.constant 0 : i32
    %dma_wait3A_1724 = tpu.memref_slice %arg5[%dma_wait3A_1720, %dma_wait3A_1722, %dma_wait3A_1723] : memref<3x128x256xf32, #tpu.memory_space<vmem>> -> memref<1x128x256xf32, #tpu.memory_space<vmem>>
    %dma_wait3A_1725 = tpu.memref_squeeze %dma_wait3A_1724 : memref<1x128x256xf32, #tpu.memory_space<vmem>> -> memref<128x256xf32, #tpu.memory_space<vmem>>
    %dma_wait3A_1726 = arith.constant 0 : i32
    %dma_wait3A_1727 = tpu.memref_slice %arg3[%add3A_1719, %dma_wait3A_1726] : memref<131072x256xf32, #tpu.memory_space<hbm>> -> memref<128x256xf32, #tpu.memory_space<hbm>>
    %dma_wait3A_1728 = tpu.memref_slice %arg8[%dma_wait3A_1721] : memref<3x!tpu.dma_semaphore, #tpu.memory_space<semaphore_mem>> -> memref<1x!tpu.dma_semaphore, #tpu.memory_space<semaphore_mem>>
    %dma_wait3A_1729 = tpu.memref_squeeze %dma_wait3A_1728 : memref<1x!tpu.dma_semaphore, #tpu.memory_space<semaphore_mem>> -> memref<!tpu.dma_semaphore, #tpu.memory_space<semaphore_mem>>
    %dma_wait3A_1730 = arith.constant 0 : i32
    %dma_wait3A_1731 = tpu.memref_slice %arg3[%add3A_1719, %dma_wait3A_1730] : memref<131072x256xf32, #tpu.memory_space<hbm>> -> memref<128x256xf32, #tpu.memory_space<hbm>>
    %dma_wait3A_1732 = arith.constant 0 : i32
    %dma_wait3A_1733 = arith.constant 0 : i32
    %dma_wait3A_1734 = tpu.memref_slice %arg5[%dma_wait3A_1720, %dma_wait3A_1732, %dma_wait3A_1733] : memref<3x128x256xf32, #tpu.memory_space<vmem>> -> memref<1x128x256xf32, #tpu.memory_space<vmem>>
    %dma_wait3A_1735 = tpu.memref_squeeze %dma_wait3A_1734 : memref<1x128x256xf32, #tpu.memory_space<vmem>> -> memref<128x256xf32, #tpu.memory_space<vmem>>
    tpu.wait_dma2 semaphore(%dma_wait3A_1729 : memref<!tpu.dma_semaphore, #tpu.memory_space<semaphore_mem>>) src(%dma_wait3A_1735 : memref<128x256xf32, #tpu.memory_space<vmem>>) dst(%dma_wait3A_1731 : memref<128x256xf32, #tpu.memory_space<hbm>>)
    %add3A_1736 = arith.constant 3200 : i32
    %add3A_1737 = arith.addi %mul3A_2, %add3A_1736 : i32
    %dma_start3A_1738 = arith.constant 1 : i32
    %dma_start3A_1739 = arith.constant 1 : i32
    %dma_start3A_1740 = arith.constant 0 : i32
    %dma_start3A_1741 = arith.constant 0 : i32
    %dma_start3A_1742 = tpu.memref_slice %arg5[%dma_start3A_1738, %dma_start3A_1740, %dma_start3A_1741] : memref<3x128x256xf32, #tpu.memory_space<vmem>> -> memref<1x128x256xf32, #tpu.memory_space<vmem>>
    %dma_start3A_1743 = tpu.memref_squeeze %dma_start3A_1742 : memref<1x128x256xf32, #tpu.memory_space<vmem>> -> memref<128x256xf32, #tpu.memory_space<vmem>>
    %dma_start3A_1744 = arith.constant 0 : i32
    %dma_start3A_1745 = tpu.memref_slice %arg2[%add3A_1737, %dma_start3A_1744] : memref<131072x256xf32, #tpu.memory_space<hbm>> -> memref<128x256xf32, #tpu.memory_space<hbm>>
    %dma_start3A_1746 = tpu.memref_slice %arg7[%dma_start3A_1739] : memref<3x!tpu.dma_semaphore, #tpu.memory_space<semaphore_mem>> -> memref<1x!tpu.dma_semaphore, #tpu.memory_space<semaphore_mem>>
    %dma_start3A_1747 = tpu.memref_squeeze %dma_start3A_1746 : memref<1x!tpu.dma_semaphore, #tpu.memory_space<semaphore_mem>> -> memref<!tpu.dma_semaphore, #tpu.memory_space<semaphore_mem>>
    %dma_start3A_1748 = arith.constant 0 : i32
    %dma_start3A_1749 = arith.constant 0 : i32
    %dma_start3A_1750 = tpu.memref_slice %arg5[%dma_start3A_1738, %dma_start3A_1748, %dma_start3A_1749] : memref<3x128x256xf32, #tpu.memory_space<vmem>> -> memref<1x128x256xf32, #tpu.memory_space<vmem>>
    %dma_start3A_1751 = tpu.memref_squeeze %dma_start3A_1750 : memref<1x128x256xf32, #tpu.memory_space<vmem>> -> memref<128x256xf32, #tpu.memory_space<vmem>>
    %dma_start3A_1752 = arith.constant 0 : i32
    %dma_start3A_1753 = tpu.memref_slice %arg2[%add3A_1737, %dma_start3A_1752] : memref<131072x256xf32, #tpu.memory_space<hbm>> -> memref<128x256xf32, #tpu.memory_space<hbm>>
    tpu.enqueue_dma source(%dma_start3A_1753 : memref<128x256xf32, #tpu.memory_space<hbm>>) target(%dma_start3A_1751 : memref<128x256xf32, #tpu.memory_space<vmem>>) target_semaphore(%dma_start3A_1747 : memref<!tpu.dma_semaphore, #tpu.memory_space<semaphore_mem>>)
    %add3A_1754 = arith.constant 3072 : i32
    %add3A_1755 = arith.addi %mul3A_2, %add3A_1754 : i32
    %dma_wait3A_1756 = arith.constant 0 : i32
    %dma_wait3A_1757 = arith.constant 0 : i32
    %dma_wait3A_1758 = arith.constant 0 : i32
    %dma_wait3A_1759 = arith.constant 0 : i32
    %dma_wait3A_1760 = tpu.memref_slice %arg5[%dma_wait3A_1756, %dma_wait3A_1758, %dma_wait3A_1759] : memref<3x128x256xf32, #tpu.memory_space<vmem>> -> memref<1x128x256xf32, #tpu.memory_space<vmem>>
    %dma_wait3A_1761 = tpu.memref_squeeze %dma_wait3A_1760 : memref<1x128x256xf32, #tpu.memory_space<vmem>> -> memref<128x256xf32, #tpu.memory_space<vmem>>
    %dma_wait3A_1762 = arith.constant 0 : i32
    %dma_wait3A_1763 = tpu.memref_slice %arg2[%add3A_1755, %dma_wait3A_1762] : memref<131072x256xf32, #tpu.memory_space<hbm>> -> memref<128x256xf32, #tpu.memory_space<hbm>>
    %dma_wait3A_1764 = tpu.memref_slice %arg7[%dma_wait3A_1757] : memref<3x!tpu.dma_semaphore, #tpu.memory_space<semaphore_mem>> -> memref<1x!tpu.dma_semaphore, #tpu.memory_space<semaphore_mem>>
    %dma_wait3A_1765 = tpu.memref_squeeze %dma_wait3A_1764 : memref<1x!tpu.dma_semaphore, #tpu.memory_space<semaphore_mem>> -> memref<!tpu.dma_semaphore, #tpu.memory_space<semaphore_mem>>
    %dma_wait3A_1766 = arith.constant 0 : i32
    %dma_wait3A_1767 = arith.constant 0 : i32
    %dma_wait3A_1768 = tpu.memref_slice %arg5[%dma_wait3A_1756, %dma_wait3A_1766, %dma_wait3A_1767] : memref<3x128x256xf32, #tpu.memory_space<vmem>> -> memref<1x128x256xf32, #tpu.memory_space<vmem>>
    %dma_wait3A_1769 = tpu.memref_squeeze %dma_wait3A_1768 : memref<1x128x256xf32, #tpu.memory_space<vmem>> -> memref<128x256xf32, #tpu.memory_space<vmem>>
    %dma_wait3A_1770 = arith.constant 0 : i32
    %dma_wait3A_1771 = tpu.memref_slice %arg2[%add3A_1755, %dma_wait3A_1770] : memref<131072x256xf32, #tpu.memory_space<hbm>> -> memref<128x256xf32, #tpu.memory_space<hbm>>
    tpu.wait_dma2 semaphore(%dma_wait3A_1765 : memref<!tpu.dma_semaphore, #tpu.memory_space<semaphore_mem>>) src(%dma_wait3A_1771 : memref<128x256xf32, #tpu.memory_space<hbm>>) dst(%dma_wait3A_1769 : memref<128x256xf32, #tpu.memory_space<vmem>>)
    %add3A_1772 = arith.constant 3072 : i32
    %add3A_1773 = arith.addi %mul3A_2, %add3A_1772 : i32
    %dma_start3A_1774 = arith.constant 0 : i32
    %dma_start3A_1775 = arith.constant 0 : i32
    %dma_start3A_1776 = arith.constant 0 : i32
    %dma_start3A_1777 = arith.constant 0 : i32
    %dma_start3A_1778 = tpu.memref_slice %arg5[%dma_start3A_1774, %dma_start3A_1776, %dma_start3A_1777] : memref<3x128x256xf32, #tpu.memory_space<vmem>> -> memref<1x128x256xf32, #tpu.memory_space<vmem>>
    %dma_start3A_1779 = tpu.memref_squeeze %dma_start3A_1778 : memref<1x128x256xf32, #tpu.memory_space<vmem>> -> memref<128x256xf32, #tpu.memory_space<vmem>>
    %dma_start3A_1780 = arith.constant 0 : i32
    %dma_start3A_1781 = tpu.memref_slice %arg3[%add3A_1773, %dma_start3A_1780] : memref<131072x256xf32, #tpu.memory_space<hbm>> -> memref<128x256xf32, #tpu.memory_space<hbm>>
    %dma_start3A_1782 = tpu.memref_slice %arg8[%dma_start3A_1775] : memref<3x!tpu.dma_semaphore, #tpu.memory_space<semaphore_mem>> -> memref<1x!tpu.dma_semaphore, #tpu.memory_space<semaphore_mem>>
    %dma_start3A_1783 = tpu.memref_squeeze %dma_start3A_1782 : memref<1x!tpu.dma_semaphore, #tpu.memory_space<semaphore_mem>> -> memref<!tpu.dma_semaphore, #tpu.memory_space<semaphore_mem>>
    %dma_start3A_1784 = arith.constant 0 : i32
    %dma_start3A_1785 = tpu.memref_slice %arg3[%add3A_1773, %dma_start3A_1784] : memref<131072x256xf32, #tpu.memory_space<hbm>> -> memref<128x256xf32, #tpu.memory_space<hbm>>
    %dma_start3A_1786 = arith.constant 0 : i32
    %dma_start3A_1787 = arith.constant 0 : i32
    %dma_start3A_1788 = tpu.memref_slice %arg5[%dma_start3A_1774, %dma_start3A_1786, %dma_start3A_1787] : memref<3x128x256xf32, #tpu.memory_space<vmem>> -> memref<1x128x256xf32, #tpu.memory_space<vmem>>
    %dma_start3A_1789 = tpu.memref_squeeze %dma_start3A_1788 : memref<1x128x256xf32, #tpu.memory_space<vmem>> -> memref<128x256xf32, #tpu.memory_space<vmem>>
    tpu.enqueue_dma source(%dma_start3A_1789 : memref<128x256xf32, #tpu.memory_space<vmem>>) target(%dma_start3A_1785 : memref<128x256xf32, #tpu.memory_space<hbm>>) target_semaphore(%dma_start3A_1783 : memref<!tpu.dma_semaphore, #tpu.memory_space<semaphore_mem>>)
    %add3A_1790 = arith.constant 2944 : i32
    %add3A_1791 = arith.addi %mul3A_2, %add3A_1790 : i32
    %dma_wait3A_1792 = arith.constant 2 : i32
    %dma_wait3A_1793 = arith.constant 2 : i32
    %dma_wait3A_1794 = arith.constant 0 : i32
    %dma_wait3A_1795 = arith.constant 0 : i32
    %dma_wait3A_1796 = tpu.memref_slice %arg5[%dma_wait3A_1792, %dma_wait3A_1794, %dma_wait3A_1795] : memref<3x128x256xf32, #tpu.memory_space<vmem>> -> memref<1x128x256xf32, #tpu.memory_space<vmem>>
    %dma_wait3A_1797 = tpu.memref_squeeze %dma_wait3A_1796 : memref<1x128x256xf32, #tpu.memory_space<vmem>> -> memref<128x256xf32, #tpu.memory_space<vmem>>
    %dma_wait3A_1798 = arith.constant 0 : i32
    %dma_wait3A_1799 = tpu.memref_slice %arg3[%add3A_1791, %dma_wait3A_1798] : memref<131072x256xf32, #tpu.memory_space<hbm>> -> memref<128x256xf32, #tpu.memory_space<hbm>>
    %dma_wait3A_1800 = tpu.memref_slice %arg8[%dma_wait3A_1793] : memref<3x!tpu.dma_semaphore, #tpu.memory_space<semaphore_mem>> -> memref<1x!tpu.dma_semaphore, #tpu.memory_space<semaphore_mem>>
    %dma_wait3A_1801 = tpu.memref_squeeze %dma_wait3A_1800 : memref<1x!tpu.dma_semaphore, #tpu.memory_space<semaphore_mem>> -> memref<!tpu.dma_semaphore, #tpu.memory_space<semaphore_mem>>
    %dma_wait3A_1802 = arith.constant 0 : i32
    %dma_wait3A_1803 = tpu.memref_slice %arg3[%add3A_1791, %dma_wait3A_1802] : memref<131072x256xf32, #tpu.memory_space<hbm>> -> memref<128x256xf32, #tpu.memory_space<hbm>>
    %dma_wait3A_1804 = arith.constant 0 : i32
    %dma_wait3A_1805 = arith.constant 0 : i32
    %dma_wait3A_1806 = tpu.memref_slice %arg5[%dma_wait3A_1792, %dma_wait3A_1804, %dma_wait3A_1805] : memref<3x128x256xf32, #tpu.memory_space<vmem>> -> memref<1x128x256xf32, #tpu.memory_space<vmem>>
    %dma_wait3A_1807 = tpu.memref_squeeze %dma_wait3A_1806 : memref<1x128x256xf32, #tpu.memory_space<vmem>> -> memref<128x256xf32, #tpu.memory_space<vmem>>
    tpu.wait_dma2 semaphore(%dma_wait3A_1801 : memref<!tpu.dma_semaphore, #tpu.memory_space<semaphore_mem>>) src(%dma_wait3A_1807 : memref<128x256xf32, #tpu.memory_space<vmem>>) dst(%dma_wait3A_1803 : memref<128x256xf32, #tpu.memory_space<hbm>>)
    %add3A_1808 = arith.constant 3328 : i32
    %add3A_1809 = arith.addi %mul3A_2, %add3A_1808 : i32
    %dma_start3A_1810 = arith.constant 2 : i32
    %dma_start3A_1811 = arith.constant 2 : i32
    %dma_start3A_1812 = arith.constant 0 : i32
    %dma_start3A_1813 = arith.constant 0 : i32
    %dma_start3A_1814 = tpu.memref_slice %arg5[%dma_start3A_1810, %dma_start3A_1812, %dma_start3A_1813] : memref<3x128x256xf32, #tpu.memory_space<vmem>> -> memref<1x128x256xf32, #tpu.memory_space<vmem>>
    %dma_start3A_1815 = tpu.memref_squeeze %dma_start3A_1814 : memref<1x128x256xf32, #tpu.memory_space<vmem>> -> memref<128x256xf32, #tpu.memory_space<vmem>>
    %dma_start3A_1816 = arith.constant 0 : i32
    %dma_start3A_1817 = tpu.memref_slice %arg2[%add3A_1809, %dma_start3A_1816] : memref<131072x256xf32, #tpu.memory_space<hbm>> -> memref<128x256xf32, #tpu.memory_space<hbm>>
    %dma_start3A_1818 = tpu.memref_slice %arg7[%dma_start3A_1811] : memref<3x!tpu.dma_semaphore, #tpu.memory_space<semaphore_mem>> -> memref<1x!tpu.dma_semaphore, #tpu.memory_space<semaphore_mem>>
    %dma_start3A_1819 = tpu.memref_squeeze %dma_start3A_1818 : memref<1x!tpu.dma_semaphore, #tpu.memory_space<semaphore_mem>> -> memref<!tpu.dma_semaphore, #tpu.memory_space<semaphore_mem>>
    %dma_start3A_1820 = arith.constant 0 : i32
    %dma_start3A_1821 = arith.constant 0 : i32
    %dma_start3A_1822 = tpu.memref_slice %arg5[%dma_start3A_1810, %dma_start3A_1820, %dma_start3A_1821] : memref<3x128x256xf32, #tpu.memory_space<vmem>> -> memref<1x128x256xf32, #tpu.memory_space<vmem>>
    %dma_start3A_1823 = tpu.memref_squeeze %dma_start3A_1822 : memref<1x128x256xf32, #tpu.memory_space<vmem>> -> memref<128x256xf32, #tpu.memory_space<vmem>>
    %dma_start3A_1824 = arith.constant 0 : i32
    %dma_start3A_1825 = tpu.memref_slice %arg2[%add3A_1809, %dma_start3A_1824] : memref<131072x256xf32, #tpu.memory_space<hbm>> -> memref<128x256xf32, #tpu.memory_space<hbm>>
    tpu.enqueue_dma source(%dma_start3A_1825 : memref<128x256xf32, #tpu.memory_space<hbm>>) target(%dma_start3A_1823 : memref<128x256xf32, #tpu.memory_space<vmem>>) target_semaphore(%dma_start3A_1819 : memref<!tpu.dma_semaphore, #tpu.memory_space<semaphore_mem>>)
    %add3A_1826 = arith.constant 3200 : i32
    %add3A_1827 = arith.addi %mul3A_2, %add3A_1826 : i32
    %dma_wait3A_1828 = arith.constant 1 : i32
    %dma_wait3A_1829 = arith.constant 1 : i32
    %dma_wait3A_1830 = arith.constant 0 : i32
    %dma_wait3A_1831 = arith.constant 0 : i32
    %dma_wait3A_1832 = tpu.memref_slice %arg5[%dma_wait3A_1828, %dma_wait3A_1830, %dma_wait3A_1831] : memref<3x128x256xf32, #tpu.memory_space<vmem>> -> memref<1x128x256xf32, #tpu.memory_space<vmem>>
    %dma_wait3A_1833 = tpu.memref_squeeze %dma_wait3A_1832 : memref<1x128x256xf32, #tpu.memory_space<vmem>> -> memref<128x256xf32, #tpu.memory_space<vmem>>
    %dma_wait3A_1834 = arith.constant 0 : i32
    %dma_wait3A_1835 = tpu.memref_slice %arg2[%add3A_1827, %dma_wait3A_1834] : memref<131072x256xf32, #tpu.memory_space<hbm>> -> memref<128x256xf32, #tpu.memory_space<hbm>>
    %dma_wait3A_1836 = tpu.memref_slice %arg7[%dma_wait3A_1829] : memref<3x!tpu.dma_semaphore, #tpu.memory_space<semaphore_mem>> -> memref<1x!tpu.dma_semaphore, #tpu.memory_space<semaphore_mem>>
    %dma_wait3A_1837 = tpu.memref_squeeze %dma_wait3A_1836 : memref<1x!tpu.dma_semaphore, #tpu.memory_space<semaphore_mem>> -> memref<!tpu.dma_semaphore, #tpu.memory_space<semaphore_mem>>
    %dma_wait3A_1838 = arith.constant 0 : i32
    %dma_wait3A_1839 = arith.constant 0 : i32
    %dma_wait3A_1840 = tpu.memref_slice %arg5[%dma_wait3A_1828, %dma_wait3A_1838, %dma_wait3A_1839] : memref<3x128x256xf32, #tpu.memory_space<vmem>> -> memref<1x128x256xf32, #tpu.memory_space<vmem>>
    %dma_wait3A_1841 = tpu.memref_squeeze %dma_wait3A_1840 : memref<1x128x256xf32, #tpu.memory_space<vmem>> -> memref<128x256xf32, #tpu.memory_space<vmem>>
    %dma_wait3A_1842 = arith.constant 0 : i32
    %dma_wait3A_1843 = tpu.memref_slice %arg2[%add3A_1827, %dma_wait3A_1842] : memref<131072x256xf32, #tpu.memory_space<hbm>> -> memref<128x256xf32, #tpu.memory_space<hbm>>
    tpu.wait_dma2 semaphore(%dma_wait3A_1837 : memref<!tpu.dma_semaphore, #tpu.memory_space<semaphore_mem>>) src(%dma_wait3A_1843 : memref<128x256xf32, #tpu.memory_space<hbm>>) dst(%dma_wait3A_1841 : memref<128x256xf32, #tpu.memory_space<vmem>>)
    %add3A_1844 = arith.constant 3200 : i32
    %add3A_1845 = arith.addi %mul3A_2, %add3A_1844 : i32
    %dma_start3A_1846 = arith.constant 1 : i32
    %dma_start3A_1847 = arith.constant 1 : i32
    %dma_start3A_1848 = arith.constant 0 : i32
    %dma_start3A_1849 = arith.constant 0 : i32
    %dma_start3A_1850 = tpu.memref_slice %arg5[%dma_start3A_1846, %dma_start3A_1848, %dma_start3A_1849] : memref<3x128x256xf32, #tpu.memory_space<vmem>> -> memref<1x128x256xf32, #tpu.memory_space<vmem>>
    %dma_start3A_1851 = tpu.memref_squeeze %dma_start3A_1850 : memref<1x128x256xf32, #tpu.memory_space<vmem>> -> memref<128x256xf32, #tpu.memory_space<vmem>>
    %dma_start3A_1852 = arith.constant 0 : i32
    %dma_start3A_1853 = tpu.memref_slice %arg3[%add3A_1845, %dma_start3A_1852] : memref<131072x256xf32, #tpu.memory_space<hbm>> -> memref<128x256xf32, #tpu.memory_space<hbm>>
    %dma_start3A_1854 = tpu.memref_slice %arg8[%dma_start3A_1847] : memref<3x!tpu.dma_semaphore, #tpu.memory_space<semaphore_mem>> -> memref<1x!tpu.dma_semaphore, #tpu.memory_space<semaphore_mem>>
    %dma_start3A_1855 = tpu.memref_squeeze %dma_start3A_1854 : memref<1x!tpu.dma_semaphore, #tpu.memory_space<semaphore_mem>> -> memref<!tpu.dma_semaphore, #tpu.memory_space<semaphore_mem>>
    %dma_start3A_1856 = arith.constant 0 : i32
    %dma_start3A_1857 = tpu.memref_slice %arg3[%add3A_1845, %dma_start3A_1856] : memref<131072x256xf32, #tpu.memory_space<hbm>> -> memref<128x256xf32, #tpu.memory_space<hbm>>
    %dma_start3A_1858 = arith.constant 0 : i32
    %dma_start3A_1859 = arith.constant 0 : i32
    %dma_start3A_1860 = tpu.memref_slice %arg5[%dma_start3A_1846, %dma_start3A_1858, %dma_start3A_1859] : memref<3x128x256xf32, #tpu.memory_space<vmem>> -> memref<1x128x256xf32, #tpu.memory_space<vmem>>
    %dma_start3A_1861 = tpu.memref_squeeze %dma_start3A_1860 : memref<1x128x256xf32, #tpu.memory_space<vmem>> -> memref<128x256xf32, #tpu.memory_space<vmem>>
    tpu.enqueue_dma source(%dma_start3A_1861 : memref<128x256xf32, #tpu.memory_space<vmem>>) target(%dma_start3A_1857 : memref<128x256xf32, #tpu.memory_space<hbm>>) target_semaphore(%dma_start3A_1855 : memref<!tpu.dma_semaphore, #tpu.memory_space<semaphore_mem>>)
    %add3A_1862 = arith.constant 3072 : i32
    %add3A_1863 = arith.addi %mul3A_2, %add3A_1862 : i32
    %dma_wait3A_1864 = arith.constant 0 : i32
    %dma_wait3A_1865 = arith.constant 0 : i32
    %dma_wait3A_1866 = arith.constant 0 : i32
    %dma_wait3A_1867 = arith.constant 0 : i32
    %dma_wait3A_1868 = tpu.memref_slice %arg5[%dma_wait3A_1864, %dma_wait3A_1866, %dma_wait3A_1867] : memref<3x128x256xf32, #tpu.memory_space<vmem>> -> memref<1x128x256xf32, #tpu.memory_space<vmem>>
    %dma_wait3A_1869 = tpu.memref_squeeze %dma_wait3A_1868 : memref<1x128x256xf32, #tpu.memory_space<vmem>> -> memref<128x256xf32, #tpu.memory_space<vmem>>
    %dma_wait3A_1870 = arith.constant 0 : i32
    %dma_wait3A_1871 = tpu.memref_slice %arg3[%add3A_1863, %dma_wait3A_1870] : memref<131072x256xf32, #tpu.memory_space<hbm>> -> memref<128x256xf32, #tpu.memory_space<hbm>>
    %dma_wait3A_1872 = tpu.memref_slice %arg8[%dma_wait3A_1865] : memref<3x!tpu.dma_semaphore, #tpu.memory_space<semaphore_mem>> -> memref<1x!tpu.dma_semaphore, #tpu.memory_space<semaphore_mem>>
    %dma_wait3A_1873 = tpu.memref_squeeze %dma_wait3A_1872 : memref<1x!tpu.dma_semaphore, #tpu.memory_space<semaphore_mem>> -> memref<!tpu.dma_semaphore, #tpu.memory_space<semaphore_mem>>
    %dma_wait3A_1874 = arith.constant 0 : i32
    %dma_wait3A_1875 = tpu.memref_slice %arg3[%add3A_1863, %dma_wait3A_1874] : memref<131072x256xf32, #tpu.memory_space<hbm>> -> memref<128x256xf32, #tpu.memory_space<hbm>>
    %dma_wait3A_1876 = arith.constant 0 : i32
    %dma_wait3A_1877 = arith.constant 0 : i32
    %dma_wait3A_1878 = tpu.memref_slice %arg5[%dma_wait3A_1864, %dma_wait3A_1876, %dma_wait3A_1877] : memref<3x128x256xf32, #tpu.memory_space<vmem>> -> memref<1x128x256xf32, #tpu.memory_space<vmem>>
    %dma_wait3A_1879 = tpu.memref_squeeze %dma_wait3A_1878 : memref<1x128x256xf32, #tpu.memory_space<vmem>> -> memref<128x256xf32, #tpu.memory_space<vmem>>
    tpu.wait_dma2 semaphore(%dma_wait3A_1873 : memref<!tpu.dma_semaphore, #tpu.memory_space<semaphore_mem>>) src(%dma_wait3A_1879 : memref<128x256xf32, #tpu.memory_space<vmem>>) dst(%dma_wait3A_1875 : memref<128x256xf32, #tpu.memory_space<hbm>>)
    %add3A_1880 = arith.constant 3456 : i32
    %add3A_1881 = arith.addi %mul3A_2, %add3A_1880 : i32
    %dma_start3A_1882 = arith.constant 0 : i32
    %dma_start3A_1883 = arith.constant 0 : i32
    %dma_start3A_1884 = arith.constant 0 : i32
    %dma_start3A_1885 = arith.constant 0 : i32
    %dma_start3A_1886 = tpu.memref_slice %arg5[%dma_start3A_1882, %dma_start3A_1884, %dma_start3A_1885] : memref<3x128x256xf32, #tpu.memory_space<vmem>> -> memref<1x128x256xf32, #tpu.memory_space<vmem>>
    %dma_start3A_1887 = tpu.memref_squeeze %dma_start3A_1886 : memref<1x128x256xf32, #tpu.memory_space<vmem>> -> memref<128x256xf32, #tpu.memory_space<vmem>>
    %dma_start3A_1888 = arith.constant 0 : i32
    %dma_start3A_1889 = tpu.memref_slice %arg2[%add3A_1881, %dma_start3A_1888] : memref<131072x256xf32, #tpu.memory_space<hbm>> -> memref<128x256xf32, #tpu.memory_space<hbm>>
    %dma_start3A_1890 = tpu.memref_slice %arg7[%dma_start3A_1883] : memref<3x!tpu.dma_semaphore, #tpu.memory_space<semaphore_mem>> -> memref<1x!tpu.dma_semaphore, #tpu.memory_space<semaphore_mem>>
    %dma_start3A_1891 = tpu.memref_squeeze %dma_start3A_1890 : memref<1x!tpu.dma_semaphore, #tpu.memory_space<semaphore_mem>> -> memref<!tpu.dma_semaphore, #tpu.memory_space<semaphore_mem>>
    %dma_start3A_1892 = arith.constant 0 : i32
    %dma_start3A_1893 = arith.constant 0 : i32
    %dma_start3A_1894 = tpu.memref_slice %arg5[%dma_start3A_1882, %dma_start3A_1892, %dma_start3A_1893] : memref<3x128x256xf32, #tpu.memory_space<vmem>> -> memref<1x128x256xf32, #tpu.memory_space<vmem>>
    %dma_start3A_1895 = tpu.memref_squeeze %dma_start3A_1894 : memref<1x128x256xf32, #tpu.memory_space<vmem>> -> memref<128x256xf32, #tpu.memory_space<vmem>>
    %dma_start3A_1896 = arith.constant 0 : i32
    %dma_start3A_1897 = tpu.memref_slice %arg2[%add3A_1881, %dma_start3A_1896] : memref<131072x256xf32, #tpu.memory_space<hbm>> -> memref<128x256xf32, #tpu.memory_space<hbm>>
    tpu.enqueue_dma source(%dma_start3A_1897 : memref<128x256xf32, #tpu.memory_space<hbm>>) target(%dma_start3A_1895 : memref<128x256xf32, #tpu.memory_space<vmem>>) target_semaphore(%dma_start3A_1891 : memref<!tpu.dma_semaphore, #tpu.memory_space<semaphore_mem>>)
    %add3A_1898 = arith.constant 3328 : i32
    %add3A_1899 = arith.addi %mul3A_2, %add3A_1898 : i32
    %dma_wait3A_1900 = arith.constant 2 : i32
    %dma_wait3A_1901 = arith.constant 2 : i32
    %dma_wait3A_1902 = arith.constant 0 : i32
    %dma_wait3A_1903 = arith.constant 0 : i32
    %dma_wait3A_1904 = tpu.memref_slice %arg5[%dma_wait3A_1900, %dma_wait3A_1902, %dma_wait3A_1903] : memref<3x128x256xf32, #tpu.memory_space<vmem>> -> memref<1x128x256xf32, #tpu.memory_space<vmem>>
    %dma_wait3A_1905 = tpu.memref_squeeze %dma_wait3A_1904 : memref<1x128x256xf32, #tpu.memory_space<vmem>> -> memref<128x256xf32, #tpu.memory_space<vmem>>
    %dma_wait3A_1906 = arith.constant 0 : i32
    %dma_wait3A_1907 = tpu.memref_slice %arg2[%add3A_1899, %dma_wait3A_1906] : memref<131072x256xf32, #tpu.memory_space<hbm>> -> memref<128x256xf32, #tpu.memory_space<hbm>>
    %dma_wait3A_1908 = tpu.memref_slice %arg7[%dma_wait3A_1901] : memref<3x!tpu.dma_semaphore, #tpu.memory_space<semaphore_mem>> -> memref<1x!tpu.dma_semaphore, #tpu.memory_space<semaphore_mem>>
    %dma_wait3A_1909 = tpu.memref_squeeze %dma_wait3A_1908 : memref<1x!tpu.dma_semaphore, #tpu.memory_space<semaphore_mem>> -> memref<!tpu.dma_semaphore, #tpu.memory_space<semaphore_mem>>
    %dma_wait3A_1910 = arith.constant 0 : i32
    %dma_wait3A_1911 = arith.constant 0 : i32
    %dma_wait3A_1912 = tpu.memref_slice %arg5[%dma_wait3A_1900, %dma_wait3A_1910, %dma_wait3A_1911] : memref<3x128x256xf32, #tpu.memory_space<vmem>> -> memref<1x128x256xf32, #tpu.memory_space<vmem>>
    %dma_wait3A_1913 = tpu.memref_squeeze %dma_wait3A_1912 : memref<1x128x256xf32, #tpu.memory_space<vmem>> -> memref<128x256xf32, #tpu.memory_space<vmem>>
    %dma_wait3A_1914 = arith.constant 0 : i32
    %dma_wait3A_1915 = tpu.memref_slice %arg2[%add3A_1899, %dma_wait3A_1914] : memref<131072x256xf32, #tpu.memory_space<hbm>> -> memref<128x256xf32, #tpu.memory_space<hbm>>
    tpu.wait_dma2 semaphore(%dma_wait3A_1909 : memref<!tpu.dma_semaphore, #tpu.memory_space<semaphore_mem>>) src(%dma_wait3A_1915 : memref<128x256xf32, #tpu.memory_space<hbm>>) dst(%dma_wait3A_1913 : memref<128x256xf32, #tpu.memory_space<vmem>>)
    %add3A_1916 = arith.constant 3328 : i32
    %add3A_1917 = arith.addi %mul3A_2, %add3A_1916 : i32
    %dma_start3A_1918 = arith.constant 2 : i32
    %dma_start3A_1919 = arith.constant 2 : i32
    %dma_start3A_1920 = arith.constant 0 : i32
    %dma_start3A_1921 = arith.constant 0 : i32
    %dma_start3A_1922 = tpu.memref_slice %arg5[%dma_start3A_1918, %dma_start3A_1920, %dma_start3A_1921] : memref<3x128x256xf32, #tpu.memory_space<vmem>> -> memref<1x128x256xf32, #tpu.memory_space<vmem>>
    %dma_start3A_1923 = tpu.memref_squeeze %dma_start3A_1922 : memref<1x128x256xf32, #tpu.memory_space<vmem>> -> memref<128x256xf32, #tpu.memory_space<vmem>>
    %dma_start3A_1924 = arith.constant 0 : i32
    %dma_start3A_1925 = tpu.memref_slice %arg3[%add3A_1917, %dma_start3A_1924] : memref<131072x256xf32, #tpu.memory_space<hbm>> -> memref<128x256xf32, #tpu.memory_space<hbm>>
    %dma_start3A_1926 = tpu.memref_slice %arg8[%dma_start3A_1919] : memref<3x!tpu.dma_semaphore, #tpu.memory_space<semaphore_mem>> -> memref<1x!tpu.dma_semaphore, #tpu.memory_space<semaphore_mem>>
    %dma_start3A_1927 = tpu.memref_squeeze %dma_start3A_1926 : memref<1x!tpu.dma_semaphore, #tpu.memory_space<semaphore_mem>> -> memref<!tpu.dma_semaphore, #tpu.memory_space<semaphore_mem>>
    %dma_start3A_1928 = arith.constant 0 : i32
    %dma_start3A_1929 = tpu.memref_slice %arg3[%add3A_1917, %dma_start3A_1928] : memref<131072x256xf32, #tpu.memory_space<hbm>> -> memref<128x256xf32, #tpu.memory_space<hbm>>
    %dma_start3A_1930 = arith.constant 0 : i32
    %dma_start3A_1931 = arith.constant 0 : i32
    %dma_start3A_1932 = tpu.memref_slice %arg5[%dma_start3A_1918, %dma_start3A_1930, %dma_start3A_1931] : memref<3x128x256xf32, #tpu.memory_space<vmem>> -> memref<1x128x256xf32, #tpu.memory_space<vmem>>
    %dma_start3A_1933 = tpu.memref_squeeze %dma_start3A_1932 : memref<1x128x256xf32, #tpu.memory_space<vmem>> -> memref<128x256xf32, #tpu.memory_space<vmem>>
    tpu.enqueue_dma source(%dma_start3A_1933 : memref<128x256xf32, #tpu.memory_space<vmem>>) target(%dma_start3A_1929 : memref<128x256xf32, #tpu.memory_space<hbm>>) target_semaphore(%dma_start3A_1927 : memref<!tpu.dma_semaphore, #tpu.memory_space<semaphore_mem>>)
    %add3A_1934 = arith.constant 3200 : i32
    %add3A_1935 = arith.addi %mul3A_2, %add3A_1934 : i32
    %dma_wait3A_1936 = arith.constant 1 : i32
    %dma_wait3A_1937 = arith.constant 1 : i32
    %dma_wait3A_1938 = arith.constant 0 : i32
    %dma_wait3A_1939 = arith.constant 0 : i32
    %dma_wait3A_1940 = tpu.memref_slice %arg5[%dma_wait3A_1936, %dma_wait3A_1938, %dma_wait3A_1939] : memref<3x128x256xf32, #tpu.memory_space<vmem>> -> memref<1x128x256xf32, #tpu.memory_space<vmem>>
    %dma_wait3A_1941 = tpu.memref_squeeze %dma_wait3A_1940 : memref<1x128x256xf32, #tpu.memory_space<vmem>> -> memref<128x256xf32, #tpu.memory_space<vmem>>
    %dma_wait3A_1942 = arith.constant 0 : i32
    %dma_wait3A_1943 = tpu.memref_slice %arg3[%add3A_1935, %dma_wait3A_1942] : memref<131072x256xf32, #tpu.memory_space<hbm>> -> memref<128x256xf32, #tpu.memory_space<hbm>>
    %dma_wait3A_1944 = tpu.memref_slice %arg8[%dma_wait3A_1937] : memref<3x!tpu.dma_semaphore, #tpu.memory_space<semaphore_mem>> -> memref<1x!tpu.dma_semaphore, #tpu.memory_space<semaphore_mem>>
    %dma_wait3A_1945 = tpu.memref_squeeze %dma_wait3A_1944 : memref<1x!tpu.dma_semaphore, #tpu.memory_space<semaphore_mem>> -> memref<!tpu.dma_semaphore, #tpu.memory_space<semaphore_mem>>
    %dma_wait3A_1946 = arith.constant 0 : i32
    %dma_wait3A_1947 = tpu.memref_slice %arg3[%add3A_1935, %dma_wait3A_1946] : memref<131072x256xf32, #tpu.memory_space<hbm>> -> memref<128x256xf32, #tpu.memory_space<hbm>>
    %dma_wait3A_1948 = arith.constant 0 : i32
    %dma_wait3A_1949 = arith.constant 0 : i32
    %dma_wait3A_1950 = tpu.memref_slice %arg5[%dma_wait3A_1936, %dma_wait3A_1948, %dma_wait3A_1949] : memref<3x128x256xf32, #tpu.memory_space<vmem>> -> memref<1x128x256xf32, #tpu.memory_space<vmem>>
    %dma_wait3A_1951 = tpu.memref_squeeze %dma_wait3A_1950 : memref<1x128x256xf32, #tpu.memory_space<vmem>> -> memref<128x256xf32, #tpu.memory_space<vmem>>
    tpu.wait_dma2 semaphore(%dma_wait3A_1945 : memref<!tpu.dma_semaphore, #tpu.memory_space<semaphore_mem>>) src(%dma_wait3A_1951 : memref<128x256xf32, #tpu.memory_space<vmem>>) dst(%dma_wait3A_1947 : memref<128x256xf32, #tpu.memory_space<hbm>>)
    %add3A_1952 = arith.constant 3584 : i32
    %add3A_1953 = arith.addi %mul3A_2, %add3A_1952 : i32
    %dma_start3A_1954 = arith.constant 1 : i32
    %dma_start3A_1955 = arith.constant 1 : i32
    %dma_start3A_1956 = arith.constant 0 : i32
    %dma_start3A_1957 = arith.constant 0 : i32
    %dma_start3A_1958 = tpu.memref_slice %arg5[%dma_start3A_1954, %dma_start3A_1956, %dma_start3A_1957] : memref<3x128x256xf32, #tpu.memory_space<vmem>> -> memref<1x128x256xf32, #tpu.memory_space<vmem>>
    %dma_start3A_1959 = tpu.memref_squeeze %dma_start3A_1958 : memref<1x128x256xf32, #tpu.memory_space<vmem>> -> memref<128x256xf32, #tpu.memory_space<vmem>>
    %dma_start3A_1960 = arith.constant 0 : i32
    %dma_start3A_1961 = tpu.memref_slice %arg2[%add3A_1953, %dma_start3A_1960] : memref<131072x256xf32, #tpu.memory_space<hbm>> -> memref<128x256xf32, #tpu.memory_space<hbm>>
    %dma_start3A_1962 = tpu.memref_slice %arg7[%dma_start3A_1955] : memref<3x!tpu.dma_semaphore, #tpu.memory_space<semaphore_mem>> -> memref<1x!tpu.dma_semaphore, #tpu.memory_space<semaphore_mem>>
    %dma_start3A_1963 = tpu.memref_squeeze %dma_start3A_1962 : memref<1x!tpu.dma_semaphore, #tpu.memory_space<semaphore_mem>> -> memref<!tpu.dma_semaphore, #tpu.memory_space<semaphore_mem>>
    %dma_start3A_1964 = arith.constant 0 : i32
    %dma_start3A_1965 = arith.constant 0 : i32
    %dma_start3A_1966 = tpu.memref_slice %arg5[%dma_start3A_1954, %dma_start3A_1964, %dma_start3A_1965] : memref<3x128x256xf32, #tpu.memory_space<vmem>> -> memref<1x128x256xf32, #tpu.memory_space<vmem>>
    %dma_start3A_1967 = tpu.memref_squeeze %dma_start3A_1966 : memref<1x128x256xf32, #tpu.memory_space<vmem>> -> memref<128x256xf32, #tpu.memory_space<vmem>>
    %dma_start3A_1968 = arith.constant 0 : i32
    %dma_start3A_1969 = tpu.memref_slice %arg2[%add3A_1953, %dma_start3A_1968] : memref<131072x256xf32, #tpu.memory_space<hbm>> -> memref<128x256xf32, #tpu.memory_space<hbm>>
    tpu.enqueue_dma source(%dma_start3A_1969 : memref<128x256xf32, #tpu.memory_space<hbm>>) target(%dma_start3A_1967 : memref<128x256xf32, #tpu.memory_space<vmem>>) target_semaphore(%dma_start3A_1963 : memref<!tpu.dma_semaphore, #tpu.memory_space<semaphore_mem>>)
    %add3A_1970 = arith.constant 3456 : i32
    %add3A_1971 = arith.addi %mul3A_2, %add3A_1970 : i32
    %dma_wait3A_1972 = arith.constant 0 : i32
    %dma_wait3A_1973 = arith.constant 0 : i32
    %dma_wait3A_1974 = arith.constant 0 : i32
    %dma_wait3A_1975 = arith.constant 0 : i32
    %dma_wait3A_1976 = tpu.memref_slice %arg5[%dma_wait3A_1972, %dma_wait3A_1974, %dma_wait3A_1975] : memref<3x128x256xf32, #tpu.memory_space<vmem>> -> memref<1x128x256xf32, #tpu.memory_space<vmem>>
    %dma_wait3A_1977 = tpu.memref_squeeze %dma_wait3A_1976 : memref<1x128x256xf32, #tpu.memory_space<vmem>> -> memref<128x256xf32, #tpu.memory_space<vmem>>
    %dma_wait3A_1978 = arith.constant 0 : i32
    %dma_wait3A_1979 = tpu.memref_slice %arg2[%add3A_1971, %dma_wait3A_1978] : memref<131072x256xf32, #tpu.memory_space<hbm>> -> memref<128x256xf32, #tpu.memory_space<hbm>>
    %dma_wait3A_1980 = tpu.memref_slice %arg7[%dma_wait3A_1973] : memref<3x!tpu.dma_semaphore, #tpu.memory_space<semaphore_mem>> -> memref<1x!tpu.dma_semaphore, #tpu.memory_space<semaphore_mem>>
    %dma_wait3A_1981 = tpu.memref_squeeze %dma_wait3A_1980 : memref<1x!tpu.dma_semaphore, #tpu.memory_space<semaphore_mem>> -> memref<!tpu.dma_semaphore, #tpu.memory_space<semaphore_mem>>
    %dma_wait3A_1982 = arith.constant 0 : i32
    %dma_wait3A_1983 = arith.constant 0 : i32
    %dma_wait3A_1984 = tpu.memref_slice %arg5[%dma_wait3A_1972, %dma_wait3A_1982, %dma_wait3A_1983] : memref<3x128x256xf32, #tpu.memory_space<vmem>> -> memref<1x128x256xf32, #tpu.memory_space<vmem>>
    %dma_wait3A_1985 = tpu.memref_squeeze %dma_wait3A_1984 : memref<1x128x256xf32, #tpu.memory_space<vmem>> -> memref<128x256xf32, #tpu.memory_space<vmem>>
    %dma_wait3A_1986 = arith.constant 0 : i32
    %dma_wait3A_1987 = tpu.memref_slice %arg2[%add3A_1971, %dma_wait3A_1986] : memref<131072x256xf32, #tpu.memory_space<hbm>> -> memref<128x256xf32, #tpu.memory_space<hbm>>
    tpu.wait_dma2 semaphore(%dma_wait3A_1981 : memref<!tpu.dma_semaphore, #tpu.memory_space<semaphore_mem>>) src(%dma_wait3A_1987 : memref<128x256xf32, #tpu.memory_space<hbm>>) dst(%dma_wait3A_1985 : memref<128x256xf32, #tpu.memory_space<vmem>>)
    %add3A_1988 = arith.constant 3456 : i32
    %add3A_1989 = arith.addi %mul3A_2, %add3A_1988 : i32
    %dma_start3A_1990 = arith.constant 0 : i32
    %dma_start3A_1991 = arith.constant 0 : i32
    %dma_start3A_1992 = arith.constant 0 : i32
    %dma_start3A_1993 = arith.constant 0 : i32
    %dma_start3A_1994 = tpu.memref_slice %arg5[%dma_start3A_1990, %dma_start3A_1992, %dma_start3A_1993] : memref<3x128x256xf32, #tpu.memory_space<vmem>> -> memref<1x128x256xf32, #tpu.memory_space<vmem>>
    %dma_start3A_1995 = tpu.memref_squeeze %dma_start3A_1994 : memref<1x128x256xf32, #tpu.memory_space<vmem>> -> memref<128x256xf32, #tpu.memory_space<vmem>>
    %dma_start3A_1996 = arith.constant 0 : i32
    %dma_start3A_1997 = tpu.memref_slice %arg3[%add3A_1989, %dma_start3A_1996] : memref<131072x256xf32, #tpu.memory_space<hbm>> -> memref<128x256xf32, #tpu.memory_space<hbm>>
    %dma_start3A_1998 = tpu.memref_slice %arg8[%dma_start3A_1991] : memref<3x!tpu.dma_semaphore, #tpu.memory_space<semaphore_mem>> -> memref<1x!tpu.dma_semaphore, #tpu.memory_space<semaphore_mem>>
    %dma_start3A_1999 = tpu.memref_squeeze %dma_start3A_1998 : memref<1x!tpu.dma_semaphore, #tpu.memory_space<semaphore_mem>> -> memref<!tpu.dma_semaphore, #tpu.memory_space<semaphore_mem>>
    %dma_start3A_2000 = arith.constant 0 : i32
    %dma_start3A_2001 = tpu.memref_slice %arg3[%add3A_1989, %dma_start3A_2000] : memref<131072x256xf32, #tpu.memory_space<hbm>> -> memref<128x256xf32, #tpu.memory_space<hbm>>
    %dma_start3A_2002 = arith.constant 0 : i32
    %dma_start3A_2003 = arith.constant 0 : i32
    %dma_start3A_2004 = tpu.memref_slice %arg5[%dma_start3A_1990, %dma_start3A_2002, %dma_start3A_2003] : memref<3x128x256xf32, #tpu.memory_space<vmem>> -> memref<1x128x256xf32, #tpu.memory_space<vmem>>
    %dma_start3A_2005 = tpu.memref_squeeze %dma_start3A_2004 : memref<1x128x256xf32, #tpu.memory_space<vmem>> -> memref<128x256xf32, #tpu.memory_space<vmem>>
    tpu.enqueue_dma source(%dma_start3A_2005 : memref<128x256xf32, #tpu.memory_space<vmem>>) target(%dma_start3A_2001 : memref<128x256xf32, #tpu.memory_space<hbm>>) target_semaphore(%dma_start3A_1999 : memref<!tpu.dma_semaphore, #tpu.memory_space<semaphore_mem>>)
    %add3A_2006 = arith.constant 3328 : i32
    %add3A_2007 = arith.addi %mul3A_2, %add3A_2006 : i32
    %dma_wait3A_2008 = arith.constant 2 : i32
    %dma_wait3A_2009 = arith.constant 2 : i32
    %dma_wait3A_2010 = arith.constant 0 : i32
    %dma_wait3A_2011 = arith.constant 0 : i32
    %dma_wait3A_2012 = tpu.memref_slice %arg5[%dma_wait3A_2008, %dma_wait3A_2010, %dma_wait3A_2011] : memref<3x128x256xf32, #tpu.memory_space<vmem>> -> memref<1x128x256xf32, #tpu.memory_space<vmem>>
    %dma_wait3A_2013 = tpu.memref_squeeze %dma_wait3A_2012 : memref<1x128x256xf32, #tpu.memory_space<vmem>> -> memref<128x256xf32, #tpu.memory_space<vmem>>
    %dma_wait3A_2014 = arith.constant 0 : i32
    %dma_wait3A_2015 = tpu.memref_slice %arg3[%add3A_2007, %dma_wait3A_2014] : memref<131072x256xf32, #tpu.memory_space<hbm>> -> memref<128x256xf32, #tpu.memory_space<hbm>>
    %dma_wait3A_2016 = tpu.memref_slice %arg8[%dma_wait3A_2009] : memref<3x!tpu.dma_semaphore, #tpu.memory_space<semaphore_mem>> -> memref<1x!tpu.dma_semaphore, #tpu.memory_space<semaphore_mem>>
    %dma_wait3A_2017 = tpu.memref_squeeze %dma_wait3A_2016 : memref<1x!tpu.dma_semaphore, #tpu.memory_space<semaphore_mem>> -> memref<!tpu.dma_semaphore, #tpu.memory_space<semaphore_mem>>
    %dma_wait3A_2018 = arith.constant 0 : i32
    %dma_wait3A_2019 = tpu.memref_slice %arg3[%add3A_2007, %dma_wait3A_2018] : memref<131072x256xf32, #tpu.memory_space<hbm>> -> memref<128x256xf32, #tpu.memory_space<hbm>>
    %dma_wait3A_2020 = arith.constant 0 : i32
    %dma_wait3A_2021 = arith.constant 0 : i32
    %dma_wait3A_2022 = tpu.memref_slice %arg5[%dma_wait3A_2008, %dma_wait3A_2020, %dma_wait3A_2021] : memref<3x128x256xf32, #tpu.memory_space<vmem>> -> memref<1x128x256xf32, #tpu.memory_space<vmem>>
    %dma_wait3A_2023 = tpu.memref_squeeze %dma_wait3A_2022 : memref<1x128x256xf32, #tpu.memory_space<vmem>> -> memref<128x256xf32, #tpu.memory_space<vmem>>
    tpu.wait_dma2 semaphore(%dma_wait3A_2017 : memref<!tpu.dma_semaphore, #tpu.memory_space<semaphore_mem>>) src(%dma_wait3A_2023 : memref<128x256xf32, #tpu.memory_space<vmem>>) dst(%dma_wait3A_2019 : memref<128x256xf32, #tpu.memory_space<hbm>>)
    %add3A_2024 = arith.constant 3712 : i32
    %add3A_2025 = arith.addi %mul3A_2, %add3A_2024 : i32
    %dma_start3A_2026 = arith.constant 2 : i32
    %dma_start3A_2027 = arith.constant 2 : i32
    %dma_start3A_2028 = arith.constant 0 : i32
    %dma_start3A_2029 = arith.constant 0 : i32
    %dma_start3A_2030 = tpu.memref_slice %arg5[%dma_start3A_2026, %dma_start3A_2028, %dma_start3A_2029] : memref<3x128x256xf32, #tpu.memory_space<vmem>> -> memref<1x128x256xf32, #tpu.memory_space<vmem>>
    %dma_start3A_2031 = tpu.memref_squeeze %dma_start3A_2030 : memref<1x128x256xf32, #tpu.memory_space<vmem>> -> memref<128x256xf32, #tpu.memory_space<vmem>>
    %dma_start3A_2032 = arith.constant 0 : i32
    %dma_start3A_2033 = tpu.memref_slice %arg2[%add3A_2025, %dma_start3A_2032] : memref<131072x256xf32, #tpu.memory_space<hbm>> -> memref<128x256xf32, #tpu.memory_space<hbm>>
    %dma_start3A_2034 = tpu.memref_slice %arg7[%dma_start3A_2027] : memref<3x!tpu.dma_semaphore, #tpu.memory_space<semaphore_mem>> -> memref<1x!tpu.dma_semaphore, #tpu.memory_space<semaphore_mem>>
    %dma_start3A_2035 = tpu.memref_squeeze %dma_start3A_2034 : memref<1x!tpu.dma_semaphore, #tpu.memory_space<semaphore_mem>> -> memref<!tpu.dma_semaphore, #tpu.memory_space<semaphore_mem>>
    %dma_start3A_2036 = arith.constant 0 : i32
    %dma_start3A_2037 = arith.constant 0 : i32
    %dma_start3A_2038 = tpu.memref_slice %arg5[%dma_start3A_2026, %dma_start3A_2036, %dma_start3A_2037] : memref<3x128x256xf32, #tpu.memory_space<vmem>> -> memref<1x128x256xf32, #tpu.memory_space<vmem>>
    %dma_start3A_2039 = tpu.memref_squeeze %dma_start3A_2038 : memref<1x128x256xf32, #tpu.memory_space<vmem>> -> memref<128x256xf32, #tpu.memory_space<vmem>>
    %dma_start3A_2040 = arith.constant 0 : i32
    %dma_start3A_2041 = tpu.memref_slice %arg2[%add3A_2025, %dma_start3A_2040] : memref<131072x256xf32, #tpu.memory_space<hbm>> -> memref<128x256xf32, #tpu.memory_space<hbm>>
    tpu.enqueue_dma source(%dma_start3A_2041 : memref<128x256xf32, #tpu.memory_space<hbm>>) target(%dma_start3A_2039 : memref<128x256xf32, #tpu.memory_space<vmem>>) target_semaphore(%dma_start3A_2035 : memref<!tpu.dma_semaphore, #tpu.memory_space<semaphore_mem>>)
    %add3A_2042 = arith.constant 3584 : i32
    %add3A_2043 = arith.addi %mul3A_2, %add3A_2042 : i32
    %dma_wait3A_2044 = arith.constant 1 : i32
    %dma_wait3A_2045 = arith.constant 1 : i32
    %dma_wait3A_2046 = arith.constant 0 : i32
    %dma_wait3A_2047 = arith.constant 0 : i32
    %dma_wait3A_2048 = tpu.memref_slice %arg5[%dma_wait3A_2044, %dma_wait3A_2046, %dma_wait3A_2047] : memref<3x128x256xf32, #tpu.memory_space<vmem>> -> memref<1x128x256xf32, #tpu.memory_space<vmem>>
    %dma_wait3A_2049 = tpu.memref_squeeze %dma_wait3A_2048 : memref<1x128x256xf32, #tpu.memory_space<vmem>> -> memref<128x256xf32, #tpu.memory_space<vmem>>
    %dma_wait3A_2050 = arith.constant 0 : i32
    %dma_wait3A_2051 = tpu.memref_slice %arg2[%add3A_2043, %dma_wait3A_2050] : memref<131072x256xf32, #tpu.memory_space<hbm>> -> memref<128x256xf32, #tpu.memory_space<hbm>>
    %dma_wait3A_2052 = tpu.memref_slice %arg7[%dma_wait3A_2045] : memref<3x!tpu.dma_semaphore, #tpu.memory_space<semaphore_mem>> -> memref<1x!tpu.dma_semaphore, #tpu.memory_space<semaphore_mem>>
    %dma_wait3A_2053 = tpu.memref_squeeze %dma_wait3A_2052 : memref<1x!tpu.dma_semaphore, #tpu.memory_space<semaphore_mem>> -> memref<!tpu.dma_semaphore, #tpu.memory_space<semaphore_mem>>
    %dma_wait3A_2054 = arith.constant 0 : i32
    %dma_wait3A_2055 = arith.constant 0 : i32
    %dma_wait3A_2056 = tpu.memref_slice %arg5[%dma_wait3A_2044, %dma_wait3A_2054, %dma_wait3A_2055] : memref<3x128x256xf32, #tpu.memory_space<vmem>> -> memref<1x128x256xf32, #tpu.memory_space<vmem>>
    %dma_wait3A_2057 = tpu.memref_squeeze %dma_wait3A_2056 : memref<1x128x256xf32, #tpu.memory_space<vmem>> -> memref<128x256xf32, #tpu.memory_space<vmem>>
    %dma_wait3A_2058 = arith.constant 0 : i32
    %dma_wait3A_2059 = tpu.memref_slice %arg2[%add3A_2043, %dma_wait3A_2058] : memref<131072x256xf32, #tpu.memory_space<hbm>> -> memref<128x256xf32, #tpu.memory_space<hbm>>
    tpu.wait_dma2 semaphore(%dma_wait3A_2053 : memref<!tpu.dma_semaphore, #tpu.memory_space<semaphore_mem>>) src(%dma_wait3A_2059 : memref<128x256xf32, #tpu.memory_space<hbm>>) dst(%dma_wait3A_2057 : memref<128x256xf32, #tpu.memory_space<vmem>>)
    %add3A_2060 = arith.constant 3584 : i32
    %add3A_2061 = arith.addi %mul3A_2, %add3A_2060 : i32
    %dma_start3A_2062 = arith.constant 1 : i32
    %dma_start3A_2063 = arith.constant 1 : i32
    %dma_start3A_2064 = arith.constant 0 : i32
    %dma_start3A_2065 = arith.constant 0 : i32
    %dma_start3A_2066 = tpu.memref_slice %arg5[%dma_start3A_2062, %dma_start3A_2064, %dma_start3A_2065] : memref<3x128x256xf32, #tpu.memory_space<vmem>> -> memref<1x128x256xf32, #tpu.memory_space<vmem>>
    %dma_start3A_2067 = tpu.memref_squeeze %dma_start3A_2066 : memref<1x128x256xf32, #tpu.memory_space<vmem>> -> memref<128x256xf32, #tpu.memory_space<vmem>>
    %dma_start3A_2068 = arith.constant 0 : i32
    %dma_start3A_2069 = tpu.memref_slice %arg3[%add3A_2061, %dma_start3A_2068] : memref<131072x256xf32, #tpu.memory_space<hbm>> -> memref<128x256xf32, #tpu.memory_space<hbm>>
    %dma_start3A_2070 = tpu.memref_slice %arg8[%dma_start3A_2063] : memref<3x!tpu.dma_semaphore, #tpu.memory_space<semaphore_mem>> -> memref<1x!tpu.dma_semaphore, #tpu.memory_space<semaphore_mem>>
    %dma_start3A_2071 = tpu.memref_squeeze %dma_start3A_2070 : memref<1x!tpu.dma_semaphore, #tpu.memory_space<semaphore_mem>> -> memref<!tpu.dma_semaphore, #tpu.memory_space<semaphore_mem>>
    %dma_start3A_2072 = arith.constant 0 : i32
    %dma_start3A_2073 = tpu.memref_slice %arg3[%add3A_2061, %dma_start3A_2072] : memref<131072x256xf32, #tpu.memory_space<hbm>> -> memref<128x256xf32, #tpu.memory_space<hbm>>
    %dma_start3A_2074 = arith.constant 0 : i32
    %dma_start3A_2075 = arith.constant 0 : i32
    %dma_start3A_2076 = tpu.memref_slice %arg5[%dma_start3A_2062, %dma_start3A_2074, %dma_start3A_2075] : memref<3x128x256xf32, #tpu.memory_space<vmem>> -> memref<1x128x256xf32, #tpu.memory_space<vmem>>
    %dma_start3A_2077 = tpu.memref_squeeze %dma_start3A_2076 : memref<1x128x256xf32, #tpu.memory_space<vmem>> -> memref<128x256xf32, #tpu.memory_space<vmem>>
    tpu.enqueue_dma source(%dma_start3A_2077 : memref<128x256xf32, #tpu.memory_space<vmem>>) target(%dma_start3A_2073 : memref<128x256xf32, #tpu.memory_space<hbm>>) target_semaphore(%dma_start3A_2071 : memref<!tpu.dma_semaphore, #tpu.memory_space<semaphore_mem>>)
    %add3A_2078 = arith.constant 3456 : i32
    %add3A_2079 = arith.addi %mul3A_2, %add3A_2078 : i32
    %dma_wait3A_2080 = arith.constant 0 : i32
    %dma_wait3A_2081 = arith.constant 0 : i32
    %dma_wait3A_2082 = arith.constant 0 : i32
    %dma_wait3A_2083 = arith.constant 0 : i32
    %dma_wait3A_2084 = tpu.memref_slice %arg5[%dma_wait3A_2080, %dma_wait3A_2082, %dma_wait3A_2083] : memref<3x128x256xf32, #tpu.memory_space<vmem>> -> memref<1x128x256xf32, #tpu.memory_space<vmem>>
    %dma_wait3A_2085 = tpu.memref_squeeze %dma_wait3A_2084 : memref<1x128x256xf32, #tpu.memory_space<vmem>> -> memref<128x256xf32, #tpu.memory_space<vmem>>
    %dma_wait3A_2086 = arith.constant 0 : i32
    %dma_wait3A_2087 = tpu.memref_slice %arg3[%add3A_2079, %dma_wait3A_2086] : memref<131072x256xf32, #tpu.memory_space<hbm>> -> memref<128x256xf32, #tpu.memory_space<hbm>>
    %dma_wait3A_2088 = tpu.memref_slice %arg8[%dma_wait3A_2081] : memref<3x!tpu.dma_semaphore, #tpu.memory_space<semaphore_mem>> -> memref<1x!tpu.dma_semaphore, #tpu.memory_space<semaphore_mem>>
    %dma_wait3A_2089 = tpu.memref_squeeze %dma_wait3A_2088 : memref<1x!tpu.dma_semaphore, #tpu.memory_space<semaphore_mem>> -> memref<!tpu.dma_semaphore, #tpu.memory_space<semaphore_mem>>
    %dma_wait3A_2090 = arith.constant 0 : i32
    %dma_wait3A_2091 = tpu.memref_slice %arg3[%add3A_2079, %dma_wait3A_2090] : memref<131072x256xf32, #tpu.memory_space<hbm>> -> memref<128x256xf32, #tpu.memory_space<hbm>>
    %dma_wait3A_2092 = arith.constant 0 : i32
    %dma_wait3A_2093 = arith.constant 0 : i32
    %dma_wait3A_2094 = tpu.memref_slice %arg5[%dma_wait3A_2080, %dma_wait3A_2092, %dma_wait3A_2093] : memref<3x128x256xf32, #tpu.memory_space<vmem>> -> memref<1x128x256xf32, #tpu.memory_space<vmem>>
    %dma_wait3A_2095 = tpu.memref_squeeze %dma_wait3A_2094 : memref<1x128x256xf32, #tpu.memory_space<vmem>> -> memref<128x256xf32, #tpu.memory_space<vmem>>
    tpu.wait_dma2 semaphore(%dma_wait3A_2089 : memref<!tpu.dma_semaphore, #tpu.memory_space<semaphore_mem>>) src(%dma_wait3A_2095 : memref<128x256xf32, #tpu.memory_space<vmem>>) dst(%dma_wait3A_2091 : memref<128x256xf32, #tpu.memory_space<hbm>>)
    %add3A_2096 = arith.constant 3840 : i32
    %add3A_2097 = arith.addi %mul3A_2, %add3A_2096 : i32
    %dma_start3A_2098 = arith.constant 0 : i32
    %dma_start3A_2099 = arith.constant 0 : i32
    %dma_start3A_2100 = arith.constant 0 : i32
    %dma_start3A_2101 = arith.constant 0 : i32
    %dma_start3A_2102 = tpu.memref_slice %arg5[%dma_start3A_2098, %dma_start3A_2100, %dma_start3A_2101] : memref<3x128x256xf32, #tpu.memory_space<vmem>> -> memref<1x128x256xf32, #tpu.memory_space<vmem>>
    %dma_start3A_2103 = tpu.memref_squeeze %dma_start3A_2102 : memref<1x128x256xf32, #tpu.memory_space<vmem>> -> memref<128x256xf32, #tpu.memory_space<vmem>>
    %dma_start3A_2104 = arith.constant 0 : i32
    %dma_start3A_2105 = tpu.memref_slice %arg2[%add3A_2097, %dma_start3A_2104] : memref<131072x256xf32, #tpu.memory_space<hbm>> -> memref<128x256xf32, #tpu.memory_space<hbm>>
    %dma_start3A_2106 = tpu.memref_slice %arg7[%dma_start3A_2099] : memref<3x!tpu.dma_semaphore, #tpu.memory_space<semaphore_mem>> -> memref<1x!tpu.dma_semaphore, #tpu.memory_space<semaphore_mem>>
    %dma_start3A_2107 = tpu.memref_squeeze %dma_start3A_2106 : memref<1x!tpu.dma_semaphore, #tpu.memory_space<semaphore_mem>> -> memref<!tpu.dma_semaphore, #tpu.memory_space<semaphore_mem>>
    %dma_start3A_2108 = arith.constant 0 : i32
    %dma_start3A_2109 = arith.constant 0 : i32
    %dma_start3A_2110 = tpu.memref_slice %arg5[%dma_start3A_2098, %dma_start3A_2108, %dma_start3A_2109] : memref<3x128x256xf32, #tpu.memory_space<vmem>> -> memref<1x128x256xf32, #tpu.memory_space<vmem>>
    %dma_start3A_2111 = tpu.memref_squeeze %dma_start3A_2110 : memref<1x128x256xf32, #tpu.memory_space<vmem>> -> memref<128x256xf32, #tpu.memory_space<vmem>>
    %dma_start3A_2112 = arith.constant 0 : i32
    %dma_start3A_2113 = tpu.memref_slice %arg2[%add3A_2097, %dma_start3A_2112] : memref<131072x256xf32, #tpu.memory_space<hbm>> -> memref<128x256xf32, #tpu.memory_space<hbm>>
    tpu.enqueue_dma source(%dma_start3A_2113 : memref<128x256xf32, #tpu.memory_space<hbm>>) target(%dma_start3A_2111 : memref<128x256xf32, #tpu.memory_space<vmem>>) target_semaphore(%dma_start3A_2107 : memref<!tpu.dma_semaphore, #tpu.memory_space<semaphore_mem>>)
    %add3A_2114 = arith.constant 3712 : i32
    %add3A_2115 = arith.addi %mul3A_2, %add3A_2114 : i32
    %dma_wait3A_2116 = arith.constant 2 : i32
    %dma_wait3A_2117 = arith.constant 2 : i32
    %dma_wait3A_2118 = arith.constant 0 : i32
    %dma_wait3A_2119 = arith.constant 0 : i32
    %dma_wait3A_2120 = tpu.memref_slice %arg5[%dma_wait3A_2116, %dma_wait3A_2118, %dma_wait3A_2119] : memref<3x128x256xf32, #tpu.memory_space<vmem>> -> memref<1x128x256xf32, #tpu.memory_space<vmem>>
    %dma_wait3A_2121 = tpu.memref_squeeze %dma_wait3A_2120 : memref<1x128x256xf32, #tpu.memory_space<vmem>> -> memref<128x256xf32, #tpu.memory_space<vmem>>
    %dma_wait3A_2122 = arith.constant 0 : i32
    %dma_wait3A_2123 = tpu.memref_slice %arg2[%add3A_2115, %dma_wait3A_2122] : memref<131072x256xf32, #tpu.memory_space<hbm>> -> memref<128x256xf32, #tpu.memory_space<hbm>>
    %dma_wait3A_2124 = tpu.memref_slice %arg7[%dma_wait3A_2117] : memref<3x!tpu.dma_semaphore, #tpu.memory_space<semaphore_mem>> -> memref<1x!tpu.dma_semaphore, #tpu.memory_space<semaphore_mem>>
    %dma_wait3A_2125 = tpu.memref_squeeze %dma_wait3A_2124 : memref<1x!tpu.dma_semaphore, #tpu.memory_space<semaphore_mem>> -> memref<!tpu.dma_semaphore, #tpu.memory_space<semaphore_mem>>
    %dma_wait3A_2126 = arith.constant 0 : i32
    %dma_wait3A_2127 = arith.constant 0 : i32
    %dma_wait3A_2128 = tpu.memref_slice %arg5[%dma_wait3A_2116, %dma_wait3A_2126, %dma_wait3A_2127] : memref<3x128x256xf32, #tpu.memory_space<vmem>> -> memref<1x128x256xf32, #tpu.memory_space<vmem>>
    %dma_wait3A_2129 = tpu.memref_squeeze %dma_wait3A_2128 : memref<1x128x256xf32, #tpu.memory_space<vmem>> -> memref<128x256xf32, #tpu.memory_space<vmem>>
    %dma_wait3A_2130 = arith.constant 0 : i32
    %dma_wait3A_2131 = tpu.memref_slice %arg2[%add3A_2115, %dma_wait3A_2130] : memref<131072x256xf32, #tpu.memory_space<hbm>> -> memref<128x256xf32, #tpu.memory_space<hbm>>
    tpu.wait_dma2 semaphore(%dma_wait3A_2125 : memref<!tpu.dma_semaphore, #tpu.memory_space<semaphore_mem>>) src(%dma_wait3A_2131 : memref<128x256xf32, #tpu.memory_space<hbm>>) dst(%dma_wait3A_2129 : memref<128x256xf32, #tpu.memory_space<vmem>>)
    %add3A_2132 = arith.constant 3712 : i32
    %add3A_2133 = arith.addi %mul3A_2, %add3A_2132 : i32
    %dma_start3A_2134 = arith.constant 2 : i32
    %dma_start3A_2135 = arith.constant 2 : i32
    %dma_start3A_2136 = arith.constant 0 : i32
    %dma_start3A_2137 = arith.constant 0 : i32
    %dma_start3A_2138 = tpu.memref_slice %arg5[%dma_start3A_2134, %dma_start3A_2136, %dma_start3A_2137] : memref<3x128x256xf32, #tpu.memory_space<vmem>> -> memref<1x128x256xf32, #tpu.memory_space<vmem>>
    %dma_start3A_2139 = tpu.memref_squeeze %dma_start3A_2138 : memref<1x128x256xf32, #tpu.memory_space<vmem>> -> memref<128x256xf32, #tpu.memory_space<vmem>>
    %dma_start3A_2140 = arith.constant 0 : i32
    %dma_start3A_2141 = tpu.memref_slice %arg3[%add3A_2133, %dma_start3A_2140] : memref<131072x256xf32, #tpu.memory_space<hbm>> -> memref<128x256xf32, #tpu.memory_space<hbm>>
    %dma_start3A_2142 = tpu.memref_slice %arg8[%dma_start3A_2135] : memref<3x!tpu.dma_semaphore, #tpu.memory_space<semaphore_mem>> -> memref<1x!tpu.dma_semaphore, #tpu.memory_space<semaphore_mem>>
    %dma_start3A_2143 = tpu.memref_squeeze %dma_start3A_2142 : memref<1x!tpu.dma_semaphore, #tpu.memory_space<semaphore_mem>> -> memref<!tpu.dma_semaphore, #tpu.memory_space<semaphore_mem>>
    %dma_start3A_2144 = arith.constant 0 : i32
    %dma_start3A_2145 = tpu.memref_slice %arg3[%add3A_2133, %dma_start3A_2144] : memref<131072x256xf32, #tpu.memory_space<hbm>> -> memref<128x256xf32, #tpu.memory_space<hbm>>
    %dma_start3A_2146 = arith.constant 0 : i32
    %dma_start3A_2147 = arith.constant 0 : i32
    %dma_start3A_2148 = tpu.memref_slice %arg5[%dma_start3A_2134, %dma_start3A_2146, %dma_start3A_2147] : memref<3x128x256xf32, #tpu.memory_space<vmem>> -> memref<1x128x256xf32, #tpu.memory_space<vmem>>
    %dma_start3A_2149 = tpu.memref_squeeze %dma_start3A_2148 : memref<1x128x256xf32, #tpu.memory_space<vmem>> -> memref<128x256xf32, #tpu.memory_space<vmem>>
    tpu.enqueue_dma source(%dma_start3A_2149 : memref<128x256xf32, #tpu.memory_space<vmem>>) target(%dma_start3A_2145 : memref<128x256xf32, #tpu.memory_space<hbm>>) target_semaphore(%dma_start3A_2143 : memref<!tpu.dma_semaphore, #tpu.memory_space<semaphore_mem>>)
    %add3A_2150 = arith.constant 3584 : i32
    %add3A_2151 = arith.addi %mul3A_2, %add3A_2150 : i32
    %dma_wait3A_2152 = arith.constant 1 : i32
    %dma_wait3A_2153 = arith.constant 1 : i32
    %dma_wait3A_2154 = arith.constant 0 : i32
    %dma_wait3A_2155 = arith.constant 0 : i32
    %dma_wait3A_2156 = tpu.memref_slice %arg5[%dma_wait3A_2152, %dma_wait3A_2154, %dma_wait3A_2155] : memref<3x128x256xf32, #tpu.memory_space<vmem>> -> memref<1x128x256xf32, #tpu.memory_space<vmem>>
    %dma_wait3A_2157 = tpu.memref_squeeze %dma_wait3A_2156 : memref<1x128x256xf32, #tpu.memory_space<vmem>> -> memref<128x256xf32, #tpu.memory_space<vmem>>
    %dma_wait3A_2158 = arith.constant 0 : i32
    %dma_wait3A_2159 = tpu.memref_slice %arg3[%add3A_2151, %dma_wait3A_2158] : memref<131072x256xf32, #tpu.memory_space<hbm>> -> memref<128x256xf32, #tpu.memory_space<hbm>>
    %dma_wait3A_2160 = tpu.memref_slice %arg8[%dma_wait3A_2153] : memref<3x!tpu.dma_semaphore, #tpu.memory_space<semaphore_mem>> -> memref<1x!tpu.dma_semaphore, #tpu.memory_space<semaphore_mem>>
    %dma_wait3A_2161 = tpu.memref_squeeze %dma_wait3A_2160 : memref<1x!tpu.dma_semaphore, #tpu.memory_space<semaphore_mem>> -> memref<!tpu.dma_semaphore, #tpu.memory_space<semaphore_mem>>
    %dma_wait3A_2162 = arith.constant 0 : i32
    %dma_wait3A_2163 = tpu.memref_slice %arg3[%add3A_2151, %dma_wait3A_2162] : memref<131072x256xf32, #tpu.memory_space<hbm>> -> memref<128x256xf32, #tpu.memory_space<hbm>>
    %dma_wait3A_2164 = arith.constant 0 : i32
    %dma_wait3A_2165 = arith.constant 0 : i32
    %dma_wait3A_2166 = tpu.memref_slice %arg5[%dma_wait3A_2152, %dma_wait3A_2164, %dma_wait3A_2165] : memref<3x128x256xf32, #tpu.memory_space<vmem>> -> memref<1x128x256xf32, #tpu.memory_space<vmem>>
    %dma_wait3A_2167 = tpu.memref_squeeze %dma_wait3A_2166 : memref<1x128x256xf32, #tpu.memory_space<vmem>> -> memref<128x256xf32, #tpu.memory_space<vmem>>
    tpu.wait_dma2 semaphore(%dma_wait3A_2161 : memref<!tpu.dma_semaphore, #tpu.memory_space<semaphore_mem>>) src(%dma_wait3A_2167 : memref<128x256xf32, #tpu.memory_space<vmem>>) dst(%dma_wait3A_2163 : memref<128x256xf32, #tpu.memory_space<hbm>>)
    %add3A_2168 = arith.constant 3968 : i32
    %add3A_2169 = arith.addi %mul3A_2, %add3A_2168 : i32
    %dma_start3A_2170 = arith.constant 1 : i32
    %dma_start3A_2171 = arith.constant 1 : i32
    %dma_start3A_2172 = arith.constant 0 : i32
    %dma_start3A_2173 = arith.constant 0 : i32
    %dma_start3A_2174 = tpu.memref_slice %arg5[%dma_start3A_2170, %dma_start3A_2172, %dma_start3A_2173] : memref<3x128x256xf32, #tpu.memory_space<vmem>> -> memref<1x128x256xf32, #tpu.memory_space<vmem>>
    %dma_start3A_2175 = tpu.memref_squeeze %dma_start3A_2174 : memref<1x128x256xf32, #tpu.memory_space<vmem>> -> memref<128x256xf32, #tpu.memory_space<vmem>>
    %dma_start3A_2176 = arith.constant 0 : i32
    %dma_start3A_2177 = tpu.memref_slice %arg2[%add3A_2169, %dma_start3A_2176] : memref<131072x256xf32, #tpu.memory_space<hbm>> -> memref<128x256xf32, #tpu.memory_space<hbm>>
    %dma_start3A_2178 = tpu.memref_slice %arg7[%dma_start3A_2171] : memref<3x!tpu.dma_semaphore, #tpu.memory_space<semaphore_mem>> -> memref<1x!tpu.dma_semaphore, #tpu.memory_space<semaphore_mem>>
    %dma_start3A_2179 = tpu.memref_squeeze %dma_start3A_2178 : memref<1x!tpu.dma_semaphore, #tpu.memory_space<semaphore_mem>> -> memref<!tpu.dma_semaphore, #tpu.memory_space<semaphore_mem>>
    %dma_start3A_2180 = arith.constant 0 : i32
    %dma_start3A_2181 = arith.constant 0 : i32
    %dma_start3A_2182 = tpu.memref_slice %arg5[%dma_start3A_2170, %dma_start3A_2180, %dma_start3A_2181] : memref<3x128x256xf32, #tpu.memory_space<vmem>> -> memref<1x128x256xf32, #tpu.memory_space<vmem>>
    %dma_start3A_2183 = tpu.memref_squeeze %dma_start3A_2182 : memref<1x128x256xf32, #tpu.memory_space<vmem>> -> memref<128x256xf32, #tpu.memory_space<vmem>>
    %dma_start3A_2184 = arith.constant 0 : i32
    %dma_start3A_2185 = tpu.memref_slice %arg2[%add3A_2169, %dma_start3A_2184] : memref<131072x256xf32, #tpu.memory_space<hbm>> -> memref<128x256xf32, #tpu.memory_space<hbm>>
    tpu.enqueue_dma source(%dma_start3A_2185 : memref<128x256xf32, #tpu.memory_space<hbm>>) target(%dma_start3A_2183 : memref<128x256xf32, #tpu.memory_space<vmem>>) target_semaphore(%dma_start3A_2179 : memref<!tpu.dma_semaphore, #tpu.memory_space<semaphore_mem>>)
    %add3A_2186 = arith.constant 3840 : i32
    %add3A_2187 = arith.addi %mul3A_2, %add3A_2186 : i32
    %dma_wait3A_2188 = arith.constant 0 : i32
    %dma_wait3A_2189 = arith.constant 0 : i32
    %dma_wait3A_2190 = arith.constant 0 : i32
    %dma_wait3A_2191 = arith.constant 0 : i32
    %dma_wait3A_2192 = tpu.memref_slice %arg5[%dma_wait3A_2188, %dma_wait3A_2190, %dma_wait3A_2191] : memref<3x128x256xf32, #tpu.memory_space<vmem>> -> memref<1x128x256xf32, #tpu.memory_space<vmem>>
    %dma_wait3A_2193 = tpu.memref_squeeze %dma_wait3A_2192 : memref<1x128x256xf32, #tpu.memory_space<vmem>> -> memref<128x256xf32, #tpu.memory_space<vmem>>
    %dma_wait3A_2194 = arith.constant 0 : i32
    %dma_wait3A_2195 = tpu.memref_slice %arg2[%add3A_2187, %dma_wait3A_2194] : memref<131072x256xf32, #tpu.memory_space<hbm>> -> memref<128x256xf32, #tpu.memory_space<hbm>>
    %dma_wait3A_2196 = tpu.memref_slice %arg7[%dma_wait3A_2189] : memref<3x!tpu.dma_semaphore, #tpu.memory_space<semaphore_mem>> -> memref<1x!tpu.dma_semaphore, #tpu.memory_space<semaphore_mem>>
    %dma_wait3A_2197 = tpu.memref_squeeze %dma_wait3A_2196 : memref<1x!tpu.dma_semaphore, #tpu.memory_space<semaphore_mem>> -> memref<!tpu.dma_semaphore, #tpu.memory_space<semaphore_mem>>
    %dma_wait3A_2198 = arith.constant 0 : i32
    %dma_wait3A_2199 = arith.constant 0 : i32
    %dma_wait3A_2200 = tpu.memref_slice %arg5[%dma_wait3A_2188, %dma_wait3A_2198, %dma_wait3A_2199] : memref<3x128x256xf32, #tpu.memory_space<vmem>> -> memref<1x128x256xf32, #tpu.memory_space<vmem>>
    %dma_wait3A_2201 = tpu.memref_squeeze %dma_wait3A_2200 : memref<1x128x256xf32, #tpu.memory_space<vmem>> -> memref<128x256xf32, #tpu.memory_space<vmem>>
    %dma_wait3A_2202 = arith.constant 0 : i32
    %dma_wait3A_2203 = tpu.memref_slice %arg2[%add3A_2187, %dma_wait3A_2202] : memref<131072x256xf32, #tpu.memory_space<hbm>> -> memref<128x256xf32, #tpu.memory_space<hbm>>
    tpu.wait_dma2 semaphore(%dma_wait3A_2197 : memref<!tpu.dma_semaphore, #tpu.memory_space<semaphore_mem>>) src(%dma_wait3A_2203 : memref<128x256xf32, #tpu.memory_space<hbm>>) dst(%dma_wait3A_2201 : memref<128x256xf32, #tpu.memory_space<vmem>>)
    %add3A_2204 = arith.constant 3840 : i32
    %add3A_2205 = arith.addi %mul3A_2, %add3A_2204 : i32
    %dma_start3A_2206 = arith.constant 0 : i32
    %dma_start3A_2207 = arith.constant 0 : i32
    %dma_start3A_2208 = arith.constant 0 : i32
    %dma_start3A_2209 = arith.constant 0 : i32
    %dma_start3A_2210 = tpu.memref_slice %arg5[%dma_start3A_2206, %dma_start3A_2208, %dma_start3A_2209] : memref<3x128x256xf32, #tpu.memory_space<vmem>> -> memref<1x128x256xf32, #tpu.memory_space<vmem>>
    %dma_start3A_2211 = tpu.memref_squeeze %dma_start3A_2210 : memref<1x128x256xf32, #tpu.memory_space<vmem>> -> memref<128x256xf32, #tpu.memory_space<vmem>>
    %dma_start3A_2212 = arith.constant 0 : i32
    %dma_start3A_2213 = tpu.memref_slice %arg3[%add3A_2205, %dma_start3A_2212] : memref<131072x256xf32, #tpu.memory_space<hbm>> -> memref<128x256xf32, #tpu.memory_space<hbm>>
    %dma_start3A_2214 = tpu.memref_slice %arg8[%dma_start3A_2207] : memref<3x!tpu.dma_semaphore, #tpu.memory_space<semaphore_mem>> -> memref<1x!tpu.dma_semaphore, #tpu.memory_space<semaphore_mem>>
    %dma_start3A_2215 = tpu.memref_squeeze %dma_start3A_2214 : memref<1x!tpu.dma_semaphore, #tpu.memory_space<semaphore_mem>> -> memref<!tpu.dma_semaphore, #tpu.memory_space<semaphore_mem>>
    %dma_start3A_2216 = arith.constant 0 : i32
    %dma_start3A_2217 = tpu.memref_slice %arg3[%add3A_2205, %dma_start3A_2216] : memref<131072x256xf32, #tpu.memory_space<hbm>> -> memref<128x256xf32, #tpu.memory_space<hbm>>
    %dma_start3A_2218 = arith.constant 0 : i32
    %dma_start3A_2219 = arith.constant 0 : i32
    %dma_start3A_2220 = tpu.memref_slice %arg5[%dma_start3A_2206, %dma_start3A_2218, %dma_start3A_2219] : memref<3x128x256xf32, #tpu.memory_space<vmem>> -> memref<1x128x256xf32, #tpu.memory_space<vmem>>
    %dma_start3A_2221 = tpu.memref_squeeze %dma_start3A_2220 : memref<1x128x256xf32, #tpu.memory_space<vmem>> -> memref<128x256xf32, #tpu.memory_space<vmem>>
    tpu.enqueue_dma source(%dma_start3A_2221 : memref<128x256xf32, #tpu.memory_space<vmem>>) target(%dma_start3A_2217 : memref<128x256xf32, #tpu.memory_space<hbm>>) target_semaphore(%dma_start3A_2215 : memref<!tpu.dma_semaphore, #tpu.memory_space<semaphore_mem>>)
    %add3A_2222 = arith.constant 3968 : i32
    %add3A_2223 = arith.addi %mul3A_2, %add3A_2222 : i32
    %dma_wait3A_2224 = arith.constant 1 : i32
    %dma_wait3A_2225 = arith.constant 1 : i32
    %dma_wait3A_2226 = arith.constant 0 : i32
    %dma_wait3A_2227 = arith.constant 0 : i32
    %dma_wait3A_2228 = tpu.memref_slice %arg5[%dma_wait3A_2224, %dma_wait3A_2226, %dma_wait3A_2227] : memref<3x128x256xf32, #tpu.memory_space<vmem>> -> memref<1x128x256xf32, #tpu.memory_space<vmem>>
    %dma_wait3A_2229 = tpu.memref_squeeze %dma_wait3A_2228 : memref<1x128x256xf32, #tpu.memory_space<vmem>> -> memref<128x256xf32, #tpu.memory_space<vmem>>
    %dma_wait3A_2230 = arith.constant 0 : i32
    %dma_wait3A_2231 = tpu.memref_slice %arg2[%add3A_2223, %dma_wait3A_2230] : memref<131072x256xf32, #tpu.memory_space<hbm>> -> memref<128x256xf32, #tpu.memory_space<hbm>>
    %dma_wait3A_2232 = tpu.memref_slice %arg7[%dma_wait3A_2225] : memref<3x!tpu.dma_semaphore, #tpu.memory_space<semaphore_mem>> -> memref<1x!tpu.dma_semaphore, #tpu.memory_space<semaphore_mem>>
    %dma_wait3A_2233 = tpu.memref_squeeze %dma_wait3A_2232 : memref<1x!tpu.dma_semaphore, #tpu.memory_space<semaphore_mem>> -> memref<!tpu.dma_semaphore, #tpu.memory_space<semaphore_mem>>
    %dma_wait3A_2234 = arith.constant 0 : i32
    %dma_wait3A_2235 = arith.constant 0 : i32
    %dma_wait3A_2236 = tpu.memref_slice %arg5[%dma_wait3A_2224, %dma_wait3A_2234, %dma_wait3A_2235] : memref<3x128x256xf32, #tpu.memory_space<vmem>> -> memref<1x128x256xf32, #tpu.memory_space<vmem>>
    %dma_wait3A_2237 = tpu.memref_squeeze %dma_wait3A_2236 : memref<1x128x256xf32, #tpu.memory_space<vmem>> -> memref<128x256xf32, #tpu.memory_space<vmem>>
    %dma_wait3A_2238 = arith.constant 0 : i32
    %dma_wait3A_2239 = tpu.memref_slice %arg2[%add3A_2223, %dma_wait3A_2238] : memref<131072x256xf32, #tpu.memory_space<hbm>> -> memref<128x256xf32, #tpu.memory_space<hbm>>
    tpu.wait_dma2 semaphore(%dma_wait3A_2233 : memref<!tpu.dma_semaphore, #tpu.memory_space<semaphore_mem>>) src(%dma_wait3A_2239 : memref<128x256xf32, #tpu.memory_space<hbm>>) dst(%dma_wait3A_2237 : memref<128x256xf32, #tpu.memory_space<vmem>>)
    %add3A_2240 = arith.constant 3968 : i32
    %add3A_2241 = arith.addi %mul3A_2, %add3A_2240 : i32
    %dma_start3A_2242 = arith.constant 1 : i32
    %dma_start3A_2243 = arith.constant 1 : i32
    %dma_start3A_2244 = arith.constant 0 : i32
    %dma_start3A_2245 = arith.constant 0 : i32
    %dma_start3A_2246 = tpu.memref_slice %arg5[%dma_start3A_2242, %dma_start3A_2244, %dma_start3A_2245] : memref<3x128x256xf32, #tpu.memory_space<vmem>> -> memref<1x128x256xf32, #tpu.memory_space<vmem>>
    %dma_start3A_2247 = tpu.memref_squeeze %dma_start3A_2246 : memref<1x128x256xf32, #tpu.memory_space<vmem>> -> memref<128x256xf32, #tpu.memory_space<vmem>>
    %dma_start3A_2248 = arith.constant 0 : i32
    %dma_start3A_2249 = tpu.memref_slice %arg3[%add3A_2241, %dma_start3A_2248] : memref<131072x256xf32, #tpu.memory_space<hbm>> -> memref<128x256xf32, #tpu.memory_space<hbm>>
    %dma_start3A_2250 = tpu.memref_slice %arg8[%dma_start3A_2243] : memref<3x!tpu.dma_semaphore, #tpu.memory_space<semaphore_mem>> -> memref<1x!tpu.dma_semaphore, #tpu.memory_space<semaphore_mem>>
    %dma_start3A_2251 = tpu.memref_squeeze %dma_start3A_2250 : memref<1x!tpu.dma_semaphore, #tpu.memory_space<semaphore_mem>> -> memref<!tpu.dma_semaphore, #tpu.memory_space<semaphore_mem>>
    %dma_start3A_2252 = arith.constant 0 : i32
    %dma_start3A_2253 = tpu.memref_slice %arg3[%add3A_2241, %dma_start3A_2252] : memref<131072x256xf32, #tpu.memory_space<hbm>> -> memref<128x256xf32, #tpu.memory_space<hbm>>
    %dma_start3A_2254 = arith.constant 0 : i32
    %dma_start3A_2255 = arith.constant 0 : i32
    %dma_start3A_2256 = tpu.memref_slice %arg5[%dma_start3A_2242, %dma_start3A_2254, %dma_start3A_2255] : memref<3x128x256xf32, #tpu.memory_space<vmem>> -> memref<1x128x256xf32, #tpu.memory_space<vmem>>
    %dma_start3A_2257 = tpu.memref_squeeze %dma_start3A_2256 : memref<1x128x256xf32, #tpu.memory_space<vmem>> -> memref<128x256xf32, #tpu.memory_space<vmem>>
    tpu.enqueue_dma source(%dma_start3A_2257 : memref<128x256xf32, #tpu.memory_space<vmem>>) target(%dma_start3A_2253 : memref<128x256xf32, #tpu.memory_space<hbm>>) target_semaphore(%dma_start3A_2251 : memref<!tpu.dma_semaphore, #tpu.memory_space<semaphore_mem>>)
    %add3A_2258 = arith.constant 3712 : i32
    %add3A_2259 = arith.addi %mul3A_2, %add3A_2258 : i32
    %dma_wait3A_2260 = arith.constant 2 : i32
    %dma_wait3A_2261 = arith.constant 2 : i32
    %dma_wait3A_2262 = arith.constant 0 : i32
    %dma_wait3A_2263 = arith.constant 0 : i32
    %dma_wait3A_2264 = tpu.memref_slice %arg5[%dma_wait3A_2260, %dma_wait3A_2262, %dma_wait3A_2263] : memref<3x128x256xf32, #tpu.memory_space<vmem>> -> memref<1x128x256xf32, #tpu.memory_space<vmem>>
    %dma_wait3A_2265 = tpu.memref_squeeze %dma_wait3A_2264 : memref<1x128x256xf32, #tpu.memory_space<vmem>> -> memref<128x256xf32, #tpu.memory_space<vmem>>
    %dma_wait3A_2266 = arith.constant 0 : i32
    %dma_wait3A_2267 = tpu.memref_slice %arg3[%add3A_2259, %dma_wait3A_2266] : memref<131072x256xf32, #tpu.memory_space<hbm>> -> memref<128x256xf32, #tpu.memory_space<hbm>>
    %dma_wait3A_2268 = tpu.memref_slice %arg8[%dma_wait3A_2261] : memref<3x!tpu.dma_semaphore, #tpu.memory_space<semaphore_mem>> -> memref<1x!tpu.dma_semaphore, #tpu.memory_space<semaphore_mem>>
    %dma_wait3A_2269 = tpu.memref_squeeze %dma_wait3A_2268 : memref<1x!tpu.dma_semaphore, #tpu.memory_space<semaphore_mem>> -> memref<!tpu.dma_semaphore, #tpu.memory_space<semaphore_mem>>
    %dma_wait3A_2270 = arith.constant 0 : i32
    %dma_wait3A_2271 = tpu.memref_slice %arg3[%add3A_2259, %dma_wait3A_2270] : memref<131072x256xf32, #tpu.memory_space<hbm>> -> memref<128x256xf32, #tpu.memory_space<hbm>>
    %dma_wait3A_2272 = arith.constant 0 : i32
    %dma_wait3A_2273 = arith.constant 0 : i32
    %dma_wait3A_2274 = tpu.memref_slice %arg5[%dma_wait3A_2260, %dma_wait3A_2272, %dma_wait3A_2273] : memref<3x128x256xf32, #tpu.memory_space<vmem>> -> memref<1x128x256xf32, #tpu.memory_space<vmem>>
    %dma_wait3A_2275 = tpu.memref_squeeze %dma_wait3A_2274 : memref<1x128x256xf32, #tpu.memory_space<vmem>> -> memref<128x256xf32, #tpu.memory_space<vmem>>
    tpu.wait_dma2 semaphore(%dma_wait3A_2269 : memref<!tpu.dma_semaphore, #tpu.memory_space<semaphore_mem>>) src(%dma_wait3A_2275 : memref<128x256xf32, #tpu.memory_space<vmem>>) dst(%dma_wait3A_2271 : memref<128x256xf32, #tpu.memory_space<hbm>>)
    %add3A_2276 = arith.constant 3840 : i32
    %add3A_2277 = arith.addi %mul3A_2, %add3A_2276 : i32
    %dma_wait3A_2278 = arith.constant 0 : i32
    %dma_wait3A_2279 = arith.constant 0 : i32
    %dma_wait3A_2280 = arith.constant 0 : i32
    %dma_wait3A_2281 = arith.constant 0 : i32
    %dma_wait3A_2282 = tpu.memref_slice %arg5[%dma_wait3A_2278, %dma_wait3A_2280, %dma_wait3A_2281] : memref<3x128x256xf32, #tpu.memory_space<vmem>> -> memref<1x128x256xf32, #tpu.memory_space<vmem>>
    %dma_wait3A_2283 = tpu.memref_squeeze %dma_wait3A_2282 : memref<1x128x256xf32, #tpu.memory_space<vmem>> -> memref<128x256xf32, #tpu.memory_space<vmem>>
    %dma_wait3A_2284 = arith.constant 0 : i32
    %dma_wait3A_2285 = tpu.memref_slice %arg3[%add3A_2277, %dma_wait3A_2284] : memref<131072x256xf32, #tpu.memory_space<hbm>> -> memref<128x256xf32, #tpu.memory_space<hbm>>
    %dma_wait3A_2286 = tpu.memref_slice %arg8[%dma_wait3A_2279] : memref<3x!tpu.dma_semaphore, #tpu.memory_space<semaphore_mem>> -> memref<1x!tpu.dma_semaphore, #tpu.memory_space<semaphore_mem>>
    %dma_wait3A_2287 = tpu.memref_squeeze %dma_wait3A_2286 : memref<1x!tpu.dma_semaphore, #tpu.memory_space<semaphore_mem>> -> memref<!tpu.dma_semaphore, #tpu.memory_space<semaphore_mem>>
    %dma_wait3A_2288 = arith.constant 0 : i32
    %dma_wait3A_2289 = tpu.memref_slice %arg3[%add3A_2277, %dma_wait3A_2288] : memref<131072x256xf32, #tpu.memory_space<hbm>> -> memref<128x256xf32, #tpu.memory_space<hbm>>
    %dma_wait3A_2290 = arith.constant 0 : i32
    %dma_wait3A_2291 = arith.constant 0 : i32
    %dma_wait3A_2292 = tpu.memref_slice %arg5[%dma_wait3A_2278, %dma_wait3A_2290, %dma_wait3A_2291] : memref<3x128x256xf32, #tpu.memory_space<vmem>> -> memref<1x128x256xf32, #tpu.memory_space<vmem>>
    %dma_wait3A_2293 = tpu.memref_squeeze %dma_wait3A_2292 : memref<1x128x256xf32, #tpu.memory_space<vmem>> -> memref<128x256xf32, #tpu.memory_space<vmem>>
    tpu.wait_dma2 semaphore(%dma_wait3A_2287 : memref<!tpu.dma_semaphore, #tpu.memory_space<semaphore_mem>>) src(%dma_wait3A_2293 : memref<128x256xf32, #tpu.memory_space<vmem>>) dst(%dma_wait3A_2289 : memref<128x256xf32, #tpu.memory_space<hbm>>)
    %add3A_2294 = arith.constant 3968 : i32
    %add3A_2295 = arith.addi %mul3A_2, %add3A_2294 : i32
    %dma_wait3A_2296 = arith.constant 1 : i32
    %dma_wait3A_2297 = arith.constant 1 : i32
    %dma_wait3A_2298 = arith.constant 0 : i32
    %dma_wait3A_2299 = arith.constant 0 : i32
    %dma_wait3A_2300 = tpu.memref_slice %arg5[%dma_wait3A_2296, %dma_wait3A_2298, %dma_wait3A_2299] : memref<3x128x256xf32, #tpu.memory_space<vmem>> -> memref<1x128x256xf32, #tpu.memory_space<vmem>>
    %dma_wait3A_2301 = tpu.memref_squeeze %dma_wait3A_2300 : memref<1x128x256xf32, #tpu.memory_space<vmem>> -> memref<128x256xf32, #tpu.memory_space<vmem>>
    %dma_wait3A_2302 = arith.constant 0 : i32
    %dma_wait3A_2303 = tpu.memref_slice %arg3[%add3A_2295, %dma_wait3A_2302] : memref<131072x256xf32, #tpu.memory_space<hbm>> -> memref<128x256xf32, #tpu.memory_space<hbm>>
    %dma_wait3A_2304 = tpu.memref_slice %arg8[%dma_wait3A_2297] : memref<3x!tpu.dma_semaphore, #tpu.memory_space<semaphore_mem>> -> memref<1x!tpu.dma_semaphore, #tpu.memory_space<semaphore_mem>>
    %dma_wait3A_2305 = tpu.memref_squeeze %dma_wait3A_2304 : memref<1x!tpu.dma_semaphore, #tpu.memory_space<semaphore_mem>> -> memref<!tpu.dma_semaphore, #tpu.memory_space<semaphore_mem>>
    %dma_wait3A_2306 = arith.constant 0 : i32
    %dma_wait3A_2307 = tpu.memref_slice %arg3[%add3A_2295, %dma_wait3A_2306] : memref<131072x256xf32, #tpu.memory_space<hbm>> -> memref<128x256xf32, #tpu.memory_space<hbm>>
    %dma_wait3A_2308 = arith.constant 0 : i32
    %dma_wait3A_2309 = arith.constant 0 : i32
    %dma_wait3A_2310 = tpu.memref_slice %arg5[%dma_wait3A_2296, %dma_wait3A_2308, %dma_wait3A_2309] : memref<3x128x256xf32, #tpu.memory_space<vmem>> -> memref<1x128x256xf32, #tpu.memory_space<vmem>>
    %dma_wait3A_2311 = tpu.memref_squeeze %dma_wait3A_2310 : memref<1x128x256xf32, #tpu.memory_space<vmem>> -> memref<128x256xf32, #tpu.memory_space<vmem>>
    tpu.wait_dma2 semaphore(%dma_wait3A_2305 : memref<!tpu.dma_semaphore, #tpu.memory_space<semaphore_mem>>) src(%dma_wait3A_2311 : memref<128x256xf32, #tpu.memory_space<vmem>>) dst(%dma_wait3A_2307 : memref<128x256xf32, #tpu.memory_space<hbm>>)
    %dma_wait3A_2312 = tpu.memref_slice %arg4[%mul3A_2] : memref<131072xf32, #tpu.memory_space<hbm>> -> memref<4096xf32, #tpu.memory_space<hbm>>
    %dma_wait3A_2313 = tpu.memref_slice %arg4[%mul3A_2] : memref<131072xf32, #tpu.memory_space<hbm>> -> memref<4096xf32, #tpu.memory_space<hbm>>
    tpu.wait_dma2 semaphore(%arg9 : memref<!tpu.dma_semaphore, #tpu.memory_space<semaphore_mem>>) src(%arg6 : memref<4096xf32, #tpu.memory_space<vmem>>) dst(%dma_wait3A_2313 : memref<4096xf32, #tpu.memory_space<hbm>>)
    return
  }
}

</mosaic_0001>

<sc_bundles>
// kernel: kernel.3.cloned.1.call-start
scs
__scs_entry_jumppad:
0x0: {  	(pc) =	sbr.rel $0x88, $3  }
0x1: {  	(tag) =	ssettag $0x0;
	lr =	simm.s32 $0x1  }
0x2: {  	[smem:$0x3FA0] =	sst lr;
	_ =	strace $0xD0000000  }
0x3: {  	_ = 	snop  }
0x4: {  	_ = 	snop  }
0x5: {  	_ = 	snop  }
0x6: {  	_ = 	snop  }
0x7: {  	_ = 	snop  }
__scs_overlays_trampoline_lowered:
0x8: {  	[smem:$0x3FAF] =	sst s0  }
0x9: {  	[smem:$0x3FB0] =	sst s1  }
0xa: {  	[smem:$0x3FB1] =	sst s2  }
0xb: {  	[smem:$0x3FB2] =	sst s3  }
0xc: {  	[smem:$0x3FB3] =	sst s4  }
0xd: {  	[smem:$0x3FB4] =	sst s5  }
0xe: {  	[smem:$0x3FB5] =	sst s6  }
0xf: {  	[smem:$0x3FB6] =	sst s7  }
0x10: {  	[smem:$0x3FB7] =	sst s8  }
0x11: {  	[smem:$0x3FB8] =	sst s9;
	s0 =	simm.s32 @!p0 $0x0  }
0x12: {  	s1 =	sld [smem:$0x3F9E];
	s0 =	simm.s32 @p0 $0x1  }
0x13: {  	[smem:$0x3FB9] =	sst s0;
	s0 =	simm.s32 @!p1 $0x0  }
0x14: {  	s2 =	sld [smem:$0x3F9D];
	s0 =	simm.s32 @p1 $0x1  }
0x15: {  	[smem:$0x3FBA] =	sst s0;
	s0 =	simm.s32 @!p2 $0x0  }
0x16: {  	s3 =	sld [smem:$0x3FDB];
	s0 =	simm.s32 @p2 $0x1  }
0x17: {  	s4 =	simm.s32 $0x1BF5;
	[smem:$0x3FBC] =	sst s0  }
0x18: {  	s0 =	sld [smem:$0x3F9F];
	_ =	swait.ge [sflag:s4], $0x0  }
0x19: {  	s7 =	sld [smem:$0x3FA0]  }
0x1a: {  	s8 =	sadd.s32 $0xFFFFE003, lr  }
0x1b: {  	s9 =	sadd.s32 $0xFFFFFEF7, lr;
	s5 =	simm.s32 $0xFFFFFFFF;
	p2 =	slt.u32 s8, $0xFFFFF086  }
0x1c: {  	p1 =	slt.u32 s9, $0xF7A;
	s5 =	simm.s32 @!p2 $0x0  }
0x1d: {  	s5 =	simm.s32 @p1 $0x1;
	p0 =	seq.s32 s7, s2  }
0x1e: {  	s7 =	smul.u32 @!p0 $0xF7A, s2;
	p2 =	seq.s32 @!p0 s5, $0x0  }
0x1f: {  	s9 =	smul.u32 $0xF7A, s1;
	s8 =	simm.s32 @!p0 $0x1BF5;
	p2 =	por !p2, p0  }
0x20: {  	[sflag:s8] =	ssyncset.s32 @!p0 $0xFFFFF086;
	s6 =	sadd.s32 @!p0 s3, s7;
	s7 =	simm.s32 @!p0 $0x108  }
0x21: {  	s3 =	sadd.s32 s3, s9;
	s6 =	sadd.s32 @!p0 $0x88, s6;
	s7 =	simm.s32 @p2 $0x1082  }
0x22: {  	[simem:s7], [sflag:s8] =	dma.local @!p0 [hbm:s6], $0xF7A  }
0x23: {  	s9 =	sor.u32 $0xD0000000, s2;
	s6 =	simm.s32 $0x108;
	_ =	swait.ge @!p0 [sflag:s8], $0x0  }
0x24: {  	s3 =	sadd.s32 $0x88, s3;
	s6 =	simm.s32 @!p1 $0x1082;
	[sflag:s4] =	ssyncset.s32 $0xFFFFF086  }
0x25: {  	[simem:s6], [sflag:s4] =	dma.local [hbm:s3], $0xF7A  }
0x26: {  	[smem:$0x3FA0] =	sst s1;
	(tag) =	ssettag s2;
	_ =	strace s9  }
0x27: {  	s1 =	sld [smem:$0x3FB0]  }
0x28: {  	s2 =	sld [smem:$0x3FB1]  }
0x29: {  	s4 =	sld [smem:$0x3FB3]  }
0x2a: {  	p0 =	seq.s32 s5, $0x0;
	s5 =	sld [smem:$0x3FB4]  }
0x2b: {  	s6 =	sld [smem:$0x3FB5]  }
0x2c: {  	s7 =	sld [smem:$0x3FB6]  }
0x2d: {  	s3 =	simm.s32 $0x108;
	s8 =	sld [smem:$0x3FB7]  }
0x2e: {  	s3 =	simm.s32 @!p0 $0x1082;
	s9 =	sld [smem:$0x3FB8]  }
0x2f: {  	lr =	sadd.s32 s0, s3;
	s0 =	sld [smem:$0x3FAF]  }
0x30: {  	s3 =	sld [smem:$0x3FB2]  }
0x31: {  	[smem:$0x3FBB] =	sst s10  }
0x32: {  	s10 =	sld [smem:$0x3FB9];
	_ =	sdelay $0x3  }
0x33: {  	p0 =	seq.s32 s10, $0x1;
	s10 =	sld [smem:$0x3FBB];
	_ =	sdelay $0x3  }
0x34: {  	[smem:$0x3FBB] =	sst s10  }
0x35: {  	s10 =	sld [smem:$0x3FBA];
	_ =	sdelay $0x3  }
0x36: {  	p1 =	seq.s32 s10, $0x1;
	s10 =	sld [smem:$0x3FBB];
	_ =	sdelay $0x3  }
0x37: {  	[smem:$0x3FBB] =	sst s10  }
0x38: {  	s10 =	sld [smem:$0x3FBC]  }
0x39: {  	_ = 	snop;
	(pc) =	sbr.ind lr, $3  }
0x3a: {  	_ = 	snop  }
0x3b: {  	_ = 	snop  }
0x3c: {  	p2 =	seq.s32 s10, $0x1;
	s10 =	sld [smem:$0x3FBB]  }
0x3d: {  	_ =	shalt  }
0x3e: {  	_ =	shalt  }
0x3f: {  	_ =	shalt  }
0x40: {  	_ =	shalt  }
0x41: {  	_ =	shalt  }
0x42: {  	_ =	shalt  }
0x43: {  	_ =	shalt  }
0x44: {  	_ =	shalt  }
0x45: {  	_ =	shalt  }
0x46: {  	_ =	shalt  }
0x47: {  	_ =	shalt  }
0x48: {  	_ =	shalt  }
0x49: {  	_ =	shalt  }
0x4a: {  	_ =	shalt  }
0x4b: {  	_ =	shalt  }
0x4c: {  	_ =	shalt  }
0x4d: {  	_ =	shalt  }
0x4e: {  	_ =	shalt  }
0x4f: {  	_ =	shalt  }
0x50: {  	_ =	shalt  }
0x51: {  	_ =	shalt  }
0x52: {  	_ =	shalt  }
0x53: {  	_ =	shalt  }
0x54: {  	_ =	shalt  }
0x55: {  	_ =	shalt  }
0x56: {  	_ =	shalt  }
0x57: {  	_ =	shalt  }
0x58: {  	_ =	shalt  }
0x59: {  	_ =	shalt  }
0x5a: {  	_ =	shalt  }
0x5b: {  	_ =	shalt  }
0x5c: {  	_ =	shalt  }
0x5d: {  	_ =	shalt  }
0x5e: {  	_ =	shalt  }
0x5f: {  	_ =	shalt  }
0x60: {  	_ =	shalt  }
0x61: {  	_ =	shalt  }
0x62: {  	_ =	shalt  }
0x63: {  	_ =	shalt  }
0x64: {  	_ =	shalt  }
0x65: {  	_ =	shalt  }
0x66: {  	_ =	shalt  }
0x67: {  	_ =	shalt  }
0x68: {  	_ =	shalt  }
0x69: {  	_ =	shalt  }
0x6a: {  	_ =	shalt  }
0x6b: {  	_ =	shalt  }
0x6c: {  	_ =	shalt  }
0x6d: {  	_ =	shalt  }
0x6e: {  	_ =	shalt  }
0x6f: {  	_ =	shalt  }
0x70: {  	_ =	shalt  }
0x71: {  	_ =	shalt  }
0x72: {  	_ =	shalt  }
0x73: {  	_ =	shalt  }
0x74: {  	_ =	shalt  }
0x75: {  	_ =	shalt  }
0x76: {  	_ =	shalt  }
0x77: {  	_ =	shalt  }
0x78: {  	_ =	shalt  }
0x79: {  	_ =	shalt  }
0x7a: {  	_ =	shalt  }
0x7b: {  	_ =	shalt  }
0x7c: {  	_ =	shalt  }
0x7d: {  	_ =	shalt  }
0x7e: {  	_ =	shalt  }
0x7f: {  	_ =	shalt  }
0x80: {  	_ =	shalt  }
0x81: {  	_ =	shalt  }
0x82: {  	_ =	shalt  }
0x83: {  	_ =	shalt  }
0x84: {  	_ =	shalt  }
0x85: {  	_ =	shalt  }
0x86: {  	_ =	shalt  }
0x87: {  	_ =	shalt  }
.Lfunc_end0:
.L_simem_size_0:
called_computation_lowered:
.L_overlay_start_0:
0x88: {  	s2 =	sld [smem:$0x3FD9]  }
0x89: {  	s3 =	sld [smem:$0x3FFE];
	_ =	sdelay $0x1  }
0x8a: {  	s1 =	srdreg.scid  }
0x8b: {  	s0 =	sand.u32 $0x1, s1  }
0x8c: {  	s15 =	sshll.u32 s0, $0xA;
	s2 =	sadd.s32 s3, s2  }
0x8d: {  	s2 =	sadd.s32 s2, s15  }
0x8e: {  	[smem:$0x3FC7] =	sst s2  }
0x8f: {  	_ = 	snop  }
0x90: {  	s2 =	sld [smem:$0x3FD0];
	_ =	sdelay $0x2  }
0x91: {  	s4 =	simm.s32 $0xA;
	s5 =	simm.s32 $0x10;
	s16 =	sld [smem:$0x3FC9]  }
0x92: {  	[smem:s5], [sflag:s4] =	dma.local [hbm:s2], $0x1  }
0x93: {  	_ =	swait.eq [sflag:s4], $0x1  }
0x94: {  	[sflag:s4] =	ssyncset.done $0x0  }
0x95: {  	s17 =	sld [smem:$0x10];
	[sflag:s4] =	ssyncadd.s32 $0xFFFFFFFF  }
0x96: {  	s18 =	sld [smem:$0x11];
	(tm) =	ssettm $0x1  }
0x97: {  	s19 =	sld [smem:$0x3FFB];
	_ =	sdelay $0x3  }
0x98: {  	_ =	strace s19  }
0x99: {  	s5 =	sld [smem:$0x3FFC];
	_ =	sdelay $0x3  }
0x9a: {  	_ =	strace s5  }
0x9b: {  	s5 =	sld [smem:$0x3FFD];
	_ =	sdelay $0x3  }
0x9c: {  	_ =	strace s5  }
0x9d: {  	_ =	strace $0x8FFFFFFF  }
0x9e: {  	s20 =	sld [smem:$0x3FDB];
	_ =	sdelay $0x1  }
0x9f: {  	s6 =	simm.s32 $_scs_section_size  }
0xa0: {  	s7 =	simm.s32 $_size__tile_overlayer_lowered;
	s8 =	simm.s32 $_tile_overlayer_lowered  }
0xa1: {  	s23 =	simm.s32 $0x1BFF;
	s22 =	sshll.u32 s8, $0x1;
	s5 =	sadd.s32 s6, s20  }
0xa2: {  	s9 =	simm.s32 $0x0;
	s21 =	sshll.u32 s7, $0x1;
	s7 =	sadd.s32 s22, s5  }
0xa3: {  	[timem:s9], [sflag:s23] =	dma.local [hbm:s7], s21  }
0xa4: {  	_ =	swait.ge [sflag:s23], s21  }
0xa5: {  	s6 =	ssub.s32 $0x0, s21;
	[sflag:s23] =	ssyncset.done $0x0  }
0xa6: {  	[sflag:s23] =	ssyncadd.s32 s6;
	_ =	sdelay $0x1  }
0xa7: {  	s24 =	simm.s32 $0x1B8B  }
0xa8: {  	_ =	swait.ge [sflag:s24], $0x1  }
0xa9: {  	[sflag:s24] =	ssyncset.done $0x0  }
0xaa: {  	s25 =	simm.s32 $0x1B8E;
	[sflag:s24] =	ssyncadd.s32 $0xFFFFFFFF  }
0xab: {  	s26 =	simm.s32 $execute0_lowered;
	[smem:$0x3FD2] =	sst s25  }
0xac: {  	s6 =	sshll.u32 s26, $0x1;
	_ =	strace $0x80000046;
	[dreg:$0x1] =	wrdreg $0xFFFFFFFF  }
0xad: {  	s28 =	simm.s32 $_size_execute0_lowered;
	s5 =	sadd.s32 s5, s6;
	[dreg:$0x0] =	wrdreg $0x0  }
0xae: {  	s6 =	sshll.u32 s28, $0x1;
	[dreg:$0x2] =	wrdreg s5  }
0xaf: {  	[dreg:$0x3] =	wrdreg s6  }
0xb0: {  	[dreg:$0x4] =	wrdreg $0xC0  }
0xb1: {  	_ =	task [dreg:s9], $0x5FFFF  }
0xb2: {  	[dreg:$0x1] =	wrdreg $0xFFFFFFFF  }
0xb3: {  	[dreg:$0x0] =	wrdreg $0x60  }
0xb4: {  	[dreg:$0x2] =	wrdreg s16  }
0xb5: {  	[dreg:$0x3] =	wrdreg s17  }
0xb6: {  	[dreg:$0x4] =	wrdreg s18  }
0xb7: {  	[dreg:$0x5] =	wrdreg $0x9  }
0xb8: {  	_ =	task.clear_ibuf [dreg:s9], $0x6FFFF;
	_ =	strace $0x90000046  }
0xb9: {  	s29 =	simm.s32 $0x9;
	_ =	strace $0x80000048  }
0xba: {  	_ =	swait.ge [sflag:s29], $0x1  }
0xbb: {  	[sflag:s29] =	ssyncadd.s32 $0xFFFFFFFF  }
0xbc: {  	_ =	strace $0x90000048  }
0xbd: {  	_ =	sfence  }
0xbe: {  	s30 =	sld [smem:$0x0];
	_ =	sdelay $0x2  }
0xbf: {  	s31 =	sshll.u32 s1, $0xD;
	s1 =	sshrl.u32 s1, $0x2  }
0xc0: {  	s3 =	sand.u32 $0x4000, s31;
	s1 =	sadd.s32 s1, s30  }
0xc1: {  	s0 =	sor.u32 s3, s0;
	s1 =	sshll.u32 s1, $0x11  }
0xc2: {  	s0 =	sor.u32 s1, s0  }
0xc3: {  	s0 =	sadd.s32 $0x8F2B, s0  }
0xc4: {  	[sflag:s0] =	ssyncadd.remote.s32 $0x1  }
0xc5: {  	_ =	sfence.sel $0xFFFF  }
0xc6: {  	[dreg:$0x0] =	wrdreg $0xFFFFFFFF;
	(pc) =	sbr.abs _section_cstart, $3  }
0xc7: {  	[dreg:$0x1] =	wrdreg $0xFFFFFFFF  }
0xc8: {  	_ =	task.clear_ibuf [dreg:s9], $0x2FFFF;
	_ =	strace $0x9FFFFFFF  }
0xc9: {  	(tm) =	ssettm $0x7FFFFFFF  }
tec
execute0_lowered:
.L_overlay_start_1:
0x0: {  	(tag) =	ssettag $0x1  }
0x1: {  	s0 =	srdreg.scid  }
0x2: {  	s4 =	rddreg [dreg:$0x0];
	s1 =	stileid.u32;
	s0 =	sand.u32 $0x1, s0  }
0x3: {  	s6 =	rddreg [dreg:$0x1];
	s1 =	sshll.u32 s1, $0xD;
	s2 =	sshll.u32 s0, $0xC  }
0x4: {  	s5 =	rddreg [dreg:$0x2];
	s0 =	ssub.s32 $0x2, s0;
	s2 =	sor.u32 s2, s1  }
0x5: {  	s1 =	simm.s32 $0x0;
	s3 =	sshll.u32 s2, $0x5;
	s2 =	sshrl.u32 s2, $0x3  }
0x6: {  	[smem:$0x7FF] =	sst s1;
	s8 =	sor.u32 $0x1000, s3;
	s2 =	sadd.s32 s5, s2  }
0x7: {  	s25 =	sor.u32 $0x2000, s3;
	s24 =	sadd.s32 s4, s8;
	[dreg:$0x6] =	wrdreg s2  }
0x8: {  	s7 =	sshrl.u32 s0, $0x1;
	s9 =	sadd.s32 s4, s25;
	[dreg:$0x4] =	wrdreg s24  }
0x9: {  	s26 =	sor.u32 $0x3000, s3;
	s5 =	sadd.s32 s6, s8;
	[dreg:$0x5] =	wrdreg s9  }
0xa: {  	s7 =	ssub.s32 s0, s7;
	s8 =	sadd.s32 s4, s26;
	[dreg:$0x7] =	wrdreg s5  }
0xb: {  	s10 =	sor.u32 $0x4000, s3;
	s0 =	sadd.s32 s6, s25;
	[dreg:$0x8] =	wrdreg s8  }
0xc: {  	s12 =	sadd.s32 s4, s10;
	[dreg:$0x9] =	wrdreg s0  }
0xd: {  	s11 =	sor.u32 $0x5000, s3;
	s13 =	sadd.s32 s6, s26;
	[dreg:$0xa] =	wrdreg s12  }
0xe: {  	s15 =	sor.u32 $0x6000, s3;
	s14 =	sadd.s32 s4, s11;
	[dreg:$0xb] =	wrdreg s13  }
0xf: {  	s17 =	sadd.s32 s4, s15;
	[dreg:$0xc] =	wrdreg s14  }
0x10: {  	s16 =	sor.u32 $0x7000, s3;
	s2 =	sadd.s32 s6, s11;
	[dreg:$0xe] =	wrdreg s17  }
0x11: {  	s19 =	sor.u32 $0x8000, s3;
	s18 =	sadd.s32 s4, s16;
	[dreg:$0xf] =	wrdreg s2  }
0x12: {  	s20 =	sor.u32 $0x9000, s3;
	s21 =	sadd.s32 s4, s19;
	[dreg:$0x10] =	wrdreg s18  }
0x13: {  	s22 =	sadd.s32 s4, s20;
	[dreg:$0x12] =	wrdreg s21  }
0x14: {  	s23 =	sor.u32 $0xA000, s3;
	s0 =	sadd.s32 s6, s10;
	[dreg:$0x14] =	wrdreg s22  }
0x15: {  	s7 =	smax.u32 s7, $0x1;
	s5 =	sadd.s32 s6, s16;
	[dreg:$0xd] =	wrdreg s0  }
0x16: {  	s25 =	sor.u32 $0xB000, s3;
	s2 =	sadd.s32 s6, s20;
	[dreg:$0x13] =	wrdreg s5  }
0x17: {  	s11 =	sor.u32 $0xE000, s3;
	s24 =	sadd.s32 s4, s23;
	[dreg:$0x16] =	wrdreg s2  }
0x18: {  	s26 =	sadd.s32 s4, s25;
	s9 =	sor.u32 $0xD000, s3;
	[dreg:$0x17] =	wrdreg s24  }
0x19: {  	s12 =	sadd.s32 s4, s11;
	s13 =	sor.u32 $0xF000, s3;
	[dreg:$0x19] =	wrdreg s26  }
0x1a: {  	s17 =	sor.u32 $0x11000, s3;
	s0 =	sadd.s32 s6, s15;
	[dreg:$0x1f] =	wrdreg s12  }
0x1b: {  	s21 =	sor.u32 $0x13000, s3;
	s10 =	sadd.s32 s4, s9;
	[dreg:$0x11] =	wrdreg s0  }
0x1c: {  	s5 =	sor.u32 $0xC000, s3;
	s14 =	sadd.s32 s4, s13;
	[dreg:$0x1d] =	wrdreg s10  }
0x1d: {  	s15 =	sor.u32 $0x10000, s3;
	s18 =	sadd.s32 s4, s17;
	[smem:$0x7EB] =	sst s14  }
0x1e: {  	s22 =	sadd.s32 s4, s21;
	s2 =	sadd.s32 s6, s3;
	[smem:$0x7EF] =	sst s18  }
0x1f: {  	s0 =	sadd.s32 s6, s19;
	s8 =	sadd.s32 s4, s5;
	[smem:$0x7F3] =	sst s22  }
0x20: {  	s16 =	sadd.s32 s4, s15;
	s19 =	sor.u32 $0x12000, s3;
	[dreg:$0x15] =	wrdreg s0  }
0x21: {  	s14 =	sor.u32 $0x1A000, s3;
	s18 =	sor.u32 $0x1E000, s3;
	[dreg:$0x1b] =	wrdreg s8  }
0x22: {  	s0 =	sadd.s32 s6, s23;
	[smem:$0x7ED] =	sst s16;
	s20 =	sadd.s32 s4, s19  }
0x23: {  	s23 =	sor.u32 $0x14000, s3;
	s16 =	sor.u32 $0x1C000, s3;
	[dreg:$0x18] =	wrdreg s0  }
0x24: {  	s0 =	sadd.s32 s6, s25;
	[smem:$0x7F1] =	sst s20;
	s24 =	sadd.s32 s4, s23  }
0x25: {  	s25 =	sor.u32 $0x15000, s3;
	s28 =	sadd.s32 s4, s16;
	[dreg:$0x1a] =	wrdreg s0  }
0x26: {  	s29 =	sadd.s32 s6, s16;
	s0 =	sadd.s32 s6, s5;
	[smem:$0x7F5] =	sst s24  }
0x27: {  	s16 =	simm.s32 $0x7;
	s26 =	sadd.s32 s4, s25;
	[dreg:$0x1c] =	wrdreg s0  }
0x28: {  	s5 =	sor.u32 $0x16000, s3;
	s0 =	sadd.s32 s6, s9;
	[smem:$0x7F7] =	sst s26  }
0x29: {  	s24 =	sadd.s32 s6, s14;
	s8 =	sadd.s32 s4, s5;
	[dreg:$0x1e] =	wrdreg s0  }
0x2a: {  	s9 =	sor.u32 $0x17000, s3;
	s0 =	sadd.s32 s6, s11;
	[smem:$0x7F9] =	sst s8  }
0x2b: {  	s10 =	sadd.s32 s4, s9;
	s11 =	sor.u32 $0x18000, s3;
	[smem:$0x7EA] =	sst s0  }
0x2c: {  	s8 =	simm.s32 $0x8000;
	s0 =	sadd.s32 s6, s13;
	[smem:$0x7FB] =	sst s10  }
0x2d: {  	s12 =	sadd.s32 s4, s11;
	s20 =	sadd.s32 s6, s11;
	s13 =	sor.u32 $0x19000, s3  }
0x2e: {  	s10 =	simm.s32 $0x1;
	s11 =	simm.s32 $0x2;
	[smem:$0x7EC] =	sst s0  }
0x2f: {  	s0 =	sadd.s32 s6, s15;
	[smem:$0x7FD] =	sst s12;
	s22 =	sadd.s32 s6, s13  }
0x30: {  	s15 =	sor.u32 $0x1B000, s3;
	s12 =	simm.s32 $0x4;
	[smem:$0x7EE] =	sst s0  }
0x31: {  	s0 =	sadd.s32 s6, s17;
	s26 =	sadd.s32 s6, s15;
	s17 =	sor.u32 $0x1D000, s3  }
0x32: {  	[smem:$0x7F0] =	sst s0;
	s0 =	sadd.s32 s6, s19;
	s30 =	sadd.s32 s4, s17  }
0x33: {  	s31 =	sadd.s32 s6, s17;
	s19 =	sor.u32 $0x1F000, s3;
	s17 =	simm.s32 $0x0  }
0x34: {  	[smem:$0x7F2] =	sst s0;
	s0 =	sadd.s32 s6, s21;
	s21 =	sadd.s32 s4, s13  }
0x35: {  	s13 =	simm.s32 $0x3;
	[smem:$0x7F4] =	sst s0;
	s0 =	sadd.s32 s6, s23  }
0x36: {  	s23 =	sadd.s32 s4, s14;
	s14 =	simm.s32 $0x5;
	[smem:$0x7F6] =	sst s0  }
0x37: {  	s0 =	sadd.s32 s6, s25;
	s25 =	sadd.s32 s4, s15;
	s15 =	simm.s32 $0x6  }
0x38: {  	[smem:$0x7F8] =	sst s0;
	s0 =	sadd.s32 s6, s5;
	s5 =	sadd.s32 s6, s18  }
0x39: {  	[smem:$0x7FA] =	sst s0;
	s0 =	sadd.s32 s6, s9;
	s6 =	sadd.s32 s6, s19  }
0x3a: {  	s9 =	simm.s32 $0x10000;
	[smem:$0x7FC] =	sst s0;
	s0 =	sadd.s32 s4, s3  }
0x3b: {  	v0 =	vimm.f32 $0.0e+00;
	s3 =	sadd.s32 s4, s18;
	s4 =	sadd.s32 s4, s19;
	_ =	strace $0x80000047  }
.LBB2_1:
0x3c: {  	[tilespmem:s1], [sflag:$0x1] =	stream.linear.gather [hbm4b:s0+s1], $0x8000, $0x38;
	[tilespmem:$0x19000] =	vst v63  }
0x3d: {  	s18 =	rddreg [dreg:$0x4]  }
0x3e: {  	[tilespmem:s8], [sflag:$0x2] =	stream.linear.gather [hbm4b:s18+s1], $0x8000, $0x38;
	[tilespmem:$0x19000] =	vst v63  }
0x3f: {  	s19 =	rddreg [dreg:$0x5]  }
0x40: {  	[tilespmem:s9], [sflag:$0x3] =	stream.linear.gather [hbm4b:s19+s1], $0x8000, $0x38;
	[tilespmem:$0x19000] =	vst v63  }
0x41: {  	s18 =	simm.s32 $0x40;
	s19 =	simm.s32 $0x0  }
.LBB2_2:
0x42: {  	p0 =	sne.s32 s18, $0x3FC0;
	[tilespmem:s19+$0x18000] =	vst v0;
	s19 =	smov.u32 s18;
	s18 =	sadd.s32 $0x40, s18  }
.Ltmp0:
0x43: {  	(pc) =	sbr.rel @p0 .LBB2_2-.Ltmp0, $2  }
0x44: {  	_ =	sdelay $0x2  }
0x45: {  	s19 =	sshra.s32 s19, $0x2  }
0x46: {  	[tilespmem:s19+$0x18000] =	vst v0;
	s18 =	rddreg [dreg:$0x6];
	s19 =	simm.s32 $0x18000  }
0x47: {  	[hbm4b:s18+s1] =	stream.linear.scatter [tilespmem:s19], [sflag:$0x7], $0x1000, $0x38;
	[tilespmem:$0x19000] =	vst v63  }
0x48: {  	_ =	swait.ge [sflag:s10], $0x8000  }
0x49: {  	[sflag:s10] =	ssyncset.done $0x0  }
0x4a: {  	[sflag:s10] =	ssyncadd.s32 $0xFFFF8000  }
0x4b: {  	[hbm4b:s2+s1] =	stream.linear.scatter [tilespmem:s1], [sflag:$0x4], $0x8000, $0x38;
	[tilespmem:$0x19000] =	vst v63  }
0x4c: {  	_ =	swait.ge [sflag:s11], $0x8000  }
0x4d: {  	[sflag:s11] =	ssyncset.done $0x0  }
0x4e: {  	s19 =	rddreg [dreg:$0x7];
	[sflag:s11] =	ssyncadd.s32 $0xFFFF8000  }
0x4f: {  	[hbm4b:s19+s1] =	stream.linear.scatter [tilespmem:s8], [sflag:$0x5], $0x8000, $0x38;
	[tilespmem:$0x19000] =	vst v63  }
0x50: {  	_ =	swait.ge [sflag:s12], $0x8000  }
0x51: {  	[sflag:s12] =	ssyncset.done $0x0  }
0x52: {  	s19 =	rddreg [dreg:$0x8];
	[sflag:s12] =	ssyncadd.s32 $0xFFFF8000  }
0x53: {  	[tilespmem:s1], [sflag:$0x1] =	stream.linear.gather [hbm4b:s19+s1], $0x8000, $0x38;
	[tilespmem:$0x19000] =	vst v63  }
0x54: {  	_ =	swait.ge [sflag:s13], $0x8000  }
0x55: {  	[sflag:s13] =	ssyncset.done $0x0  }
0x56: {  	s19 =	rddreg [dreg:$0x9];
	[sflag:s13] =	ssyncadd.s32 $0xFFFF8000  }
0x57: {  	[hbm4b:s19+s1] =	stream.linear.scatter [tilespmem:s9], [sflag:$0x6], $0x8000, $0x38;
	[tilespmem:$0x19000] =	vst v63  }
0x58: {  	_ =	swait.ge [sflag:s14], $0x8000  }
0x59: {  	[sflag:s14] =	ssyncset.done $0x0  }
0x5a: {  	s19 =	rddreg [dreg:$0xa];
	[sflag:s14] =	ssyncadd.s32 $0xFFFF8000  }
0x5b: {  	[tilespmem:s8], [sflag:$0x2] =	stream.linear.gather [hbm4b:s19+s1], $0x8000, $0x38;
	[tilespmem:$0x19000] =	vst v63  }
0x5c: {  	_ =	swait.ge [sflag:s10], $0x8000  }
0x5d: {  	[sflag:s10] =	ssyncset.done $0x0  }
0x5e: {  	s19 =	rddreg [dreg:$0xb];
	[sflag:s10] =	ssyncadd.s32 $0xFFFF8000  }
0x5f: {  	[hbm4b:s19+s1] =	stream.linear.scatter [tilespmem:s1], [sflag:$0x4], $0x8000, $0x38;
	[tilespmem:$0x19000] =	vst v63  }
0x60: {  	_ =	swait.ge [sflag:s15], $0x8000  }
0x61: {  	[sflag:s15] =	ssyncset.done $0x0  }
0x62: {  	s19 =	rddreg [dreg:$0xc];
	[sflag:s15] =	ssyncadd.s32 $0xFFFF8000  }
0x63: {  	[tilespmem:s9], [sflag:$0x3] =	stream.linear.gather [hbm4b:s19+s1], $0x8000, $0x38;
	[tilespmem:$0x19000] =	vst v63  }
0x64: {  	_ =	swait.ge [sflag:s11], $0x8000  }
0x65: {  	[sflag:s11] =	ssyncset.done $0x0  }
0x66: {  	s19 =	rddreg [dreg:$0xd];
	[sflag:s11] =	ssyncadd.s32 $0xFFFF8000  }
0x67: {  	[hbm4b:s19+s1] =	stream.linear.scatter [tilespmem:s8], [sflag:$0x5], $0x8000, $0x38;
	[tilespmem:$0x19000] =	vst v63  }
0x68: {  	_ =	swait.ge [sflag:s12], $0x8000  }
0x69: {  	[sflag:s12] =	ssyncset.done $0x0  }
0x6a: {  	s19 =	rddreg [dreg:$0xe];
	[sflag:s12] =	ssyncadd.s32 $0xFFFF8000  }
0x6b: {  	[tilespmem:s1], [sflag:$0x1] =	stream.linear.gather [hbm4b:s19+s1], $0x8000, $0x38;
	[tilespmem:$0x19000] =	vst v63  }
0x6c: {  	_ =	swait.ge [sflag:s13], $0x8000  }
0x6d: {  	[sflag:s13] =	ssyncset.done $0x0  }
0x6e: {  	s19 =	rddreg [dreg:$0xf];
	[sflag:s13] =	ssyncadd.s32 $0xFFFF8000  }
0x6f: {  	[hbm4b:s19+s1] =	stream.linear.scatter [tilespmem:s9], [sflag:$0x6], $0x8000, $0x38;
	[tilespmem:$0x19000] =	vst v63  }
0x70: {  	_ =	swait.ge [sflag:s14], $0x8000  }
0x71: {  	[sflag:s14] =	ssyncset.done $0x0  }
0x72: {  	s19 =	rddreg [dreg:$0x10];
	[sflag:s14] =	ssyncadd.s32 $0xFFFF8000  }
0x73: {  	[tilespmem:s8], [sflag:$0x2] =	stream.linear.gather [hbm4b:s19+s1], $0x8000, $0x38;
	[tilespmem:$0x19000] =	vst v63  }
0x74: {  	_ =	swait.ge [sflag:s10], $0x8000  }
0x75: {  	[sflag:s10] =	ssyncset.done $0x0  }
0x76: {  	s19 =	rddreg [dreg:$0x11];
	[sflag:s10] =	ssyncadd.s32 $0xFFFF8000  }
0x77: {  	[hbm4b:s19+s1] =	stream.linear.scatter [tilespmem:s1], [sflag:$0x4], $0x8000, $0x38;
	[tilespmem:$0x19000] =	vst v63  }
0x78: {  	_ =	swait.ge [sflag:s15], $0x8000  }
0x79: {  	[sflag:s15] =	ssyncset.done $0x0  }
0x7a: {  	s19 =	rddreg [dreg:$0x12];
	[sflag:s15] =	ssyncadd.s32 $0xFFFF8000  }
0x7b: {  	[tilespmem:s9], [sflag:$0x3] =	stream.linear.gather [hbm4b:s19+s1], $0x8000, $0x38;
	[tilespmem:$0x19000] =	vst v63  }
0x7c: {  	_ =	swait.ge [sflag:s11], $0x8000  }
0x7d: {  	[sflag:s11] =	ssyncset.done $0x0  }
0x7e: {  	s19 =	rddreg [dreg:$0x13];
	[sflag:s11] =	ssyncadd.s32 $0xFFFF8000  }
0x7f: {  	[hbm4b:s19+s1] =	stream.linear.scatter [tilespmem:s8], [sflag:$0x5], $0x8000, $0x38;
	[tilespmem:$0x19000] =	vst v63  }
0x80: {  	_ =	swait.ge [sflag:s12], $0x8000  }
0x81: {  	[sflag:s12] =	ssyncset.done $0x0  }
0x82: {  	s19 =	rddreg [dreg:$0x14];
	[sflag:s12] =	ssyncadd.s32 $0xFFFF8000  }
0x83: {  	[tilespmem:s1], [sflag:$0x1] =	stream.linear.gather [hbm4b:s19+s1], $0x8000, $0x38;
	[tilespmem:$0x19000] =	vst v63  }
0x84: {  	_ =	swait.ge [sflag:s13], $0x8000  }
0x85: {  	[sflag:s13] =	ssyncset.done $0x0  }
0x86: {  	s19 =	rddreg [dreg:$0x15];
	[sflag:s13] =	ssyncadd.s32 $0xFFFF8000  }
0x87: {  	[hbm4b:s19+s1] =	stream.linear.scatter [tilespmem:s9], [sflag:$0x6], $0x8000, $0x38;
	[tilespmem:$0x19000] =	vst v63  }
0x88: {  	_ =	swait.ge [sflag:s14], $0x8000  }
0x89: {  	[sflag:s14] =	ssyncset.done $0x0  }
0x8a: {  	s19 =	rddreg [dreg:$0x17];
	[sflag:s14] =	ssyncadd.s32 $0xFFFF8000  }
0x8b: {  	[tilespmem:s8], [sflag:$0x2] =	stream.linear.gather [hbm4b:s19+s1], $0x8000, $0x38;
	[tilespmem:$0x19000] =	vst v63  }
0x8c: {  	_ =	swait.ge [sflag:s10], $0x8000  }
0x8d: {  	[sflag:s10] =	ssyncset.done $0x0  }
0x8e: {  	s19 =	rddreg [dreg:$0x16];
	[sflag:s10] =	ssyncadd.s32 $0xFFFF8000  }
0x8f: {  	[hbm4b:s19+s1] =	stream.linear.scatter [tilespmem:s1], [sflag:$0x4], $0x8000, $0x38;
	[tilespmem:$0x19000] =	vst v63  }
0x90: {  	_ =	swait.ge [sflag:s15], $0x8000  }
0x91: {  	[sflag:s15] =	ssyncset.done $0x0  }
0x92: {  	s19 =	rddreg [dreg:$0x19];
	[sflag:s15] =	ssyncadd.s32 $0xFFFF8000  }
0x93: {  	[tilespmem:s9], [sflag:$0x3] =	stream.linear.gather [hbm4b:s19+s1], $0x8000, $0x38;
	[tilespmem:$0x19000] =	vst v63  }
0x94: {  	_ =	swait.ge [sflag:s11], $0x8000  }
0x95: {  	[sflag:s11] =	ssyncset.done $0x0  }
0x96: {  	s19 =	rddreg [dreg:$0x18];
	[sflag:s11] =	ssyncadd.s32 $0xFFFF8000  }
0x97: {  	[hbm4b:s19+s1] =	stream.linear.scatter [tilespmem:s8], [sflag:$0x5], $0x8000, $0x38;
	[tilespmem:$0x19000] =	vst v63  }
0x98: {  	_ =	swait.ge [sflag:s12], $0x8000  }
0x99: {  	[sflag:s12] =	ssyncset.done $0x0  }
0x9a: {  	s19 =	rddreg [dreg:$0x1b];
	[sflag:s12] =	ssyncadd.s32 $0xFFFF8000  }
0x9b: {  	[tilespmem:s1], [sflag:$0x1] =	stream.linear.gather [hbm4b:s19+s1], $0x8000, $0x38;
	[tilespmem:$0x19000] =	vst v63  }
0x9c: {  	_ =	swait.ge [sflag:s13], $0x8000  }
0x9d: {  	[sflag:s13] =	ssyncset.done $0x0  }
0x9e: {  	s19 =	rddreg [dreg:$0x1a];
	[sflag:s13] =	ssyncadd.s32 $0xFFFF8000  }
0x9f: {  	[hbm4b:s19+s1] =	stream.linear.scatter [tilespmem:s9], [sflag:$0x6], $0x8000, $0x38;
	[tilespmem:$0x19000] =	vst v63  }
0xa0: {  	_ =	swait.ge [sflag:s14], $0x8000  }
0xa1: {  	[sflag:s14] =	ssyncset.done $0x0  }
0xa2: {  	s19 =	rddreg [dreg:$0x1d];
	[sflag:s14] =	ssyncadd.s32 $0xFFFF8000  }
0xa3: {  	[tilespmem:s8], [sflag:$0x2] =	stream.linear.gather [hbm4b:s19+s1], $0x8000, $0x38;
	[tilespmem:$0x19000] =	vst v63  }
0xa4: {  	_ =	swait.ge [sflag:s10], $0x8000  }
0xa5: {  	[sflag:s10] =	ssyncset.done $0x0  }
0xa6: {  	s19 =	rddreg [dreg:$0x1c];
	[sflag:s10] =	ssyncadd.s32 $0xFFFF8000  }
0xa7: {  	[hbm4b:s19+s1] =	stream.linear.scatter [tilespmem:s1], [sflag:$0x4], $0x8000, $0x38;
	[tilespmem:$0x19000] =	vst v63  }
0xa8: {  	_ =	swait.ge [sflag:s15], $0x8000  }
0xa9: {  	[sflag:s15] =	ssyncset.done $0x0  }
0xaa: {  	s19 =	rddreg [dreg:$0x1f];
	[sflag:s15] =	ssyncadd.s32 $0xFFFF8000  }
0xab: {  	[tilespmem:s9], [sflag:$0x3] =	stream.linear.gather [hbm4b:s19+s1], $0x8000, $0x38;
	[tilespmem:$0x19000] =	vst v63  }
0xac: {  	_ =	swait.ge [sflag:s11], $0x8000  }
0xad: {  	[sflag:s11] =	ssyncset.done $0x0  }
0xae: {  	s19 =	rddreg [dreg:$0x1e];
	[sflag:s11] =	ssyncadd.s32 $0xFFFF8000  }
0xaf: {  	[hbm4b:s19+s1] =	stream.linear.scatter [tilespmem:s8], [sflag:$0x5], $0x8000, $0x38;
	[tilespmem:$0x19000] =	vst v63  }
0xb0: {  	_ =	swait.ge [sflag:s12], $0x8000  }
0xb1: {  	s19 =	sld [smem:$0x7EB]  }
0xb2: {  	[sflag:s12] =	ssyncset.done $0x0  }
0xb3: {  	[sflag:s12] =	ssyncadd.s32 $0xFFFF8000  }
0xb4: {  	[tilespmem:s1], [sflag:$0x1] =	stream.linear.gather [hbm4b:s19+s1], $0x8000, $0x38;
	[tilespmem:$0x19000] =	vst v63  }
0xb5: {  	_ =	swait.ge [sflag:s13], $0x8000  }
0xb6: {  	s19 =	sld [smem:$0x7EA]  }
0xb7: {  	[sflag:s13] =	ssyncset.done $0x0  }
0xb8: {  	[sflag:s13] =	ssyncadd.s32 $0xFFFF8000  }
0xb9: {  	[hbm4b:s19+s1] =	stream.linear.scatter [tilespmem:s9], [sflag:$0x6], $0x8000, $0x38;
	[tilespmem:$0x19000] =	vst v63  }
0xba: {  	_ =	swait.ge [sflag:s14], $0x8000  }
0xbb: {  	s19 =	sld [smem:$0x7ED]  }
0xbc: {  	[sflag:s14] =	ssyncset.done $0x0  }
0xbd: {  	[sflag:s14] =	ssyncadd.s32 $0xFFFF8000  }
0xbe: {  	[tilespmem:s8], [sflag:$0x2] =	stream.linear.gather [hbm4b:s19+s1], $0x8000, $0x38;
	[tilespmem:$0x19000] =	vst v63  }
0xbf: {  	_ =	swait.ge [sflag:s10], $0x8000  }
0xc0: {  	s19 =	sld [smem:$0x7EC]  }
0xc1: {  	[sflag:s10] =	ssyncset.done $0x0  }
0xc2: {  	[sflag:s10] =	ssyncadd.s32 $0xFFFF8000  }
0xc3: {  	[hbm4b:s19+s1] =	stream.linear.scatter [tilespmem:s1], [sflag:$0x4], $0x8000, $0x38;
	[tilespmem:$0x19000] =	vst v63  }
0xc4: {  	_ =	swait.ge [sflag:s15], $0x8000  }
0xc5: {  	s19 =	sld [smem:$0x7EF]  }
0xc6: {  	[sflag:s15] =	ssyncset.done $0x0  }
0xc7: {  	[sflag:s15] =	ssyncadd.s32 $0xFFFF8000  }
0xc8: {  	[tilespmem:s9], [sflag:$0x3] =	stream.linear.gather [hbm4b:s19+s1], $0x8000, $0x38;
	[tilespmem:$0x19000] =	vst v63  }
0xc9: {  	_ =	swait.ge [sflag:s11], $0x8000  }
0xca: {  	s19 =	sld [smem:$0x7EE]  }
0xcb: {  	[sflag:s11] =	ssyncset.done $0x0  }
0xcc: {  	[sflag:s11] =	ssyncadd.s32 $0xFFFF8000  }
0xcd: {  	[hbm4b:s19+s1] =	stream.linear.scatter [tilespmem:s8], [sflag:$0x5], $0x8000, $0x38;
	[tilespmem:$0x19000] =	vst v63  }
0xce: {  	_ =	swait.ge [sflag:s12], $0x8000  }
0xcf: {  	s19 =	sld [smem:$0x7F1]  }
0xd0: {  	[sflag:s12] =	ssyncset.done $0x0  }
0xd1: {  	[sflag:s12] =	ssyncadd.s32 $0xFFFF8000  }
0xd2: {  	[tilespmem:s1], [sflag:$0x1] =	stream.linear.gather [hbm4b:s19+s1], $0x8000, $0x38;
	[tilespmem:$0x19000] =	vst v63  }
0xd3: {  	_ =	swait.ge [sflag:s13], $0x8000  }
0xd4: {  	s19 =	sld [smem:$0x7F0]  }
0xd5: {  	[sflag:s13] =	ssyncset.done $0x0  }
0xd6: {  	[sflag:s13] =	ssyncadd.s32 $0xFFFF8000  }
0xd7: {  	[hbm4b:s19+s1] =	stream.linear.scatter [tilespmem:s9], [sflag:$0x6], $0x8000, $0x38;
	[tilespmem:$0x19000] =	vst v63  }
0xd8: {  	_ =	swait.ge [sflag:s14], $0x8000  }
0xd9: {  	s19 =	sld [smem:$0x7F3]  }
0xda: {  	[sflag:s14] =	ssyncset.done $0x0  }
0xdb: {  	[sflag:s14] =	ssyncadd.s32 $0xFFFF8000  }
0xdc: {  	[tilespmem:s8], [sflag:$0x2] =	stream.linear.gather [hbm4b:s19+s1], $0x8000, $0x38;
	[tilespmem:$0x19000] =	vst v63  }
0xdd: {  	_ =	swait.ge [sflag:s10], $0x8000  }
0xde: {  	s19 =	sld [smem:$0x7F2]  }
0xdf: {  	[sflag:s10] =	ssyncset.done $0x0  }
0xe0: {  	[sflag:s10] =	ssyncadd.s32 $0xFFFF8000  }
0xe1: {  	[hbm4b:s19+s1] =	stream.linear.scatter [tilespmem:s1], [sflag:$0x4], $0x8000, $0x38;
	[tilespmem:$0x19000] =	vst v63  }
0xe2: {  	_ =	swait.ge [sflag:s15], $0x8000  }
0xe3: {  	s19 =	sld [smem:$0x7F5]  }
0xe4: {  	[sflag:s15] =	ssyncset.done $0x0  }
0xe5: {  	[sflag:s15] =	ssyncadd.s32 $0xFFFF8000  }
0xe6: {  	[tilespmem:s9], [sflag:$0x3] =	stream.linear.gather [hbm4b:s19+s1], $0x8000, $0x38;
	[tilespmem:$0x19000] =	vst v63  }
0xe7: {  	_ =	swait.ge [sflag:s11], $0x8000  }
0xe8: {  	s19 =	sld [smem:$0x7F4]  }
0xe9: {  	[sflag:s11] =	ssyncset.done $0x0  }
0xea: {  	[sflag:s11] =	ssyncadd.s32 $0xFFFF8000  }
0xeb: {  	[hbm4b:s19+s1] =	stream.linear.scatter [tilespmem:s8], [sflag:$0x5], $0x8000, $0x38;
	[tilespmem:$0x19000] =	vst v63  }
0xec: {  	_ =	swait.ge [sflag:s12], $0x8000  }
0xed: {  	s19 =	sld [smem:$0x7F7]  }
0xee: {  	[sflag:s12] =	ssyncset.done $0x0  }
0xef: {  	[sflag:s12] =	ssyncadd.s32 $0xFFFF8000  }
0xf0: {  	[tilespmem:s1], [sflag:$0x1] =	stream.linear.gather [hbm4b:s19+s1], $0x8000, $0x38;
	[tilespmem:$0x19000] =	vst v63  }
0xf1: {  	_ =	swait.ge [sflag:s13], $0x8000  }
0xf2: {  	s19 =	sld [smem:$0x7F6]  }
0xf3: {  	[sflag:s13] =	ssyncset.done $0x0  }
0xf4: {  	[sflag:s13] =	ssyncadd.s32 $0xFFFF8000  }
0xf5: {  	[hbm4b:s19+s1] =	stream.linear.scatter [tilespmem:s9], [sflag:$0x6], $0x8000, $0x38;
	[tilespmem:$0x19000] =	vst v63  }
0xf6: {  	_ =	swait.ge [sflag:s14], $0x8000  }
0xf7: {  	s19 =	sld [smem:$0x7F9]  }
0xf8: {  	[sflag:s14] =	ssyncset.done $0x0  }
0xf9: {  	[sflag:s14] =	ssyncadd.s32 $0xFFFF8000  }
0xfa: {  	[tilespmem:s8], [sflag:$0x2] =	stream.linear.gather [hbm4b:s19+s1], $0x8000, $0x38;
	[tilespmem:$0x19000] =	vst v63  }
0xfb: {  	_ =	swait.ge [sflag:s10], $0x8000  }
0xfc: {  	s19 =	sld [smem:$0x7F8]  }
0xfd: {  	[sflag:s10] =	ssyncset.done $0x0  }
0xfe: {  	[sflag:s10] =	ssyncadd.s32 $0xFFFF8000  }
0xff: {  	[hbm4b:s19+s1] =	stream.linear.scatter [tilespmem:s1], [sflag:$0x4], $0x8000, $0x38;
	[tilespmem:$0x19000] =	vst v63  }
0x100: {  	_ =	swait.ge [sflag:s15], $0x8000  }
0x101: {  	s19 =	sld [smem:$0x7FB]  }
0x102: {  	[sflag:s15] =	ssyncset.done $0x0  }
0x103: {  	[sflag:s15] =	ssyncadd.s32 $0xFFFF8000  }
0x104: {  	[tilespmem:s9], [sflag:$0x3] =	stream.linear.gather [hbm4b:s19+s1], $0x8000, $0x38;
	[tilespmem:$0x19000] =	vst v63  }
0x105: {  	_ =	swait.ge [sflag:s11], $0x8000  }
0x106: {  	s19 =	sld [smem:$0x7FA]  }
0x107: {  	[sflag:s11] =	ssyncset.done $0x0  }
0x108: {  	[sflag:s11] =	ssyncadd.s32 $0xFFFF8000  }
0x109: {  	[hbm4b:s19+s1] =	stream.linear.scatter [tilespmem:s8], [sflag:$0x5], $0x8000, $0x38;
	[tilespmem:$0x19000] =	vst v63  }
0x10a: {  	_ =	swait.ge [sflag:s12], $0x8000  }
0x10b: {  	s19 =	sld [smem:$0x7FD]  }
0x10c: {  	[sflag:s12] =	ssyncset.done $0x0  }
0x10d: {  	[sflag:s12] =	ssyncadd.s32 $0xFFFF8000  }
0x10e: {  	[tilespmem:s1], [sflag:$0x1] =	stream.linear.gather [hbm4b:s19+s1], $0x8000, $0x38;
	[tilespmem:$0x19000] =	vst v63  }
0x10f: {  	_ =	swait.ge [sflag:s13], $0x8000  }
0x110: {  	s19 =	sld [smem:$0x7FC]  }
0x111: {  	[sflag:s13] =	ssyncset.done $0x0  }
0x112: {  	[sflag:s13] =	ssyncadd.s32 $0xFFFF8000  }
0x113: {  	[hbm4b:s19+s1] =	stream.linear.scatter [tilespmem:s9], [sflag:$0x6], $0x8000, $0x38;
	[tilespmem:$0x19000] =	vst v63  }
0x114: {  	_ =	swait.ge [sflag:s14], $0x8000  }
0x115: {  	[sflag:s14] =	ssyncset.done $0x0  }
0x116: {  	[sflag:s14] =	ssyncadd.s32 $0xFFFF8000  }
0x117: {  	[tilespmem:s8], [sflag:$0x2] =	stream.linear.gather [hbm4b:s21+s1], $0x8000, $0x38;
	[tilespmem:$0x19000] =	vst v63  }
0x118: {  	_ =	swait.ge [sflag:s10], $0x8000  }
0x119: {  	[sflag:s10] =	ssyncset.done $0x0  }
0x11a: {  	[sflag:s10] =	ssyncadd.s32 $0xFFFF8000  }
0x11b: {  	[hbm4b:s20+s1] =	stream.linear.scatter [tilespmem:s1], [sflag:$0x4], $0x8000, $0x38;
	[tilespmem:$0x19000] =	vst v63  }
0x11c: {  	_ =	swait.ge [sflag:s15], $0x8000  }
0x11d: {  	[sflag:s15] =	ssyncset.done $0x0  }
0x11e: {  	[sflag:s15] =	ssyncadd.s32 $0xFFFF8000  }
0x11f: {  	[tilespmem:s9], [sflag:$0x3] =	stream.linear.gather [hbm4b:s23+s1], $0x8000, $0x38;
	[tilespmem:$0x19000] =	vst v63  }
0x120: {  	_ =	swait.ge [sflag:s11], $0x8000  }
0x121: {  	[sflag:s11] =	ssyncset.done $0x0  }
0x122: {  	[sflag:s11] =	ssyncadd.s32 $0xFFFF8000  }
0x123: {  	[hbm4b:s22+s1] =	stream.linear.scatter [tilespmem:s8], [sflag:$0x5], $0x8000, $0x38;
	[tilespmem:$0x19000] =	vst v63  }
0x124: {  	_ =	swait.ge [sflag:s12], $0x8000  }
0x125: {  	[sflag:s12] =	ssyncset.done $0x0  }
0x126: {  	[sflag:s12] =	ssyncadd.s32 $0xFFFF8000  }
0x127: {  	[tilespmem:s1], [sflag:$0x1] =	stream.linear.gather [hbm4b:s25+s1], $0x8000, $0x38;
	[tilespmem:$0x19000] =	vst v63  }
0x128: {  	_ =	swait.ge [sflag:s13], $0x8000  }
0x129: {  	[sflag:s13] =	ssyncset.done $0x0  }
0x12a: {  	[sflag:s13] =	ssyncadd.s32 $0xFFFF8000  }
0x12b: {  	[hbm4b:s24+s1] =	stream.linear.scatter [tilespmem:s9], [sflag:$0x6], $0x8000, $0x38;
	[tilespmem:$0x19000] =	vst v63  }
0x12c: {  	_ =	swait.ge [sflag:s14], $0x8000  }
0x12d: {  	[sflag:s14] =	ssyncset.done $0x0  }
0x12e: {  	[sflag:s14] =	ssyncadd.s32 $0xFFFF8000  }
0x12f: {  	[tilespmem:s8], [sflag:$0x2] =	stream.linear.gather [hbm4b:s28+s1], $0x8000, $0x38;
	[tilespmem:$0x19000] =	vst v63  }
0x130: {  	_ =	swait.ge [sflag:s10], $0x8000  }
0x131: {  	[sflag:s10] =	ssyncset.done $0x0  }
0x132: {  	[sflag:s10] =	ssyncadd.s32 $0xFFFF8000  }
0x133: {  	[hbm4b:s26+s1] =	stream.linear.scatter [tilespmem:s1], [sflag:$0x4], $0x8000, $0x38;
	[tilespmem:$0x19000] =	vst v63  }
0x134: {  	_ =	swait.ge [sflag:s15], $0x8000  }
0x135: {  	[sflag:s15] =	ssyncset.done $0x0  }
0x136: {  	[sflag:s15] =	ssyncadd.s32 $0xFFFF8000  }
0x137: {  	[tilespmem:s9], [sflag:$0x3] =	stream.linear.gather [hbm4b:s30+s1], $0x8000, $0x38;
	[tilespmem:$0x19000] =	vst v63  }
0x138: {  	_ =	swait.ge [sflag:s11], $0x8000  }
0x139: {  	[sflag:s11] =	ssyncset.done $0x0  }
0x13a: {  	[sflag:s11] =	ssyncadd.s32 $0xFFFF8000  }
0x13b: {  	[hbm4b:s29+s1] =	stream.linear.scatter [tilespmem:s8], [sflag:$0x5], $0x8000, $0x38;
	[tilespmem:$0x19000] =	vst v63  }
0x13c: {  	_ =	swait.ge [sflag:s12], $0x8000  }
0x13d: {  	[sflag:s12] =	ssyncset.done $0x0  }
0x13e: {  	[sflag:s12] =	ssyncadd.s32 $0xFFFF8000  }
0x13f: {  	[tilespmem:s1], [sflag:$0x1] =	stream.linear.gather [hbm4b:s3+s1], $0x8000, $0x38;
	[tilespmem:$0x19000] =	vst v63  }
0x140: {  	_ =	swait.ge [sflag:s13], $0x8000  }
0x141: {  	[sflag:s13] =	ssyncset.done $0x0  }
0x142: {  	[sflag:s13] =	ssyncadd.s32 $0xFFFF8000  }
0x143: {  	[hbm4b:s31+s1] =	stream.linear.scatter [tilespmem:s9], [sflag:$0x6], $0x8000, $0x38;
	[tilespmem:$0x19000] =	vst v63  }
0x144: {  	_ =	swait.ge [sflag:s14], $0x8000  }
0x145: {  	[sflag:s14] =	ssyncset.done $0x0  }
0x146: {  	[sflag:s14] =	ssyncadd.s32 $0xFFFF8000  }
0x147: {  	[tilespmem:s8], [sflag:$0x2] =	stream.linear.gather [hbm4b:s4+s1], $0x8000, $0x38;
	[tilespmem:$0x19000] =	vst v63  }
0x148: {  	_ =	swait.ge [sflag:s10], $0x8000  }
0x149: {  	[sflag:s10] =	ssyncset.done $0x0  }
0x14a: {  	[sflag:s10] =	ssyncadd.s32 $0xFFFF8000  }
0x14b: {  	[hbm4b:s5+s1] =	stream.linear.scatter [tilespmem:s1], [sflag:$0x4], $0x8000, $0x38;
	[tilespmem:$0x19000] =	vst v63  }
0x14c: {  	_ =	swait.ge [sflag:s11], $0x8000  }
0x14d: {  	[sflag:s11] =	ssyncset.done $0x0  }
0x14e: {  	[sflag:s11] =	ssyncadd.s32 $0xFFFF8000  }
0x14f: {  	[hbm4b:s6+s1] =	stream.linear.scatter [tilespmem:s8], [sflag:$0x5], $0x8000, $0x38;
	[tilespmem:$0x19000] =	vst v63  }
0x150: {  	_ =	swait.ge [sflag:s15], $0x8000  }
0x151: {  	[sflag:s15] =	ssyncset.done $0x0  }
0x152: {  	[sflag:s15] =	ssyncadd.s32 $0xFFFF8000  }
0x153: {  	_ =	swait.ge [sflag:s12], $0x8000  }
0x154: {  	[sflag:s12] =	ssyncset.done $0x0  }
0x155: {  	s17 =	sadd.s32 $0x1, s17;
	[sflag:s12] =	ssyncadd.s32 $0xFFFF8000  }
0x156: {  	p0 =	sne.s32 s17, s7;
	_ =	swait.ge [sflag:s14], $0x8000  }
.Ltmp1:
0x157: {  	[sflag:s14] =	ssyncset.done $0x0;
	(pc) =	sbr.rel @p0 .LBB2_1-.Ltmp1, $4  }
0x158: {  	[sflag:s14] =	ssyncadd.s32 $0xFFFF8000  }
0x159: {  	_ =	swait.ge [sflag:s16], $0x1000  }
0x15a: {  	[sflag:s16] =	ssyncset.done $0x0  }
0x15b: {  	[sflag:s16] =	ssyncadd.s32 $0xFFFFF000  }
0x15c: {  	_ =	sfence.sel $0x180000  }
0x15d: {  	[bflag:$0x0] =	sbarrier.arrive $0xFFFF  }
0x15e: {  	_ =	strace $0x90000047  }
0x15f: {  	s0 =	stileid.u32;
	[bflag:$0x2] =	sbarrier.arrive $0xFFFF  }
0x160: {  	p0 =	sne.s32 s0, $0x0;
	s0 =	rddreg [dreg:$0x3]  }
0x161: {  	s0 =	sadd.s32 @!p0 $0x100000, s0  }
0x162: {  	[sflag:s0] =	ssyncadd.tile.s32 @!p0 $0x1;
	_ =	shalt  }
.Lfunc_end2:
_tile_overlayer_lowered:
.L_overlay_start_2:
0x163: {  	(tag) =	ssettag $0x2  }
0x164: {  	s0 =	rddreg [dreg:$0x0];
	s2 =	stileid.u32  }
0x165: {  	s1 =	rddreg [dreg:$0x1];
	p0 =	sne.s32 s2, $0x0  }
0x166: {  	s3 =	rddreg [dreg:$0x2];
	[bflag:$0x3] =	sbarrier.arrive $0xFFFF;
	s2 =	simm.s32 @!p0 $0x1C08  }
0x167: {  	[timem:s3], [sflag:s2] =	dma.local @!p0 [hbm:s0], s1  }
0x168: {  	s0 =	simm.s32 @!p0 $0x8  }
0x169: {  	_ =	swait.ge @!p0 [sflag:s0], s1  }
0x16a: {  	s1 =	ssub.s32 @!p0 $0x0, s1;
	[sflag:s0] =	ssyncset.done @!p0 $0x0  }
0x16b: {  	[sflag:s0] =	ssyncadd.s32 @!p0 s1  }
0x16c: {  	[bflag:$0x3] =	sbarrier.arrive $0xFFFF  }
0x16d: {  	_ =	shalt  }

</sc_bundles>
